<compile_context>
chip_gen: v7x
topology: tpu7x:2x2x1
jax: 0.10.2.dev20260603
libtpu: 0.0.44.dev20260713+nightly
codegen_flags: <defaults>
</compile_context>

<pallas_src>
import functools

import jax
import jax.numpy as jnp
from jax import lax
from jax.experimental import pallas as pl
from jax.experimental.pallas import tpu as pltpu
from jax.experimental.pallas import tpu_sc as plsc

_N = 10000
_E = 320000
_D = 128
_NS = 16
_NP = 10240
_RPT = _NP // _NS
_CH = 160
_EPT = _CH * 128
_EP = _NS * _EPT
_TB = 2048

_mesh = plsc.VectorSubcoreMesh(core_axis_name="c", subcore_axis_name="s")


@functools.partial(
    pl.kernel,
    out_type=jax.ShapeDtypeStruct((2, _NP), jnp.float32),
    mesh=_mesh,
    scratch_types=[
        pltpu.VMEM_SHARED((_NP,), jnp.float32),
        pltpu.VMEM_SHARED((_NP,), jnp.float32),
        pltpu.VMEM((_CH, 2, 128), jnp.int32),
        pltpu.VMEM((_RPT,), jnp.float32),
        pltpu.VMEM((128,), jnp.float32),
        pltpu.SemaphoreType.DMA,
    ],
)
def _deg_kernel(edge_hbm, out_hbm, acc_s, acc_d, pair_v, zb, ones_v, sem):
    cid = lax.axis_index("c")

    @pl.when(cid == 0)
    def _deg_work():
        _deg_body(edge_hbm, out_hbm, acc_s, acc_d, pair_v, zb, ones_v, sem)


def _deg_body(edge_hbm, out_hbm, acc_s, acc_d, pair_v, zb, ones_v, sem):
    sid = lax.axis_index("s")
    pltpu.sync_copy(edge_hbm.at[sid], pair_v)

    def zfill(k, carry):
        zb[pl.ds(k * 16, 16)] = jnp.zeros((16,), jnp.float32)
        return carry

    lax.fori_loop(0, _RPT // 16, zfill, 0)

    def ofill(k, carry):
        ones_v[pl.ds(k * 16, 16)] = jnp.ones((16,), jnp.float32)
        return carry

    lax.fori_loop(0, 8, ofill, 0)

    base = sid * _RPT
    pltpu.sync_copy(zb, acc_s.at[pl.ds(base, _RPT)])
    pltpu.sync_copy(zb, acc_d.at[pl.ds(base, _RPT)])
    plsc.subcore_barrier()

    def fire(j, carry):
        pltpu.async_copy(ones_v, acc_s.at[pair_v.at[j, 0]], sem, add=True)
        pltpu.async_copy(ones_v, acc_d.at[pair_v.at[j, 1]], sem, add=True)
        return carry

    lax.fori_loop(0, _CH, fire, 0)

    def drain(j, carry):
        pltpu.make_async_copy(ones_v, acc_s.at[pair_v.at[j, 0]], sem).wait()
        pltpu.make_async_copy(ones_v, acc_d.at[pair_v.at[j, 1]], sem).wait()
        return carry

    lax.fori_loop(0, _CH, drain, 0)
    plsc.subcore_barrier()
    pltpu.sync_copy(acc_s.at[pl.ds(base, _RPT)], out_hbm.at[0, pl.ds(base, _RPT)])
    pltpu.sync_copy(acc_d.at[pl.ds(base, _RPT)], out_hbm.at[1, pl.ds(base, _RPT)])


@functools.partial(
    pl.kernel,
    out_type=jax.ShapeDtypeStruct((_NP, _D), jnp.float32),
    mesh=_mesh,
    scratch_types=[
        pltpu.VMEM_SHARED((_NP, _D), jnp.float32),
        [pltpu.VMEM((2, 128), jnp.int32) for _ in range(8)],
        [pltpu.VMEM((128, _D), jnp.float32) for _ in range(2)],
        [pltpu.SemaphoreType.DMA for _ in range(8)],
        [pltpu.SemaphoreType.DMA for _ in range(2)],
        [pltpu.SemaphoreType.DMA for _ in range(2)],
    ],
)
def _agg_kernel(g_hbm, edge_hbm, out_hbm, acc, pairs, rows, isems, gsems, ssems):
    cid = lax.axis_index("c")

    @pl.when(cid == 0)
    def _agg_work():
        _agg_body(g_hbm, edge_hbm, out_hbm, acc, pairs, rows, isems, gsems,
                  ssems)


def _agg_body(g_hbm, edge_hbm, out_hbm, acc, pairs, rows, isems, gsems, ssems):
    sid = lax.axis_index("s")
    start = sid * _CH

    def zfill(k, carry):
        rows[0][k // 8, pl.ds((k % 8) * 16, 16)] = jnp.zeros((16,), jnp.float32)
        return carry

    lax.fori_loop(0, 128 * 8, zfill, 0)

    base = sid * _RPT
    for t in range(_RPT // 128):
        pltpu.sync_copy(rows[0], acc.at[pl.ds(base + t * 128, 128)])
    plsc.subcore_barrier()

    pltpu.sync_copy(edge_hbm.at[start], pairs[0])
    for k in range(1, 6):
        pltpu.async_copy(edge_hbm.at[start + k], pairs[k], isems[k])
    pltpu.async_copy(g_hbm.at[pairs[0].at[0]], rows[0], gsems[0])

    def body(jj, carry):
        for u in range(8):
            i = jj * 8 + u
            p = u % 2
            q = (u + 1) % 2
            s1 = (u + 1) % 8
            s6 = (u + 6) % 8

            @pl.when(i + 1 < _CH)
            def _next_gather():
                pltpu.make_async_copy(edge_hbm.at[start + i + 1], pairs[s1],
                                      isems[s1]).wait()

                @pl.when(i >= 1)
                def _rows_free():
                    pltpu.make_async_copy(rows[q], acc.at[pairs[s1].at[1]],
                                          ssems[q]).wait()

                pltpu.async_copy(g_hbm.at[pairs[s1].at[0]], rows[q], gsems[q])

            pltpu.make_async_copy(g_hbm.at[pairs[u].at[0]], rows[p],
                                  gsems[p]).wait()
            pltpu.async_copy(rows[p], acc.at[pairs[u].at[1]], ssems[p],
                             add=True)

            @pl.when(i + 6 < _CH)
            def _next_pair():
                pltpu.async_copy(edge_hbm.at[start + i + 6], pairs[s6],
                                 isems[s6])
        return carry

    lax.fori_loop(0, _CH // 8, body, 0)
    pltpu.make_async_copy(rows[0], acc.at[pairs[0].at[1]], ssems[0]).wait()
    pltpu.make_async_copy(rows[1], acc.at[pairs[1].at[1]], ssems[1]).wait()
    plsc.subcore_barrier()
    pltpu.sync_copy(acc.at[pl.ds(base, _RPT)], out_hbm.at[pl.ds(base, _RPT)])


def _prescale_body(x_ref, deg_ref, o_ref):
    ds = deg_ref[0]
    o_ref[...] = x_ref[...] * lax.rsqrt(jnp.maximum(ds, 1.0))


def _layer_body(a_ref, deg_ref, w_ref, b_ref, o_ref, *, relu, prescale):
    dd = deg_ref[1]
    h = a_ref[...] * lax.rsqrt(jnp.maximum(dd, 1.0))
    h = jnp.dot(h, w_ref[...], preferred_element_type=jnp.float32) + b_ref[...]
    if relu:
        h = jnp.maximum(h, 0.0)
    if prescale:
        h = h * lax.rsqrt(jnp.maximum(deg_ref[0], 1.0))
    o_ref[...] = h


_deg_spec = pl.BlockSpec((2, _TB, 1), lambda i: (0, i, 0))

_prescale = pl.pallas_call(
    _prescale_body,
    grid=(_NP // _TB,),
    in_specs=[pl.BlockSpec((_TB, _D), lambda i: (i, 0)), _deg_spec],
    out_specs=pl.BlockSpec((_TB, _D), lambda i: (i, 0)),
    out_shape=jax.ShapeDtypeStruct((_NP, _D), jnp.float32),
)


def _make_layer(relu, prescale):
    return pl.pallas_call(
        functools.partial(_layer_body, relu=relu, prescale=prescale),
        grid=(_NP // _TB,),
        in_specs=[
            pl.BlockSpec((_TB, _D), lambda i: (i, 0)),
            _deg_spec,
            pl.BlockSpec((_D, _D), lambda i: (0, 0)),
            pl.BlockSpec((1, _D), lambda i: (0, 0)),
        ],
        out_specs=pl.BlockSpec((_TB, _D), lambda i: (i, 0)),
        out_shape=jax.ShapeDtypeStruct((_NP, _D), jnp.float32),
    )


_layer_mid = _make_layer(relu=True, prescale=True)
_layer_last = _make_layer(relu=False, prescale=False)


def kernel(x, edge_index, W1, b1, W2, b2, W3, b3):
    src = edge_index[0].astype(jnp.int32)
    dst = edge_index[1].astype(jnp.int32)
    pad = _EP - _E
    pad_idx = _N + (jnp.arange(pad, dtype=jnp.int32) % (_NP - _N))
    src = jnp.concatenate([src, pad_idx])
    dst = jnp.concatenate([dst, pad_idx])
    edges = jnp.stack([src.reshape(_NS, _CH, 128),
                       dst.reshape(_NS, _CH, 128)], axis=2)
    edges_f = edges.reshape(_NS * _CH, 2, 128)

    deg = _deg_kernel(edges)
    degr = deg.reshape(2, _NP, 1)

    xp = jnp.pad(x, ((0, _NP - _N), (0, 0)))
    g = _prescale(xp, degr)
    h = _layer_mid(_agg_kernel(g, edges_f), degr, W1, b1.reshape(1, _D))
    h = _layer_mid(_agg_kernel(h, edges_f), degr, W2, b2.reshape(1, _D))
    out = _layer_last(_agg_kernel(h, edges_f), degr, W3, b3.reshape(1, _D))
    return out[:_N]

# --- scband reference (transcript-rebuilt; emitter-appended) ---
"""Pipeline reference for scband-gcn-23089744183866 (READ-ONLY COPY).

The authoritative reference and input builder live on the scoring server;
editing this copy changes nothing except your own understanding.
"""

import jax, jax.numpy as jnp
import numpy as np

N = 10000
E = 320000
D_IN = 128
D_HID = 128
D_OUT = 128


def setup_inputs(seed: int = 0) -> dict:
    key = jax.random.key(seed)
    ks = jax.random.split(key, 9)
    x = jax.random.normal(ks[0], (N, D_IN), dtype=jnp.float32)
    edge_index = jax.random.randint(ks[1], (2, E), 0, N)
    s_in = 1.0 / np.sqrt(D_IN)
    s_hid = 1.0 / np.sqrt(D_HID)
    W1 = jax.random.normal(ks[2], (D_IN, D_HID), dtype=jnp.float32) * s_in
    b1 = jnp.zeros((D_HID,), dtype=jnp.float32)
    W2 = jax.random.normal(ks[3], (D_HID, D_HID), dtype=jnp.float32) * s_hid
    b2 = jnp.zeros((D_HID,), dtype=jnp.float32)
    W3 = jax.random.normal(ks[4], (D_HID, D_OUT), dtype=jnp.float32) * s_hid
    b3 = jnp.zeros((D_OUT,), dtype=jnp.float32)
    return {"x": x, "edge_index": edge_index, "W1": W1, "b1": b1, "W2": W2, "b2": b2, "W3": W3, "b3": b3}


def reference(x, edge_index, W1, b1, W2, b2, W3, b3):
    # DGL GraphConv with norm='both' (symmetric normalization), eval mode (dropout = identity)
    src = edge_index[0]
    dst = edge_index[1]
    deg_out = jnp.clip(jnp.bincount(src, length=N), 1).astype(jnp.float32)
    deg_in = jnp.clip(jnp.bincount(dst, length=N), 1).astype(jnp.float32)
    norm_src = deg_out ** -0.5
    norm_dst = deg_in ** -0.5

    def conv(h, W, b):
        h = h * norm_src[:, None]
        m = jnp.take(h, src, axis=0)
        agg = jax.ops.segment_sum(m, dst, num_segments=N)
        agg = agg * norm_dst[:, None]
        return agg @ W + b

    h = jax.nn.relu(conv(x, W1, b1))
    h = jax.nn.relu(conv(h, W2, b2))
    out = conv(h, W3, b3)
    return out

if __name__ == "__main__":
    import jax
    _d = setup_inputs()
    print(jax.jit(kernel)(*tuple(_d.values())))

</pallas_src>

<mosaic_0001>
#map = affine_map<(d0, d1) -> (0, 0, 0, 0)>
#map1 = affine_map<(d0, d1) -> (0, 0)>
module attributes {stable_mosaic.version = 14 : i64} {
  func.func @_deg_kernel(%arg0: i32, %arg1: i32, %arg2: memref<16x160x2x128xi32, #tpu.memory_space<hbm>>, %arg3: memref<2x10240xf32, #tpu.memory_space<hbm>>, %arg4: memref<10240xf32, #tpu.memory_space<vmem_shared>>, %arg5: memref<10240xf32, #tpu.memory_space<vmem_shared>>, %arg6: memref<160x2x128xi32, #tpu.memory_space<vmem>>, %arg7: memref<640xf32, #tpu.memory_space<vmem>>, %arg8: memref<128xf32, #tpu.memory_space<vmem>>, %arg9: memref<!tpu.dma_semaphore, #tpu.memory_space<semaphore_mem>>) attributes {dimension_semantics = [#tpu.dimension_semantics<core_parallel>, #tpu.dimension_semantics<subcore_parallel>], iteration_bounds = array<i64: 2, 16>, scalar_prefetch = 0 : i64, scratch_operands = 6 : i64, tpu.core_type = #tpu.core_type<sc_vector_subcore>, window_params = [{transform_indices = #map}, {transform_indices = #map1}]} {
    %eq3A = arith.constant 0 : i32
    %eq3A_0 = arith.cmpi eq, %arg0, %eq3A : i32
    %convert_element_type3A = arith.extui %eq3A_0 : i1 to i32
    %cond3A = arith.constant 0 : i32
    %cond3A_1 = arith.cmpi ne, %convert_element_type3A, %cond3A : i32
    scf.if %cond3A_1 {
      "tpu.region"() ({
        %run_scoped3A_28 = tpu.sem_alloc : memref<!tpu.dma_semaphore, #tpu.memory_space<semaphore_mem>>
        %dma_start3A = arith.constant 0 : i32
        %dma_start3A_29 = arith.constant 0 : i32
        %dma_start3A_30 = arith.constant 0 : i32
        %dma_start3A_31 = tpu.memref_slice %arg2[%arg1, %dma_start3A, %dma_start3A_29, %dma_start3A_30] : memref<16x160x2x128xi32, #tpu.memory_space<hbm>> -> memref<1x160x2x128xi32, #tpu.memory_space<hbm>>
        %dma_start3A_32 = tpu.memref_squeeze %dma_start3A_31 : memref<1x160x2x128xi32, #tpu.memory_space<hbm>> -> memref<160x2x128xi32, #tpu.memory_space<hbm>>
        %dma_start3A_33 = arith.constant 0 : i32
        %dma_start3A_34 = arith.constant 0 : i32
        %dma_start3A_35 = arith.constant 0 : i32
        %dma_start3A_36 = tpu.memref_slice %arg2[%arg1, %dma_start3A_33, %dma_start3A_34, %dma_start3A_35] : memref<16x160x2x128xi32, #tpu.memory_space<hbm>> -> memref<1x160x2x128xi32, #tpu.memory_space<hbm>>
        %dma_start3A_37 = tpu.memref_squeeze %dma_start3A_36 : memref<1x160x2x128xi32, #tpu.memory_space<hbm>> -> memref<160x2x128xi32, #tpu.memory_space<hbm>>
        tpu.enqueue_dma source(%dma_start3A_37 : memref<160x2x128xi32, #tpu.memory_space<hbm>>) target(%arg6 : memref<160x2x128xi32, #tpu.memory_space<vmem>>) target_semaphore(%run_scoped3A_28 : memref<!tpu.dma_semaphore, #tpu.memory_space<semaphore_mem>>)
        %dma_wait3A = arith.constant 0 : i32
        %dma_wait3A_38 = arith.constant 0 : i32
        %dma_wait3A_39 = arith.constant 0 : i32
        %dma_wait3A_40 = tpu.memref_slice %arg2[%arg1, %dma_wait3A, %dma_wait3A_38, %dma_wait3A_39] : memref<16x160x2x128xi32, #tpu.memory_space<hbm>> -> memref<1x160x2x128xi32, #tpu.memory_space<hbm>>
        %dma_wait3A_41 = tpu.memref_squeeze %dma_wait3A_40 : memref<1x160x2x128xi32, #tpu.memory_space<hbm>> -> memref<160x2x128xi32, #tpu.memory_space<hbm>>
        %dma_wait3A_42 = arith.constant 0 : i32
        %dma_wait3A_43 = arith.constant 0 : i32
        %dma_wait3A_44 = arith.constant 0 : i32
        %dma_wait3A_45 = tpu.memref_slice %arg2[%arg1, %dma_wait3A_42, %dma_wait3A_43, %dma_wait3A_44] : memref<16x160x2x128xi32, #tpu.memory_space<hbm>> -> memref<1x160x2x128xi32, #tpu.memory_space<hbm>>
        %dma_wait3A_46 = tpu.memref_squeeze %dma_wait3A_45 : memref<1x160x2x128xi32, #tpu.memory_space<hbm>> -> memref<160x2x128xi32, #tpu.memory_space<hbm>>
        tpu.wait_dma2 semaphore(%run_scoped3A_28 : memref<!tpu.dma_semaphore, #tpu.memory_space<semaphore_mem>>) src(%dma_wait3A_46 : memref<160x2x128xi32, #tpu.memory_space<hbm>>) dst(%arg6 : memref<160x2x128xi32, #tpu.memory_space<vmem>>)
        tpu.yield
      }) : () -> ()
      %scan3A = arith.constant 0 : i32
      %scan3A_2 = arith.constant 0 : i32
      %scan3A_3 = arith.constant 40 : i32
      %scan3A_4 = arith.addi %scan3A_2, %scan3A_3 : i32
      %scan3A_5 = arith.constant 1 : i32
      scf.for %scan3A_28 = %scan3A_2 to %scan3A_4 step %scan3A_5  : i32 {
        %broadcast_in_dim3A = arith.constant 0.000000e+00 : f32
        %broadcast_in_dim3A_29 = vector.broadcast %broadcast_in_dim3A : f32 to vector<16xf32>
        %mul3A_30 = arith.constant 16 : i32
        %mul3A_31 = arith.muli %scan3A_28, %mul3A_30 : i32
        %swap3A = arith.index_cast %mul3A_31 : i32 to index
        %swap3A_32 = tpu.vector_load %arg7[%swap3A] {strides = array<i32>} : memref<640xf32, #tpu.memory_space<vmem>>, vector<16xf32>,
        %swap3A_33 = vector.shape_cast %swap3A_32 : vector<16xf32> to vector<16xf32>
        %swap3A_34 = vector.shape_cast %broadcast_in_dim3A_29 : vector<16xf32> to vector<16xf32>
        tpu.vector_store %arg7[%swap3A], %swap3A_34 {strides = array<i32>} : memref<640xf32, #tpu.memory_space<vmem>>, vector<16xf32>,
      }
      %scan3A_6 = arith.constant 40 : i32
      %scan3A_7 = arith.constant 0 : i32
      %scan3A_8 = arith.constant 0 : i32
      %scan3A_9 = arith.constant 8 : i32
      %scan3A_10 = arith.addi %scan3A_8, %scan3A_9 : i32
      %scan3A_11 = arith.constant 1 : i32
      scf.for %scan3A_28 = %scan3A_8 to %scan3A_10 step %scan3A_11  : i32 {
        %broadcast_in_dim3A = arith.constant 1.000000e+00 : f32
        %broadcast_in_dim3A_29 = vector.broadcast %broadcast_in_dim3A : f32 to vector<16xf32>
        %mul3A_30 = arith.constant 16 : i32
        %mul3A_31 = arith.muli %scan3A_28, %mul3A_30 : i32
        %swap3A = arith.index_cast %mul3A_31 : i32 to index
        %swap3A_32 = tpu.vector_load %arg8[%swap3A] {strides = array<i32>} : memref<128xf32, #tpu.memory_space<vmem>>, vector<16xf32>,
        %swap3A_33 = vector.shape_cast %swap3A_32 : vector<16xf32> to vector<16xf32>
        %swap3A_34 = vector.shape_cast %broadcast_in_dim3A_29 : vector<16xf32> to vector<16xf32>
        tpu.vector_store %arg8[%swap3A], %swap3A_34 {strides = array<i32>} : memref<128xf32, #tpu.memory_space<vmem>>, vector<16xf32>,
      }
      %scan3A_12 = arith.constant 8 : i32
      %mul3A = arith.constant 640 : i32
      %mul3A_13 = arith.muli %arg1, %mul3A : i32
      "tpu.region"() ({
        %run_scoped3A_28 = tpu.sem_alloc : memref<!tpu.dma_semaphore, #tpu.memory_space<semaphore_mem>>
        %dma_start3A = tpu.memref_slice %arg4[%mul3A_13] : memref<10240xf32, #tpu.memory_space<vmem_shared>> -> memref<640xf32, #tpu.memory_space<vmem_shared>>
        %dma_start3A_29 = tpu.memref_slice %arg4[%mul3A_13] : memref<10240xf32, #tpu.memory_space<vmem_shared>> -> memref<640xf32, #tpu.memory_space<vmem_shared>>
        tpu.enqueue_dma source(%arg7 : memref<640xf32, #tpu.memory_space<vmem>>) target(%dma_start3A_29 : memref<640xf32, #tpu.memory_space<vmem_shared>>) target_semaphore(%run_scoped3A_28 : memref<!tpu.dma_semaphore, #tpu.memory_space<semaphore_mem>>)
        %dma_wait3A = tpu.memref_slice %arg4[%mul3A_13] : memref<10240xf32, #tpu.memory_space<vmem_shared>> -> memref<640xf32, #tpu.memory_space<vmem_shared>>
        %dma_wait3A_30 = tpu.memref_slice %arg4[%mul3A_13] : memref<10240xf32, #tpu.memory_space<vmem_shared>> -> memref<640xf32, #tpu.memory_space<vmem_shared>>
        tpu.wait_dma2 semaphore(%run_scoped3A_28 : memref<!tpu.dma_semaphore, #tpu.memory_space<semaphore_mem>>) src(%arg7 : memref<640xf32, #tpu.memory_space<vmem>>) dst(%dma_wait3A_30 : memref<640xf32, #tpu.memory_space<vmem_shared>>)
        tpu.yield
      }) : () -> ()
      "tpu.region"() ({
        %run_scoped3A_28 = tpu.sem_alloc : memref<!tpu.dma_semaphore, #tpu.memory_space<semaphore_mem>>
        %dma_start3A = tpu.memref_slice %arg5[%mul3A_13] : memref<10240xf32, #tpu.memory_space<vmem_shared>> -> memref<640xf32, #tpu.memory_space<vmem_shared>>
        %dma_start3A_29 = tpu.memref_slice %arg5[%mul3A_13] : memref<10240xf32, #tpu.memory_space<vmem_shared>> -> memref<640xf32, #tpu.memory_space<vmem_shared>>
        tpu.enqueue_dma source(%arg7 : memref<640xf32, #tpu.memory_space<vmem>>) target(%dma_start3A_29 : memref<640xf32, #tpu.memory_space<vmem_shared>>) target_semaphore(%run_scoped3A_28 : memref<!tpu.dma_semaphore, #tpu.memory_space<semaphore_mem>>)
        %dma_wait3A = tpu.memref_slice %arg5[%mul3A_13] : memref<10240xf32, #tpu.memory_space<vmem_shared>> -> memref<640xf32, #tpu.memory_space<vmem_shared>>
        %dma_wait3A_30 = tpu.memref_slice %arg5[%mul3A_13] : memref<10240xf32, #tpu.memory_space<vmem_shared>> -> memref<640xf32, #tpu.memory_space<vmem_shared>>
        tpu.wait_dma2 semaphore(%run_scoped3A_28 : memref<!tpu.dma_semaphore, #tpu.memory_space<semaphore_mem>>) src(%arg7 : memref<640xf32, #tpu.memory_space<vmem>>) dst(%dma_wait3A_30 : memref<640xf32, #tpu.memory_space<vmem_shared>>)
        tpu.yield
      }) : () -> ()
      %barrier3A = arith.constant 0 : index
      tpu.barrier barrier_id(%barrier3A)
      %scan3A_14 = arith.constant 0 : i32
      %scan3A_15 = arith.constant 0 : i32
      %scan3A_16 = arith.constant 160 : i32
      %scan3A_17 = arith.addi %scan3A_15, %scan3A_16 : i32
      %scan3A_18 = arith.constant 1 : i32
      scf.for %scan3A_28 = %scan3A_15 to %scan3A_17 step %scan3A_18  : i32 {
        %dma_start3A = arith.constant 0 : i32
        %dma_start3A_29 = arith.constant 0 : i32
        %dma_start3A_30 = tpu.memref_slice %arg6[%scan3A_28, %dma_start3A, %dma_start3A_29] : memref<160x2x128xi32, #tpu.memory_space<vmem>> -> memref<1x1x128xi32, #tpu.memory_space<vmem>>
        %dma_start3A_31 = tpu.memref_squeeze %dma_start3A_30 : memref<1x1x128xi32, #tpu.memory_space<vmem>> -> memref<128xi32, #tpu.memory_space<vmem>>
        %dma_start3A_32 = arith.constant 0 : i32
        %dma_start3A_33 = tpu.memref_slice %arg4[%dma_start3A_32] : memref<10240xf32, #tpu.memory_space<vmem_shared>> -> memref<10240xf32, #tpu.memory_space<vmem_shared>>
        tpu.enqueue_indirect_dma source(%arg8 : memref<128xf32, #tpu.memory_space<vmem>>) target(%dma_start3A_33 : memref<10240xf32, #tpu.memory_space<vmem_shared>>) offsets(%dma_start3A_31 : memref<128xi32, #tpu.memory_space<vmem>>) semaphore(%arg9 : memref<!tpu.dma_semaphore, #tpu.memory_space<semaphore_mem>>) {add = true}
        %dma_start3A_34 = arith.constant 1 : i32
        %dma_start3A_35 = arith.constant 0 : i32
        %dma_start3A_36 = tpu.memref_slice %arg6[%scan3A_28, %dma_start3A_34, %dma_start3A_35] : memref<160x2x128xi32, #tpu.memory_space<vmem>> -> memref<1x1x128xi32, #tpu.memory_space<vmem>>
        %dma_start3A_37 = tpu.memref_squeeze %dma_start3A_36 : memref<1x1x128xi32, #tpu.memory_space<vmem>> -> memref<128xi32, #tpu.memory_space<vmem>>
        %dma_start3A_38 = arith.constant 0 : i32
        %dma_start3A_39 = tpu.memref_slice %arg5[%dma_start3A_38] : memref<10240xf32, #tpu.memory_space<vmem_shared>> -> memref<10240xf32, #tpu.memory_space<vmem_shared>>
        tpu.enqueue_indirect_dma source(%arg8 : memref<128xf32, #tpu.memory_space<vmem>>) target(%dma_start3A_39 : memref<10240xf32, #tpu.memory_space<vmem_shared>>) offsets(%dma_start3A_37 : memref<128xi32, #tpu.memory_space<vmem>>) semaphore(%arg9 : memref<!tpu.dma_semaphore, #tpu.memory_space<semaphore_mem>>) {add = true}
      }
      %scan3A_19 = arith.constant 160 : i32
      %scan3A_20 = arith.constant 0 : i32
      %scan3A_21 = arith.constant 0 : i32
      %scan3A_22 = arith.constant 160 : i32
      %scan3A_23 = arith.addi %scan3A_21, %scan3A_22 : i32
      %scan3A_24 = arith.constant 1 : i32
      scf.for %scan3A_28 = %scan3A_21 to %scan3A_23 step %scan3A_24  : i32 {
        %dma_wait3A = arith.constant 0 : i32
        %dma_wait3A_29 = arith.constant 0 : i32
        %dma_wait3A_30 = tpu.memref_slice %arg6[%scan3A_28, %dma_wait3A, %dma_wait3A_29] : memref<160x2x128xi32, #tpu.memory_space<vmem>> -> memref<1x1x128xi32, #tpu.memory_space<vmem>>
        %dma_wait3A_31 = tpu.memref_squeeze %dma_wait3A_30 : memref<1x1x128xi32, #tpu.memory_space<vmem>> -> memref<128xi32, #tpu.memory_space<vmem>>
        %dma_wait3A_32 = arith.constant 0 : i32
        %dma_wait3A_33 = tpu.memref_slice %arg4[%dma_wait3A_32] : memref<10240xf32, #tpu.memory_space<vmem_shared>> -> memref<10240xf32, #tpu.memory_space<vmem_shared>>
        tpu.wait_indirect_dma semaphore(%arg9 : memref<!tpu.dma_semaphore, #tpu.memory_space<semaphore_mem>>) src(%arg8 : memref<128xf32, #tpu.memory_space<vmem>>) dst(%dma_wait3A_33 : memref<10240xf32, #tpu.memory_space<vmem_shared>>)
        %dma_wait3A_34 = arith.constant 1 : i32
        %dma_wait3A_35 = arith.constant 0 : i32
        %dma_wait3A_36 = tpu.memref_slice %arg6[%scan3A_28, %dma_wait3A_34, %dma_wait3A_35] : memref<160x2x128xi32, #tpu.memory_space<vmem>> -> memref<1x1x128xi32, #tpu.memory_space<vmem>>
        %dma_wait3A_37 = tpu.memref_squeeze %dma_wait3A_36 : memref<1x1x128xi32, #tpu.memory_space<vmem>> -> memref<128xi32, #tpu.memory_space<vmem>>
        %dma_wait3A_38 = arith.constant 0 : i32
        %dma_wait3A_39 = tpu.memref_slice %arg5[%dma_wait3A_38] : memref<10240xf32, #tpu.memory_space<vmem_shared>> -> memref<10240xf32, #tpu.memory_space<vmem_shared>>
        tpu.wait_indirect_dma semaphore(%arg9 : memref<!tpu.dma_semaphore, #tpu.memory_space<semaphore_mem>>) src(%arg8 : memref<128xf32, #tpu.memory_space<vmem>>) dst(%dma_wait3A_39 : memref<10240xf32, #tpu.memory_space<vmem_shared>>)
      }
      %scan3A_25 = arith.constant 160 : i32
      %barrier3A_26 = arith.constant 0 : index
      tpu.barrier barrier_id(%barrier3A_26)
      %run_scoped3A = arith.constant 0 : i32
      "tpu.region"() ({
        %run_scoped3A_28 = tpu.sem_alloc : memref<!tpu.dma_semaphore, #tpu.memory_space<semaphore_mem>>
        %dma_start3A = tpu.memref_slice %arg3[%run_scoped3A, %mul3A_13] : memref<2x10240xf32, #tpu.memory_space<hbm>> -> memref<1x640xf32, #tpu.memory_space<hbm>>
        %dma_start3A_29 = tpu.memref_squeeze %dma_start3A : memref<1x640xf32, #tpu.memory_space<hbm>> -> memref<640xf32, #tpu.memory_space<hbm>>
        %dma_start3A_30 = tpu.memref_slice %arg4[%mul3A_13] : memref<10240xf32, #tpu.memory_space<vmem_shared>> -> memref<640xf32, #tpu.memory_space<vmem_shared>>
        tpu.enqueue_dma source(%dma_start3A_30 : memref<640xf32, #tpu.memory_space<vmem_shared>>) target(%dma_start3A_29 : memref<640xf32, #tpu.memory_space<hbm>>) target_semaphore(%run_scoped3A_28 : memref<!tpu.dma_semaphore, #tpu.memory_space<semaphore_mem>>)
        %dma_wait3A = tpu.memref_slice %arg3[%run_scoped3A, %mul3A_13] : memref<2x10240xf32, #tpu.memory_space<hbm>> -> memref<1x640xf32, #tpu.memory_space<hbm>>
        %dma_wait3A_31 = tpu.memref_squeeze %dma_wait3A : memref<1x640xf32, #tpu.memory_space<hbm>> -> memref<640xf32, #tpu.memory_space<hbm>>
        %dma_wait3A_32 = tpu.memref_slice %arg4[%mul3A_13] : memref<10240xf32, #tpu.memory_space<vmem_shared>> -> memref<640xf32, #tpu.memory_space<vmem_shared>>
        tpu.wait_dma2 semaphore(%run_scoped3A_28 : memref<!tpu.dma_semaphore, #tpu.memory_space<semaphore_mem>>) src(%dma_wait3A_32 : memref<640xf32, #tpu.memory_space<vmem_shared>>) dst(%dma_wait3A_31 : memref<640xf32, #tpu.memory_space<hbm>>)
        tpu.yield
      }) : () -> ()
      %run_scoped3A_27 = arith.constant 1 : i32
      "tpu.region"() ({
        %run_scoped3A_28 = tpu.sem_alloc : memref<!tpu.dma_semaphore, #tpu.memory_space<semaphore_mem>>
        %dma_start3A = tpu.memref_slice %arg3[%run_scoped3A_27, %mul3A_13] : memref<2x10240xf32, #tpu.memory_space<hbm>> -> memref<1x640xf32, #tpu.memory_space<hbm>>
        %dma_start3A_29 = tpu.memref_squeeze %dma_start3A : memref<1x640xf32, #tpu.memory_space<hbm>> -> memref<640xf32, #tpu.memory_space<hbm>>
        %dma_start3A_30 = tpu.memref_slice %arg5[%mul3A_13] : memref<10240xf32, #tpu.memory_space<vmem_shared>> -> memref<640xf32, #tpu.memory_space<vmem_shared>>
        tpu.enqueue_dma source(%dma_start3A_30 : memref<640xf32, #tpu.memory_space<vmem_shared>>) target(%dma_start3A_29 : memref<640xf32, #tpu.memory_space<hbm>>) target_semaphore(%run_scoped3A_28 : memref<!tpu.dma_semaphore, #tpu.memory_space<semaphore_mem>>)
        %dma_wait3A = tpu.memref_slice %arg3[%run_scoped3A_27, %mul3A_13] : memref<2x10240xf32, #tpu.memory_space<hbm>> -> memref<1x640xf32, #tpu.memory_space<hbm>>
        %dma_wait3A_31 = tpu.memref_squeeze %dma_wait3A : memref<1x640xf32, #tpu.memory_space<hbm>> -> memref<640xf32, #tpu.memory_space<hbm>>
        %dma_wait3A_32 = tpu.memref_slice %arg5[%mul3A_13] : memref<10240xf32, #tpu.memory_space<vmem_shared>> -> memref<640xf32, #tpu.memory_space<vmem_shared>>
        tpu.wait_dma2 semaphore(%run_scoped3A_28 : memref<!tpu.dma_semaphore, #tpu.memory_space<semaphore_mem>>) src(%dma_wait3A_32 : memref<640xf32, #tpu.memory_space<vmem_shared>>) dst(%dma_wait3A_31 : memref<640xf32, #tpu.memory_space<hbm>>)
        tpu.yield
      }) : () -> ()
    } else {
    }
    return
  }
}

#map = affine_map<(d0, d1) -> (0, 0)>
#map1 = affine_map<(d0, d1) -> (0, 0, 0)>
module attributes {stable_mosaic.version = 14 : i64} {
  func.func @_agg_kernel(%arg0: i32, %arg1: i32, %arg2: memref<10240x128xf32, #tpu.memory_space<hbm>>, %arg3: memref<2560x2x128xi32, #tpu.memory_space<hbm>>, %arg4: memref<10240x128xf32, #tpu.memory_space<hbm>>, %arg5: memref<10240x128xf32, #tpu.memory_space<vmem_shared>>, %arg6: memref<2x128xi32, #tpu.memory_space<vmem>>, %arg7: memref<2x128xi32, #tpu.memory_space<vmem>>, %arg8: memref<2x128xi32, #tpu.memory_space<vmem>>, %arg9: memref<2x128xi32, #tpu.memory_space<vmem>>, %arg10: memref<2x128xi32, #tpu.memory_space<vmem>>, %arg11: memref<2x128xi32, #tpu.memory_space<vmem>>, %arg12: memref<2x128xi32, #tpu.memory_space<vmem>>, %arg13: memref<2x128xi32, #tpu.memory_space<vmem>>, %arg14: memref<128x128xf32, #tpu.memory_space<vmem>>, %arg15: memref<128x128xf32, #tpu.memory_space<vmem>>, %arg16: memref<!tpu.dma_semaphore, #tpu.memory_space<semaphore_mem>>, %arg17: memref<!tpu.dma_semaphore, #tpu.memory_space<semaphore_mem>>, %arg18: memref<!tpu.dma_semaphore, #tpu.memory_space<semaphore_mem>>, %arg19: memref<!tpu.dma_semaphore, #tpu.memory_space<semaphore_mem>>, %arg20: memref<!tpu.dma_semaphore, #tpu.memory_space<semaphore_mem>>, %arg21: memref<!tpu.dma_semaphore, #tpu.memory_space<semaphore_mem>>, %arg22: memref<!tpu.dma_semaphore, #tpu.memory_space<semaphore_mem>>, %arg23: memref<!tpu.dma_semaphore, #tpu.memory_space<semaphore_mem>>, %arg24: memref<!tpu.dma_semaphore, #tpu.memory_space<semaphore_mem>>, %arg25: memref<!tpu.dma_semaphore, #tpu.memory_space<semaphore_mem>>, %arg26: memref<!tpu.dma_semaphore, #tpu.memory_space<semaphore_mem>>, %arg27: memref<!tpu.dma_semaphore, #tpu.memory_space<semaphore_mem>>) attributes {dimension_semantics = [#tpu.dimension_semantics<core_parallel>, #tpu.dimension_semantics<subcore_parallel>], iteration_bounds = array<i64: 2, 16>, scalar_prefetch = 0 : i64, scratch_operands = 23 : i64, tpu.core_type = #tpu.core_type<sc_vector_subcore>, window_params = [{transform_indices = #map}, {transform_indices = #map1}, {transform_indices = #map}]} {
    %eq3A = arith.constant 0 : i32
    %eq3A_0 = arith.cmpi eq, %arg0, %eq3A : i32
    %convert_element_type3A = arith.extui %eq3A_0 : i1 to i32
    %cond3A = arith.constant 0 : i32
    %cond3A_1 = arith.cmpi ne, %convert_element_type3A, %cond3A : i32
    scf.if %cond3A_1 {
      %mul3A = arith.constant 160 : i32
      %mul3A_2 = arith.muli %arg1, %mul3A : i32
      %scan3A = arith.constant 0 : i32
      %scan3A_3 = arith.constant 0 : i32
      %scan3A_4 = arith.constant 1024 : i32
      %scan3A_5 = arith.addi %scan3A_3, %scan3A_4 : i32
      %scan3A_6 = arith.constant 1 : i32
      scf.for %scan3A_95 = %scan3A_3 to %scan3A_5 step %scan3A_6  : i32 {
        %broadcast_in_dim3A = arith.constant 0.000000e+00 : f32
        %broadcast_in_dim3A_96 = vector.broadcast %broadcast_in_dim3A : f32 to vector<16xf32>
        %jit3A = arith.constant 8 : i32
        %div3A = arith.divsi %scan3A_95, %jit3A : i32
        %sign3A = arith.constant 0 : i32
        %sign3A_97 = arith.cmpi sgt, %scan3A_95, %sign3A : i32
        %sign3A_98 = arith.extui %sign3A_97 : i1 to i32
        %sign3A_99 = arith.constant 0 : i32
        %sign3A_100 = arith.cmpi slt, %scan3A_95, %sign3A_99 : i32
        %sign3A_101 = arith.extui %sign3A_100 : i1 to i32
        %sign3A_102 = arith.subi %sign3A_98, %sign3A_101 : i32
        %sign3A_103 = arith.constant 0 : i32
        %sign3A_104 = arith.cmpi sgt, %jit3A, %sign3A_103 : i32
        %sign3A_105 = arith.extui %sign3A_104 : i1 to i32
        %sign3A_106 = arith.constant 0 : i32
        %sign3A_107 = arith.cmpi slt, %jit3A, %sign3A_106 : i32
        %sign3A_108 = arith.extui %sign3A_107 : i1 to i32
        %sign3A_109 = arith.subi %sign3A_105, %sign3A_108 : i32
        %ne3A = arith.cmpi ne, %sign3A_102, %sign3A_109 : i32
        %rem3A = arith.remsi %scan3A_95, %jit3A : i32
        %ne3A_110 = arith.constant 0 : i32
        %ne3A_111 = arith.cmpi ne, %rem3A, %ne3A_110 : i32
        %and3A = arith.andi %ne3A, %ne3A_111 : i1
        %sub3A = arith.constant 1 : i32
        %sub3A_112 = arith.subi %div3A, %sub3A : i32
        %select_n3A = arith.select %and3A, %sub3A_112, %div3A : i32
        %jit3A_113 = arith.constant 8 : i32
        %eq3A_114 = arith.constant 0 : i32
        %eq3A_115 = arith.cmpi eq, %jit3A_113, %eq3A_114 : i32
        %jit3A_116 = arith.constant 1 : i32
        %select_n3A_117 = arith.select %eq3A_115, %jit3A_116, %jit3A_113 : i32
        %rem3A_118 = arith.remsi %scan3A_95, %select_n3A_117 : i32
        %ne3A_119 = arith.constant 0 : i32
        %ne3A_120 = arith.cmpi ne, %rem3A_118, %ne3A_119 : i32
        %lt3A = arith.constant 0 : i32
        %lt3A_121 = arith.cmpi slt, %rem3A_118, %lt3A : i32
        %lt3A_122 = arith.constant 0 : i32
        %lt3A_123 = arith.cmpi slt, %select_n3A_117, %lt3A_122 : i32
        %ne3A_124 = arith.xori %lt3A_121, %lt3A_123 : i1
        %and3A_125 = arith.andi %ne3A_124, %ne3A_120 : i1
        %add3A_126 = arith.addi %rem3A_118, %select_n3A_117 : i32
        %select_n3A_127 = arith.select %and3A_125, %add3A_126, %rem3A_118 : i32
        %mul3A_128 = arith.constant 16 : i32
        %mul3A_129 = arith.muli %select_n3A_127, %mul3A_128 : i32
        %swap3A = arith.index_cast %select_n3A : i32 to index
        %swap3A_130 = arith.index_cast %mul3A_129 : i32 to index
        %swap3A_131 = tpu.vector_load %arg14[%swap3A, %swap3A_130] {strides = array<i32>} : memref<128x128xf32, #tpu.memory_space<vmem>>, vector<1x16xf32>,
        %swap3A_132 = vector.shape_cast %swap3A_131 : vector<1x16xf32> to vector<16xf32>
        %swap3A_133 = vector.shape_cast %broadcast_in_dim3A_96 : vector<16xf32> to vector<1x16xf32>
        tpu.vector_store %arg14[%swap3A, %swap3A_130], %swap3A_133 {strides = array<i32>} : memref<128x128xf32, #tpu.memory_space<vmem>>, vector<1x16xf32>,
      }
      %scan3A_7 = arith.constant 1024 : i32
      %mul3A_8 = arith.constant 640 : i32
      %mul3A_9 = arith.muli %arg1, %mul3A_8 : i32
      %add3A = arith.constant 0 : i32
      %add3A_10 = arith.addi %mul3A_9, %add3A : i32
      "tpu.region"() ({
        %run_scoped3A = tpu.sem_alloc : memref<!tpu.dma_semaphore, #tpu.memory_space<semaphore_mem>>
        %dma_start3A_95 = arith.constant 0 : i32
        %dma_start3A_96 = tpu.memref_slice %arg5[%add3A_10, %dma_start3A_95] : memref<10240x128xf32, #tpu.memory_space<vmem_shared>> -> memref<128x128xf32, #tpu.memory_space<vmem_shared>>
        %dma_start3A_97 = arith.constant 0 : i32
        %dma_start3A_98 = tpu.memref_slice %arg5[%add3A_10, %dma_start3A_97] : memref<10240x128xf32, #tpu.memory_space<vmem_shared>> -> memref<128x128xf32, #tpu.memory_space<vmem_shared>>
        tpu.enqueue_dma source(%arg14 : memref<128x128xf32, #tpu.memory_space<vmem>>) target(%dma_start3A_98 : memref<128x128xf32, #tpu.memory_space<vmem_shared>>) target_semaphore(%run_scoped3A : memref<!tpu.dma_semaphore, #tpu.memory_space<semaphore_mem>>)
        %dma_wait3A_99 = arith.constant 0 : i32
        %dma_wait3A_100 = tpu.memref_slice %arg5[%add3A_10, %dma_wait3A_99] : memref<10240x128xf32, #tpu.memory_space<vmem_shared>> -> memref<128x128xf32, #tpu.memory_space<vmem_shared>>
        %dma_wait3A_101 = arith.constant 0 : i32
        %dma_wait3A_102 = tpu.memref_slice %arg5[%add3A_10, %dma_wait3A_101] : memref<10240x128xf32, #tpu.memory_space<vmem_shared>> -> memref<128x128xf32, #tpu.memory_space<vmem_shared>>
        tpu.wait_dma2 semaphore(%run_scoped3A : memref<!tpu.dma_semaphore, #tpu.memory_space<semaphore_mem>>) src(%arg14 : memref<128x128xf32, #tpu.memory_space<vmem>>) dst(%dma_wait3A_102 : memref<128x128xf32, #tpu.memory_space<vmem_shared>>)
        tpu.yield
      }) : () -> ()
      %add3A_11 = arith.constant 128 : i32
      %add3A_12 = arith.addi %mul3A_9, %add3A_11 : i32
      "tpu.region"() ({
        %run_scoped3A = tpu.sem_alloc : memref<!tpu.dma_semaphore, #tpu.memory_space<semaphore_mem>>
        %dma_start3A_95 = arith.constant 0 : i32
        %dma_start3A_96 = tpu.memref_slice %arg5[%add3A_12, %dma_start3A_95] : memref<10240x128xf32, #tpu.memory_space<vmem_shared>> -> memref<128x128xf32, #tpu.memory_space<vmem_shared>>
        %dma_start3A_97 = arith.constant 0 : i32
        %dma_start3A_98 = tpu.memref_slice %arg5[%add3A_12, %dma_start3A_97] : memref<10240x128xf32, #tpu.memory_space<vmem_shared>> -> memref<128x128xf32, #tpu.memory_space<vmem_shared>>
        tpu.enqueue_dma source(%arg14 : memref<128x128xf32, #tpu.memory_space<vmem>>) target(%dma_start3A_98 : memref<128x128xf32, #tpu.memory_space<vmem_shared>>) target_semaphore(%run_scoped3A : memref<!tpu.dma_semaphore, #tpu.memory_space<semaphore_mem>>)
        %dma_wait3A_99 = arith.constant 0 : i32
        %dma_wait3A_100 = tpu.memref_slice %arg5[%add3A_12, %dma_wait3A_99] : memref<10240x128xf32, #tpu.memory_space<vmem_shared>> -> memref<128x128xf32, #tpu.memory_space<vmem_shared>>
        %dma_wait3A_101 = arith.constant 0 : i32
        %dma_wait3A_102 = tpu.memref_slice %arg5[%add3A_12, %dma_wait3A_101] : memref<10240x128xf32, #tpu.memory_space<vmem_shared>> -> memref<128x128xf32, #tpu.memory_space<vmem_shared>>
        tpu.wait_dma2 semaphore(%run_scoped3A : memref<!tpu.dma_semaphore, #tpu.memory_space<semaphore_mem>>) src(%arg14 : memref<128x128xf32, #tpu.memory_space<vmem>>) dst(%dma_wait3A_102 : memref<128x128xf32, #tpu.memory_space<vmem_shared>>)
        tpu.yield
      }) : () -> ()
      %add3A_13 = arith.constant 256 : i32
      %add3A_14 = arith.addi %mul3A_9, %add3A_13 : i32
      "tpu.region"() ({
        %run_scoped3A = tpu.sem_alloc : memref<!tpu.dma_semaphore, #tpu.memory_space<semaphore_mem>>
        %dma_start3A_95 = arith.constant 0 : i32
        %dma_start3A_96 = tpu.memref_slice %arg5[%add3A_14, %dma_start3A_95] : memref<10240x128xf32, #tpu.memory_space<vmem_shared>> -> memref<128x128xf32, #tpu.memory_space<vmem_shared>>
        %dma_start3A_97 = arith.constant 0 : i32
        %dma_start3A_98 = tpu.memref_slice %arg5[%add3A_14, %dma_start3A_97] : memref<10240x128xf32, #tpu.memory_space<vmem_shared>> -> memref<128x128xf32, #tpu.memory_space<vmem_shared>>
        tpu.enqueue_dma source(%arg14 : memref<128x128xf32, #tpu.memory_space<vmem>>) target(%dma_start3A_98 : memref<128x128xf32, #tpu.memory_space<vmem_shared>>) target_semaphore(%run_scoped3A : memref<!tpu.dma_semaphore, #tpu.memory_space<semaphore_mem>>)
        %dma_wait3A_99 = arith.constant 0 : i32
        %dma_wait3A_100 = tpu.memref_slice %arg5[%add3A_14, %dma_wait3A_99] : memref<10240x128xf32, #tpu.memory_space<vmem_shared>> -> memref<128x128xf32, #tpu.memory_space<vmem_shared>>
        %dma_wait3A_101 = arith.constant 0 : i32
        %dma_wait3A_102 = tpu.memref_slice %arg5[%add3A_14, %dma_wait3A_101] : memref<10240x128xf32, #tpu.memory_space<vmem_shared>> -> memref<128x128xf32, #tpu.memory_space<vmem_shared>>
        tpu.wait_dma2 semaphore(%run_scoped3A : memref<!tpu.dma_semaphore, #tpu.memory_space<semaphore_mem>>) src(%arg14 : memref<128x128xf32, #tpu.memory_space<vmem>>) dst(%dma_wait3A_102 : memref<128x128xf32, #tpu.memory_space<vmem_shared>>)
        tpu.yield
      }) : () -> ()
      %add3A_15 = arith.constant 384 : i32
      %add3A_16 = arith.addi %mul3A_9, %add3A_15 : i32
      "tpu.region"() ({
        %run_scoped3A = tpu.sem_alloc : memref<!tpu.dma_semaphore, #tpu.memory_space<semaphore_mem>>
        %dma_start3A_95 = arith.constant 0 : i32
        %dma_start3A_96 = tpu.memref_slice %arg5[%add3A_16, %dma_start3A_95] : memref<10240x128xf32, #tpu.memory_space<vmem_shared>> -> memref<128x128xf32, #tpu.memory_space<vmem_shared>>
        %dma_start3A_97 = arith.constant 0 : i32
        %dma_start3A_98 = tpu.memref_slice %arg5[%add3A_16, %dma_start3A_97] : memref<10240x128xf32, #tpu.memory_space<vmem_shared>> -> memref<128x128xf32, #tpu.memory_space<vmem_shared>>
        tpu.enqueue_dma source(%arg14 : memref<128x128xf32, #tpu.memory_space<vmem>>) target(%dma_start3A_98 : memref<128x128xf32, #tpu.memory_space<vmem_shared>>) target_semaphore(%run_scoped3A : memref<!tpu.dma_semaphore, #tpu.memory_space<semaphore_mem>>)
        %dma_wait3A_99 = arith.constant 0 : i32
        %dma_wait3A_100 = tpu.memref_slice %arg5[%add3A_16, %dma_wait3A_99] : memref<10240x128xf32, #tpu.memory_space<vmem_shared>> -> memref<128x128xf32, #tpu.memory_space<vmem_shared>>
        %dma_wait3A_101 = arith.constant 0 : i32
        %dma_wait3A_102 = tpu.memref_slice %arg5[%add3A_16, %dma_wait3A_101] : memref<10240x128xf32, #tpu.memory_space<vmem_shared>> -> memref<128x128xf32, #tpu.memory_space<vmem_shared>>
        tpu.wait_dma2 semaphore(%run_scoped3A : memref<!tpu.dma_semaphore, #tpu.memory_space<semaphore_mem>>) src(%arg14 : memref<128x128xf32, #tpu.memory_space<vmem>>) dst(%dma_wait3A_102 : memref<128x128xf32, #tpu.memory_space<vmem_shared>>)
        tpu.yield
      }) : () -> ()
      %add3A_17 = arith.constant 512 : i32
      %add3A_18 = arith.addi %mul3A_9, %add3A_17 : i32
      "tpu.region"() ({
        %run_scoped3A = tpu.sem_alloc : memref<!tpu.dma_semaphore, #tpu.memory_space<semaphore_mem>>
        %dma_start3A_95 = arith.constant 0 : i32
        %dma_start3A_96 = tpu.memref_slice %arg5[%add3A_18, %dma_start3A_95] : memref<10240x128xf32, #tpu.memory_space<vmem_shared>> -> memref<128x128xf32, #tpu.memory_space<vmem_shared>>
        %dma_start3A_97 = arith.constant 0 : i32
        %dma_start3A_98 = tpu.memref_slice %arg5[%add3A_18, %dma_start3A_97] : memref<10240x128xf32, #tpu.memory_space<vmem_shared>> -> memref<128x128xf32, #tpu.memory_space<vmem_shared>>
        tpu.enqueue_dma source(%arg14 : memref<128x128xf32, #tpu.memory_space<vmem>>) target(%dma_start3A_98 : memref<128x128xf32, #tpu.memory_space<vmem_shared>>) target_semaphore(%run_scoped3A : memref<!tpu.dma_semaphore, #tpu.memory_space<semaphore_mem>>)
        %dma_wait3A_99 = arith.constant 0 : i32
        %dma_wait3A_100 = tpu.memref_slice %arg5[%add3A_18, %dma_wait3A_99] : memref<10240x128xf32, #tpu.memory_space<vmem_shared>> -> memref<128x128xf32, #tpu.memory_space<vmem_shared>>
        %dma_wait3A_101 = arith.constant 0 : i32
        %dma_wait3A_102 = tpu.memref_slice %arg5[%add3A_18, %dma_wait3A_101] : memref<10240x128xf32, #tpu.memory_space<vmem_shared>> -> memref<128x128xf32, #tpu.memory_space<vmem_shared>>
        tpu.wait_dma2 semaphore(%run_scoped3A : memref<!tpu.dma_semaphore, #tpu.memory_space<semaphore_mem>>) src(%arg14 : memref<128x128xf32, #tpu.memory_space<vmem>>) dst(%dma_wait3A_102 : memref<128x128xf32, #tpu.memory_space<vmem_shared>>)
        tpu.yield
      }) : () -> ()
      %barrier3A = arith.constant 0 : index
      tpu.barrier barrier_id(%barrier3A)
      "tpu.region"() ({
        %run_scoped3A = tpu.sem_alloc : memref<!tpu.dma_semaphore, #tpu.memory_space<semaphore_mem>>
        %dma_start3A_95 = arith.constant 0 : i32
        %dma_start3A_96 = arith.constant 0 : i32
        %dma_start3A_97 = tpu.memref_slice %arg3[%mul3A_2, %dma_start3A_95, %dma_start3A_96] : memref<2560x2x128xi32, #tpu.memory_space<hbm>> -> memref<1x2x128xi32, #tpu.memory_space<hbm>>
        %dma_start3A_98 = tpu.memref_squeeze %dma_start3A_97 : memref<1x2x128xi32, #tpu.memory_space<hbm>> -> memref<2x128xi32, #tpu.memory_space<hbm>>
        %dma_start3A_99 = arith.constant 0 : i32
        %dma_start3A_100 = arith.constant 0 : i32
        %dma_start3A_101 = tpu.memref_slice %arg3[%mul3A_2, %dma_start3A_99, %dma_start3A_100] : memref<2560x2x128xi32, #tpu.memory_space<hbm>> -> memref<1x2x128xi32, #tpu.memory_space<hbm>>
        %dma_start3A_102 = tpu.memref_squeeze %dma_start3A_101 : memref<1x2x128xi32, #tpu.memory_space<hbm>> -> memref<2x128xi32, #tpu.memory_space<hbm>>
        tpu.enqueue_dma source(%dma_start3A_102 : memref<2x128xi32, #tpu.memory_space<hbm>>) target(%arg6 : memref<2x128xi32, #tpu.memory_space<vmem>>) target_semaphore(%run_scoped3A : memref<!tpu.dma_semaphore, #tpu.memory_space<semaphore_mem>>)
        %dma_wait3A_103 = arith.constant 0 : i32
        %dma_wait3A_104 = arith.constant 0 : i32
        %dma_wait3A_105 = tpu.memref_slice %arg3[%mul3A_2, %dma_wait3A_103, %dma_wait3A_104] : memref<2560x2x128xi32, #tpu.memory_space<hbm>> -> memref<1x2x128xi32, #tpu.memory_space<hbm>>
        %dma_wait3A_106 = tpu.memref_squeeze %dma_wait3A_105 : memref<1x2x128xi32, #tpu.memory_space<hbm>> -> memref<2x128xi32, #tpu.memory_space<hbm>>
        %dma_wait3A_107 = arith.constant 0 : i32
        %dma_wait3A_108 = arith.constant 0 : i32
        %dma_wait3A_109 = tpu.memref_slice %arg3[%mul3A_2, %dma_wait3A_107, %dma_wait3A_108] : memref<2560x2x128xi32, #tpu.memory_space<hbm>> -> memref<1x2x128xi32, #tpu.memory_space<hbm>>
        %dma_wait3A_110 = tpu.memref_squeeze %dma_wait3A_109 : memref<1x2x128xi32, #tpu.memory_space<hbm>> -> memref<2x128xi32, #tpu.memory_space<hbm>>
        tpu.wait_dma2 semaphore(%run_scoped3A : memref<!tpu.dma_semaphore, #tpu.memory_space<semaphore_mem>>) src(%dma_wait3A_110 : memref<2x128xi32, #tpu.memory_space<hbm>>) dst(%arg6 : memref<2x128xi32, #tpu.memory_space<vmem>>)
        tpu.yield
      }) : () -> ()
      %add3A_19 = arith.constant 1 : i32
      %add3A_20 = arith.addi %mul3A_2, %add3A_19 : i32
      %dma_start3A = arith.constant 0 : i32
      %dma_start3A_21 = arith.constant 0 : i32
      %dma_start3A_22 = tpu.memref_slice %arg3[%add3A_20, %dma_start3A, %dma_start3A_21] : memref<2560x2x128xi32, #tpu.memory_space<hbm>> -> memref<1x2x128xi32, #tpu.memory_space<hbm>>
      %dma_start3A_23 = tpu.memref_squeeze %dma_start3A_22 : memref<1x2x128xi32, #tpu.memory_space<hbm>> -> memref<2x128xi32, #tpu.memory_space<hbm>>
      %dma_start3A_24 = arith.constant 0 : i32
      %dma_start3A_25 = arith.constant 0 : i32
      %dma_start3A_26 = tpu.memref_slice %arg3[%add3A_20, %dma_start3A_24, %dma_start3A_25] : memref<2560x2x128xi32, #tpu.memory_space<hbm>> -> memref<1x2x128xi32, #tpu.memory_space<hbm>>
      %dma_start3A_27 = tpu.memref_squeeze %dma_start3A_26 : memref<1x2x128xi32, #tpu.memory_space<hbm>> -> memref<2x128xi32, #tpu.memory_space<hbm>>
      tpu.enqueue_dma source(%dma_start3A_27 : memref<2x128xi32, #tpu.memory_space<hbm>>) target(%arg7 : memref<2x128xi32, #tpu.memory_space<vmem>>) target_semaphore(%arg17 : memref<!tpu.dma_semaphore, #tpu.memory_space<semaphore_mem>>)
      %add3A_28 = arith.constant 2 : i32
      %add3A_29 = arith.addi %mul3A_2, %add3A_28 : i32
      %dma_start3A_30 = arith.constant 0 : i32
      %dma_start3A_31 = arith.constant 0 : i32
      %dma_start3A_32 = tpu.memref_slice %arg3[%add3A_29, %dma_start3A_30, %dma_start3A_31] : memref<2560x2x128xi32, #tpu.memory_space<hbm>> -> memref<1x2x128xi32, #tpu.memory_space<hbm>>
      %dma_start3A_33 = tpu.memref_squeeze %dma_start3A_32 : memref<1x2x128xi32, #tpu.memory_space<hbm>> -> memref<2x128xi32, #tpu.memory_space<hbm>>
      %dma_start3A_34 = arith.constant 0 : i32
      %dma_start3A_35 = arith.constant 0 : i32
      %dma_start3A_36 = tpu.memref_slice %arg3[%add3A_29, %dma_start3A_34, %dma_start3A_35] : memref<2560x2x128xi32, #tpu.memory_space<hbm>> -> memref<1x2x128xi32, #tpu.memory_space<hbm>>
      %dma_start3A_37 = tpu.memref_squeeze %dma_start3A_36 : memref<1x2x128xi32, #tpu.memory_space<hbm>> -> memref<2x128xi32, #tpu.memory_space<hbm>>
      tpu.enqueue_dma source(%dma_start3A_37 : memref<2x128xi32, #tpu.memory_space<hbm>>) target(%arg8 : memref<2x128xi32, #tpu.memory_space<vmem>>) target_semaphore(%arg18 : memref<!tpu.dma_semaphore, #tpu.memory_space<semaphore_mem>>)
      %add3A_38 = arith.constant 3 : i32
      %add3A_39 = arith.addi %mul3A_2, %add3A_38 : i32
      %dma_start3A_40 = arith.constant 0 : i32
      %dma_start3A_41 = arith.constant 0 : i32
      %dma_start3A_42 = tpu.memref_slice %arg3[%add3A_39, %dma_start3A_40, %dma_start3A_41] : memref<2560x2x128xi32, #tpu.memory_space<hbm>> -> memref<1x2x128xi32, #tpu.memory_space<hbm>>
      %dma_start3A_43 = tpu.memref_squeeze %dma_start3A_42 : memref<1x2x128xi32, #tpu.memory_space<hbm>> -> memref<2x128xi32, #tpu.memory_space<hbm>>
      %dma_start3A_44 = arith.constant 0 : i32
      %dma_start3A_45 = arith.constant 0 : i32
      %dma_start3A_46 = tpu.memref_slice %arg3[%add3A_39, %dma_start3A_44, %dma_start3A_45] : memref<2560x2x128xi32, #tpu.memory_space<hbm>> -> memref<1x2x128xi32, #tpu.memory_space<hbm>>
      %dma_start3A_47 = tpu.memref_squeeze %dma_start3A_46 : memref<1x2x128xi32, #tpu.memory_space<hbm>> -> memref<2x128xi32, #tpu.memory_space<hbm>>
      tpu.enqueue_dma source(%dma_start3A_47 : memref<2x128xi32, #tpu.memory_space<hbm>>) target(%arg9 : memref<2x128xi32, #tpu.memory_space<vmem>>) target_semaphore(%arg19 : memref<!tpu.dma_semaphore, #tpu.memory_space<semaphore_mem>>)
      %add3A_48 = arith.constant 4 : i32
      %add3A_49 = arith.addi %mul3A_2, %add3A_48 : i32
      %dma_start3A_50 = arith.constant 0 : i32
      %dma_start3A_51 = arith.constant 0 : i32
      %dma_start3A_52 = tpu.memref_slice %arg3[%add3A_49, %dma_start3A_50, %dma_start3A_51] : memref<2560x2x128xi32, #tpu.memory_space<hbm>> -> memref<1x2x128xi32, #tpu.memory_space<hbm>>
      %dma_start3A_53 = tpu.memref_squeeze %dma_start3A_52 : memref<1x2x128xi32, #tpu.memory_space<hbm>> -> memref<2x128xi32, #tpu.memory_space<hbm>>
      %dma_start3A_54 = arith.constant 0 : i32
      %dma_start3A_55 = arith.constant 0 : i32
      %dma_start3A_56 = tpu.memref_slice %arg3[%add3A_49, %dma_start3A_54, %dma_start3A_55] : memref<2560x2x128xi32, #tpu.memory_space<hbm>> -> memref<1x2x128xi32, #tpu.memory_space<hbm>>
      %dma_start3A_57 = tpu.memref_squeeze %dma_start3A_56 : memref<1x2x128xi32, #tpu.memory_space<hbm>> -> memref<2x128xi32, #tpu.memory_space<hbm>>
      tpu.enqueue_dma source(%dma_start3A_57 : memref<2x128xi32, #tpu.memory_space<hbm>>) target(%arg10 : memref<2x128xi32, #tpu.memory_space<vmem>>) target_semaphore(%arg20 : memref<!tpu.dma_semaphore, #tpu.memory_space<semaphore_mem>>)
      %add3A_58 = arith.constant 5 : i32
      %add3A_59 = arith.addi %mul3A_2, %add3A_58 : i32
      %dma_start3A_60 = arith.constant 0 : i32
      %dma_start3A_61 = arith.constant 0 : i32
      %dma_start3A_62 = tpu.memref_slice %arg3[%add3A_59, %dma_start3A_60, %dma_start3A_61] : memref<2560x2x128xi32, #tpu.memory_space<hbm>> -> memref<1x2x128xi32, #tpu.memory_space<hbm>>
      %dma_start3A_63 = tpu.memref_squeeze %dma_start3A_62 : memref<1x2x128xi32, #tpu.memory_space<hbm>> -> memref<2x128xi32, #tpu.memory_space<hbm>>
      %dma_start3A_64 = arith.constant 0 : i32
      %dma_start3A_65 = arith.constant 0 : i32
      %dma_start3A_66 = tpu.memref_slice %arg3[%add3A_59, %dma_start3A_64, %dma_start3A_65] : memref<2560x2x128xi32, #tpu.memory_space<hbm>> -> memref<1x2x128xi32, #tpu.memory_space<hbm>>
      %dma_start3A_67 = tpu.memref_squeeze %dma_start3A_66 : memref<1x2x128xi32, #tpu.memory_space<hbm>> -> memref<2x128xi32, #tpu.memory_space<hbm>>
      tpu.enqueue_dma source(%dma_start3A_67 : memref<2x128xi32, #tpu.memory_space<hbm>>) target(%arg11 : memref<2x128xi32, #tpu.memory_space<vmem>>) target_semaphore(%arg21 : memref<!tpu.dma_semaphore, #tpu.memory_space<semaphore_mem>>)
      %dma_start3A_68 = arith.constant 0 : i32
      %dma_start3A_69 = arith.constant 0 : i32
      %dma_start3A_70 = tpu.memref_slice %arg6[%dma_start3A_68, %dma_start3A_69] : memref<2x128xi32, #tpu.memory_space<vmem>> -> memref<1x128xi32, #tpu.memory_space<vmem>>
      %dma_start3A_71 = tpu.memref_squeeze %dma_start3A_70 : memref<1x128xi32, #tpu.memory_space<vmem>> -> memref<128xi32, #tpu.memory_space<vmem>>
      %dma_start3A_72 = arith.constant 0 : i32
      %dma_start3A_73 = arith.constant 0 : i32
      %dma_start3A_74 = tpu.memref_slice %arg2[%dma_start3A_72, %dma_start3A_73] : memref<10240x128xf32, #tpu.memory_space<hbm>> -> memref<10240x128xf32, #tpu.memory_space<hbm>>
      tpu.enqueue_indirect_dma source(%dma_start3A_74 : memref<10240x128xf32, #tpu.memory_space<hbm>>) target(%arg14 : memref<128x128xf32, #tpu.memory_space<vmem>>) offsets(%dma_start3A_71 : memref<128xi32, #tpu.memory_space<vmem>>) semaphore(%arg24 : memref<!tpu.dma_semaphore, #tpu.memory_space<semaphore_mem>>)
      %scan3A_75 = arith.constant 0 : i32
      %scan3A_76 = arith.constant 0 : i32
      %scan3A_77 = arith.constant 20 : i32
      %scan3A_78 = arith.addi %scan3A_76, %scan3A_77 : i32
      %scan3A_79 = arith.constant 1 : i32
      scf.for %scan3A_95 = %scan3A_76 to %scan3A_78 step %scan3A_79  : i32 {
        %mul3A_96 = arith.constant 8 : i32
        %mul3A_97 = arith.muli %scan3A_95, %mul3A_96 : i32
        %add3A_98 = arith.constant 0 : i32
        %add3A_99 = arith.addi %mul3A_97, %add3A_98 : i32
        %add3A_100 = arith.constant 1 : i32
        %add3A_101 = arith.addi %add3A_99, %add3A_100 : i32
        %lt3A = arith.constant 160 : i32
        %lt3A_102 = arith.cmpi slt, %add3A_101, %lt3A : i32
        %convert_element_type3A_103 = arith.extui %lt3A_102 : i1 to i32
        %cond3A_104 = arith.constant 0 : i32
        %cond3A_105 = arith.cmpi ne, %convert_element_type3A_103, %cond3A_104 : i32
        scf.if %cond3A_105 {
          %add3A_351 = arith.addi %mul3A_2, %add3A_99 : i32
          %add3A_352 = arith.constant 1 : i32
          %add3A_353 = arith.addi %add3A_351, %add3A_352 : i32
          %dma_wait3A_354 = arith.constant 0 : i32
          %dma_wait3A_355 = arith.constant 0 : i32
          %dma_wait3A_356 = tpu.memref_slice %arg3[%add3A_353, %dma_wait3A_354, %dma_wait3A_355] : memref<2560x2x128xi32, #tpu.memory_space<hbm>> -> memref<1x2x128xi32, #tpu.memory_space<hbm>>
          %dma_wait3A_357 = tpu.memref_squeeze %dma_wait3A_356 : memref<1x2x128xi32, #tpu.memory_space<hbm>> -> memref<2x128xi32, #tpu.memory_space<hbm>>
          %dma_wait3A_358 = arith.constant 0 : i32
          %dma_wait3A_359 = arith.constant 0 : i32
          %dma_wait3A_360 = tpu.memref_slice %arg3[%add3A_353, %dma_wait3A_358, %dma_wait3A_359] : memref<2560x2x128xi32, #tpu.memory_space<hbm>> -> memref<1x2x128xi32, #tpu.memory_space<hbm>>
          %dma_wait3A_361 = tpu.memref_squeeze %dma_wait3A_360 : memref<1x2x128xi32, #tpu.memory_space<hbm>> -> memref<2x128xi32, #tpu.memory_space<hbm>>
          tpu.wait_dma2 semaphore(%arg17 : memref<!tpu.dma_semaphore, #tpu.memory_space<semaphore_mem>>) src(%dma_wait3A_361 : memref<2x128xi32, #tpu.memory_space<hbm>>) dst(%arg7 : memref<2x128xi32, #tpu.memory_space<vmem>>)
          %ge3A = arith.constant 1 : i32
          %ge3A_362 = arith.cmpi sge, %add3A_99, %ge3A : i32
          %convert_element_type3A_363 = arith.extui %ge3A_362 : i1 to i32
          %cond3A_364 = arith.constant 0 : i32
          %cond3A_365 = arith.cmpi ne, %convert_element_type3A_363, %cond3A_364 : i32
          scf.if %cond3A_365 {
            %dma_wait3A_373 = arith.constant 1 : i32
            %dma_wait3A_374 = arith.constant 0 : i32
            %dma_wait3A_375 = tpu.memref_slice %arg7[%dma_wait3A_373, %dma_wait3A_374] : memref<2x128xi32, #tpu.memory_space<vmem>> -> memref<1x128xi32, #tpu.memory_space<vmem>>
            %dma_wait3A_376 = tpu.memref_squeeze %dma_wait3A_375 : memref<1x128xi32, #tpu.memory_space<vmem>> -> memref<128xi32, #tpu.memory_space<vmem>>
            %dma_wait3A_377 = arith.constant 0 : i32
            %dma_wait3A_378 = arith.constant 0 : i32
            %dma_wait3A_379 = tpu.memref_slice %arg5[%dma_wait3A_377, %dma_wait3A_378] : memref<10240x128xf32, #tpu.memory_space<vmem_shared>> -> memref<10240x128xf32, #tpu.memory_space<vmem_shared>>
            tpu.wait_indirect_dma semaphore(%arg27 : memref<!tpu.dma_semaphore, #tpu.memory_space<semaphore_mem>>) src(%arg15 : memref<128x128xf32, #tpu.memory_space<vmem>>) dst(%dma_wait3A_379 : memref<10240x128xf32, #tpu.memory_space<vmem_shared>>)
          } else {
          }
          %dma_start3A_366 = arith.constant 0 : i32
          %dma_start3A_367 = arith.constant 0 : i32
          %dma_start3A_368 = tpu.memref_slice %arg7[%dma_start3A_366, %dma_start3A_367] : memref<2x128xi32, #tpu.memory_space<vmem>> -> memref<1x128xi32, #tpu.memory_space<vmem>>
          %dma_start3A_369 = tpu.memref_squeeze %dma_start3A_368 : memref<1x128xi32, #tpu.memory_space<vmem>> -> memref<128xi32, #tpu.memory_space<vmem>>
          %dma_start3A_370 = arith.constant 0 : i32
          %dma_start3A_371 = arith.constant 0 : i32
          %dma_start3A_372 = tpu.memref_slice %arg2[%dma_start3A_370, %dma_start3A_371] : memref<10240x128xf32, #tpu.memory_space<hbm>> -> memref<10240x128xf32, #tpu.memory_space<hbm>>
          tpu.enqueue_indirect_dma source(%dma_start3A_372 : memref<10240x128xf32, #tpu.memory_space<hbm>>) target(%arg15 : memref<128x128xf32, #tpu.memory_space<vmem>>) offsets(%dma_start3A_369 : memref<128xi32, #tpu.memory_space<vmem>>) semaphore(%arg25 : memref<!tpu.dma_semaphore, #tpu.memory_space<semaphore_mem>>)
        } else {
        }
        %dma_wait3A_106 = arith.constant 0 : i32
        %dma_wait3A_107 = arith.constant 0 : i32
        %dma_wait3A_108 = tpu.memref_slice %arg6[%dma_wait3A_106, %dma_wait3A_107] : memref<2x128xi32, #tpu.memory_space<vmem>> -> memref<1x128xi32, #tpu.memory_space<vmem>>
        %dma_wait3A_109 = tpu.memref_squeeze %dma_wait3A_108 : memref<1x128xi32, #tpu.memory_space<vmem>> -> memref<128xi32, #tpu.memory_space<vmem>>
        %dma_wait3A_110 = arith.constant 0 : i32
        %dma_wait3A_111 = arith.constant 0 : i32
        %dma_wait3A_112 = tpu.memref_slice %arg2[%dma_wait3A_110, %dma_wait3A_111] : memref<10240x128xf32, #tpu.memory_space<hbm>> -> memref<10240x128xf32, #tpu.memory_space<hbm>>
        tpu.wait_indirect_dma semaphore(%arg24 : memref<!tpu.dma_semaphore, #tpu.memory_space<semaphore_mem>>) src(%dma_wait3A_112 : memref<10240x128xf32, #tpu.memory_space<hbm>>) dst(%arg14 : memref<128x128xf32, #tpu.memory_space<vmem>>)
        %dma_start3A_113 = arith.constant 1 : i32
        %dma_start3A_114 = arith.constant 0 : i32
        %dma_start3A_115 = tpu.memref_slice %arg6[%dma_start3A_113, %dma_start3A_114] : memref<2x128xi32, #tpu.memory_space<vmem>> -> memref<1x128xi32, #tpu.memory_space<vmem>>
        %dma_start3A_116 = tpu.memref_squeeze %dma_start3A_115 : memref<1x128xi32, #tpu.memory_space<vmem>> -> memref<128xi32, #tpu.memory_space<vmem>>
        %dma_start3A_117 = arith.constant 0 : i32
        %dma_start3A_118 = arith.constant 0 : i32
        %dma_start3A_119 = tpu.memref_slice %arg5[%dma_start3A_117, %dma_start3A_118] : memref<10240x128xf32, #tpu.memory_space<vmem_shared>> -> memref<10240x128xf32, #tpu.memory_space<vmem_shared>>
        tpu.enqueue_indirect_dma source(%arg14 : memref<128x128xf32, #tpu.memory_space<vmem>>) target(%dma_start3A_119 : memref<10240x128xf32, #tpu.memory_space<vmem_shared>>) offsets(%dma_start3A_116 : memref<128xi32, #tpu.memory_space<vmem>>) semaphore(%arg26 : memref<!tpu.dma_semaphore, #tpu.memory_space<semaphore_mem>>) {add = true}
        %add3A_120 = arith.constant 6 : i32
        %add3A_121 = arith.addi %add3A_99, %add3A_120 : i32
        %lt3A_122 = arith.constant 160 : i32
        %lt3A_123 = arith.cmpi slt, %add3A_121, %lt3A_122 : i32
        %convert_element_type3A_124 = arith.extui %lt3A_123 : i1 to i32
        %cond3A_125 = arith.constant 0 : i32
        %cond3A_126 = arith.cmpi ne, %convert_element_type3A_124, %cond3A_125 : i32
        scf.if %cond3A_126 {
          %add3A_351 = arith.addi %mul3A_2, %add3A_99 : i32
          %add3A_352 = arith.constant 6 : i32
          %add3A_353 = arith.addi %add3A_351, %add3A_352 : i32
          %dma_start3A_354 = arith.constant 0 : i32
          %dma_start3A_355 = arith.constant 0 : i32
          %dma_start3A_356 = tpu.memref_slice %arg3[%add3A_353, %dma_start3A_354, %dma_start3A_355] : memref<2560x2x128xi32, #tpu.memory_space<hbm>> -> memref<1x2x128xi32, #tpu.memory_space<hbm>>
          %dma_start3A_357 = tpu.memref_squeeze %dma_start3A_356 : memref<1x2x128xi32, #tpu.memory_space<hbm>> -> memref<2x128xi32, #tpu.memory_space<hbm>>
          %dma_start3A_358 = arith.constant 0 : i32
          %dma_start3A_359 = arith.constant 0 : i32
          %dma_start3A_360 = tpu.memref_slice %arg3[%add3A_353, %dma_start3A_358, %dma_start3A_359] : memref<2560x2x128xi32, #tpu.memory_space<hbm>> -> memref<1x2x128xi32, #tpu.memory_space<hbm>>
          %dma_start3A_361 = tpu.memref_squeeze %dma_start3A_360 : memref<1x2x128xi32, #tpu.memory_space<hbm>> -> memref<2x128xi32, #tpu.memory_space<hbm>>
          tpu.enqueue_dma source(%dma_start3A_361 : memref<2x128xi32, #tpu.memory_space<hbm>>) target(%arg12 : memref<2x128xi32, #tpu.memory_space<vmem>>) target_semaphore(%arg22 : memref<!tpu.dma_semaphore, #tpu.memory_space<semaphore_mem>>)
        } else {
        }
        %mul3A_127 = arith.constant 8 : i32
        %mul3A_128 = arith.muli %scan3A_95, %mul3A_127 : i32
        %add3A_129 = arith.constant 1 : i32
        %add3A_130 = arith.addi %mul3A_128, %add3A_129 : i32
        %add3A_131 = arith.constant 1 : i32
        %add3A_132 = arith.addi %add3A_130, %add3A_131 : i32
        %lt3A_133 = arith.constant 160 : i32
        %lt3A_134 = arith.cmpi slt, %add3A_132, %lt3A_133 : i32
        %convert_element_type3A_135 = arith.extui %lt3A_134 : i1 to i32
        %cond3A_136 = arith.constant 0 : i32
        %cond3A_137 = arith.cmpi ne, %convert_element_type3A_135, %cond3A_136 : i32
        scf.if %cond3A_137 {
          %add3A_351 = arith.addi %mul3A_2, %add3A_130 : i32
          %add3A_352 = arith.constant 1 : i32
          %add3A_353 = arith.addi %add3A_351, %add3A_352 : i32
          %dma_wait3A_354 = arith.constant 0 : i32
          %dma_wait3A_355 = arith.constant 0 : i32
          %dma_wait3A_356 = tpu.memref_slice %arg3[%add3A_353, %dma_wait3A_354, %dma_wait3A_355] : memref<2560x2x128xi32, #tpu.memory_space<hbm>> -> memref<1x2x128xi32, #tpu.memory_space<hbm>>
          %dma_wait3A_357 = tpu.memref_squeeze %dma_wait3A_356 : memref<1x2x128xi32, #tpu.memory_space<hbm>> -> memref<2x128xi32, #tpu.memory_space<hbm>>
          %dma_wait3A_358 = arith.constant 0 : i32
          %dma_wait3A_359 = arith.constant 0 : i32
          %dma_wait3A_360 = tpu.memref_slice %arg3[%add3A_353, %dma_wait3A_358, %dma_wait3A_359] : memref<2560x2x128xi32, #tpu.memory_space<hbm>> -> memref<1x2x128xi32, #tpu.memory_space<hbm>>
          %dma_wait3A_361 = tpu.memref_squeeze %dma_wait3A_360 : memref<1x2x128xi32, #tpu.memory_space<hbm>> -> memref<2x128xi32, #tpu.memory_space<hbm>>
          tpu.wait_dma2 semaphore(%arg18 : memref<!tpu.dma_semaphore, #tpu.memory_space<semaphore_mem>>) src(%dma_wait3A_361 : memref<2x128xi32, #tpu.memory_space<hbm>>) dst(%arg8 : memref<2x128xi32, #tpu.memory_space<vmem>>)
          %ge3A = arith.constant 1 : i32
          %ge3A_362 = arith.cmpi sge, %add3A_130, %ge3A : i32
          %convert_element_type3A_363 = arith.extui %ge3A_362 : i1 to i32
          %cond3A_364 = arith.constant 0 : i32
          %cond3A_365 = arith.cmpi ne, %convert_element_type3A_363, %cond3A_364 : i32
          scf.if %cond3A_365 {
            %dma_wait3A_373 = arith.constant 1 : i32
            %dma_wait3A_374 = arith.constant 0 : i32
            %dma_wait3A_375 = tpu.memref_slice %arg8[%dma_wait3A_373, %dma_wait3A_374] : memref<2x128xi32, #tpu.memory_space<vmem>> -> memref<1x128xi32, #tpu.memory_space<vmem>>
            %dma_wait3A_376 = tpu.memref_squeeze %dma_wait3A_375 : memref<1x128xi32, #tpu.memory_space<vmem>> -> memref<128xi32, #tpu.memory_space<vmem>>
            %dma_wait3A_377 = arith.constant 0 : i32
            %dma_wait3A_378 = arith.constant 0 : i32
            %dma_wait3A_379 = tpu.memref_slice %arg5[%dma_wait3A_377, %dma_wait3A_378] : memref<10240x128xf32, #tpu.memory_space<vmem_shared>> -> memref<10240x128xf32, #tpu.memory_space<vmem_shared>>
            tpu.wait_indirect_dma semaphore(%arg26 : memref<!tpu.dma_semaphore, #tpu.memory_space<semaphore_mem>>) src(%arg14 : memref<128x128xf32, #tpu.memory_space<vmem>>) dst(%dma_wait3A_379 : memref<10240x128xf32, #tpu.memory_space<vmem_shared>>)
          } else {
          }
          %dma_start3A_366 = arith.constant 0 : i32
          %dma_start3A_367 = arith.constant 0 : i32
          %dma_start3A_368 = tpu.memref_slice %arg8[%dma_start3A_366, %dma_start3A_367] : memref<2x128xi32, #tpu.memory_space<vmem>> -> memref<1x128xi32, #tpu.memory_space<vmem>>
          %dma_start3A_369 = tpu.memref_squeeze %dma_start3A_368 : memref<1x128xi32, #tpu.memory_space<vmem>> -> memref<128xi32, #tpu.memory_space<vmem>>
          %dma_start3A_370 = arith.constant 0 : i32
          %dma_start3A_371 = arith.constant 0 : i32
          %dma_start3A_372 = tpu.memref_slice %arg2[%dma_start3A_370, %dma_start3A_371] : memref<10240x128xf32, #tpu.memory_space<hbm>> -> memref<10240x128xf32, #tpu.memory_space<hbm>>
          tpu.enqueue_indirect_dma source(%dma_start3A_372 : memref<10240x128xf32, #tpu.memory_space<hbm>>) target(%arg14 : memref<128x128xf32, #tpu.memory_space<vmem>>) offsets(%dma_start3A_369 : memref<128xi32, #tpu.memory_space<vmem>>) semaphore(%arg24 : memref<!tpu.dma_semaphore, #tpu.memory_space<semaphore_mem>>)
        } else {
        }
        %dma_wait3A_138 = arith.constant 0 : i32
        %dma_wait3A_139 = arith.constant 0 : i32
        %dma_wait3A_140 = tpu.memref_slice %arg7[%dma_wait3A_138, %dma_wait3A_139] : memref<2x128xi32, #tpu.memory_space<vmem>> -> memref<1x128xi32, #tpu.memory_space<vmem>>
        %dma_wait3A_141 = tpu.memref_squeeze %dma_wait3A_140 : memref<1x128xi32, #tpu.memory_space<vmem>> -> memref<128xi32, #tpu.memory_space<vmem>>
        %dma_wait3A_142 = arith.constant 0 : i32
        %dma_wait3A_143 = arith.constant 0 : i32
        %dma_wait3A_144 = tpu.memref_slice %arg2[%dma_wait3A_142, %dma_wait3A_143] : memref<10240x128xf32, #tpu.memory_space<hbm>> -> memref<10240x128xf32, #tpu.memory_space<hbm>>
        tpu.wait_indirect_dma semaphore(%arg25 : memref<!tpu.dma_semaphore, #tpu.memory_space<semaphore_mem>>) src(%dma_wait3A_144 : memref<10240x128xf32, #tpu.memory_space<hbm>>) dst(%arg15 : memref<128x128xf32, #tpu.memory_space<vmem>>)
        %dma_start3A_145 = arith.constant 1 : i32
        %dma_start3A_146 = arith.constant 0 : i32
        %dma_start3A_147 = tpu.memref_slice %arg7[%dma_start3A_145, %dma_start3A_146] : memref<2x128xi32, #tpu.memory_space<vmem>> -> memref<1x128xi32, #tpu.memory_space<vmem>>
        %dma_start3A_148 = tpu.memref_squeeze %dma_start3A_147 : memref<1x128xi32, #tpu.memory_space<vmem>> -> memref<128xi32, #tpu.memory_space<vmem>>
        %dma_start3A_149 = arith.constant 0 : i32
        %dma_start3A_150 = arith.constant 0 : i32
        %dma_start3A_151 = tpu.memref_slice %arg5[%dma_start3A_149, %dma_start3A_150] : memref<10240x128xf32, #tpu.memory_space<vmem_shared>> -> memref<10240x128xf32, #tpu.memory_space<vmem_shared>>
        tpu.enqueue_indirect_dma source(%arg15 : memref<128x128xf32, #tpu.memory_space<vmem>>) target(%dma_start3A_151 : memref<10240x128xf32, #tpu.memory_space<vmem_shared>>) offsets(%dma_start3A_148 : memref<128xi32, #tpu.memory_space<vmem>>) semaphore(%arg27 : memref<!tpu.dma_semaphore, #tpu.memory_space<semaphore_mem>>) {add = true}
        %add3A_152 = arith.constant 6 : i32
        %add3A_153 = arith.addi %add3A_130, %add3A_152 : i32
        %lt3A_154 = arith.constant 160 : i32
        %lt3A_155 = arith.cmpi slt, %add3A_153, %lt3A_154 : i32
        %convert_element_type3A_156 = arith.extui %lt3A_155 : i1 to i32
        %cond3A_157 = arith.constant 0 : i32
        %cond3A_158 = arith.cmpi ne, %convert_element_type3A_156, %cond3A_157 : i32
        scf.if %cond3A_158 {
          %add3A_351 = arith.addi %mul3A_2, %add3A_130 : i32
          %add3A_352 = arith.constant 6 : i32
          %add3A_353 = arith.addi %add3A_351, %add3A_352 : i32
          %dma_start3A_354 = arith.constant 0 : i32
          %dma_start3A_355 = arith.constant 0 : i32
          %dma_start3A_356 = tpu.memref_slice %arg3[%add3A_353, %dma_start3A_354, %dma_start3A_355] : memref<2560x2x128xi32, #tpu.memory_space<hbm>> -> memref<1x2x128xi32, #tpu.memory_space<hbm>>
          %dma_start3A_357 = tpu.memref_squeeze %dma_start3A_356 : memref<1x2x128xi32, #tpu.memory_space<hbm>> -> memref<2x128xi32, #tpu.memory_space<hbm>>
          %dma_start3A_358 = arith.constant 0 : i32
          %dma_start3A_359 = arith.constant 0 : i32
          %dma_start3A_360 = tpu.memref_slice %arg3[%add3A_353, %dma_start3A_358, %dma_start3A_359] : memref<2560x2x128xi32, #tpu.memory_space<hbm>> -> memref<1x2x128xi32, #tpu.memory_space<hbm>>
          %dma_start3A_361 = tpu.memref_squeeze %dma_start3A_360 : memref<1x2x128xi32, #tpu.memory_space<hbm>> -> memref<2x128xi32, #tpu.memory_space<hbm>>
          tpu.enqueue_dma source(%dma_start3A_361 : memref<2x128xi32, #tpu.memory_space<hbm>>) target(%arg13 : memref<2x128xi32, #tpu.memory_space<vmem>>) target_semaphore(%arg23 : memref<!tpu.dma_semaphore, #tpu.memory_space<semaphore_mem>>)
        } else {
        }
        %mul3A_159 = arith.constant 8 : i32
        %mul3A_160 = arith.muli %scan3A_95, %mul3A_159 : i32
        %add3A_161 = arith.constant 2 : i32
        %add3A_162 = arith.addi %mul3A_160, %add3A_161 : i32
        %add3A_163 = arith.constant 1 : i32
        %add3A_164 = arith.addi %add3A_162, %add3A_163 : i32
        %lt3A_165 = arith.constant 160 : i32
        %lt3A_166 = arith.cmpi slt, %add3A_164, %lt3A_165 : i32
        %convert_element_type3A_167 = arith.extui %lt3A_166 : i1 to i32
        %cond3A_168 = arith.constant 0 : i32
        %cond3A_169 = arith.cmpi ne, %convert_element_type3A_167, %cond3A_168 : i32
        scf.if %cond3A_169 {
          %add3A_351 = arith.addi %mul3A_2, %add3A_162 : i32
          %add3A_352 = arith.constant 1 : i32
          %add3A_353 = arith.addi %add3A_351, %add3A_352 : i32
          %dma_wait3A_354 = arith.constant 0 : i32
          %dma_wait3A_355 = arith.constant 0 : i32
          %dma_wait3A_356 = tpu.memref_slice %arg3[%add3A_353, %dma_wait3A_354, %dma_wait3A_355] : memref<2560x2x128xi32, #tpu.memory_space<hbm>> -> memref<1x2x128xi32, #tpu.memory_space<hbm>>
          %dma_wait3A_357 = tpu.memref_squeeze %dma_wait3A_356 : memref<1x2x128xi32, #tpu.memory_space<hbm>> -> memref<2x128xi32, #tpu.memory_space<hbm>>
          %dma_wait3A_358 = arith.constant 0 : i32
          %dma_wait3A_359 = arith.constant 0 : i32
          %dma_wait3A_360 = tpu.memref_slice %arg3[%add3A_353, %dma_wait3A_358, %dma_wait3A_359] : memref<2560x2x128xi32, #tpu.memory_space<hbm>> -> memref<1x2x128xi32, #tpu.memory_space<hbm>>
          %dma_wait3A_361 = tpu.memref_squeeze %dma_wait3A_360 : memref<1x2x128xi32, #tpu.memory_space<hbm>> -> memref<2x128xi32, #tpu.memory_space<hbm>>
          tpu.wait_dma2 semaphore(%arg19 : memref<!tpu.dma_semaphore, #tpu.memory_space<semaphore_mem>>) src(%dma_wait3A_361 : memref<2x128xi32, #tpu.memory_space<hbm>>) dst(%arg9 : memref<2x128xi32, #tpu.memory_space<vmem>>)
          %ge3A = arith.constant 1 : i32
          %ge3A_362 = arith.cmpi sge, %add3A_162, %ge3A : i32
          %convert_element_type3A_363 = arith.extui %ge3A_362 : i1 to i32
          %cond3A_364 = arith.constant 0 : i32
          %cond3A_365 = arith.cmpi ne, %convert_element_type3A_363, %cond3A_364 : i32
          scf.if %cond3A_365 {
            %dma_wait3A_373 = arith.constant 1 : i32
            %dma_wait3A_374 = arith.constant 0 : i32
            %dma_wait3A_375 = tpu.memref_slice %arg9[%dma_wait3A_373, %dma_wait3A_374] : memref<2x128xi32, #tpu.memory_space<vmem>> -> memref<1x128xi32, #tpu.memory_space<vmem>>
            %dma_wait3A_376 = tpu.memref_squeeze %dma_wait3A_375 : memref<1x128xi32, #tpu.memory_space<vmem>> -> memref<128xi32, #tpu.memory_space<vmem>>
            %dma_wait3A_377 = arith.constant 0 : i32
            %dma_wait3A_378 = arith.constant 0 : i32
            %dma_wait3A_379 = tpu.memref_slice %arg5[%dma_wait3A_377, %dma_wait3A_378] : memref<10240x128xf32, #tpu.memory_space<vmem_shared>> -> memref<10240x128xf32, #tpu.memory_space<vmem_shared>>
            tpu.wait_indirect_dma semaphore(%arg27 : memref<!tpu.dma_semaphore, #tpu.memory_space<semaphore_mem>>) src(%arg15 : memref<128x128xf32, #tpu.memory_space<vmem>>) dst(%dma_wait3A_379 : memref<10240x128xf32, #tpu.memory_space<vmem_shared>>)
          } else {
          }
          %dma_start3A_366 = arith.constant 0 : i32
          %dma_start3A_367 = arith.constant 0 : i32
          %dma_start3A_368 = tpu.memref_slice %arg9[%dma_start3A_366, %dma_start3A_367] : memref<2x128xi32, #tpu.memory_space<vmem>> -> memref<1x128xi32, #tpu.memory_space<vmem>>
          %dma_start3A_369 = tpu.memref_squeeze %dma_start3A_368 : memref<1x128xi32, #tpu.memory_space<vmem>> -> memref<128xi32, #tpu.memory_space<vmem>>
          %dma_start3A_370 = arith.constant 0 : i32
          %dma_start3A_371 = arith.constant 0 : i32
          %dma_start3A_372 = tpu.memref_slice %arg2[%dma_start3A_370, %dma_start3A_371] : memref<10240x128xf32, #tpu.memory_space<hbm>> -> memref<10240x128xf32, #tpu.memory_space<hbm>>
          tpu.enqueue_indirect_dma source(%dma_start3A_372 : memref<10240x128xf32, #tpu.memory_space<hbm>>) target(%arg15 : memref<128x128xf32, #tpu.memory_space<vmem>>) offsets(%dma_start3A_369 : memref<128xi32, #tpu.memory_space<vmem>>) semaphore(%arg25 : memref<!tpu.dma_semaphore, #tpu.memory_space<semaphore_mem>>)
        } else {
        }
        %dma_wait3A_170 = arith.constant 0 : i32
        %dma_wait3A_171 = arith.constant 0 : i32
        %dma_wait3A_172 = tpu.memref_slice %arg8[%dma_wait3A_170, %dma_wait3A_171] : memref<2x128xi32, #tpu.memory_space<vmem>> -> memref<1x128xi32, #tpu.memory_space<vmem>>
        %dma_wait3A_173 = tpu.memref_squeeze %dma_wait3A_172 : memref<1x128xi32, #tpu.memory_space<vmem>> -> memref<128xi32, #tpu.memory_space<vmem>>
        %dma_wait3A_174 = arith.constant 0 : i32
        %dma_wait3A_175 = arith.constant 0 : i32
        %dma_wait3A_176 = tpu.memref_slice %arg2[%dma_wait3A_174, %dma_wait3A_175] : memref<10240x128xf32, #tpu.memory_space<hbm>> -> memref<10240x128xf32, #tpu.memory_space<hbm>>
        tpu.wait_indirect_dma semaphore(%arg24 : memref<!tpu.dma_semaphore, #tpu.memory_space<semaphore_mem>>) src(%dma_wait3A_176 : memref<10240x128xf32, #tpu.memory_space<hbm>>) dst(%arg14 : memref<128x128xf32, #tpu.memory_space<vmem>>)
        %dma_start3A_177 = arith.constant 1 : i32
        %dma_start3A_178 = arith.constant 0 : i32
        %dma_start3A_179 = tpu.memref_slice %arg8[%dma_start3A_177, %dma_start3A_178] : memref<2x128xi32, #tpu.memory_space<vmem>> -> memref<1x128xi32, #tpu.memory_space<vmem>>
        %dma_start3A_180 = tpu.memref_squeeze %dma_start3A_179 : memref<1x128xi32, #tpu.memory_space<vmem>> -> memref<128xi32, #tpu.memory_space<vmem>>
        %dma_start3A_181 = arith.constant 0 : i32
        %dma_start3A_182 = arith.constant 0 : i32
        %dma_start3A_183 = tpu.memref_slice %arg5[%dma_start3A_181, %dma_start3A_182] : memref<10240x128xf32, #tpu.memory_space<vmem_shared>> -> memref<10240x128xf32, #tpu.memory_space<vmem_shared>>
        tpu.enqueue_indirect_dma source(%arg14 : memref<128x128xf32, #tpu.memory_space<vmem>>) target(%dma_start3A_183 : memref<10240x128xf32, #tpu.memory_space<vmem_shared>>) offsets(%dma_start3A_180 : memref<128xi32, #tpu.memory_space<vmem>>) semaphore(%arg26 : memref<!tpu.dma_semaphore, #tpu.memory_space<semaphore_mem>>) {add = true}
        %add3A_184 = arith.constant 6 : i32
        %add3A_185 = arith.addi %add3A_162, %add3A_184 : i32
        %lt3A_186 = arith.constant 160 : i32
        %lt3A_187 = arith.cmpi slt, %add3A_185, %lt3A_186 : i32
        %convert_element_type3A_188 = arith.extui %lt3A_187 : i1 to i32
        %cond3A_189 = arith.constant 0 : i32
        %cond3A_190 = arith.cmpi ne, %convert_element_type3A_188, %cond3A_189 : i32
        scf.if %cond3A_190 {
          %add3A_351 = arith.addi %mul3A_2, %add3A_162 : i32
          %add3A_352 = arith.constant 6 : i32
          %add3A_353 = arith.addi %add3A_351, %add3A_352 : i32
          %dma_start3A_354 = arith.constant 0 : i32
          %dma_start3A_355 = arith.constant 0 : i32
          %dma_start3A_356 = tpu.memref_slice %arg3[%add3A_353, %dma_start3A_354, %dma_start3A_355] : memref<2560x2x128xi32, #tpu.memory_space<hbm>> -> memref<1x2x128xi32, #tpu.memory_space<hbm>>
          %dma_start3A_357 = tpu.memref_squeeze %dma_start3A_356 : memref<1x2x128xi32, #tpu.memory_space<hbm>> -> memref<2x128xi32, #tpu.memory_space<hbm>>
          %dma_start3A_358 = arith.constant 0 : i32
          %dma_start3A_359 = arith.constant 0 : i32
          %dma_start3A_360 = tpu.memref_slice %arg3[%add3A_353, %dma_start3A_358, %dma_start3A_359] : memref<2560x2x128xi32, #tpu.memory_space<hbm>> -> memref<1x2x128xi32, #tpu.memory_space<hbm>>
          %dma_start3A_361 = tpu.memref_squeeze %dma_start3A_360 : memref<1x2x128xi32, #tpu.memory_space<hbm>> -> memref<2x128xi32, #tpu.memory_space<hbm>>
          tpu.enqueue_dma source(%dma_start3A_361 : memref<2x128xi32, #tpu.memory_space<hbm>>) target(%arg6 : memref<2x128xi32, #tpu.memory_space<vmem>>) target_semaphore(%arg16 : memref<!tpu.dma_semaphore, #tpu.memory_space<semaphore_mem>>)
        } else {
        }
        %mul3A_191 = arith.constant 8 : i32
        %mul3A_192 = arith.muli %scan3A_95, %mul3A_191 : i32
        %add3A_193 = arith.constant 3 : i32
        %add3A_194 = arith.addi %mul3A_192, %add3A_193 : i32
        %add3A_195 = arith.constant 1 : i32
        %add3A_196 = arith.addi %add3A_194, %add3A_195 : i32
        %lt3A_197 = arith.constant 160 : i32
        %lt3A_198 = arith.cmpi slt, %add3A_196, %lt3A_197 : i32
        %convert_element_type3A_199 = arith.extui %lt3A_198 : i1 to i32
        %cond3A_200 = arith.constant 0 : i32
        %cond3A_201 = arith.cmpi ne, %convert_element_type3A_199, %cond3A_200 : i32
        scf.if %cond3A_201 {
          %add3A_351 = arith.addi %mul3A_2, %add3A_194 : i32
          %add3A_352 = arith.constant 1 : i32
          %add3A_353 = arith.addi %add3A_351, %add3A_352 : i32
          %dma_wait3A_354 = arith.constant 0 : i32
          %dma_wait3A_355 = arith.constant 0 : i32
          %dma_wait3A_356 = tpu.memref_slice %arg3[%add3A_353, %dma_wait3A_354, %dma_wait3A_355] : memref<2560x2x128xi32, #tpu.memory_space<hbm>> -> memref<1x2x128xi32, #tpu.memory_space<hbm>>
          %dma_wait3A_357 = tpu.memref_squeeze %dma_wait3A_356 : memref<1x2x128xi32, #tpu.memory_space<hbm>> -> memref<2x128xi32, #tpu.memory_space<hbm>>
          %dma_wait3A_358 = arith.constant 0 : i32
          %dma_wait3A_359 = arith.constant 0 : i32
          %dma_wait3A_360 = tpu.memref_slice %arg3[%add3A_353, %dma_wait3A_358, %dma_wait3A_359] : memref<2560x2x128xi32, #tpu.memory_space<hbm>> -> memref<1x2x128xi32, #tpu.memory_space<hbm>>
          %dma_wait3A_361 = tpu.memref_squeeze %dma_wait3A_360 : memref<1x2x128xi32, #tpu.memory_space<hbm>> -> memref<2x128xi32, #tpu.memory_space<hbm>>
          tpu.wait_dma2 semaphore(%arg20 : memref<!tpu.dma_semaphore, #tpu.memory_space<semaphore_mem>>) src(%dma_wait3A_361 : memref<2x128xi32, #tpu.memory_space<hbm>>) dst(%arg10 : memref<2x128xi32, #tpu.memory_space<vmem>>)
          %ge3A = arith.constant 1 : i32
          %ge3A_362 = arith.cmpi sge, %add3A_194, %ge3A : i32
          %convert_element_type3A_363 = arith.extui %ge3A_362 : i1 to i32
          %cond3A_364 = arith.constant 0 : i32
          %cond3A_365 = arith.cmpi ne, %convert_element_type3A_363, %cond3A_364 : i32
          scf.if %cond3A_365 {
            %dma_wait3A_373 = arith.constant 1 : i32
            %dma_wait3A_374 = arith.constant 0 : i32
            %dma_wait3A_375 = tpu.memref_slice %arg10[%dma_wait3A_373, %dma_wait3A_374] : memref<2x128xi32, #tpu.memory_space<vmem>> -> memref<1x128xi32, #tpu.memory_space<vmem>>
            %dma_wait3A_376 = tpu.memref_squeeze %dma_wait3A_375 : memref<1x128xi32, #tpu.memory_space<vmem>> -> memref<128xi32, #tpu.memory_space<vmem>>
            %dma_wait3A_377 = arith.constant 0 : i32
            %dma_wait3A_378 = arith.constant 0 : i32
            %dma_wait3A_379 = tpu.memref_slice %arg5[%dma_wait3A_377, %dma_wait3A_378] : memref<10240x128xf32, #tpu.memory_space<vmem_shared>> -> memref<10240x128xf32, #tpu.memory_space<vmem_shared>>
            tpu.wait_indirect_dma semaphore(%arg26 : memref<!tpu.dma_semaphore, #tpu.memory_space<semaphore_mem>>) src(%arg14 : memref<128x128xf32, #tpu.memory_space<vmem>>) dst(%dma_wait3A_379 : memref<10240x128xf32, #tpu.memory_space<vmem_shared>>)
          } else {
          }
          %dma_start3A_366 = arith.constant 0 : i32
          %dma_start3A_367 = arith.constant 0 : i32
          %dma_start3A_368 = tpu.memref_slice %arg10[%dma_start3A_366, %dma_start3A_367] : memref<2x128xi32, #tpu.memory_space<vmem>> -> memref<1x128xi32, #tpu.memory_space<vmem>>
          %dma_start3A_369 = tpu.memref_squeeze %dma_start3A_368 : memref<1x128xi32, #tpu.memory_space<vmem>> -> memref<128xi32, #tpu.memory_space<vmem>>
          %dma_start3A_370 = arith.constant 0 : i32
          %dma_start3A_371 = arith.constant 0 : i32
          %dma_start3A_372 = tpu.memref_slice %arg2[%dma_start3A_370, %dma_start3A_371] : memref<10240x128xf32, #tpu.memory_space<hbm>> -> memref<10240x128xf32, #tpu.memory_space<hbm>>
          tpu.enqueue_indirect_dma source(%dma_start3A_372 : memref<10240x128xf32, #tpu.memory_space<hbm>>) target(%arg14 : memref<128x128xf32, #tpu.memory_space<vmem>>) offsets(%dma_start3A_369 : memref<128xi32, #tpu.memory_space<vmem>>) semaphore(%arg24 : memref<!tpu.dma_semaphore, #tpu.memory_space<semaphore_mem>>)
        } else {
        }
        %dma_wait3A_202 = arith.constant 0 : i32
        %dma_wait3A_203 = arith.constant 0 : i32
        %dma_wait3A_204 = tpu.memref_slice %arg9[%dma_wait3A_202, %dma_wait3A_203] : memref<2x128xi32, #tpu.memory_space<vmem>> -> memref<1x128xi32, #tpu.memory_space<vmem>>
        %dma_wait3A_205 = tpu.memref_squeeze %dma_wait3A_204 : memref<1x128xi32, #tpu.memory_space<vmem>> -> memref<128xi32, #tpu.memory_space<vmem>>
        %dma_wait3A_206 = arith.constant 0 : i32
        %dma_wait3A_207 = arith.constant 0 : i32
        %dma_wait3A_208 = tpu.memref_slice %arg2[%dma_wait3A_206, %dma_wait3A_207] : memref<10240x128xf32, #tpu.memory_space<hbm>> -> memref<10240x128xf32, #tpu.memory_space<hbm>>
        tpu.wait_indirect_dma semaphore(%arg25 : memref<!tpu.dma_semaphore, #tpu.memory_space<semaphore_mem>>) src(%dma_wait3A_208 : memref<10240x128xf32, #tpu.memory_space<hbm>>) dst(%arg15 : memref<128x128xf32, #tpu.memory_space<vmem>>)
        %dma_start3A_209 = arith.constant 1 : i32
        %dma_start3A_210 = arith.constant 0 : i32
        %dma_start3A_211 = tpu.memref_slice %arg9[%dma_start3A_209, %dma_start3A_210] : memref<2x128xi32, #tpu.memory_space<vmem>> -> memref<1x128xi32, #tpu.memory_space<vmem>>
        %dma_start3A_212 = tpu.memref_squeeze %dma_start3A_211 : memref<1x128xi32, #tpu.memory_space<vmem>> -> memref<128xi32, #tpu.memory_space<vmem>>
        %dma_start3A_213 = arith.constant 0 : i32
        %dma_start3A_214 = arith.constant 0 : i32
        %dma_start3A_215 = tpu.memref_slice %arg5[%dma_start3A_213, %dma_start3A_214] : memref<10240x128xf32, #tpu.memory_space<vmem_shared>> -> memref<10240x128xf32, #tpu.memory_space<vmem_shared>>
        tpu.enqueue_indirect_dma source(%arg15 : memref<128x128xf32, #tpu.memory_space<vmem>>) target(%dma_start3A_215 : memref<10240x128xf32, #tpu.memory_space<vmem_shared>>) offsets(%dma_start3A_212 : memref<128xi32, #tpu.memory_space<vmem>>) semaphore(%arg27 : memref<!tpu.dma_semaphore, #tpu.memory_space<semaphore_mem>>) {add = true}
        %add3A_216 = arith.constant 6 : i32
        %add3A_217 = arith.addi %add3A_194, %add3A_216 : i32
        %lt3A_218 = arith.constant 160 : i32
        %lt3A_219 = arith.cmpi slt, %add3A_217, %lt3A_218 : i32
        %convert_element_type3A_220 = arith.extui %lt3A_219 : i1 to i32
        %cond3A_221 = arith.constant 0 : i32
        %cond3A_222 = arith.cmpi ne, %convert_element_type3A_220, %cond3A_221 : i32
        scf.if %cond3A_222 {
          %add3A_351 = arith.addi %mul3A_2, %add3A_194 : i32
          %add3A_352 = arith.constant 6 : i32
          %add3A_353 = arith.addi %add3A_351, %add3A_352 : i32
          %dma_start3A_354 = arith.constant 0 : i32
          %dma_start3A_355 = arith.constant 0 : i32
          %dma_start3A_356 = tpu.memref_slice %arg3[%add3A_353, %dma_start3A_354, %dma_start3A_355] : memref<2560x2x128xi32, #tpu.memory_space<hbm>> -> memref<1x2x128xi32, #tpu.memory_space<hbm>>
          %dma_start3A_357 = tpu.memref_squeeze %dma_start3A_356 : memref<1x2x128xi32, #tpu.memory_space<hbm>> -> memref<2x128xi32, #tpu.memory_space<hbm>>
          %dma_start3A_358 = arith.constant 0 : i32
          %dma_start3A_359 = arith.constant 0 : i32
          %dma_start3A_360 = tpu.memref_slice %arg3[%add3A_353, %dma_start3A_358, %dma_start3A_359] : memref<2560x2x128xi32, #tpu.memory_space<hbm>> -> memref<1x2x128xi32, #tpu.memory_space<hbm>>
          %dma_start3A_361 = tpu.memref_squeeze %dma_start3A_360 : memref<1x2x128xi32, #tpu.memory_space<hbm>> -> memref<2x128xi32, #tpu.memory_space<hbm>>
          tpu.enqueue_dma source(%dma_start3A_361 : memref<2x128xi32, #tpu.memory_space<hbm>>) target(%arg7 : memref<2x128xi32, #tpu.memory_space<vmem>>) target_semaphore(%arg17 : memref<!tpu.dma_semaphore, #tpu.memory_space<semaphore_mem>>)
        } else {
        }
        %mul3A_223 = arith.constant 8 : i32
        %mul3A_224 = arith.muli %scan3A_95, %mul3A_223 : i32
        %add3A_225 = arith.constant 4 : i32
        %add3A_226 = arith.addi %mul3A_224, %add3A_225 : i32
        %add3A_227 = arith.constant 1 : i32
        %add3A_228 = arith.addi %add3A_226, %add3A_227 : i32
        %lt3A_229 = arith.constant 160 : i32
        %lt3A_230 = arith.cmpi slt, %add3A_228, %lt3A_229 : i32
        %convert_element_type3A_231 = arith.extui %lt3A_230 : i1 to i32
        %cond3A_232 = arith.constant 0 : i32
        %cond3A_233 = arith.cmpi ne, %convert_element_type3A_231, %cond3A_232 : i32
        scf.if %cond3A_233 {
          %add3A_351 = arith.addi %mul3A_2, %add3A_226 : i32
          %add3A_352 = arith.constant 1 : i32
          %add3A_353 = arith.addi %add3A_351, %add3A_352 : i32
          %dma_wait3A_354 = arith.constant 0 : i32
          %dma_wait3A_355 = arith.constant 0 : i32
          %dma_wait3A_356 = tpu.memref_slice %arg3[%add3A_353, %dma_wait3A_354, %dma_wait3A_355] : memref<2560x2x128xi32, #tpu.memory_space<hbm>> -> memref<1x2x128xi32, #tpu.memory_space<hbm>>
          %dma_wait3A_357 = tpu.memref_squeeze %dma_wait3A_356 : memref<1x2x128xi32, #tpu.memory_space<hbm>> -> memref<2x128xi32, #tpu.memory_space<hbm>>
          %dma_wait3A_358 = arith.constant 0 : i32
          %dma_wait3A_359 = arith.constant 0 : i32
          %dma_wait3A_360 = tpu.memref_slice %arg3[%add3A_353, %dma_wait3A_358, %dma_wait3A_359] : memref<2560x2x128xi32, #tpu.memory_space<hbm>> -> memref<1x2x128xi32, #tpu.memory_space<hbm>>
          %dma_wait3A_361 = tpu.memref_squeeze %dma_wait3A_360 : memref<1x2x128xi32, #tpu.memory_space<hbm>> -> memref<2x128xi32, #tpu.memory_space<hbm>>
          tpu.wait_dma2 semaphore(%arg21 : memref<!tpu.dma_semaphore, #tpu.memory_space<semaphore_mem>>) src(%dma_wait3A_361 : memref<2x128xi32, #tpu.memory_space<hbm>>) dst(%arg11 : memref<2x128xi32, #tpu.memory_space<vmem>>)
          %ge3A = arith.constant 1 : i32
          %ge3A_362 = arith.cmpi sge, %add3A_226, %ge3A : i32
          %convert_element_type3A_363 = arith.extui %ge3A_362 : i1 to i32
          %cond3A_364 = arith.constant 0 : i32
          %cond3A_365 = arith.cmpi ne, %convert_element_type3A_363, %cond3A_364 : i32
          scf.if %cond3A_365 {
            %dma_wait3A_373 = arith.constant 1 : i32
            %dma_wait3A_374 = arith.constant 0 : i32
            %dma_wait3A_375 = tpu.memref_slice %arg11[%dma_wait3A_373, %dma_wait3A_374] : memref<2x128xi32, #tpu.memory_space<vmem>> -> memref<1x128xi32, #tpu.memory_space<vmem>>
            %dma_wait3A_376 = tpu.memref_squeeze %dma_wait3A_375 : memref<1x128xi32, #tpu.memory_space<vmem>> -> memref<128xi32, #tpu.memory_space<vmem>>
            %dma_wait3A_377 = arith.constant 0 : i32
            %dma_wait3A_378 = arith.constant 0 : i32
            %dma_wait3A_379 = tpu.memref_slice %arg5[%dma_wait3A_377, %dma_wait3A_378] : memref<10240x128xf32, #tpu.memory_space<vmem_shared>> -> memref<10240x128xf32, #tpu.memory_space<vmem_shared>>
            tpu.wait_indirect_dma semaphore(%arg27 : memref<!tpu.dma_semaphore, #tpu.memory_space<semaphore_mem>>) src(%arg15 : memref<128x128xf32, #tpu.memory_space<vmem>>) dst(%dma_wait3A_379 : memref<10240x128xf32, #tpu.memory_space<vmem_shared>>)
          } else {
          }
          %dma_start3A_366 = arith.constant 0 : i32
          %dma_start3A_367 = arith.constant 0 : i32
          %dma_start3A_368 = tpu.memref_slice %arg11[%dma_start3A_366, %dma_start3A_367] : memref<2x128xi32, #tpu.memory_space<vmem>> -> memref<1x128xi32, #tpu.memory_space<vmem>>
          %dma_start3A_369 = tpu.memref_squeeze %dma_start3A_368 : memref<1x128xi32, #tpu.memory_space<vmem>> -> memref<128xi32, #tpu.memory_space<vmem>>
          %dma_start3A_370 = arith.constant 0 : i32
          %dma_start3A_371 = arith.constant 0 : i32
          %dma_start3A_372 = tpu.memref_slice %arg2[%dma_start3A_370, %dma_start3A_371] : memref<10240x128xf32, #tpu.memory_space<hbm>> -> memref<10240x128xf32, #tpu.memory_space<hbm>>
          tpu.enqueue_indirect_dma source(%dma_start3A_372 : memref<10240x128xf32, #tpu.memory_space<hbm>>) target(%arg15 : memref<128x128xf32, #tpu.memory_space<vmem>>) offsets(%dma_start3A_369 : memref<128xi32, #tpu.memory_space<vmem>>) semaphore(%arg25 : memref<!tpu.dma_semaphore, #tpu.memory_space<semaphore_mem>>)
        } else {
        }
        %dma_wait3A_234 = arith.constant 0 : i32
        %dma_wait3A_235 = arith.constant 0 : i32
        %dma_wait3A_236 = tpu.memref_slice %arg10[%dma_wait3A_234, %dma_wait3A_235] : memref<2x128xi32, #tpu.memory_space<vmem>> -> memref<1x128xi32, #tpu.memory_space<vmem>>
        %dma_wait3A_237 = tpu.memref_squeeze %dma_wait3A_236 : memref<1x128xi32, #tpu.memory_space<vmem>> -> memref<128xi32, #tpu.memory_space<vmem>>
        %dma_wait3A_238 = arith.constant 0 : i32
        %dma_wait3A_239 = arith.constant 0 : i32
        %dma_wait3A_240 = tpu.memref_slice %arg2[%dma_wait3A_238, %dma_wait3A_239] : memref<10240x128xf32, #tpu.memory_space<hbm>> -> memref<10240x128xf32, #tpu.memory_space<hbm>>
        tpu.wait_indirect_dma semaphore(%arg24 : memref<!tpu.dma_semaphore, #tpu.memory_space<semaphore_mem>>) src(%dma_wait3A_240 : memref<10240x128xf32, #tpu.memory_space<hbm>>) dst(%arg14 : memref<128x128xf32, #tpu.memory_space<vmem>>)
        %dma_start3A_241 = arith.constant 1 : i32
        %dma_start3A_242 = arith.constant 0 : i32
        %dma_start3A_243 = tpu.memref_slice %arg10[%dma_start3A_241, %dma_start3A_242] : memref<2x128xi32, #tpu.memory_space<vmem>> -> memref<1x128xi32, #tpu.memory_space<vmem>>
        %dma_start3A_244 = tpu.memref_squeeze %dma_start3A_243 : memref<1x128xi32, #tpu.memory_space<vmem>> -> memref<128xi32, #tpu.memory_space<vmem>>
        %dma_start3A_245 = arith.constant 0 : i32
        %dma_start3A_246 = arith.constant 0 : i32
        %dma_start3A_247 = tpu.memref_slice %arg5[%dma_start3A_245, %dma_start3A_246] : memref<10240x128xf32, #tpu.memory_space<vmem_shared>> -> memref<10240x128xf32, #tpu.memory_space<vmem_shared>>
        tpu.enqueue_indirect_dma source(%arg14 : memref<128x128xf32, #tpu.memory_space<vmem>>) target(%dma_start3A_247 : memref<10240x128xf32, #tpu.memory_space<vmem_shared>>) offsets(%dma_start3A_244 : memref<128xi32, #tpu.memory_space<vmem>>) semaphore(%arg26 : memref<!tpu.dma_semaphore, #tpu.memory_space<semaphore_mem>>) {add = true}
        %add3A_248 = arith.constant 6 : i32
        %add3A_249 = arith.addi %add3A_226, %add3A_248 : i32
        %lt3A_250 = arith.constant 160 : i32
        %lt3A_251 = arith.cmpi slt, %add3A_249, %lt3A_250 : i32
        %convert_element_type3A_252 = arith.extui %lt3A_251 : i1 to i32
        %cond3A_253 = arith.constant 0 : i32
        %cond3A_254 = arith.cmpi ne, %convert_element_type3A_252, %cond3A_253 : i32
        scf.if %cond3A_254 {
          %add3A_351 = arith.addi %mul3A_2, %add3A_226 : i32
          %add3A_352 = arith.constant 6 : i32
          %add3A_353 = arith.addi %add3A_351, %add3A_352 : i32
          %dma_start3A_354 = arith.constant 0 : i32
          %dma_start3A_355 = arith.constant 0 : i32
          %dma_start3A_356 = tpu.memref_slice %arg3[%add3A_353, %dma_start3A_354, %dma_start3A_355] : memref<2560x2x128xi32, #tpu.memory_space<hbm>> -> memref<1x2x128xi32, #tpu.memory_space<hbm>>
          %dma_start3A_357 = tpu.memref_squeeze %dma_start3A_356 : memref<1x2x128xi32, #tpu.memory_space<hbm>> -> memref<2x128xi32, #tpu.memory_space<hbm>>
          %dma_start3A_358 = arith.constant 0 : i32
          %dma_start3A_359 = arith.constant 0 : i32
          %dma_start3A_360 = tpu.memref_slice %arg3[%add3A_353, %dma_start3A_358, %dma_start3A_359] : memref<2560x2x128xi32, #tpu.memory_space<hbm>> -> memref<1x2x128xi32, #tpu.memory_space<hbm>>
          %dma_start3A_361 = tpu.memref_squeeze %dma_start3A_360 : memref<1x2x128xi32, #tpu.memory_space<hbm>> -> memref<2x128xi32, #tpu.memory_space<hbm>>
          tpu.enqueue_dma source(%dma_start3A_361 : memref<2x128xi32, #tpu.memory_space<hbm>>) target(%arg8 : memref<2x128xi32, #tpu.memory_space<vmem>>) target_semaphore(%arg18 : memref<!tpu.dma_semaphore, #tpu.memory_space<semaphore_mem>>)
        } else {
        }
        %mul3A_255 = arith.constant 8 : i32
        %mul3A_256 = arith.muli %scan3A_95, %mul3A_255 : i32
        %add3A_257 = arith.constant 5 : i32
        %add3A_258 = arith.addi %mul3A_256, %add3A_257 : i32
        %add3A_259 = arith.constant 1 : i32
        %add3A_260 = arith.addi %add3A_258, %add3A_259 : i32
        %lt3A_261 = arith.constant 160 : i32
        %lt3A_262 = arith.cmpi slt, %add3A_260, %lt3A_261 : i32
        %convert_element_type3A_263 = arith.extui %lt3A_262 : i1 to i32
        %cond3A_264 = arith.constant 0 : i32
        %cond3A_265 = arith.cmpi ne, %convert_element_type3A_263, %cond3A_264 : i32
        scf.if %cond3A_265 {
          %add3A_351 = arith.addi %mul3A_2, %add3A_258 : i32
          %add3A_352 = arith.constant 1 : i32
          %add3A_353 = arith.addi %add3A_351, %add3A_352 : i32
          %dma_wait3A_354 = arith.constant 0 : i32
          %dma_wait3A_355 = arith.constant 0 : i32
          %dma_wait3A_356 = tpu.memref_slice %arg3[%add3A_353, %dma_wait3A_354, %dma_wait3A_355] : memref<2560x2x128xi32, #tpu.memory_space<hbm>> -> memref<1x2x128xi32, #tpu.memory_space<hbm>>
          %dma_wait3A_357 = tpu.memref_squeeze %dma_wait3A_356 : memref<1x2x128xi32, #tpu.memory_space<hbm>> -> memref<2x128xi32, #tpu.memory_space<hbm>>
          %dma_wait3A_358 = arith.constant 0 : i32
          %dma_wait3A_359 = arith.constant 0 : i32
          %dma_wait3A_360 = tpu.memref_slice %arg3[%add3A_353, %dma_wait3A_358, %dma_wait3A_359] : memref<2560x2x128xi32, #tpu.memory_space<hbm>> -> memref<1x2x128xi32, #tpu.memory_space<hbm>>
          %dma_wait3A_361 = tpu.memref_squeeze %dma_wait3A_360 : memref<1x2x128xi32, #tpu.memory_space<hbm>> -> memref<2x128xi32, #tpu.memory_space<hbm>>
          tpu.wait_dma2 semaphore(%arg22 : memref<!tpu.dma_semaphore, #tpu.memory_space<semaphore_mem>>) src(%dma_wait3A_361 : memref<2x128xi32, #tpu.memory_space<hbm>>) dst(%arg12 : memref<2x128xi32, #tpu.memory_space<vmem>>)
          %ge3A = arith.constant 1 : i32
          %ge3A_362 = arith.cmpi sge, %add3A_258, %ge3A : i32
          %convert_element_type3A_363 = arith.extui %ge3A_362 : i1 to i32
          %cond3A_364 = arith.constant 0 : i32
          %cond3A_365 = arith.cmpi ne, %convert_element_type3A_363, %cond3A_364 : i32
          scf.if %cond3A_365 {
            %dma_wait3A_373 = arith.constant 1 : i32
            %dma_wait3A_374 = arith.constant 0 : i32
            %dma_wait3A_375 = tpu.memref_slice %arg12[%dma_wait3A_373, %dma_wait3A_374] : memref<2x128xi32, #tpu.memory_space<vmem>> -> memref<1x128xi32, #tpu.memory_space<vmem>>
            %dma_wait3A_376 = tpu.memref_squeeze %dma_wait3A_375 : memref<1x128xi32, #tpu.memory_space<vmem>> -> memref<128xi32, #tpu.memory_space<vmem>>
            %dma_wait3A_377 = arith.constant 0 : i32
            %dma_wait3A_378 = arith.constant 0 : i32
            %dma_wait3A_379 = tpu.memref_slice %arg5[%dma_wait3A_377, %dma_wait3A_378] : memref<10240x128xf32, #tpu.memory_space<vmem_shared>> -> memref<10240x128xf32, #tpu.memory_space<vmem_shared>>
            tpu.wait_indirect_dma semaphore(%arg26 : memref<!tpu.dma_semaphore, #tpu.memory_space<semaphore_mem>>) src(%arg14 : memref<128x128xf32, #tpu.memory_space<vmem>>) dst(%dma_wait3A_379 : memref<10240x128xf32, #tpu.memory_space<vmem_shared>>)
          } else {
          }
          %dma_start3A_366 = arith.constant 0 : i32
          %dma_start3A_367 = arith.constant 0 : i32
          %dma_start3A_368 = tpu.memref_slice %arg12[%dma_start3A_366, %dma_start3A_367] : memref<2x128xi32, #tpu.memory_space<vmem>> -> memref<1x128xi32, #tpu.memory_space<vmem>>
          %dma_start3A_369 = tpu.memref_squeeze %dma_start3A_368 : memref<1x128xi32, #tpu.memory_space<vmem>> -> memref<128xi32, #tpu.memory_space<vmem>>
          %dma_start3A_370 = arith.constant 0 : i32
          %dma_start3A_371 = arith.constant 0 : i32
          %dma_start3A_372 = tpu.memref_slice %arg2[%dma_start3A_370, %dma_start3A_371] : memref<10240x128xf32, #tpu.memory_space<hbm>> -> memref<10240x128xf32, #tpu.memory_space<hbm>>
          tpu.enqueue_indirect_dma source(%dma_start3A_372 : memref<10240x128xf32, #tpu.memory_space<hbm>>) target(%arg14 : memref<128x128xf32, #tpu.memory_space<vmem>>) offsets(%dma_start3A_369 : memref<128xi32, #tpu.memory_space<vmem>>) semaphore(%arg24 : memref<!tpu.dma_semaphore, #tpu.memory_space<semaphore_mem>>)
        } else {
        }
        %dma_wait3A_266 = arith.constant 0 : i32
        %dma_wait3A_267 = arith.constant 0 : i32
        %dma_wait3A_268 = tpu.memref_slice %arg11[%dma_wait3A_266, %dma_wait3A_267] : memref<2x128xi32, #tpu.memory_space<vmem>> -> memref<1x128xi32, #tpu.memory_space<vmem>>
        %dma_wait3A_269 = tpu.memref_squeeze %dma_wait3A_268 : memref<1x128xi32, #tpu.memory_space<vmem>> -> memref<128xi32, #tpu.memory_space<vmem>>
        %dma_wait3A_270 = arith.constant 0 : i32
        %dma_wait3A_271 = arith.constant 0 : i32
        %dma_wait3A_272 = tpu.memref_slice %arg2[%dma_wait3A_270, %dma_wait3A_271] : memref<10240x128xf32, #tpu.memory_space<hbm>> -> memref<10240x128xf32, #tpu.memory_space<hbm>>
        tpu.wait_indirect_dma semaphore(%arg25 : memref<!tpu.dma_semaphore, #tpu.memory_space<semaphore_mem>>) src(%dma_wait3A_272 : memref<10240x128xf32, #tpu.memory_space<hbm>>) dst(%arg15 : memref<128x128xf32, #tpu.memory_space<vmem>>)
        %dma_start3A_273 = arith.constant 1 : i32
        %dma_start3A_274 = arith.constant 0 : i32
        %dma_start3A_275 = tpu.memref_slice %arg11[%dma_start3A_273, %dma_start3A_274] : memref<2x128xi32, #tpu.memory_space<vmem>> -> memref<1x128xi32, #tpu.memory_space<vmem>>
        %dma_start3A_276 = tpu.memref_squeeze %dma_start3A_275 : memref<1x128xi32, #tpu.memory_space<vmem>> -> memref<128xi32, #tpu.memory_space<vmem>>
        %dma_start3A_277 = arith.constant 0 : i32
        %dma_start3A_278 = arith.constant 0 : i32
        %dma_start3A_279 = tpu.memref_slice %arg5[%dma_start3A_277, %dma_start3A_278] : memref<10240x128xf32, #tpu.memory_space<vmem_shared>> -> memref<10240x128xf32, #tpu.memory_space<vmem_shared>>
        tpu.enqueue_indirect_dma source(%arg15 : memref<128x128xf32, #tpu.memory_space<vmem>>) target(%dma_start3A_279 : memref<10240x128xf32, #tpu.memory_space<vmem_shared>>) offsets(%dma_start3A_276 : memref<128xi32, #tpu.memory_space<vmem>>) semaphore(%arg27 : memref<!tpu.dma_semaphore, #tpu.memory_space<semaphore_mem>>) {add = true}
        %add3A_280 = arith.constant 6 : i32
        %add3A_281 = arith.addi %add3A_258, %add3A_280 : i32
        %lt3A_282 = arith.constant 160 : i32
        %lt3A_283 = arith.cmpi slt, %add3A_281, %lt3A_282 : i32
        %convert_element_type3A_284 = arith.extui %lt3A_283 : i1 to i32
        %cond3A_285 = arith.constant 0 : i32
        %cond3A_286 = arith.cmpi ne, %convert_element_type3A_284, %cond3A_285 : i32
        scf.if %cond3A_286 {
          %add3A_351 = arith.addi %mul3A_2, %add3A_258 : i32
          %add3A_352 = arith.constant 6 : i32
          %add3A_353 = arith.addi %add3A_351, %add3A_352 : i32
          %dma_start3A_354 = arith.constant 0 : i32
          %dma_start3A_355 = arith.constant 0 : i32
          %dma_start3A_356 = tpu.memref_slice %arg3[%add3A_353, %dma_start3A_354, %dma_start3A_355] : memref<2560x2x128xi32, #tpu.memory_space<hbm>> -> memref<1x2x128xi32, #tpu.memory_space<hbm>>
          %dma_start3A_357 = tpu.memref_squeeze %dma_start3A_356 : memref<1x2x128xi32, #tpu.memory_space<hbm>> -> memref<2x128xi32, #tpu.memory_space<hbm>>
          %dma_start3A_358 = arith.constant 0 : i32
          %dma_start3A_359 = arith.constant 0 : i32
          %dma_start3A_360 = tpu.memref_slice %arg3[%add3A_353, %dma_start3A_358, %dma_start3A_359] : memref<2560x2x128xi32, #tpu.memory_space<hbm>> -> memref<1x2x128xi32, #tpu.memory_space<hbm>>
          %dma_start3A_361 = tpu.memref_squeeze %dma_start3A_360 : memref<1x2x128xi32, #tpu.memory_space<hbm>> -> memref<2x128xi32, #tpu.memory_space<hbm>>
          tpu.enqueue_dma source(%dma_start3A_361 : memref<2x128xi32, #tpu.memory_space<hbm>>) target(%arg9 : memref<2x128xi32, #tpu.memory_space<vmem>>) target_semaphore(%arg19 : memref<!tpu.dma_semaphore, #tpu.memory_space<semaphore_mem>>)
        } else {
        }
        %mul3A_287 = arith.constant 8 : i32
        %mul3A_288 = arith.muli %scan3A_95, %mul3A_287 : i32
        %add3A_289 = arith.constant 6 : i32
        %add3A_290 = arith.addi %mul3A_288, %add3A_289 : i32
        %add3A_291 = arith.constant 1 : i32
        %add3A_292 = arith.addi %add3A_290, %add3A_291 : i32
        %lt3A_293 = arith.constant 160 : i32
        %lt3A_294 = arith.cmpi slt, %add3A_292, %lt3A_293 : i32
        %convert_element_type3A_295 = arith.extui %lt3A_294 : i1 to i32
        %cond3A_296 = arith.constant 0 : i32
        %cond3A_297 = arith.cmpi ne, %convert_element_type3A_295, %cond3A_296 : i32
        scf.if %cond3A_297 {
          %add3A_351 = arith.addi %mul3A_2, %add3A_290 : i32
          %add3A_352 = arith.constant 1 : i32
          %add3A_353 = arith.addi %add3A_351, %add3A_352 : i32
          %dma_wait3A_354 = arith.constant 0 : i32
          %dma_wait3A_355 = arith.constant 0 : i32
          %dma_wait3A_356 = tpu.memref_slice %arg3[%add3A_353, %dma_wait3A_354, %dma_wait3A_355] : memref<2560x2x128xi32, #tpu.memory_space<hbm>> -> memref<1x2x128xi32, #tpu.memory_space<hbm>>
          %dma_wait3A_357 = tpu.memref_squeeze %dma_wait3A_356 : memref<1x2x128xi32, #tpu.memory_space<hbm>> -> memref<2x128xi32, #tpu.memory_space<hbm>>
          %dma_wait3A_358 = arith.constant 0 : i32
          %dma_wait3A_359 = arith.constant 0 : i32
          %dma_wait3A_360 = tpu.memref_slice %arg3[%add3A_353, %dma_wait3A_358, %dma_wait3A_359] : memref<2560x2x128xi32, #tpu.memory_space<hbm>> -> memref<1x2x128xi32, #tpu.memory_space<hbm>>
          %dma_wait3A_361 = tpu.memref_squeeze %dma_wait3A_360 : memref<1x2x128xi32, #tpu.memory_space<hbm>> -> memref<2x128xi32, #tpu.memory_space<hbm>>
          tpu.wait_dma2 semaphore(%arg23 : memref<!tpu.dma_semaphore, #tpu.memory_space<semaphore_mem>>) src(%dma_wait3A_361 : memref<2x128xi32, #tpu.memory_space<hbm>>) dst(%arg13 : memref<2x128xi32, #tpu.memory_space<vmem>>)
          %ge3A = arith.constant 1 : i32
          %ge3A_362 = arith.cmpi sge, %add3A_290, %ge3A : i32
          %convert_element_type3A_363 = arith.extui %ge3A_362 : i1 to i32
          %cond3A_364 = arith.constant 0 : i32
          %cond3A_365 = arith.cmpi ne, %convert_element_type3A_363, %cond3A_364 : i32
          scf.if %cond3A_365 {
            %dma_wait3A_373 = arith.constant 1 : i32
            %dma_wait3A_374 = arith.constant 0 : i32
            %dma_wait3A_375 = tpu.memref_slice %arg13[%dma_wait3A_373, %dma_wait3A_374] : memref<2x128xi32, #tpu.memory_space<vmem>> -> memref<1x128xi32, #tpu.memory_space<vmem>>
            %dma_wait3A_376 = tpu.memref_squeeze %dma_wait3A_375 : memref<1x128xi32, #tpu.memory_space<vmem>> -> memref<128xi32, #tpu.memory_space<vmem>>
            %dma_wait3A_377 = arith.constant 0 : i32
            %dma_wait3A_378 = arith.constant 0 : i32
            %dma_wait3A_379 = tpu.memref_slice %arg5[%dma_wait3A_377, %dma_wait3A_378] : memref<10240x128xf32, #tpu.memory_space<vmem_shared>> -> memref<10240x128xf32, #tpu.memory_space<vmem_shared>>
            tpu.wait_indirect_dma semaphore(%arg27 : memref<!tpu.dma_semaphore, #tpu.memory_space<semaphore_mem>>) src(%arg15 : memref<128x128xf32, #tpu.memory_space<vmem>>) dst(%dma_wait3A_379 : memref<10240x128xf32, #tpu.memory_space<vmem_shared>>)
          } else {
          }
          %dma_start3A_366 = arith.constant 0 : i32
          %dma_start3A_367 = arith.constant 0 : i32
          %dma_start3A_368 = tpu.memref_slice %arg13[%dma_start3A_366, %dma_start3A_367] : memref<2x128xi32, #tpu.memory_space<vmem>> -> memref<1x128xi32, #tpu.memory_space<vmem>>
          %dma_start3A_369 = tpu.memref_squeeze %dma_start3A_368 : memref<1x128xi32, #tpu.memory_space<vmem>> -> memref<128xi32, #tpu.memory_space<vmem>>
          %dma_start3A_370 = arith.constant 0 : i32
          %dma_start3A_371 = arith.constant 0 : i32
          %dma_start3A_372 = tpu.memref_slice %arg2[%dma_start3A_370, %dma_start3A_371] : memref<10240x128xf32, #tpu.memory_space<hbm>> -> memref<10240x128xf32, #tpu.memory_space<hbm>>
          tpu.enqueue_indirect_dma source(%dma_start3A_372 : memref<10240x128xf32, #tpu.memory_space<hbm>>) target(%arg15 : memref<128x128xf32, #tpu.memory_space<vmem>>) offsets(%dma_start3A_369 : memref<128xi32, #tpu.memory_space<vmem>>) semaphore(%arg25 : memref<!tpu.dma_semaphore, #tpu.memory_space<semaphore_mem>>)
        } else {
        }
        %dma_wait3A_298 = arith.constant 0 : i32
        %dma_wait3A_299 = arith.constant 0 : i32
        %dma_wait3A_300 = tpu.memref_slice %arg12[%dma_wait3A_298, %dma_wait3A_299] : memref<2x128xi32, #tpu.memory_space<vmem>> -> memref<1x128xi32, #tpu.memory_space<vmem>>
        %dma_wait3A_301 = tpu.memref_squeeze %dma_wait3A_300 : memref<1x128xi32, #tpu.memory_space<vmem>> -> memref<128xi32, #tpu.memory_space<vmem>>
        %dma_wait3A_302 = arith.constant 0 : i32
        %dma_wait3A_303 = arith.constant 0 : i32
        %dma_wait3A_304 = tpu.memref_slice %arg2[%dma_wait3A_302, %dma_wait3A_303] : memref<10240x128xf32, #tpu.memory_space<hbm>> -> memref<10240x128xf32, #tpu.memory_space<hbm>>
        tpu.wait_indirect_dma semaphore(%arg24 : memref<!tpu.dma_semaphore, #tpu.memory_space<semaphore_mem>>) src(%dma_wait3A_304 : memref<10240x128xf32, #tpu.memory_space<hbm>>) dst(%arg14 : memref<128x128xf32, #tpu.memory_space<vmem>>)
        %dma_start3A_305 = arith.constant 1 : i32
        %dma_start3A_306 = arith.constant 0 : i32
        %dma_start3A_307 = tpu.memref_slice %arg12[%dma_start3A_305, %dma_start3A_306] : memref<2x128xi32, #tpu.memory_space<vmem>> -> memref<1x128xi32, #tpu.memory_space<vmem>>
        %dma_start3A_308 = tpu.memref_squeeze %dma_start3A_307 : memref<1x128xi32, #tpu.memory_space<vmem>> -> memref<128xi32, #tpu.memory_space<vmem>>
        %dma_start3A_309 = arith.constant 0 : i32
        %dma_start3A_310 = arith.constant 0 : i32
        %dma_start3A_311 = tpu.memref_slice %arg5[%dma_start3A_309, %dma_start3A_310] : memref<10240x128xf32, #tpu.memory_space<vmem_shared>> -> memref<10240x128xf32, #tpu.memory_space<vmem_shared>>
        tpu.enqueue_indirect_dma source(%arg14 : memref<128x128xf32, #tpu.memory_space<vmem>>) target(%dma_start3A_311 : memref<10240x128xf32, #tpu.memory_space<vmem_shared>>) offsets(%dma_start3A_308 : memref<128xi32, #tpu.memory_space<vmem>>) semaphore(%arg26 : memref<!tpu.dma_semaphore, #tpu.memory_space<semaphore_mem>>) {add = true}
        %add3A_312 = arith.constant 6 : i32
        %add3A_313 = arith.addi %add3A_290, %add3A_312 : i32
        %lt3A_314 = arith.constant 160 : i32
        %lt3A_315 = arith.cmpi slt, %add3A_313, %lt3A_314 : i32
        %convert_element_type3A_316 = arith.extui %lt3A_315 : i1 to i32
        %cond3A_317 = arith.constant 0 : i32
        %cond3A_318 = arith.cmpi ne, %convert_element_type3A_316, %cond3A_317 : i32
        scf.if %cond3A_318 {
          %add3A_351 = arith.addi %mul3A_2, %add3A_290 : i32
          %add3A_352 = arith.constant 6 : i32
          %add3A_353 = arith.addi %add3A_351, %add3A_352 : i32
          %dma_start3A_354 = arith.constant 0 : i32
          %dma_start3A_355 = arith.constant 0 : i32
          %dma_start3A_356 = tpu.memref_slice %arg3[%add3A_353, %dma_start3A_354, %dma_start3A_355] : memref<2560x2x128xi32, #tpu.memory_space<hbm>> -> memref<1x2x128xi32, #tpu.memory_space<hbm>>
          %dma_start3A_357 = tpu.memref_squeeze %dma_start3A_356 : memref<1x2x128xi32, #tpu.memory_space<hbm>> -> memref<2x128xi32, #tpu.memory_space<hbm>>
          %dma_start3A_358 = arith.constant 0 : i32
          %dma_start3A_359 = arith.constant 0 : i32
          %dma_start3A_360 = tpu.memref_slice %arg3[%add3A_353, %dma_start3A_358, %dma_start3A_359] : memref<2560x2x128xi32, #tpu.memory_space<hbm>> -> memref<1x2x128xi32, #tpu.memory_space<hbm>>
          %dma_start3A_361 = tpu.memref_squeeze %dma_start3A_360 : memref<1x2x128xi32, #tpu.memory_space<hbm>> -> memref<2x128xi32, #tpu.memory_space<hbm>>
          tpu.enqueue_dma source(%dma_start3A_361 : memref<2x128xi32, #tpu.memory_space<hbm>>) target(%arg10 : memref<2x128xi32, #tpu.memory_space<vmem>>) target_semaphore(%arg20 : memref<!tpu.dma_semaphore, #tpu.memory_space<semaphore_mem>>)
        } else {
        }
        %mul3A_319 = arith.constant 8 : i32
        %mul3A_320 = arith.muli %scan3A_95, %mul3A_319 : i32
        %add3A_321 = arith.constant 7 : i32
        %add3A_322 = arith.addi %mul3A_320, %add3A_321 : i32
        %add3A_323 = arith.constant 1 : i32
        %add3A_324 = arith.addi %add3A_322, %add3A_323 : i32
        %lt3A_325 = arith.constant 160 : i32
        %lt3A_326 = arith.cmpi slt, %add3A_324, %lt3A_325 : i32
        %convert_element_type3A_327 = arith.extui %lt3A_326 : i1 to i32
        %cond3A_328 = arith.constant 0 : i32
        %cond3A_329 = arith.cmpi ne, %convert_element_type3A_327, %cond3A_328 : i32
        scf.if %cond3A_329 {
          %add3A_351 = arith.addi %mul3A_2, %add3A_322 : i32
          %add3A_352 = arith.constant 1 : i32
          %add3A_353 = arith.addi %add3A_351, %add3A_352 : i32
          %dma_wait3A_354 = arith.constant 0 : i32
          %dma_wait3A_355 = arith.constant 0 : i32
          %dma_wait3A_356 = tpu.memref_slice %arg3[%add3A_353, %dma_wait3A_354, %dma_wait3A_355] : memref<2560x2x128xi32, #tpu.memory_space<hbm>> -> memref<1x2x128xi32, #tpu.memory_space<hbm>>
          %dma_wait3A_357 = tpu.memref_squeeze %dma_wait3A_356 : memref<1x2x128xi32, #tpu.memory_space<hbm>> -> memref<2x128xi32, #tpu.memory_space<hbm>>
          %dma_wait3A_358 = arith.constant 0 : i32
          %dma_wait3A_359 = arith.constant 0 : i32
          %dma_wait3A_360 = tpu.memref_slice %arg3[%add3A_353, %dma_wait3A_358, %dma_wait3A_359] : memref<2560x2x128xi32, #tpu.memory_space<hbm>> -> memref<1x2x128xi32, #tpu.memory_space<hbm>>
          %dma_wait3A_361 = tpu.memref_squeeze %dma_wait3A_360 : memref<1x2x128xi32, #tpu.memory_space<hbm>> -> memref<2x128xi32, #tpu.memory_space<hbm>>
          tpu.wait_dma2 semaphore(%arg16 : memref<!tpu.dma_semaphore, #tpu.memory_space<semaphore_mem>>) src(%dma_wait3A_361 : memref<2x128xi32, #tpu.memory_space<hbm>>) dst(%arg6 : memref<2x128xi32, #tpu.memory_space<vmem>>)
          %ge3A = arith.constant 1 : i32
          %ge3A_362 = arith.cmpi sge, %add3A_322, %ge3A : i32
          %convert_element_type3A_363 = arith.extui %ge3A_362 : i1 to i32
          %cond3A_364 = arith.constant 0 : i32
          %cond3A_365 = arith.cmpi ne, %convert_element_type3A_363, %cond3A_364 : i32
          scf.if %cond3A_365 {
            %dma_wait3A_373 = arith.constant 1 : i32
            %dma_wait3A_374 = arith.constant 0 : i32
            %dma_wait3A_375 = tpu.memref_slice %arg6[%dma_wait3A_373, %dma_wait3A_374] : memref<2x128xi32, #tpu.memory_space<vmem>> -> memref<1x128xi32, #tpu.memory_space<vmem>>
            %dma_wait3A_376 = tpu.memref_squeeze %dma_wait3A_375 : memref<1x128xi32, #tpu.memory_space<vmem>> -> memref<128xi32, #tpu.memory_space<vmem>>
            %dma_wait3A_377 = arith.constant 0 : i32
            %dma_wait3A_378 = arith.constant 0 : i32
            %dma_wait3A_379 = tpu.memref_slice %arg5[%dma_wait3A_377, %dma_wait3A_378] : memref<10240x128xf32, #tpu.memory_space<vmem_shared>> -> memref<10240x128xf32, #tpu.memory_space<vmem_shared>>
            tpu.wait_indirect_dma semaphore(%arg26 : memref<!tpu.dma_semaphore, #tpu.memory_space<semaphore_mem>>) src(%arg14 : memref<128x128xf32, #tpu.memory_space<vmem>>) dst(%dma_wait3A_379 : memref<10240x128xf32, #tpu.memory_space<vmem_shared>>)
          } else {
          }
          %dma_start3A_366 = arith.constant 0 : i32
          %dma_start3A_367 = arith.constant 0 : i32
          %dma_start3A_368 = tpu.memref_slice %arg6[%dma_start3A_366, %dma_start3A_367] : memref<2x128xi32, #tpu.memory_space<vmem>> -> memref<1x128xi32, #tpu.memory_space<vmem>>
          %dma_start3A_369 = tpu.memref_squeeze %dma_start3A_368 : memref<1x128xi32, #tpu.memory_space<vmem>> -> memref<128xi32, #tpu.memory_space<vmem>>
          %dma_start3A_370 = arith.constant 0 : i32
          %dma_start3A_371 = arith.constant 0 : i32
          %dma_start3A_372 = tpu.memref_slice %arg2[%dma_start3A_370, %dma_start3A_371] : memref<10240x128xf32, #tpu.memory_space<hbm>> -> memref<10240x128xf32, #tpu.memory_space<hbm>>
          tpu.enqueue_indirect_dma source(%dma_start3A_372 : memref<10240x128xf32, #tpu.memory_space<hbm>>) target(%arg14 : memref<128x128xf32, #tpu.memory_space<vmem>>) offsets(%dma_start3A_369 : memref<128xi32, #tpu.memory_space<vmem>>) semaphore(%arg24 : memref<!tpu.dma_semaphore, #tpu.memory_space<semaphore_mem>>)
        } else {
        }
        %dma_wait3A_330 = arith.constant 0 : i32
        %dma_wait3A_331 = arith.constant 0 : i32
        %dma_wait3A_332 = tpu.memref_slice %arg13[%dma_wait3A_330, %dma_wait3A_331] : memref<2x128xi32, #tpu.memory_space<vmem>> -> memref<1x128xi32, #tpu.memory_space<vmem>>
        %dma_wait3A_333 = tpu.memref_squeeze %dma_wait3A_332 : memref<1x128xi32, #tpu.memory_space<vmem>> -> memref<128xi32, #tpu.memory_space<vmem>>
        %dma_wait3A_334 = arith.constant 0 : i32
        %dma_wait3A_335 = arith.constant 0 : i32
        %dma_wait3A_336 = tpu.memref_slice %arg2[%dma_wait3A_334, %dma_wait3A_335] : memref<10240x128xf32, #tpu.memory_space<hbm>> -> memref<10240x128xf32, #tpu.memory_space<hbm>>
        tpu.wait_indirect_dma semaphore(%arg25 : memref<!tpu.dma_semaphore, #tpu.memory_space<semaphore_mem>>) src(%dma_wait3A_336 : memref<10240x128xf32, #tpu.memory_space<hbm>>) dst(%arg15 : memref<128x128xf32, #tpu.memory_space<vmem>>)
        %dma_start3A_337 = arith.constant 1 : i32
        %dma_start3A_338 = arith.constant 0 : i32
        %dma_start3A_339 = tpu.memref_slice %arg13[%dma_start3A_337, %dma_start3A_338] : memref<2x128xi32, #tpu.memory_space<vmem>> -> memref<1x128xi32, #tpu.memory_space<vmem>>
        %dma_start3A_340 = tpu.memref_squeeze %dma_start3A_339 : memref<1x128xi32, #tpu.memory_space<vmem>> -> memref<128xi32, #tpu.memory_space<vmem>>
        %dma_start3A_341 = arith.constant 0 : i32
        %dma_start3A_342 = arith.constant 0 : i32
        %dma_start3A_343 = tpu.memref_slice %arg5[%dma_start3A_341, %dma_start3A_342] : memref<10240x128xf32, #tpu.memory_space<vmem_shared>> -> memref<10240x128xf32, #tpu.memory_space<vmem_shared>>
        tpu.enqueue_indirect_dma source(%arg15 : memref<128x128xf32, #tpu.memory_space<vmem>>) target(%dma_start3A_343 : memref<10240x128xf32, #tpu.memory_space<vmem_shared>>) offsets(%dma_start3A_340 : memref<128xi32, #tpu.memory_space<vmem>>) semaphore(%arg27 : memref<!tpu.dma_semaphore, #tpu.memory_space<semaphore_mem>>) {add = true}
        %add3A_344 = arith.constant 6 : i32
        %add3A_345 = arith.addi %add3A_322, %add3A_344 : i32
        %lt3A_346 = arith.constant 160 : i32
        %lt3A_347 = arith.cmpi slt, %add3A_345, %lt3A_346 : i32
        %convert_element_type3A_348 = arith.extui %lt3A_347 : i1 to i32
        %cond3A_349 = arith.constant 0 : i32
        %cond3A_350 = arith.cmpi ne, %convert_element_type3A_348, %cond3A_349 : i32
        scf.if %cond3A_350 {
          %add3A_351 = arith.addi %mul3A_2, %add3A_322 : i32
          %add3A_352 = arith.constant 6 : i32
          %add3A_353 = arith.addi %add3A_351, %add3A_352 : i32
          %dma_start3A_354 = arith.constant 0 : i32
          %dma_start3A_355 = arith.constant 0 : i32
          %dma_start3A_356 = tpu.memref_slice %arg3[%add3A_353, %dma_start3A_354, %dma_start3A_355] : memref<2560x2x128xi32, #tpu.memory_space<hbm>> -> memref<1x2x128xi32, #tpu.memory_space<hbm>>
          %dma_start3A_357 = tpu.memref_squeeze %dma_start3A_356 : memref<1x2x128xi32, #tpu.memory_space<hbm>> -> memref<2x128xi32, #tpu.memory_space<hbm>>
          %dma_start3A_358 = arith.constant 0 : i32
          %dma_start3A_359 = arith.constant 0 : i32
          %dma_start3A_360 = tpu.memref_slice %arg3[%add3A_353, %dma_start3A_358, %dma_start3A_359] : memref<2560x2x128xi32, #tpu.memory_space<hbm>> -> memref<1x2x128xi32, #tpu.memory_space<hbm>>
          %dma_start3A_361 = tpu.memref_squeeze %dma_start3A_360 : memref<1x2x128xi32, #tpu.memory_space<hbm>> -> memref<2x128xi32, #tpu.memory_space<hbm>>
          tpu.enqueue_dma source(%dma_start3A_361 : memref<2x128xi32, #tpu.memory_space<hbm>>) target(%arg11 : memref<2x128xi32, #tpu.memory_space<vmem>>) target_semaphore(%arg21 : memref<!tpu.dma_semaphore, #tpu.memory_space<semaphore_mem>>)
        } else {
        }
      }
      %scan3A_80 = arith.constant 20 : i32
      %dma_wait3A = arith.constant 1 : i32
      %dma_wait3A_81 = arith.constant 0 : i32
      %dma_wait3A_82 = tpu.memref_slice %arg6[%dma_wait3A, %dma_wait3A_81] : memref<2x128xi32, #tpu.memory_space<vmem>> -> memref<1x128xi32, #tpu.memory_space<vmem>>
      %dma_wait3A_83 = tpu.memref_squeeze %dma_wait3A_82 : memref<1x128xi32, #tpu.memory_space<vmem>> -> memref<128xi32, #tpu.memory_space<vmem>>
      %dma_wait3A_84 = arith.constant 0 : i32
      %dma_wait3A_85 = arith.constant 0 : i32
      %dma_wait3A_86 = tpu.memref_slice %arg5[%dma_wait3A_84, %dma_wait3A_85] : memref<10240x128xf32, #tpu.memory_space<vmem_shared>> -> memref<10240x128xf32, #tpu.memory_space<vmem_shared>>
      tpu.wait_indirect_dma semaphore(%arg26 : memref<!tpu.dma_semaphore, #tpu.memory_space<semaphore_mem>>) src(%arg14 : memref<128x128xf32, #tpu.memory_space<vmem>>) dst(%dma_wait3A_86 : memref<10240x128xf32, #tpu.memory_space<vmem_shared>>)
      %dma_wait3A_87 = arith.constant 1 : i32
      %dma_wait3A_88 = arith.constant 0 : i32
      %dma_wait3A_89 = tpu.memref_slice %arg7[%dma_wait3A_87, %dma_wait3A_88] : memref<2x128xi32, #tpu.memory_space<vmem>> -> memref<1x128xi32, #tpu.memory_space<vmem>>
      %dma_wait3A_90 = tpu.memref_squeeze %dma_wait3A_89 : memref<1x128xi32, #tpu.memory_space<vmem>> -> memref<128xi32, #tpu.memory_space<vmem>>
      %dma_wait3A_91 = arith.constant 0 : i32
      %dma_wait3A_92 = arith.constant 0 : i32
      %dma_wait3A_93 = tpu.memref_slice %arg5[%dma_wait3A_91, %dma_wait3A_92] : memref<10240x128xf32, #tpu.memory_space<vmem_shared>> -> memref<10240x128xf32, #tpu.memory_space<vmem_shared>>
      tpu.wait_indirect_dma semaphore(%arg27 : memref<!tpu.dma_semaphore, #tpu.memory_space<semaphore_mem>>) src(%arg15 : memref<128x128xf32, #tpu.memory_space<vmem>>) dst(%dma_wait3A_93 : memref<10240x128xf32, #tpu.memory_space<vmem_shared>>)
      %barrier3A_94 = arith.constant 0 : index
      tpu.barrier barrier_id(%barrier3A_94)
      "tpu.region"() ({
        %run_scoped3A = tpu.sem_alloc : memref<!tpu.dma_semaphore, #tpu.memory_space<semaphore_mem>>
        %dma_start3A_95 = arith.constant 0 : i32
        %dma_start3A_96 = tpu.memref_slice %arg4[%mul3A_9, %dma_start3A_95] : memref<10240x128xf32, #tpu.memory_space<hbm>> -> memref<640x128xf32, #tpu.memory_space<hbm>>
        %dma_start3A_97 = arith.constant 0 : i32
        %dma_start3A_98 = tpu.memref_slice %arg5[%mul3A_9, %dma_start3A_97] : memref<10240x128xf32, #tpu.memory_space<vmem_shared>> -> memref<640x128xf32, #tpu.memory_space<vmem_shared>>
        tpu.enqueue_dma source(%dma_start3A_98 : memref<640x128xf32, #tpu.memory_space<vmem_shared>>) target(%dma_start3A_96 : memref<640x128xf32, #tpu.memory_space<hbm>>) target_semaphore(%run_scoped3A : memref<!tpu.dma_semaphore, #tpu.memory_space<semaphore_mem>>)
        %dma_wait3A_99 = arith.constant 0 : i32
        %dma_wait3A_100 = tpu.memref_slice %arg4[%mul3A_9, %dma_wait3A_99] : memref<10240x128xf32, #tpu.memory_space<hbm>> -> memref<640x128xf32, #tpu.memory_space<hbm>>
        %dma_wait3A_101 = arith.constant 0 : i32
        %dma_wait3A_102 = tpu.memref_slice %arg5[%mul3A_9, %dma_wait3A_101] : memref<10240x128xf32, #tpu.memory_space<vmem_shared>> -> memref<640x128xf32, #tpu.memory_space<vmem_shared>>
        tpu.wait_dma2 semaphore(%run_scoped3A : memref<!tpu.dma_semaphore, #tpu.memory_space<semaphore_mem>>) src(%dma_wait3A_102 : memref<640x128xf32, #tpu.memory_space<vmem_shared>>) dst(%dma_wait3A_100 : memref<640x128xf32, #tpu.memory_space<hbm>>)
        tpu.yield
      }) : () -> ()
    } else {
    }
    return
  }
}

#map = affine_map<(d0, d1) -> (0, 0)>
#map1 = affine_map<(d0, d1) -> (0, 0, 0)>
module attributes {stable_mosaic.version = 14 : i64} {
  func.func @_agg_kernel(%arg0: i32, %arg1: i32, %arg2: memref<10240x128xf32, #tpu.memory_space<hbm>>, %arg3: memref<2560x2x128xi32, #tpu.memory_space<hbm>>, %arg4: memref<10240x128xf32, #tpu.memory_space<hbm>>, %arg5: memref<10240x128xf32, #tpu.memory_space<vmem_shared>>, %arg6: memref<2x128xi32, #tpu.memory_space<vmem>>, %arg7: memref<2x128xi32, #tpu.memory_space<vmem>>, %arg8: memref<2x128xi32, #tpu.memory_space<vmem>>, %arg9: memref<2x128xi32, #tpu.memory_space<vmem>>, %arg10: memref<2x128xi32, #tpu.memory_space<vmem>>, %arg11: memref<2x128xi32, #tpu.memory_space<vmem>>, %arg12: memref<2x128xi32, #tpu.memory_space<vmem>>, %arg13: memref<2x128xi32, #tpu.memory_space<vmem>>, %arg14: memref<128x128xf32, #tpu.memory_space<vmem>>, %arg15: memref<128x128xf32, #tpu.memory_space<vmem>>, %arg16: memref<!tpu.dma_semaphore, #tpu.memory_space<semaphore_mem>>, %arg17: memref<!tpu.dma_semaphore, #tpu.memory_space<semaphore_mem>>, %arg18: memref<!tpu.dma_semaphore, #tpu.memory_space<semaphore_mem>>, %arg19: memref<!tpu.dma_semaphore, #tpu.memory_space<semaphore_mem>>, %arg20: memref<!tpu.dma_semaphore, #tpu.memory_space<semaphore_mem>>, %arg21: memref<!tpu.dma_semaphore, #tpu.memory_space<semaphore_mem>>, %arg22: memref<!tpu.dma_semaphore, #tpu.memory_space<semaphore_mem>>, %arg23: memref<!tpu.dma_semaphore, #tpu.memory_space<semaphore_mem>>, %arg24: memref<!tpu.dma_semaphore, #tpu.memory_space<semaphore_mem>>, %arg25: memref<!tpu.dma_semaphore, #tpu.memory_space<semaphore_mem>>, %arg26: memref<!tpu.dma_semaphore, #tpu.memory_space<semaphore_mem>>, %arg27: memref<!tpu.dma_semaphore, #tpu.memory_space<semaphore_mem>>) attributes {dimension_semantics = [#tpu.dimension_semantics<core_parallel>, #tpu.dimension_semantics<subcore_parallel>], iteration_bounds = array<i64: 2, 16>, scalar_prefetch = 0 : i64, scratch_operands = 23 : i64, tpu.core_type = #tpu.core_type<sc_vector_subcore>, window_params = [{transform_indices = #map}, {transform_indices = #map1}, {transform_indices = #map}]} {
    %eq3A = arith.constant 0 : i32
    %eq3A_0 = arith.cmpi eq, %arg0, %eq3A : i32
    %convert_element_type3A = arith.extui %eq3A_0 : i1 to i32
    %cond3A = arith.constant 0 : i32
    %cond3A_1 = arith.cmpi ne, %convert_element_type3A, %cond3A : i32
    scf.if %cond3A_1 {
      %mul3A = arith.constant 160 : i32
      %mul3A_2 = arith.muli %arg1, %mul3A : i32
      %scan3A = arith.constant 0 : i32
      %scan3A_3 = arith.constant 0 : i32
      %scan3A_4 = arith.constant 1024 : i32
      %scan3A_5 = arith.addi %scan3A_3, %scan3A_4 : i32
      %scan3A_6 = arith.constant 1 : i32
      scf.for %scan3A_95 = %scan3A_3 to %scan3A_5 step %scan3A_6  : i32 {
        %broadcast_in_dim3A = arith.constant 0.000000e+00 : f32
        %broadcast_in_dim3A_96 = vector.broadcast %broadcast_in_dim3A : f32 to vector<16xf32>
        %jit3A = arith.constant 8 : i32
        %div3A = arith.divsi %scan3A_95, %jit3A : i32
        %sign3A = arith.constant 0 : i32
        %sign3A_97 = arith.cmpi sgt, %scan3A_95, %sign3A : i32
        %sign3A_98 = arith.extui %sign3A_97 : i1 to i32
        %sign3A_99 = arith.constant 0 : i32
        %sign3A_100 = arith.cmpi slt, %scan3A_95, %sign3A_99 : i32
        %sign3A_101 = arith.extui %sign3A_100 : i1 to i32
        %sign3A_102 = arith.subi %sign3A_98, %sign3A_101 : i32
        %sign3A_103 = arith.constant 0 : i32
        %sign3A_104 = arith.cmpi sgt, %jit3A, %sign3A_103 : i32
        %sign3A_105 = arith.extui %sign3A_104 : i1 to i32
        %sign3A_106 = arith.constant 0 : i32
        %sign3A_107 = arith.cmpi slt, %jit3A, %sign3A_106 : i32
        %sign3A_108 = arith.extui %sign3A_107 : i1 to i32
        %sign3A_109 = arith.subi %sign3A_105, %sign3A_108 : i32
        %ne3A = arith.cmpi ne, %sign3A_102, %sign3A_109 : i32
        %rem3A = arith.remsi %scan3A_95, %jit3A : i32
        %ne3A_110 = arith.constant 0 : i32
        %ne3A_111 = arith.cmpi ne, %rem3A, %ne3A_110 : i32
        %and3A = arith.andi %ne3A, %ne3A_111 : i1
        %sub3A = arith.constant 1 : i32
        %sub3A_112 = arith.subi %div3A, %sub3A : i32
        %select_n3A = arith.select %and3A, %sub3A_112, %div3A : i32
        %jit3A_113 = arith.constant 8 : i32
        %eq3A_114 = arith.constant 0 : i32
        %eq3A_115 = arith.cmpi eq, %jit3A_113, %eq3A_114 : i32
        %jit3A_116 = arith.constant 1 : i32
        %select_n3A_117 = arith.select %eq3A_115, %jit3A_116, %jit3A_113 : i32
        %rem3A_118 = arith.remsi %scan3A_95, %select_n3A_117 : i32
        %ne3A_119 = arith.constant 0 : i32
        %ne3A_120 = arith.cmpi ne, %rem3A_118, %ne3A_119 : i32
        %lt3A = arith.constant 0 : i32
        %lt3A_121 = arith.cmpi slt, %rem3A_118, %lt3A : i32
        %lt3A_122 = arith.constant 0 : i32
        %lt3A_123 = arith.cmpi slt, %select_n3A_117, %lt3A_122 : i32
        %ne3A_124 = arith.xori %lt3A_121, %lt3A_123 : i1
        %and3A_125 = arith.andi %ne3A_124, %ne3A_120 : i1
        %add3A_126 = arith.addi %rem3A_118, %select_n3A_117 : i32
        %select_n3A_127 = arith.select %and3A_125, %add3A_126, %rem3A_118 : i32
        %mul3A_128 = arith.constant 16 : i32
        %mul3A_129 = arith.muli %select_n3A_127, %mul3A_128 : i32
        %swap3A = arith.index_cast %select_n3A : i32 to index
        %swap3A_130 = arith.index_cast %mul3A_129 : i32 to index
        %swap3A_131 = tpu.vector_load %arg14[%swap3A, %swap3A_130] {strides = array<i32>} : memref<128x128xf32, #tpu.memory_space<vmem>>, vector<1x16xf32>,
        %swap3A_132 = vector.shape_cast %swap3A_131 : vector<1x16xf32> to vector<16xf32>
        %swap3A_133 = vector.shape_cast %broadcast_in_dim3A_96 : vector<16xf32> to vector<1x16xf32>
        tpu.vector_store %arg14[%swap3A, %swap3A_130], %swap3A_133 {strides = array<i32>} : memref<128x128xf32, #tpu.memory_space<vmem>>, vector<1x16xf32>,
      }
      %scan3A_7 = arith.constant 1024 : i32
      %mul3A_8 = arith.constant 640 : i32
      %mul3A_9 = arith.muli %arg1, %mul3A_8 : i32
      %add3A = arith.constant 0 : i32
      %add3A_10 = arith.addi %mul3A_9, %add3A : i32
      "tpu.region"() ({
        %run_scoped3A = tpu.sem_alloc : memref<!tpu.dma_semaphore, #tpu.memory_space<semaphore_mem>>
        %dma_start3A_95 = arith.constant 0 : i32
        %dma_start3A_96 = tpu.memref_slice %arg5[%add3A_10, %dma_start3A_95] : memref<10240x128xf32, #tpu.memory_space<vmem_shared>> -> memref<128x128xf32, #tpu.memory_space<vmem_shared>>
        %dma_start3A_97 = arith.constant 0 : i32
        %dma_start3A_98 = tpu.memref_slice %arg5[%add3A_10, %dma_start3A_97] : memref<10240x128xf32, #tpu.memory_space<vmem_shared>> -> memref<128x128xf32, #tpu.memory_space<vmem_shared>>
        tpu.enqueue_dma source(%arg14 : memref<128x128xf32, #tpu.memory_space<vmem>>) target(%dma_start3A_98 : memref<128x128xf32, #tpu.memory_space<vmem_shared>>) target_semaphore(%run_scoped3A : memref<!tpu.dma_semaphore, #tpu.memory_space<semaphore_mem>>)
        %dma_wait3A_99 = arith.constant 0 : i32
        %dma_wait3A_100 = tpu.memref_slice %arg5[%add3A_10, %dma_wait3A_99] : memref<10240x128xf32, #tpu.memory_space<vmem_shared>> -> memref<128x128xf32, #tpu.memory_space<vmem_shared>>
        %dma_wait3A_101 = arith.constant 0 : i32
        %dma_wait3A_102 = tpu.memref_slice %arg5[%add3A_10, %dma_wait3A_101] : memref<10240x128xf32, #tpu.memory_space<vmem_shared>> -> memref<128x128xf32, #tpu.memory_space<vmem_shared>>
        tpu.wait_dma2 semaphore(%run_scoped3A : memref<!tpu.dma_semaphore, #tpu.memory_space<semaphore_mem>>) src(%arg14 : memref<128x128xf32, #tpu.memory_space<vmem>>) dst(%dma_wait3A_102 : memref<128x128xf32, #tpu.memory_space<vmem_shared>>)
        tpu.yield
      }) : () -> ()
      %add3A_11 = arith.constant 128 : i32
      %add3A_12 = arith.addi %mul3A_9, %add3A_11 : i32
      "tpu.region"() ({
        %run_scoped3A = tpu.sem_alloc : memref<!tpu.dma_semaphore, #tpu.memory_space<semaphore_mem>>
        %dma_start3A_95 = arith.constant 0 : i32
        %dma_start3A_96 = tpu.memref_slice %arg5[%add3A_12, %dma_start3A_95] : memref<10240x128xf32, #tpu.memory_space<vmem_shared>> -> memref<128x128xf32, #tpu.memory_space<vmem_shared>>
        %dma_start3A_97 = arith.constant 0 : i32
        %dma_start3A_98 = tpu.memref_slice %arg5[%add3A_12, %dma_start3A_97] : memref<10240x128xf32, #tpu.memory_space<vmem_shared>> -> memref<128x128xf32, #tpu.memory_space<vmem_shared>>
        tpu.enqueue_dma source(%arg14 : memref<128x128xf32, #tpu.memory_space<vmem>>) target(%dma_start3A_98 : memref<128x128xf32, #tpu.memory_space<vmem_shared>>) target_semaphore(%run_scoped3A : memref<!tpu.dma_semaphore, #tpu.memory_space<semaphore_mem>>)
        %dma_wait3A_99 = arith.constant 0 : i32
        %dma_wait3A_100 = tpu.memref_slice %arg5[%add3A_12, %dma_wait3A_99] : memref<10240x128xf32, #tpu.memory_space<vmem_shared>> -> memref<128x128xf32, #tpu.memory_space<vmem_shared>>
        %dma_wait3A_101 = arith.constant 0 : i32
        %dma_wait3A_102 = tpu.memref_slice %arg5[%add3A_12, %dma_wait3A_101] : memref<10240x128xf32, #tpu.memory_space<vmem_shared>> -> memref<128x128xf32, #tpu.memory_space<vmem_shared>>
        tpu.wait_dma2 semaphore(%run_scoped3A : memref<!tpu.dma_semaphore, #tpu.memory_space<semaphore_mem>>) src(%arg14 : memref<128x128xf32, #tpu.memory_space<vmem>>) dst(%dma_wait3A_102 : memref<128x128xf32, #tpu.memory_space<vmem_shared>>)
        tpu.yield
      }) : () -> ()
      %add3A_13 = arith.constant 256 : i32
      %add3A_14 = arith.addi %mul3A_9, %add3A_13 : i32
      "tpu.region"() ({
        %run_scoped3A = tpu.sem_alloc : memref<!tpu.dma_semaphore, #tpu.memory_space<semaphore_mem>>
        %dma_start3A_95 = arith.constant 0 : i32
        %dma_start3A_96 = tpu.memref_slice %arg5[%add3A_14, %dma_start3A_95] : memref<10240x128xf32, #tpu.memory_space<vmem_shared>> -> memref<128x128xf32, #tpu.memory_space<vmem_shared>>
        %dma_start3A_97 = arith.constant 0 : i32
        %dma_start3A_98 = tpu.memref_slice %arg5[%add3A_14, %dma_start3A_97] : memref<10240x128xf32, #tpu.memory_space<vmem_shared>> -> memref<128x128xf32, #tpu.memory_space<vmem_shared>>
        tpu.enqueue_dma source(%arg14 : memref<128x128xf32, #tpu.memory_space<vmem>>) target(%dma_start3A_98 : memref<128x128xf32, #tpu.memory_space<vmem_shared>>) target_semaphore(%run_scoped3A : memref<!tpu.dma_semaphore, #tpu.memory_space<semaphore_mem>>)
        %dma_wait3A_99 = arith.constant 0 : i32
        %dma_wait3A_100 = tpu.memref_slice %arg5[%add3A_14, %dma_wait3A_99] : memref<10240x128xf32, #tpu.memory_space<vmem_shared>> -> memref<128x128xf32, #tpu.memory_space<vmem_shared>>
        %dma_wait3A_101 = arith.constant 0 : i32
        %dma_wait3A_102 = tpu.memref_slice %arg5[%add3A_14, %dma_wait3A_101] : memref<10240x128xf32, #tpu.memory_space<vmem_shared>> -> memref<128x128xf32, #tpu.memory_space<vmem_shared>>
        tpu.wait_dma2 semaphore(%run_scoped3A : memref<!tpu.dma_semaphore, #tpu.memory_space<semaphore_mem>>) src(%arg14 : memref<128x128xf32, #tpu.memory_space<vmem>>) dst(%dma_wait3A_102 : memref<128x128xf32, #tpu.memory_space<vmem_shared>>)
        tpu.yield
      }) : () -> ()
      %add3A_15 = arith.constant 384 : i32
      %add3A_16 = arith.addi %mul3A_9, %add3A_15 : i32
      "tpu.region"() ({
        %run_scoped3A = tpu.sem_alloc : memref<!tpu.dma_semaphore, #tpu.memory_space<semaphore_mem>>
        %dma_start3A_95 = arith.constant 0 : i32
        %dma_start3A_96 = tpu.memref_slice %arg5[%add3A_16, %dma_start3A_95] : memref<10240x128xf32, #tpu.memory_space<vmem_shared>> -> memref<128x128xf32, #tpu.memory_space<vmem_shared>>
        %dma_start3A_97 = arith.constant 0 : i32
        %dma_start3A_98 = tpu.memref_slice %arg5[%add3A_16, %dma_start3A_97] : memref<10240x128xf32, #tpu.memory_space<vmem_shared>> -> memref<128x128xf32, #tpu.memory_space<vmem_shared>>
        tpu.enqueue_dma source(%arg14 : memref<128x128xf32, #tpu.memory_space<vmem>>) target(%dma_start3A_98 : memref<128x128xf32, #tpu.memory_space<vmem_shared>>) target_semaphore(%run_scoped3A : memref<!tpu.dma_semaphore, #tpu.memory_space<semaphore_mem>>)
        %dma_wait3A_99 = arith.constant 0 : i32
        %dma_wait3A_100 = tpu.memref_slice %arg5[%add3A_16, %dma_wait3A_99] : memref<10240x128xf32, #tpu.memory_space<vmem_shared>> -> memref<128x128xf32, #tpu.memory_space<vmem_shared>>
        %dma_wait3A_101 = arith.constant 0 : i32
        %dma_wait3A_102 = tpu.memref_slice %arg5[%add3A_16, %dma_wait3A_101] : memref<10240x128xf32, #tpu.memory_space<vmem_shared>> -> memref<128x128xf32, #tpu.memory_space<vmem_shared>>
        tpu.wait_dma2 semaphore(%run_scoped3A : memref<!tpu.dma_semaphore, #tpu.memory_space<semaphore_mem>>) src(%arg14 : memref<128x128xf32, #tpu.memory_space<vmem>>) dst(%dma_wait3A_102 : memref<128x128xf32, #tpu.memory_space<vmem_shared>>)
        tpu.yield
      }) : () -> ()
      %add3A_17 = arith.constant 512 : i32
      %add3A_18 = arith.addi %mul3A_9, %add3A_17 : i32
      "tpu.region"() ({
        %run_scoped3A = tpu.sem_alloc : memref<!tpu.dma_semaphore, #tpu.memory_space<semaphore_mem>>
        %dma_start3A_95 = arith.constant 0 : i32
        %dma_start3A_96 = tpu.memref_slice %arg5[%add3A_18, %dma_start3A_95] : memref<10240x128xf32, #tpu.memory_space<vmem_shared>> -> memref<128x128xf32, #tpu.memory_space<vmem_shared>>
        %dma_start3A_97 = arith.constant 0 : i32
        %dma_start3A_98 = tpu.memref_slice %arg5[%add3A_18, %dma_start3A_97] : memref<10240x128xf32, #tpu.memory_space<vmem_shared>> -> memref<128x128xf32, #tpu.memory_space<vmem_shared>>
        tpu.enqueue_dma source(%arg14 : memref<128x128xf32, #tpu.memory_space<vmem>>) target(%dma_start3A_98 : memref<128x128xf32, #tpu.memory_space<vmem_shared>>) target_semaphore(%run_scoped3A : memref<!tpu.dma_semaphore, #tpu.memory_space<semaphore_mem>>)
        %dma_wait3A_99 = arith.constant 0 : i32
        %dma_wait3A_100 = tpu.memref_slice %arg5[%add3A_18, %dma_wait3A_99] : memref<10240x128xf32, #tpu.memory_space<vmem_shared>> -> memref<128x128xf32, #tpu.memory_space<vmem_shared>>
        %dma_wait3A_101 = arith.constant 0 : i32
        %dma_wait3A_102 = tpu.memref_slice %arg5[%add3A_18, %dma_wait3A_101] : memref<10240x128xf32, #tpu.memory_space<vmem_shared>> -> memref<128x128xf32, #tpu.memory_space<vmem_shared>>
        tpu.wait_dma2 semaphore(%run_scoped3A : memref<!tpu.dma_semaphore, #tpu.memory_space<semaphore_mem>>) src(%arg14 : memref<128x128xf32, #tpu.memory_space<vmem>>) dst(%dma_wait3A_102 : memref<128x128xf32, #tpu.memory_space<vmem_shared>>)
        tpu.yield
      }) : () -> ()
      %barrier3A = arith.constant 0 : index
      tpu.barrier barrier_id(%barrier3A)
      "tpu.region"() ({
        %run_scoped3A = tpu.sem_alloc : memref<!tpu.dma_semaphore, #tpu.memory_space<semaphore_mem>>
        %dma_start3A_95 = arith.constant 0 : i32
        %dma_start3A_96 = arith.constant 0 : i32
        %dma_start3A_97 = tpu.memref_slice %arg3[%mul3A_2, %dma_start3A_95, %dma_start3A_96] : memref<2560x2x128xi32, #tpu.memory_space<hbm>> -> memref<1x2x128xi32, #tpu.memory_space<hbm>>
        %dma_start3A_98 = tpu.memref_squeeze %dma_start3A_97 : memref<1x2x128xi32, #tpu.memory_space<hbm>> -> memref<2x128xi32, #tpu.memory_space<hbm>>
        %dma_start3A_99 = arith.constant 0 : i32
        %dma_start3A_100 = arith.constant 0 : i32
        %dma_start3A_101 = tpu.memref_slice %arg3[%mul3A_2, %dma_start3A_99, %dma_start3A_100] : memref<2560x2x128xi32, #tpu.memory_space<hbm>> -> memref<1x2x128xi32, #tpu.memory_space<hbm>>
        %dma_start3A_102 = tpu.memref_squeeze %dma_start3A_101 : memref<1x2x128xi32, #tpu.memory_space<hbm>> -> memref<2x128xi32, #tpu.memory_space<hbm>>
        tpu.enqueue_dma source(%dma_start3A_102 : memref<2x128xi32, #tpu.memory_space<hbm>>) target(%arg6 : memref<2x128xi32, #tpu.memory_space<vmem>>) target_semaphore(%run_scoped3A : memref<!tpu.dma_semaphore, #tpu.memory_space<semaphore_mem>>)
        %dma_wait3A_103 = arith.constant 0 : i32
        %dma_wait3A_104 = arith.constant 0 : i32
        %dma_wait3A_105 = tpu.memref_slice %arg3[%mul3A_2, %dma_wait3A_103, %dma_wait3A_104] : memref<2560x2x128xi32, #tpu.memory_space<hbm>> -> memref<1x2x128xi32, #tpu.memory_space<hbm>>
        %dma_wait3A_106 = tpu.memref_squeeze %dma_wait3A_105 : memref<1x2x128xi32, #tpu.memory_space<hbm>> -> memref<2x128xi32, #tpu.memory_space<hbm>>
        %dma_wait3A_107 = arith.constant 0 : i32
        %dma_wait3A_108 = arith.constant 0 : i32
        %dma_wait3A_109 = tpu.memref_slice %arg3[%mul3A_2, %dma_wait3A_107, %dma_wait3A_108] : memref<2560x2x128xi32, #tpu.memory_space<hbm>> -> memref<1x2x128xi32, #tpu.memory_space<hbm>>
        %dma_wait3A_110 = tpu.memref_squeeze %dma_wait3A_109 : memref<1x2x128xi32, #tpu.memory_space<hbm>> -> memref<2x128xi32, #tpu.memory_space<hbm>>
        tpu.wait_dma2 semaphore(%run_scoped3A : memref<!tpu.dma_semaphore, #tpu.memory_space<semaphore_mem>>) src(%dma_wait3A_110 : memref<2x128xi32, #tpu.memory_space<hbm>>) dst(%arg6 : memref<2x128xi32, #tpu.memory_space<vmem>>)
        tpu.yield
      }) : () -> ()
      %add3A_19 = arith.constant 1 : i32
      %add3A_20 = arith.addi %mul3A_2, %add3A_19 : i32
      %dma_start3A = arith.constant 0 : i32
      %dma_start3A_21 = arith.constant 0 : i32
      %dma_start3A_22 = tpu.memref_slice %arg3[%add3A_20, %dma_start3A, %dma_start3A_21] : memref<2560x2x128xi32, #tpu.memory_space<hbm>> -> memref<1x2x128xi32, #tpu.memory_space<hbm>>
      %dma_start3A_23 = tpu.memref_squeeze %dma_start3A_22 : memref<1x2x128xi32, #tpu.memory_space<hbm>> -> memref<2x128xi32, #tpu.memory_space<hbm>>
      %dma_start3A_24 = arith.constant 0 : i32
      %dma_start3A_25 = arith.constant 0 : i32
      %dma_start3A_26 = tpu.memref_slice %arg3[%add3A_20, %dma_start3A_24, %dma_start3A_25] : memref<2560x2x128xi32, #tpu.memory_space<hbm>> -> memref<1x2x128xi32, #tpu.memory_space<hbm>>
      %dma_start3A_27 = tpu.memref_squeeze %dma_start3A_26 : memref<1x2x128xi32, #tpu.memory_space<hbm>> -> memref<2x128xi32, #tpu.memory_space<hbm>>
      tpu.enqueue_dma source(%dma_start3A_27 : memref<2x128xi32, #tpu.memory_space<hbm>>) target(%arg7 : memref<2x128xi32, #tpu.memory_space<vmem>>) target_semaphore(%arg17 : memref<!tpu.dma_semaphore, #tpu.memory_space<semaphore_mem>>)
      %add3A_28 = arith.constant 2 : i32
      %add3A_29 = arith.addi %mul3A_2, %add3A_28 : i32
      %dma_start3A_30 = arith.constant 0 : i32
      %dma_start3A_31 = arith.constant 0 : i32
      %dma_start3A_32 = tpu.memref_slice %arg3[%add3A_29, %dma_start3A_30, %dma_start3A_31] : memref<2560x2x128xi32, #tpu.memory_space<hbm>> -> memref<1x2x128xi32, #tpu.memory_space<hbm>>
      %dma_start3A_33 = tpu.memref_squeeze %dma_start3A_32 : memref<1x2x128xi32, #tpu.memory_space<hbm>> -> memref<2x128xi32, #tpu.memory_space<hbm>>
      %dma_start3A_34 = arith.constant 0 : i32
      %dma_start3A_35 = arith.constant 0 : i32
      %dma_start3A_36 = tpu.memref_slice %arg3[%add3A_29, %dma_start3A_34, %dma_start3A_35] : memref<2560x2x128xi32, #tpu.memory_space<hbm>> -> memref<1x2x128xi32, #tpu.memory_space<hbm>>
      %dma_start3A_37 = tpu.memref_squeeze %dma_start3A_36 : memref<1x2x128xi32, #tpu.memory_space<hbm>> -> memref<2x128xi32, #tpu.memory_space<hbm>>
      tpu.enqueue_dma source(%dma_start3A_37 : memref<2x128xi32, #tpu.memory_space<hbm>>) target(%arg8 : memref<2x128xi32, #tpu.memory_space<vmem>>) target_semaphore(%arg18 : memref<!tpu.dma_semaphore, #tpu.memory_space<semaphore_mem>>)
      %add3A_38 = arith.constant 3 : i32
      %add3A_39 = arith.addi %mul3A_2, %add3A_38 : i32
      %dma_start3A_40 = arith.constant 0 : i32
      %dma_start3A_41 = arith.constant 0 : i32
      %dma_start3A_42 = tpu.memref_slice %arg3[%add3A_39, %dma_start3A_40, %dma_start3A_41] : memref<2560x2x128xi32, #tpu.memory_space<hbm>> -> memref<1x2x128xi32, #tpu.memory_space<hbm>>
      %dma_start3A_43 = tpu.memref_squeeze %dma_start3A_42 : memref<1x2x128xi32, #tpu.memory_space<hbm>> -> memref<2x128xi32, #tpu.memory_space<hbm>>
      %dma_start3A_44 = arith.constant 0 : i32
      %dma_start3A_45 = arith.constant 0 : i32
      %dma_start3A_46 = tpu.memref_slice %arg3[%add3A_39, %dma_start3A_44, %dma_start3A_45] : memref<2560x2x128xi32, #tpu.memory_space<hbm>> -> memref<1x2x128xi32, #tpu.memory_space<hbm>>
      %dma_start3A_47 = tpu.memref_squeeze %dma_start3A_46 : memref<1x2x128xi32, #tpu.memory_space<hbm>> -> memref<2x128xi32, #tpu.memory_space<hbm>>
      tpu.enqueue_dma source(%dma_start3A_47 : memref<2x128xi32, #tpu.memory_space<hbm>>) target(%arg9 : memref<2x128xi32, #tpu.memory_space<vmem>>) target_semaphore(%arg19 : memref<!tpu.dma_semaphore, #tpu.memory_space<semaphore_mem>>)
      %add3A_48 = arith.constant 4 : i32
      %add3A_49 = arith.addi %mul3A_2, %add3A_48 : i32
      %dma_start3A_50 = arith.constant 0 : i32
      %dma_start3A_51 = arith.constant 0 : i32
      %dma_start3A_52 = tpu.memref_slice %arg3[%add3A_49, %dma_start3A_50, %dma_start3A_51] : memref<2560x2x128xi32, #tpu.memory_space<hbm>> -> memref<1x2x128xi32, #tpu.memory_space<hbm>>
      %dma_start3A_53 = tpu.memref_squeeze %dma_start3A_52 : memref<1x2x128xi32, #tpu.memory_space<hbm>> -> memref<2x128xi32, #tpu.memory_space<hbm>>
      %dma_start3A_54 = arith.constant 0 : i32
      %dma_start3A_55 = arith.constant 0 : i32
      %dma_start3A_56 = tpu.memref_slice %arg3[%add3A_49, %dma_start3A_54, %dma_start3A_55] : memref<2560x2x128xi32, #tpu.memory_space<hbm>> -> memref<1x2x128xi32, #tpu.memory_space<hbm>>
      %dma_start3A_57 = tpu.memref_squeeze %dma_start3A_56 : memref<1x2x128xi32, #tpu.memory_space<hbm>> -> memref<2x128xi32, #tpu.memory_space<hbm>>
      tpu.enqueue_dma source(%dma_start3A_57 : memref<2x128xi32, #tpu.memory_space<hbm>>) target(%arg10 : memref<2x128xi32, #tpu.memory_space<vmem>>) target_semaphore(%arg20 : memref<!tpu.dma_semaphore, #tpu.memory_space<semaphore_mem>>)
      %add3A_58 = arith.constant 5 : i32
      %add3A_59 = arith.addi %mul3A_2, %add3A_58 : i32
      %dma_start3A_60 = arith.constant 0 : i32
      %dma_start3A_61 = arith.constant 0 : i32
      %dma_start3A_62 = tpu.memref_slice %arg3[%add3A_59, %dma_start3A_60, %dma_start3A_61] : memref<2560x2x128xi32, #tpu.memory_space<hbm>> -> memref<1x2x128xi32, #tpu.memory_space<hbm>>
      %dma_start3A_63 = tpu.memref_squeeze %dma_start3A_62 : memref<1x2x128xi32, #tpu.memory_space<hbm>> -> memref<2x128xi32, #tpu.memory_space<hbm>>
      %dma_start3A_64 = arith.constant 0 : i32
      %dma_start3A_65 = arith.constant 0 : i32
      %dma_start3A_66 = tpu.memref_slice %arg3[%add3A_59, %dma_start3A_64, %dma_start3A_65] : memref<2560x2x128xi32, #tpu.memory_space<hbm>> -> memref<1x2x128xi32, #tpu.memory_space<hbm>>
      %dma_start3A_67 = tpu.memref_squeeze %dma_start3A_66 : memref<1x2x128xi32, #tpu.memory_space<hbm>> -> memref<2x128xi32, #tpu.memory_space<hbm>>
      tpu.enqueue_dma source(%dma_start3A_67 : memref<2x128xi32, #tpu.memory_space<hbm>>) target(%arg11 : memref<2x128xi32, #tpu.memory_space<vmem>>) target_semaphore(%arg21 : memref<!tpu.dma_semaphore, #tpu.memory_space<semaphore_mem>>)
      %dma_start3A_68 = arith.constant 0 : i32
      %dma_start3A_69 = arith.constant 0 : i32
      %dma_start3A_70 = tpu.memref_slice %arg6[%dma_start3A_68, %dma_start3A_69] : memref<2x128xi32, #tpu.memory_space<vmem>> -> memref<1x128xi32, #tpu.memory_space<vmem>>
      %dma_start3A_71 = tpu.memref_squeeze %dma_start3A_70 : memref<1x128xi32, #tpu.memory_space<vmem>> -> memref<128xi32, #tpu.memory_space<vmem>>
      %dma_start3A_72 = arith.constant 0 : i32
      %dma_start3A_73 = arith.constant 0 : i32
      %dma_start3A_74 = tpu.memref_slice %arg2[%dma_start3A_72, %dma_start3A_73] : memref<10240x128xf32, #tpu.memory_space<hbm>> -> memref<10240x128xf32, #tpu.memory_space<hbm>>
      tpu.enqueue_indirect_dma source(%dma_start3A_74 : memref<10240x128xf32, #tpu.memory_space<hbm>>) target(%arg14 : memref<128x128xf32, #tpu.memory_space<vmem>>) offsets(%dma_start3A_71 : memref<128xi32, #tpu.memory_space<vmem>>) semaphore(%arg24 : memref<!tpu.dma_semaphore, #tpu.memory_space<semaphore_mem>>)
      %scan3A_75 = arith.constant 0 : i32
      %scan3A_76 = arith.constant 0 : i32
      %scan3A_77 = arith.constant 20 : i32
      %scan3A_78 = arith.addi %scan3A_76, %scan3A_77 : i32
      %scan3A_79 = arith.constant 1 : i32
      scf.for %scan3A_95 = %scan3A_76 to %scan3A_78 step %scan3A_79  : i32 {
        %mul3A_96 = arith.constant 8 : i32
        %mul3A_97 = arith.muli %scan3A_95, %mul3A_96 : i32
        %add3A_98 = arith.constant 0 : i32
        %add3A_99 = arith.addi %mul3A_97, %add3A_98 : i32
        %add3A_100 = arith.constant 1 : i32
        %add3A_101 = arith.addi %add3A_99, %add3A_100 : i32
        %lt3A = arith.constant 160 : i32
        %lt3A_102 = arith.cmpi slt, %add3A_101, %lt3A : i32
        %convert_element_type3A_103 = arith.extui %lt3A_102 : i1 to i32
        %cond3A_104 = arith.constant 0 : i32
        %cond3A_105 = arith.cmpi ne, %convert_element_type3A_103, %cond3A_104 : i32
        scf.if %cond3A_105 {
          %add3A_351 = arith.addi %mul3A_2, %add3A_99 : i32
          %add3A_352 = arith.constant 1 : i32
          %add3A_353 = arith.addi %add3A_351, %add3A_352 : i32
          %dma_wait3A_354 = arith.constant 0 : i32
          %dma_wait3A_355 = arith.constant 0 : i32
          %dma_wait3A_356 = tpu.memref_slice %arg3[%add3A_353, %dma_wait3A_354, %dma_wait3A_355] : memref<2560x2x128xi32, #tpu.memory_space<hbm>> -> memref<1x2x128xi32, #tpu.memory_space<hbm>>
          %dma_wait3A_357 = tpu.memref_squeeze %dma_wait3A_356 : memref<1x2x128xi32, #tpu.memory_space<hbm>> -> memref<2x128xi32, #tpu.memory_space<hbm>>
          %dma_wait3A_358 = arith.constant 0 : i32
          %dma_wait3A_359 = arith.constant 0 : i32
          %dma_wait3A_360 = tpu.memref_slice %arg3[%add3A_353, %dma_wait3A_358, %dma_wait3A_359] : memref<2560x2x128xi32, #tpu.memory_space<hbm>> -> memref<1x2x128xi32, #tpu.memory_space<hbm>>
          %dma_wait3A_361 = tpu.memref_squeeze %dma_wait3A_360 : memref<1x2x128xi32, #tpu.memory_space<hbm>> -> memref<2x128xi32, #tpu.memory_space<hbm>>
          tpu.wait_dma2 semaphore(%arg17 : memref<!tpu.dma_semaphore, #tpu.memory_space<semaphore_mem>>) src(%dma_wait3A_361 : memref<2x128xi32, #tpu.memory_space<hbm>>) dst(%arg7 : memref<2x128xi32, #tpu.memory_space<vmem>>)
          %ge3A = arith.constant 1 : i32
          %ge3A_362 = arith.cmpi sge, %add3A_99, %ge3A : i32
          %convert_element_type3A_363 = arith.extui %ge3A_362 : i1 to i32
          %cond3A_364 = arith.constant 0 : i32
          %cond3A_365 = arith.cmpi ne, %convert_element_type3A_363, %cond3A_364 : i32
          scf.if %cond3A_365 {
            %dma_wait3A_373 = arith.constant 1 : i32
            %dma_wait3A_374 = arith.constant 0 : i32
            %dma_wait3A_375 = tpu.memref_slice %arg7[%dma_wait3A_373, %dma_wait3A_374] : memref<2x128xi32, #tpu.memory_space<vmem>> -> memref<1x128xi32, #tpu.memory_space<vmem>>
            %dma_wait3A_376 = tpu.memref_squeeze %dma_wait3A_375 : memref<1x128xi32, #tpu.memory_space<vmem>> -> memref<128xi32, #tpu.memory_space<vmem>>
            %dma_wait3A_377 = arith.constant 0 : i32
            %dma_wait3A_378 = arith.constant 0 : i32
            %dma_wait3A_379 = tpu.memref_slice %arg5[%dma_wait3A_377, %dma_wait3A_378] : memref<10240x128xf32, #tpu.memory_space<vmem_shared>> -> memref<10240x128xf32, #tpu.memory_space<vmem_shared>>
            tpu.wait_indirect_dma semaphore(%arg27 : memref<!tpu.dma_semaphore, #tpu.memory_space<semaphore_mem>>) src(%arg15 : memref<128x128xf32, #tpu.memory_space<vmem>>) dst(%dma_wait3A_379 : memref<10240x128xf32, #tpu.memory_space<vmem_shared>>)
          } else {
          }
          %dma_start3A_366 = arith.constant 0 : i32
          %dma_start3A_367 = arith.constant 0 : i32
          %dma_start3A_368 = tpu.memref_slice %arg7[%dma_start3A_366, %dma_start3A_367] : memref<2x128xi32, #tpu.memory_space<vmem>> -> memref<1x128xi32, #tpu.memory_space<vmem>>
          %dma_start3A_369 = tpu.memref_squeeze %dma_start3A_368 : memref<1x128xi32, #tpu.memory_space<vmem>> -> memref<128xi32, #tpu.memory_space<vmem>>
          %dma_start3A_370 = arith.constant 0 : i32
          %dma_start3A_371 = arith.constant 0 : i32
          %dma_start3A_372 = tpu.memref_slice %arg2[%dma_start3A_370, %dma_start3A_371] : memref<10240x128xf32, #tpu.memory_space<hbm>> -> memref<10240x128xf32, #tpu.memory_space<hbm>>
          tpu.enqueue_indirect_dma source(%dma_start3A_372 : memref<10240x128xf32, #tpu.memory_space<hbm>>) target(%arg15 : memref<128x128xf32, #tpu.memory_space<vmem>>) offsets(%dma_start3A_369 : memref<128xi32, #tpu.memory_space<vmem>>) semaphore(%arg25 : memref<!tpu.dma_semaphore, #tpu.memory_space<semaphore_mem>>)
        } else {
        }
        %dma_wait3A_106 = arith.constant 0 : i32
        %dma_wait3A_107 = arith.constant 0 : i32
        %dma_wait3A_108 = tpu.memref_slice %arg6[%dma_wait3A_106, %dma_wait3A_107] : memref<2x128xi32, #tpu.memory_space<vmem>> -> memref<1x128xi32, #tpu.memory_space<vmem>>
        %dma_wait3A_109 = tpu.memref_squeeze %dma_wait3A_108 : memref<1x128xi32, #tpu.memory_space<vmem>> -> memref<128xi32, #tpu.memory_space<vmem>>
        %dma_wait3A_110 = arith.constant 0 : i32
        %dma_wait3A_111 = arith.constant 0 : i32
        %dma_wait3A_112 = tpu.memref_slice %arg2[%dma_wait3A_110, %dma_wait3A_111] : memref<10240x128xf32, #tpu.memory_space<hbm>> -> memref<10240x128xf32, #tpu.memory_space<hbm>>
        tpu.wait_indirect_dma semaphore(%arg24 : memref<!tpu.dma_semaphore, #tpu.memory_space<semaphore_mem>>) src(%dma_wait3A_112 : memref<10240x128xf32, #tpu.memory_space<hbm>>) dst(%arg14 : memref<128x128xf32, #tpu.memory_space<vmem>>)
        %dma_start3A_113 = arith.constant 1 : i32
        %dma_start3A_114 = arith.constant 0 : i32
        %dma_start3A_115 = tpu.memref_slice %arg6[%dma_start3A_113, %dma_start3A_114] : memref<2x128xi32, #tpu.memory_space<vmem>> -> memref<1x128xi32, #tpu.memory_space<vmem>>
        %dma_start3A_116 = tpu.memref_squeeze %dma_start3A_115 : memref<1x128xi32, #tpu.memory_space<vmem>> -> memref<128xi32, #tpu.memory_space<vmem>>
        %dma_start3A_117 = arith.constant 0 : i32
        %dma_start3A_118 = arith.constant 0 : i32
        %dma_start3A_119 = tpu.memref_slice %arg5[%dma_start3A_117, %dma_start3A_118] : memref<10240x128xf32, #tpu.memory_space<vmem_shared>> -> memref<10240x128xf32, #tpu.memory_space<vmem_shared>>
        tpu.enqueue_indirect_dma source(%arg14 : memref<128x128xf32, #tpu.memory_space<vmem>>) target(%dma_start3A_119 : memref<10240x128xf32, #tpu.memory_space<vmem_shared>>) offsets(%dma_start3A_116 : memref<128xi32, #tpu.memory_space<vmem>>) semaphore(%arg26 : memref<!tpu.dma_semaphore, #tpu.memory_space<semaphore_mem>>) {add = true}
        %add3A_120 = arith.constant 6 : i32
        %add3A_121 = arith.addi %add3A_99, %add3A_120 : i32
        %lt3A_122 = arith.constant 160 : i32
        %lt3A_123 = arith.cmpi slt, %add3A_121, %lt3A_122 : i32
        %convert_element_type3A_124 = arith.extui %lt3A_123 : i1 to i32
        %cond3A_125 = arith.constant 0 : i32
        %cond3A_126 = arith.cmpi ne, %convert_element_type3A_124, %cond3A_125 : i32
        scf.if %cond3A_126 {
          %add3A_351 = arith.addi %mul3A_2, %add3A_99 : i32
          %add3A_352 = arith.constant 6 : i32
          %add3A_353 = arith.addi %add3A_351, %add3A_352 : i32
          %dma_start3A_354 = arith.constant 0 : i32
          %dma_start3A_355 = arith.constant 0 : i32
          %dma_start3A_356 = tpu.memref_slice %arg3[%add3A_353, %dma_start3A_354, %dma_start3A_355] : memref<2560x2x128xi32, #tpu.memory_space<hbm>> -> memref<1x2x128xi32, #tpu.memory_space<hbm>>
          %dma_start3A_357 = tpu.memref_squeeze %dma_start3A_356 : memref<1x2x128xi32, #tpu.memory_space<hbm>> -> memref<2x128xi32, #tpu.memory_space<hbm>>
          %dma_start3A_358 = arith.constant 0 : i32
          %dma_start3A_359 = arith.constant 0 : i32
          %dma_start3A_360 = tpu.memref_slice %arg3[%add3A_353, %dma_start3A_358, %dma_start3A_359] : memref<2560x2x128xi32, #tpu.memory_space<hbm>> -> memref<1x2x128xi32, #tpu.memory_space<hbm>>
          %dma_start3A_361 = tpu.memref_squeeze %dma_start3A_360 : memref<1x2x128xi32, #tpu.memory_space<hbm>> -> memref<2x128xi32, #tpu.memory_space<hbm>>
          tpu.enqueue_dma source(%dma_start3A_361 : memref<2x128xi32, #tpu.memory_space<hbm>>) target(%arg12 : memref<2x128xi32, #tpu.memory_space<vmem>>) target_semaphore(%arg22 : memref<!tpu.dma_semaphore, #tpu.memory_space<semaphore_mem>>)
        } else {
        }
        %mul3A_127 = arith.constant 8 : i32
        %mul3A_128 = arith.muli %scan3A_95, %mul3A_127 : i32
        %add3A_129 = arith.constant 1 : i32
        %add3A_130 = arith.addi %mul3A_128, %add3A_129 : i32
        %add3A_131 = arith.constant 1 : i32
        %add3A_132 = arith.addi %add3A_130, %add3A_131 : i32
        %lt3A_133 = arith.constant 160 : i32
        %lt3A_134 = arith.cmpi slt, %add3A_132, %lt3A_133 : i32
        %convert_element_type3A_135 = arith.extui %lt3A_134 : i1 to i32
        %cond3A_136 = arith.constant 0 : i32
        %cond3A_137 = arith.cmpi ne, %convert_element_type3A_135, %cond3A_136 : i32
        scf.if %cond3A_137 {
          %add3A_351 = arith.addi %mul3A_2, %add3A_130 : i32
          %add3A_352 = arith.constant 1 : i32
          %add3A_353 = arith.addi %add3A_351, %add3A_352 : i32
          %dma_wait3A_354 = arith.constant 0 : i32
          %dma_wait3A_355 = arith.constant 0 : i32
          %dma_wait3A_356 = tpu.memref_slice %arg3[%add3A_353, %dma_wait3A_354, %dma_wait3A_355] : memref<2560x2x128xi32, #tpu.memory_space<hbm>> -> memref<1x2x128xi32, #tpu.memory_space<hbm>>
          %dma_wait3A_357 = tpu.memref_squeeze %dma_wait3A_356 : memref<1x2x128xi32, #tpu.memory_space<hbm>> -> memref<2x128xi32, #tpu.memory_space<hbm>>
          %dma_wait3A_358 = arith.constant 0 : i32
          %dma_wait3A_359 = arith.constant 0 : i32
          %dma_wait3A_360 = tpu.memref_slice %arg3[%add3A_353, %dma_wait3A_358, %dma_wait3A_359] : memref<2560x2x128xi32, #tpu.memory_space<hbm>> -> memref<1x2x128xi32, #tpu.memory_space<hbm>>
          %dma_wait3A_361 = tpu.memref_squeeze %dma_wait3A_360 : memref<1x2x128xi32, #tpu.memory_space<hbm>> -> memref<2x128xi32, #tpu.memory_space<hbm>>
          tpu.wait_dma2 semaphore(%arg18 : memref<!tpu.dma_semaphore, #tpu.memory_space<semaphore_mem>>) src(%dma_wait3A_361 : memref<2x128xi32, #tpu.memory_space<hbm>>) dst(%arg8 : memref<2x128xi32, #tpu.memory_space<vmem>>)
          %ge3A = arith.constant 1 : i32
          %ge3A_362 = arith.cmpi sge, %add3A_130, %ge3A : i32
          %convert_element_type3A_363 = arith.extui %ge3A_362 : i1 to i32
          %cond3A_364 = arith.constant 0 : i32
          %cond3A_365 = arith.cmpi ne, %convert_element_type3A_363, %cond3A_364 : i32
          scf.if %cond3A_365 {
            %dma_wait3A_373 = arith.constant 1 : i32
            %dma_wait3A_374 = arith.constant 0 : i32
            %dma_wait3A_375 = tpu.memref_slice %arg8[%dma_wait3A_373, %dma_wait3A_374] : memref<2x128xi32, #tpu.memory_space<vmem>> -> memref<1x128xi32, #tpu.memory_space<vmem>>
            %dma_wait3A_376 = tpu.memref_squeeze %dma_wait3A_375 : memref<1x128xi32, #tpu.memory_space<vmem>> -> memref<128xi32, #tpu.memory_space<vmem>>
            %dma_wait3A_377 = arith.constant 0 : i32
            %dma_wait3A_378 = arith.constant 0 : i32
            %dma_wait3A_379 = tpu.memref_slice %arg5[%dma_wait3A_377, %dma_wait3A_378] : memref<10240x128xf32, #tpu.memory_space<vmem_shared>> -> memref<10240x128xf32, #tpu.memory_space<vmem_shared>>
            tpu.wait_indirect_dma semaphore(%arg26 : memref<!tpu.dma_semaphore, #tpu.memory_space<semaphore_mem>>) src(%arg14 : memref<128x128xf32, #tpu.memory_space<vmem>>) dst(%dma_wait3A_379 : memref<10240x128xf32, #tpu.memory_space<vmem_shared>>)
          } else {
          }
          %dma_start3A_366 = arith.constant 0 : i32
          %dma_start3A_367 = arith.constant 0 : i32
          %dma_start3A_368 = tpu.memref_slice %arg8[%dma_start3A_366, %dma_start3A_367] : memref<2x128xi32, #tpu.memory_space<vmem>> -> memref<1x128xi32, #tpu.memory_space<vmem>>
          %dma_start3A_369 = tpu.memref_squeeze %dma_start3A_368 : memref<1x128xi32, #tpu.memory_space<vmem>> -> memref<128xi32, #tpu.memory_space<vmem>>
          %dma_start3A_370 = arith.constant 0 : i32
          %dma_start3A_371 = arith.constant 0 : i32
          %dma_start3A_372 = tpu.memref_slice %arg2[%dma_start3A_370, %dma_start3A_371] : memref<10240x128xf32, #tpu.memory_space<hbm>> -> memref<10240x128xf32, #tpu.memory_space<hbm>>
          tpu.enqueue_indirect_dma source(%dma_start3A_372 : memref<10240x128xf32, #tpu.memory_space<hbm>>) target(%arg14 : memref<128x128xf32, #tpu.memory_space<vmem>>) offsets(%dma_start3A_369 : memref<128xi32, #tpu.memory_space<vmem>>) semaphore(%arg24 : memref<!tpu.dma_semaphore, #tpu.memory_space<semaphore_mem>>)
        } else {
        }
        %dma_wait3A_138 = arith.constant 0 : i32
        %dma_wait3A_139 = arith.constant 0 : i32
        %dma_wait3A_140 = tpu.memref_slice %arg7[%dma_wait3A_138, %dma_wait3A_139] : memref<2x128xi32, #tpu.memory_space<vmem>> -> memref<1x128xi32, #tpu.memory_space<vmem>>
        %dma_wait3A_141 = tpu.memref_squeeze %dma_wait3A_140 : memref<1x128xi32, #tpu.memory_space<vmem>> -> memref<128xi32, #tpu.memory_space<vmem>>
        %dma_wait3A_142 = arith.constant 0 : i32
        %dma_wait3A_143 = arith.constant 0 : i32
        %dma_wait3A_144 = tpu.memref_slice %arg2[%dma_wait3A_142, %dma_wait3A_143] : memref<10240x128xf32, #tpu.memory_space<hbm>> -> memref<10240x128xf32, #tpu.memory_space<hbm>>
        tpu.wait_indirect_dma semaphore(%arg25 : memref<!tpu.dma_semaphore, #tpu.memory_space<semaphore_mem>>) src(%dma_wait3A_144 : memref<10240x128xf32, #tpu.memory_space<hbm>>) dst(%arg15 : memref<128x128xf32, #tpu.memory_space<vmem>>)
        %dma_start3A_145 = arith.constant 1 : i32
        %dma_start3A_146 = arith.constant 0 : i32
        %dma_start3A_147 = tpu.memref_slice %arg7[%dma_start3A_145, %dma_start3A_146] : memref<2x128xi32, #tpu.memory_space<vmem>> -> memref<1x128xi32, #tpu.memory_space<vmem>>
        %dma_start3A_148 = tpu.memref_squeeze %dma_start3A_147 : memref<1x128xi32, #tpu.memory_space<vmem>> -> memref<128xi32, #tpu.memory_space<vmem>>
        %dma_start3A_149 = arith.constant 0 : i32
        %dma_start3A_150 = arith.constant 0 : i32
        %dma_start3A_151 = tpu.memref_slice %arg5[%dma_start3A_149, %dma_start3A_150] : memref<10240x128xf32, #tpu.memory_space<vmem_shared>> -> memref<10240x128xf32, #tpu.memory_space<vmem_shared>>
        tpu.enqueue_indirect_dma source(%arg15 : memref<128x128xf32, #tpu.memory_space<vmem>>) target(%dma_start3A_151 : memref<10240x128xf32, #tpu.memory_space<vmem_shared>>) offsets(%dma_start3A_148 : memref<128xi32, #tpu.memory_space<vmem>>) semaphore(%arg27 : memref<!tpu.dma_semaphore, #tpu.memory_space<semaphore_mem>>) {add = true}
        %add3A_152 = arith.constant 6 : i32
        %add3A_153 = arith.addi %add3A_130, %add3A_152 : i32
        %lt3A_154 = arith.constant 160 : i32
        %lt3A_155 = arith.cmpi slt, %add3A_153, %lt3A_154 : i32
        %convert_element_type3A_156 = arith.extui %lt3A_155 : i1 to i32
        %cond3A_157 = arith.constant 0 : i32
        %cond3A_158 = arith.cmpi ne, %convert_element_type3A_156, %cond3A_157 : i32
        scf.if %cond3A_158 {
          %add3A_351 = arith.addi %mul3A_2, %add3A_130 : i32
          %add3A_352 = arith.constant 6 : i32
          %add3A_353 = arith.addi %add3A_351, %add3A_352 : i32
          %dma_start3A_354 = arith.constant 0 : i32
          %dma_start3A_355 = arith.constant 0 : i32
          %dma_start3A_356 = tpu.memref_slice %arg3[%add3A_353, %dma_start3A_354, %dma_start3A_355] : memref<2560x2x128xi32, #tpu.memory_space<hbm>> -> memref<1x2x128xi32, #tpu.memory_space<hbm>>
          %dma_start3A_357 = tpu.memref_squeeze %dma_start3A_356 : memref<1x2x128xi32, #tpu.memory_space<hbm>> -> memref<2x128xi32, #tpu.memory_space<hbm>>
          %dma_start3A_358 = arith.constant 0 : i32
          %dma_start3A_359 = arith.constant 0 : i32
          %dma_start3A_360 = tpu.memref_slice %arg3[%add3A_353, %dma_start3A_358, %dma_start3A_359] : memref<2560x2x128xi32, #tpu.memory_space<hbm>> -> memref<1x2x128xi32, #tpu.memory_space<hbm>>
          %dma_start3A_361 = tpu.memref_squeeze %dma_start3A_360 : memref<1x2x128xi32, #tpu.memory_space<hbm>> -> memref<2x128xi32, #tpu.memory_space<hbm>>
          tpu.enqueue_dma source(%dma_start3A_361 : memref<2x128xi32, #tpu.memory_space<hbm>>) target(%arg13 : memref<2x128xi32, #tpu.memory_space<vmem>>) target_semaphore(%arg23 : memref<!tpu.dma_semaphore, #tpu.memory_space<semaphore_mem>>)
        } else {
        }
        %mul3A_159 = arith.constant 8 : i32
        %mul3A_160 = arith.muli %scan3A_95, %mul3A_159 : i32
        %add3A_161 = arith.constant 2 : i32
        %add3A_162 = arith.addi %mul3A_160, %add3A_161 : i32
        %add3A_163 = arith.constant 1 : i32
        %add3A_164 = arith.addi %add3A_162, %add3A_163 : i32
        %lt3A_165 = arith.constant 160 : i32
        %lt3A_166 = arith.cmpi slt, %add3A_164, %lt3A_165 : i32
        %convert_element_type3A_167 = arith.extui %lt3A_166 : i1 to i32
        %cond3A_168 = arith.constant 0 : i32
        %cond3A_169 = arith.cmpi ne, %convert_element_type3A_167, %cond3A_168 : i32
        scf.if %cond3A_169 {
          %add3A_351 = arith.addi %mul3A_2, %add3A_162 : i32
          %add3A_352 = arith.constant 1 : i32
          %add3A_353 = arith.addi %add3A_351, %add3A_352 : i32
          %dma_wait3A_354 = arith.constant 0 : i32
          %dma_wait3A_355 = arith.constant 0 : i32
          %dma_wait3A_356 = tpu.memref_slice %arg3[%add3A_353, %dma_wait3A_354, %dma_wait3A_355] : memref<2560x2x128xi32, #tpu.memory_space<hbm>> -> memref<1x2x128xi32, #tpu.memory_space<hbm>>
          %dma_wait3A_357 = tpu.memref_squeeze %dma_wait3A_356 : memref<1x2x128xi32, #tpu.memory_space<hbm>> -> memref<2x128xi32, #tpu.memory_space<hbm>>
          %dma_wait3A_358 = arith.constant 0 : i32
          %dma_wait3A_359 = arith.constant 0 : i32
          %dma_wait3A_360 = tpu.memref_slice %arg3[%add3A_353, %dma_wait3A_358, %dma_wait3A_359] : memref<2560x2x128xi32, #tpu.memory_space<hbm>> -> memref<1x2x128xi32, #tpu.memory_space<hbm>>
          %dma_wait3A_361 = tpu.memref_squeeze %dma_wait3A_360 : memref<1x2x128xi32, #tpu.memory_space<hbm>> -> memref<2x128xi32, #tpu.memory_space<hbm>>
          tpu.wait_dma2 semaphore(%arg19 : memref<!tpu.dma_semaphore, #tpu.memory_space<semaphore_mem>>) src(%dma_wait3A_361 : memref<2x128xi32, #tpu.memory_space<hbm>>) dst(%arg9 : memref<2x128xi32, #tpu.memory_space<vmem>>)
          %ge3A = arith.constant 1 : i32
          %ge3A_362 = arith.cmpi sge, %add3A_162, %ge3A : i32
          %convert_element_type3A_363 = arith.extui %ge3A_362 : i1 to i32
          %cond3A_364 = arith.constant 0 : i32
          %cond3A_365 = arith.cmpi ne, %convert_element_type3A_363, %cond3A_364 : i32
          scf.if %cond3A_365 {
            %dma_wait3A_373 = arith.constant 1 : i32
            %dma_wait3A_374 = arith.constant 0 : i32
            %dma_wait3A_375 = tpu.memref_slice %arg9[%dma_wait3A_373, %dma_wait3A_374] : memref<2x128xi32, #tpu.memory_space<vmem>> -> memref<1x128xi32, #tpu.memory_space<vmem>>
            %dma_wait3A_376 = tpu.memref_squeeze %dma_wait3A_375 : memref<1x128xi32, #tpu.memory_space<vmem>> -> memref<128xi32, #tpu.memory_space<vmem>>
            %dma_wait3A_377 = arith.constant 0 : i32
            %dma_wait3A_378 = arith.constant 0 : i32
            %dma_wait3A_379 = tpu.memref_slice %arg5[%dma_wait3A_377, %dma_wait3A_378] : memref<10240x128xf32, #tpu.memory_space<vmem_shared>> -> memref<10240x128xf32, #tpu.memory_space<vmem_shared>>
            tpu.wait_indirect_dma semaphore(%arg27 : memref<!tpu.dma_semaphore, #tpu.memory_space<semaphore_mem>>) src(%arg15 : memref<128x128xf32, #tpu.memory_space<vmem>>) dst(%dma_wait3A_379 : memref<10240x128xf32, #tpu.memory_space<vmem_shared>>)
          } else {
          }
          %dma_start3A_366 = arith.constant 0 : i32
          %dma_start3A_367 = arith.constant 0 : i32
          %dma_start3A_368 = tpu.memref_slice %arg9[%dma_start3A_366, %dma_start3A_367] : memref<2x128xi32, #tpu.memory_space<vmem>> -> memref<1x128xi32, #tpu.memory_space<vmem>>
          %dma_start3A_369 = tpu.memref_squeeze %dma_start3A_368 : memref<1x128xi32, #tpu.memory_space<vmem>> -> memref<128xi32, #tpu.memory_space<vmem>>
          %dma_start3A_370 = arith.constant 0 : i32
          %dma_start3A_371 = arith.constant 0 : i32
          %dma_start3A_372 = tpu.memref_slice %arg2[%dma_start3A_370, %dma_start3A_371] : memref<10240x128xf32, #tpu.memory_space<hbm>> -> memref<10240x128xf32, #tpu.memory_space<hbm>>
          tpu.enqueue_indirect_dma source(%dma_start3A_372 : memref<10240x128xf32, #tpu.memory_space<hbm>>) target(%arg15 : memref<128x128xf32, #tpu.memory_space<vmem>>) offsets(%dma_start3A_369 : memref<128xi32, #tpu.memory_space<vmem>>) semaphore(%arg25 : memref<!tpu.dma_semaphore, #tpu.memory_space<semaphore_mem>>)
        } else {
        }
        %dma_wait3A_170 = arith.constant 0 : i32
        %dma_wait3A_171 = arith.constant 0 : i32
        %dma_wait3A_172 = tpu.memref_slice %arg8[%dma_wait3A_170, %dma_wait3A_171] : memref<2x128xi32, #tpu.memory_space<vmem>> -> memref<1x128xi32, #tpu.memory_space<vmem>>
        %dma_wait3A_173 = tpu.memref_squeeze %dma_wait3A_172 : memref<1x128xi32, #tpu.memory_space<vmem>> -> memref<128xi32, #tpu.memory_space<vmem>>
        %dma_wait3A_174 = arith.constant 0 : i32
        %dma_wait3A_175 = arith.constant 0 : i32
        %dma_wait3A_176 = tpu.memref_slice %arg2[%dma_wait3A_174, %dma_wait3A_175] : memref<10240x128xf32, #tpu.memory_space<hbm>> -> memref<10240x128xf32, #tpu.memory_space<hbm>>
        tpu.wait_indirect_dma semaphore(%arg24 : memref<!tpu.dma_semaphore, #tpu.memory_space<semaphore_mem>>) src(%dma_wait3A_176 : memref<10240x128xf32, #tpu.memory_space<hbm>>) dst(%arg14 : memref<128x128xf32, #tpu.memory_space<vmem>>)
        %dma_start3A_177 = arith.constant 1 : i32
        %dma_start3A_178 = arith.constant 0 : i32
        %dma_start3A_179 = tpu.memref_slice %arg8[%dma_start3A_177, %dma_start3A_178] : memref<2x128xi32, #tpu.memory_space<vmem>> -> memref<1x128xi32, #tpu.memory_space<vmem>>
        %dma_start3A_180 = tpu.memref_squeeze %dma_start3A_179 : memref<1x128xi32, #tpu.memory_space<vmem>> -> memref<128xi32, #tpu.memory_space<vmem>>
        %dma_start3A_181 = arith.constant 0 : i32
        %dma_start3A_182 = arith.constant 0 : i32
        %dma_start3A_183 = tpu.memref_slice %arg5[%dma_start3A_181, %dma_start3A_182] : memref<10240x128xf32, #tpu.memory_space<vmem_shared>> -> memref<10240x128xf32, #tpu.memory_space<vmem_shared>>
        tpu.enqueue_indirect_dma source(%arg14 : memref<128x128xf32, #tpu.memory_space<vmem>>) target(%dma_start3A_183 : memref<10240x128xf32, #tpu.memory_space<vmem_shared>>) offsets(%dma_start3A_180 : memref<128xi32, #tpu.memory_space<vmem>>) semaphore(%arg26 : memref<!tpu.dma_semaphore, #tpu.memory_space<semaphore_mem>>) {add = true}
        %add3A_184 = arith.constant 6 : i32
        %add3A_185 = arith.addi %add3A_162, %add3A_184 : i32
        %lt3A_186 = arith.constant 160 : i32
        %lt3A_187 = arith.cmpi slt, %add3A_185, %lt3A_186 : i32
        %convert_element_type3A_188 = arith.extui %lt3A_187 : i1 to i32
        %cond3A_189 = arith.constant 0 : i32
        %cond3A_190 = arith.cmpi ne, %convert_element_type3A_188, %cond3A_189 : i32
        scf.if %cond3A_190 {
          %add3A_351 = arith.addi %mul3A_2, %add3A_162 : i32
          %add3A_352 = arith.constant 6 : i32
          %add3A_353 = arith.addi %add3A_351, %add3A_352 : i32
          %dma_start3A_354 = arith.constant 0 : i32
          %dma_start3A_355 = arith.constant 0 : i32
          %dma_start3A_356 = tpu.memref_slice %arg3[%add3A_353, %dma_start3A_354, %dma_start3A_355] : memref<2560x2x128xi32, #tpu.memory_space<hbm>> -> memref<1x2x128xi32, #tpu.memory_space<hbm>>
          %dma_start3A_357 = tpu.memref_squeeze %dma_start3A_356 : memref<1x2x128xi32, #tpu.memory_space<hbm>> -> memref<2x128xi32, #tpu.memory_space<hbm>>
          %dma_start3A_358 = arith.constant 0 : i32
          %dma_start3A_359 = arith.constant 0 : i32
          %dma_start3A_360 = tpu.memref_slice %arg3[%add3A_353, %dma_start3A_358, %dma_start3A_359] : memref<2560x2x128xi32, #tpu.memory_space<hbm>> -> memref<1x2x128xi32, #tpu.memory_space<hbm>>
          %dma_start3A_361 = tpu.memref_squeeze %dma_start3A_360 : memref<1x2x128xi32, #tpu.memory_space<hbm>> -> memref<2x128xi32, #tpu.memory_space<hbm>>
          tpu.enqueue_dma source(%dma_start3A_361 : memref<2x128xi32, #tpu.memory_space<hbm>>) target(%arg6 : memref<2x128xi32, #tpu.memory_space<vmem>>) target_semaphore(%arg16 : memref<!tpu.dma_semaphore, #tpu.memory_space<semaphore_mem>>)
        } else {
        }
        %mul3A_191 = arith.constant 8 : i32
        %mul3A_192 = arith.muli %scan3A_95, %mul3A_191 : i32
        %add3A_193 = arith.constant 3 : i32
        %add3A_194 = arith.addi %mul3A_192, %add3A_193 : i32
        %add3A_195 = arith.constant 1 : i32
        %add3A_196 = arith.addi %add3A_194, %add3A_195 : i32
        %lt3A_197 = arith.constant 160 : i32
        %lt3A_198 = arith.cmpi slt, %add3A_196, %lt3A_197 : i32
        %convert_element_type3A_199 = arith.extui %lt3A_198 : i1 to i32
        %cond3A_200 = arith.constant 0 : i32
        %cond3A_201 = arith.cmpi ne, %convert_element_type3A_199, %cond3A_200 : i32
        scf.if %cond3A_201 {
          %add3A_351 = arith.addi %mul3A_2, %add3A_194 : i32
          %add3A_352 = arith.constant 1 : i32
          %add3A_353 = arith.addi %add3A_351, %add3A_352 : i32
          %dma_wait3A_354 = arith.constant 0 : i32
          %dma_wait3A_355 = arith.constant 0 : i32
          %dma_wait3A_356 = tpu.memref_slice %arg3[%add3A_353, %dma_wait3A_354, %dma_wait3A_355] : memref<2560x2x128xi32, #tpu.memory_space<hbm>> -> memref<1x2x128xi32, #tpu.memory_space<hbm>>
          %dma_wait3A_357 = tpu.memref_squeeze %dma_wait3A_356 : memref<1x2x128xi32, #tpu.memory_space<hbm>> -> memref<2x128xi32, #tpu.memory_space<hbm>>
          %dma_wait3A_358 = arith.constant 0 : i32
          %dma_wait3A_359 = arith.constant 0 : i32
          %dma_wait3A_360 = tpu.memref_slice %arg3[%add3A_353, %dma_wait3A_358, %dma_wait3A_359] : memref<2560x2x128xi32, #tpu.memory_space<hbm>> -> memref<1x2x128xi32, #tpu.memory_space<hbm>>
          %dma_wait3A_361 = tpu.memref_squeeze %dma_wait3A_360 : memref<1x2x128xi32, #tpu.memory_space<hbm>> -> memref<2x128xi32, #tpu.memory_space<hbm>>
          tpu.wait_dma2 semaphore(%arg20 : memref<!tpu.dma_semaphore, #tpu.memory_space<semaphore_mem>>) src(%dma_wait3A_361 : memref<2x128xi32, #tpu.memory_space<hbm>>) dst(%arg10 : memref<2x128xi32, #tpu.memory_space<vmem>>)
          %ge3A = arith.constant 1 : i32
          %ge3A_362 = arith.cmpi sge, %add3A_194, %ge3A : i32
          %convert_element_type3A_363 = arith.extui %ge3A_362 : i1 to i32
          %cond3A_364 = arith.constant 0 : i32
          %cond3A_365 = arith.cmpi ne, %convert_element_type3A_363, %cond3A_364 : i32
          scf.if %cond3A_365 {
            %dma_wait3A_373 = arith.constant 1 : i32
            %dma_wait3A_374 = arith.constant 0 : i32
            %dma_wait3A_375 = tpu.memref_slice %arg10[%dma_wait3A_373, %dma_wait3A_374] : memref<2x128xi32, #tpu.memory_space<vmem>> -> memref<1x128xi32, #tpu.memory_space<vmem>>
            %dma_wait3A_376 = tpu.memref_squeeze %dma_wait3A_375 : memref<1x128xi32, #tpu.memory_space<vmem>> -> memref<128xi32, #tpu.memory_space<vmem>>
            %dma_wait3A_377 = arith.constant 0 : i32
            %dma_wait3A_378 = arith.constant 0 : i32
            %dma_wait3A_379 = tpu.memref_slice %arg5[%dma_wait3A_377, %dma_wait3A_378] : memref<10240x128xf32, #tpu.memory_space<vmem_shared>> -> memref<10240x128xf32, #tpu.memory_space<vmem_shared>>
            tpu.wait_indirect_dma semaphore(%arg26 : memref<!tpu.dma_semaphore, #tpu.memory_space<semaphore_mem>>) src(%arg14 : memref<128x128xf32, #tpu.memory_space<vmem>>) dst(%dma_wait3A_379 : memref<10240x128xf32, #tpu.memory_space<vmem_shared>>)
          } else {
          }
          %dma_start3A_366 = arith.constant 0 : i32
          %dma_start3A_367 = arith.constant 0 : i32
          %dma_start3A_368 = tpu.memref_slice %arg10[%dma_start3A_366, %dma_start3A_367] : memref<2x128xi32, #tpu.memory_space<vmem>> -> memref<1x128xi32, #tpu.memory_space<vmem>>
          %dma_start3A_369 = tpu.memref_squeeze %dma_start3A_368 : memref<1x128xi32, #tpu.memory_space<vmem>> -> memref<128xi32, #tpu.memory_space<vmem>>
          %dma_start3A_370 = arith.constant 0 : i32
          %dma_start3A_371 = arith.constant 0 : i32
          %dma_start3A_372 = tpu.memref_slice %arg2[%dma_start3A_370, %dma_start3A_371] : memref<10240x128xf32, #tpu.memory_space<hbm>> -> memref<10240x128xf32, #tpu.memory_space<hbm>>
          tpu.enqueue_indirect_dma source(%dma_start3A_372 : memref<10240x128xf32, #tpu.memory_space<hbm>>) target(%arg14 : memref<128x128xf32, #tpu.memory_space<vmem>>) offsets(%dma_start3A_369 : memref<128xi32, #tpu.memory_space<vmem>>) semaphore(%arg24 : memref<!tpu.dma_semaphore, #tpu.memory_space<semaphore_mem>>)
        } else {
        }
        %dma_wait3A_202 = arith.constant 0 : i32
        %dma_wait3A_203 = arith.constant 0 : i32
        %dma_wait3A_204 = tpu.memref_slice %arg9[%dma_wait3A_202, %dma_wait3A_203] : memref<2x128xi32, #tpu.memory_space<vmem>> -> memref<1x128xi32, #tpu.memory_space<vmem>>
        %dma_wait3A_205 = tpu.memref_squeeze %dma_wait3A_204 : memref<1x128xi32, #tpu.memory_space<vmem>> -> memref<128xi32, #tpu.memory_space<vmem>>
        %dma_wait3A_206 = arith.constant 0 : i32
        %dma_wait3A_207 = arith.constant 0 : i32
        %dma_wait3A_208 = tpu.memref_slice %arg2[%dma_wait3A_206, %dma_wait3A_207] : memref<10240x128xf32, #tpu.memory_space<hbm>> -> memref<10240x128xf32, #tpu.memory_space<hbm>>
        tpu.wait_indirect_dma semaphore(%arg25 : memref<!tpu.dma_semaphore, #tpu.memory_space<semaphore_mem>>) src(%dma_wait3A_208 : memref<10240x128xf32, #tpu.memory_space<hbm>>) dst(%arg15 : memref<128x128xf32, #tpu.memory_space<vmem>>)
        %dma_start3A_209 = arith.constant 1 : i32
        %dma_start3A_210 = arith.constant 0 : i32
        %dma_start3A_211 = tpu.memref_slice %arg9[%dma_start3A_209, %dma_start3A_210] : memref<2x128xi32, #tpu.memory_space<vmem>> -> memref<1x128xi32, #tpu.memory_space<vmem>>
        %dma_start3A_212 = tpu.memref_squeeze %dma_start3A_211 : memref<1x128xi32, #tpu.memory_space<vmem>> -> memref<128xi32, #tpu.memory_space<vmem>>
        %dma_start3A_213 = arith.constant 0 : i32
        %dma_start3A_214 = arith.constant 0 : i32
        %dma_start3A_215 = tpu.memref_slice %arg5[%dma_start3A_213, %dma_start3A_214] : memref<10240x128xf32, #tpu.memory_space<vmem_shared>> -> memref<10240x128xf32, #tpu.memory_space<vmem_shared>>
        tpu.enqueue_indirect_dma source(%arg15 : memref<128x128xf32, #tpu.memory_space<vmem>>) target(%dma_start3A_215 : memref<10240x128xf32, #tpu.memory_space<vmem_shared>>) offsets(%dma_start3A_212 : memref<128xi32, #tpu.memory_space<vmem>>) semaphore(%arg27 : memref<!tpu.dma_semaphore, #tpu.memory_space<semaphore_mem>>) {add = true}
        %add3A_216 = arith.constant 6 : i32
        %add3A_217 = arith.addi %add3A_194, %add3A_216 : i32
        %lt3A_218 = arith.constant 160 : i32
        %lt3A_219 = arith.cmpi slt, %add3A_217, %lt3A_218 : i32
        %convert_element_type3A_220 = arith.extui %lt3A_219 : i1 to i32
        %cond3A_221 = arith.constant 0 : i32
        %cond3A_222 = arith.cmpi ne, %convert_element_type3A_220, %cond3A_221 : i32
        scf.if %cond3A_222 {
          %add3A_351 = arith.addi %mul3A_2, %add3A_194 : i32
          %add3A_352 = arith.constant 6 : i32
          %add3A_353 = arith.addi %add3A_351, %add3A_352 : i32
          %dma_start3A_354 = arith.constant 0 : i32
          %dma_start3A_355 = arith.constant 0 : i32
          %dma_start3A_356 = tpu.memref_slice %arg3[%add3A_353, %dma_start3A_354, %dma_start3A_355] : memref<2560x2x128xi32, #tpu.memory_space<hbm>> -> memref<1x2x128xi32, #tpu.memory_space<hbm>>
          %dma_start3A_357 = tpu.memref_squeeze %dma_start3A_356 : memref<1x2x128xi32, #tpu.memory_space<hbm>> -> memref<2x128xi32, #tpu.memory_space<hbm>>
          %dma_start3A_358 = arith.constant 0 : i32
          %dma_start3A_359 = arith.constant 0 : i32
          %dma_start3A_360 = tpu.memref_slice %arg3[%add3A_353, %dma_start3A_358, %dma_start3A_359] : memref<2560x2x128xi32, #tpu.memory_space<hbm>> -> memref<1x2x128xi32, #tpu.memory_space<hbm>>
          %dma_start3A_361 = tpu.memref_squeeze %dma_start3A_360 : memref<1x2x128xi32, #tpu.memory_space<hbm>> -> memref<2x128xi32, #tpu.memory_space<hbm>>
          tpu.enqueue_dma source(%dma_start3A_361 : memref<2x128xi32, #tpu.memory_space<hbm>>) target(%arg7 : memref<2x128xi32, #tpu.memory_space<vmem>>) target_semaphore(%arg17 : memref<!tpu.dma_semaphore, #tpu.memory_space<semaphore_mem>>)
        } else {
        }
        %mul3A_223 = arith.constant 8 : i32
        %mul3A_224 = arith.muli %scan3A_95, %mul3A_223 : i32
        %add3A_225 = arith.constant 4 : i32
        %add3A_226 = arith.addi %mul3A_224, %add3A_225 : i32
        %add3A_227 = arith.constant 1 : i32
        %add3A_228 = arith.addi %add3A_226, %add3A_227 : i32
        %lt3A_229 = arith.constant 160 : i32
        %lt3A_230 = arith.cmpi slt, %add3A_228, %lt3A_229 : i32
        %convert_element_type3A_231 = arith.extui %lt3A_230 : i1 to i32
        %cond3A_232 = arith.constant 0 : i32
        %cond3A_233 = arith.cmpi ne, %convert_element_type3A_231, %cond3A_232 : i32
        scf.if %cond3A_233 {
          %add3A_351 = arith.addi %mul3A_2, %add3A_226 : i32
          %add3A_352 = arith.constant 1 : i32
          %add3A_353 = arith.addi %add3A_351, %add3A_352 : i32
          %dma_wait3A_354 = arith.constant 0 : i32
          %dma_wait3A_355 = arith.constant 0 : i32
          %dma_wait3A_356 = tpu.memref_slice %arg3[%add3A_353, %dma_wait3A_354, %dma_wait3A_355] : memref<2560x2x128xi32, #tpu.memory_space<hbm>> -> memref<1x2x128xi32, #tpu.memory_space<hbm>>
          %dma_wait3A_357 = tpu.memref_squeeze %dma_wait3A_356 : memref<1x2x128xi32, #tpu.memory_space<hbm>> -> memref<2x128xi32, #tpu.memory_space<hbm>>
          %dma_wait3A_358 = arith.constant 0 : i32
          %dma_wait3A_359 = arith.constant 0 : i32
          %dma_wait3A_360 = tpu.memref_slice %arg3[%add3A_353, %dma_wait3A_358, %dma_wait3A_359] : memref<2560x2x128xi32, #tpu.memory_space<hbm>> -> memref<1x2x128xi32, #tpu.memory_space<hbm>>
          %dma_wait3A_361 = tpu.memref_squeeze %dma_wait3A_360 : memref<1x2x128xi32, #tpu.memory_space<hbm>> -> memref<2x128xi32, #tpu.memory_space<hbm>>
          tpu.wait_dma2 semaphore(%arg21 : memref<!tpu.dma_semaphore, #tpu.memory_space<semaphore_mem>>) src(%dma_wait3A_361 : memref<2x128xi32, #tpu.memory_space<hbm>>) dst(%arg11 : memref<2x128xi32, #tpu.memory_space<vmem>>)
          %ge3A = arith.constant 1 : i32
          %ge3A_362 = arith.cmpi sge, %add3A_226, %ge3A : i32
          %convert_element_type3A_363 = arith.extui %ge3A_362 : i1 to i32
          %cond3A_364 = arith.constant 0 : i32
          %cond3A_365 = arith.cmpi ne, %convert_element_type3A_363, %cond3A_364 : i32
          scf.if %cond3A_365 {
            %dma_wait3A_373 = arith.constant 1 : i32
            %dma_wait3A_374 = arith.constant 0 : i32
            %dma_wait3A_375 = tpu.memref_slice %arg11[%dma_wait3A_373, %dma_wait3A_374] : memref<2x128xi32, #tpu.memory_space<vmem>> -> memref<1x128xi32, #tpu.memory_space<vmem>>
            %dma_wait3A_376 = tpu.memref_squeeze %dma_wait3A_375 : memref<1x128xi32, #tpu.memory_space<vmem>> -> memref<128xi32, #tpu.memory_space<vmem>>
            %dma_wait3A_377 = arith.constant 0 : i32
            %dma_wait3A_378 = arith.constant 0 : i32
            %dma_wait3A_379 = tpu.memref_slice %arg5[%dma_wait3A_377, %dma_wait3A_378] : memref<10240x128xf32, #tpu.memory_space<vmem_shared>> -> memref<10240x128xf32, #tpu.memory_space<vmem_shared>>
            tpu.wait_indirect_dma semaphore(%arg27 : memref<!tpu.dma_semaphore, #tpu.memory_space<semaphore_mem>>) src(%arg15 : memref<128x128xf32, #tpu.memory_space<vmem>>) dst(%dma_wait3A_379 : memref<10240x128xf32, #tpu.memory_space<vmem_shared>>)
          } else {
          }
          %dma_start3A_366 = arith.constant 0 : i32
          %dma_start3A_367 = arith.constant 0 : i32
          %dma_start3A_368 = tpu.memref_slice %arg11[%dma_start3A_366, %dma_start3A_367] : memref<2x128xi32, #tpu.memory_space<vmem>> -> memref<1x128xi32, #tpu.memory_space<vmem>>
          %dma_start3A_369 = tpu.memref_squeeze %dma_start3A_368 : memref<1x128xi32, #tpu.memory_space<vmem>> -> memref<128xi32, #tpu.memory_space<vmem>>
          %dma_start3A_370 = arith.constant 0 : i32
          %dma_start3A_371 = arith.constant 0 : i32
          %dma_start3A_372 = tpu.memref_slice %arg2[%dma_start3A_370, %dma_start3A_371] : memref<10240x128xf32, #tpu.memory_space<hbm>> -> memref<10240x128xf32, #tpu.memory_space<hbm>>
          tpu.enqueue_indirect_dma source(%dma_start3A_372 : memref<10240x128xf32, #tpu.memory_space<hbm>>) target(%arg15 : memref<128x128xf32, #tpu.memory_space<vmem>>) offsets(%dma_start3A_369 : memref<128xi32, #tpu.memory_space<vmem>>) semaphore(%arg25 : memref<!tpu.dma_semaphore, #tpu.memory_space<semaphore_mem>>)
        } else {
        }
        %dma_wait3A_234 = arith.constant 0 : i32
        %dma_wait3A_235 = arith.constant 0 : i32
        %dma_wait3A_236 = tpu.memref_slice %arg10[%dma_wait3A_234, %dma_wait3A_235] : memref<2x128xi32, #tpu.memory_space<vmem>> -> memref<1x128xi32, #tpu.memory_space<vmem>>
        %dma_wait3A_237 = tpu.memref_squeeze %dma_wait3A_236 : memref<1x128xi32, #tpu.memory_space<vmem>> -> memref<128xi32, #tpu.memory_space<vmem>>
        %dma_wait3A_238 = arith.constant 0 : i32
        %dma_wait3A_239 = arith.constant 0 : i32
        %dma_wait3A_240 = tpu.memref_slice %arg2[%dma_wait3A_238, %dma_wait3A_239] : memref<10240x128xf32, #tpu.memory_space<hbm>> -> memref<10240x128xf32, #tpu.memory_space<hbm>>
        tpu.wait_indirect_dma semaphore(%arg24 : memref<!tpu.dma_semaphore, #tpu.memory_space<semaphore_mem>>) src(%dma_wait3A_240 : memref<10240x128xf32, #tpu.memory_space<hbm>>) dst(%arg14 : memref<128x128xf32, #tpu.memory_space<vmem>>)
        %dma_start3A_241 = arith.constant 1 : i32
        %dma_start3A_242 = arith.constant 0 : i32
        %dma_start3A_243 = tpu.memref_slice %arg10[%dma_start3A_241, %dma_start3A_242] : memref<2x128xi32, #tpu.memory_space<vmem>> -> memref<1x128xi32, #tpu.memory_space<vmem>>
        %dma_start3A_244 = tpu.memref_squeeze %dma_start3A_243 : memref<1x128xi32, #tpu.memory_space<vmem>> -> memref<128xi32, #tpu.memory_space<vmem>>
        %dma_start3A_245 = arith.constant 0 : i32
        %dma_start3A_246 = arith.constant 0 : i32
        %dma_start3A_247 = tpu.memref_slice %arg5[%dma_start3A_245, %dma_start3A_246] : memref<10240x128xf32, #tpu.memory_space<vmem_shared>> -> memref<10240x128xf32, #tpu.memory_space<vmem_shared>>
        tpu.enqueue_indirect_dma source(%arg14 : memref<128x128xf32, #tpu.memory_space<vmem>>) target(%dma_start3A_247 : memref<10240x128xf32, #tpu.memory_space<vmem_shared>>) offsets(%dma_start3A_244 : memref<128xi32, #tpu.memory_space<vmem>>) semaphore(%arg26 : memref<!tpu.dma_semaphore, #tpu.memory_space<semaphore_mem>>) {add = true}
        %add3A_248 = arith.constant 6 : i32
        %add3A_249 = arith.addi %add3A_226, %add3A_248 : i32
        %lt3A_250 = arith.constant 160 : i32
        %lt3A_251 = arith.cmpi slt, %add3A_249, %lt3A_250 : i32
        %convert_element_type3A_252 = arith.extui %lt3A_251 : i1 to i32
        %cond3A_253 = arith.constant 0 : i32
        %cond3A_254 = arith.cmpi ne, %convert_element_type3A_252, %cond3A_253 : i32
        scf.if %cond3A_254 {
          %add3A_351 = arith.addi %mul3A_2, %add3A_226 : i32
          %add3A_352 = arith.constant 6 : i32
          %add3A_353 = arith.addi %add3A_351, %add3A_352 : i32
          %dma_start3A_354 = arith.constant 0 : i32
          %dma_start3A_355 = arith.constant 0 : i32
          %dma_start3A_356 = tpu.memref_slice %arg3[%add3A_353, %dma_start3A_354, %dma_start3A_355] : memref<2560x2x128xi32, #tpu.memory_space<hbm>> -> memref<1x2x128xi32, #tpu.memory_space<hbm>>
          %dma_start3A_357 = tpu.memref_squeeze %dma_start3A_356 : memref<1x2x128xi32, #tpu.memory_space<hbm>> -> memref<2x128xi32, #tpu.memory_space<hbm>>
          %dma_start3A_358 = arith.constant 0 : i32
          %dma_start3A_359 = arith.constant 0 : i32
          %dma_start3A_360 = tpu.memref_slice %arg3[%add3A_353, %dma_start3A_358, %dma_start3A_359] : memref<2560x2x128xi32, #tpu.memory_space<hbm>> -> memref<1x2x128xi32, #tpu.memory_space<hbm>>
          %dma_start3A_361 = tpu.memref_squeeze %dma_start3A_360 : memref<1x2x128xi32, #tpu.memory_space<hbm>> -> memref<2x128xi32, #tpu.memory_space<hbm>>
          tpu.enqueue_dma source(%dma_start3A_361 : memref<2x128xi32, #tpu.memory_space<hbm>>) target(%arg8 : memref<2x128xi32, #tpu.memory_space<vmem>>) target_semaphore(%arg18 : memref<!tpu.dma_semaphore, #tpu.memory_space<semaphore_mem>>)
        } else {
        }
        %mul3A_255 = arith.constant 8 : i32
        %mul3A_256 = arith.muli %scan3A_95, %mul3A_255 : i32
        %add3A_257 = arith.constant 5 : i32
        %add3A_258 = arith.addi %mul3A_256, %add3A_257 : i32
        %add3A_259 = arith.constant 1 : i32
        %add3A_260 = arith.addi %add3A_258, %add3A_259 : i32
        %lt3A_261 = arith.constant 160 : i32
        %lt3A_262 = arith.cmpi slt, %add3A_260, %lt3A_261 : i32
        %convert_element_type3A_263 = arith.extui %lt3A_262 : i1 to i32
        %cond3A_264 = arith.constant 0 : i32
        %cond3A_265 = arith.cmpi ne, %convert_element_type3A_263, %cond3A_264 : i32
        scf.if %cond3A_265 {
          %add3A_351 = arith.addi %mul3A_2, %add3A_258 : i32
          %add3A_352 = arith.constant 1 : i32
          %add3A_353 = arith.addi %add3A_351, %add3A_352 : i32
          %dma_wait3A_354 = arith.constant 0 : i32
          %dma_wait3A_355 = arith.constant 0 : i32
          %dma_wait3A_356 = tpu.memref_slice %arg3[%add3A_353, %dma_wait3A_354, %dma_wait3A_355] : memref<2560x2x128xi32, #tpu.memory_space<hbm>> -> memref<1x2x128xi32, #tpu.memory_space<hbm>>
          %dma_wait3A_357 = tpu.memref_squeeze %dma_wait3A_356 : memref<1x2x128xi32, #tpu.memory_space<hbm>> -> memref<2x128xi32, #tpu.memory_space<hbm>>
          %dma_wait3A_358 = arith.constant 0 : i32
          %dma_wait3A_359 = arith.constant 0 : i32
          %dma_wait3A_360 = tpu.memref_slice %arg3[%add3A_353, %dma_wait3A_358, %dma_wait3A_359] : memref<2560x2x128xi32, #tpu.memory_space<hbm>> -> memref<1x2x128xi32, #tpu.memory_space<hbm>>
          %dma_wait3A_361 = tpu.memref_squeeze %dma_wait3A_360 : memref<1x2x128xi32, #tpu.memory_space<hbm>> -> memref<2x128xi32, #tpu.memory_space<hbm>>
          tpu.wait_dma2 semaphore(%arg22 : memref<!tpu.dma_semaphore, #tpu.memory_space<semaphore_mem>>) src(%dma_wait3A_361 : memref<2x128xi32, #tpu.memory_space<hbm>>) dst(%arg12 : memref<2x128xi32, #tpu.memory_space<vmem>>)
          %ge3A = arith.constant 1 : i32
          %ge3A_362 = arith.cmpi sge, %add3A_258, %ge3A : i32
          %convert_element_type3A_363 = arith.extui %ge3A_362 : i1 to i32
          %cond3A_364 = arith.constant 0 : i32
          %cond3A_365 = arith.cmpi ne, %convert_element_type3A_363, %cond3A_364 : i32
          scf.if %cond3A_365 {
            %dma_wait3A_373 = arith.constant 1 : i32
            %dma_wait3A_374 = arith.constant 0 : i32
            %dma_wait3A_375 = tpu.memref_slice %arg12[%dma_wait3A_373, %dma_wait3A_374] : memref<2x128xi32, #tpu.memory_space<vmem>> -> memref<1x128xi32, #tpu.memory_space<vmem>>
            %dma_wait3A_376 = tpu.memref_squeeze %dma_wait3A_375 : memref<1x128xi32, #tpu.memory_space<vmem>> -> memref<128xi32, #tpu.memory_space<vmem>>
            %dma_wait3A_377 = arith.constant 0 : i32
            %dma_wait3A_378 = arith.constant 0 : i32
            %dma_wait3A_379 = tpu.memref_slice %arg5[%dma_wait3A_377, %dma_wait3A_378] : memref<10240x128xf32, #tpu.memory_space<vmem_shared>> -> memref<10240x128xf32, #tpu.memory_space<vmem_shared>>
            tpu.wait_indirect_dma semaphore(%arg26 : memref<!tpu.dma_semaphore, #tpu.memory_space<semaphore_mem>>) src(%arg14 : memref<128x128xf32, #tpu.memory_space<vmem>>) dst(%dma_wait3A_379 : memref<10240x128xf32, #tpu.memory_space<vmem_shared>>)
          } else {
          }
          %dma_start3A_366 = arith.constant 0 : i32
          %dma_start3A_367 = arith.constant 0 : i32
          %dma_start3A_368 = tpu.memref_slice %arg12[%dma_start3A_366, %dma_start3A_367] : memref<2x128xi32, #tpu.memory_space<vmem>> -> memref<1x128xi32, #tpu.memory_space<vmem>>
          %dma_start3A_369 = tpu.memref_squeeze %dma_start3A_368 : memref<1x128xi32, #tpu.memory_space<vmem>> -> memref<128xi32, #tpu.memory_space<vmem>>
          %dma_start3A_370 = arith.constant 0 : i32
          %dma_start3A_371 = arith.constant 0 : i32
          %dma_start3A_372 = tpu.memref_slice %arg2[%dma_start3A_370, %dma_start3A_371] : memref<10240x128xf32, #tpu.memory_space<hbm>> -> memref<10240x128xf32, #tpu.memory_space<hbm>>
          tpu.enqueue_indirect_dma source(%dma_start3A_372 : memref<10240x128xf32, #tpu.memory_space<hbm>>) target(%arg14 : memref<128x128xf32, #tpu.memory_space<vmem>>) offsets(%dma_start3A_369 : memref<128xi32, #tpu.memory_space<vmem>>) semaphore(%arg24 : memref<!tpu.dma_semaphore, #tpu.memory_space<semaphore_mem>>)
        } else {
        }
        %dma_wait3A_266 = arith.constant 0 : i32
        %dma_wait3A_267 = arith.constant 0 : i32
        %dma_wait3A_268 = tpu.memref_slice %arg11[%dma_wait3A_266, %dma_wait3A_267] : memref<2x128xi32, #tpu.memory_space<vmem>> -> memref<1x128xi32, #tpu.memory_space<vmem>>
        %dma_wait3A_269 = tpu.memref_squeeze %dma_wait3A_268 : memref<1x128xi32, #tpu.memory_space<vmem>> -> memref<128xi32, #tpu.memory_space<vmem>>
        %dma_wait3A_270 = arith.constant 0 : i32
        %dma_wait3A_271 = arith.constant 0 : i32
        %dma_wait3A_272 = tpu.memref_slice %arg2[%dma_wait3A_270, %dma_wait3A_271] : memref<10240x128xf32, #tpu.memory_space<hbm>> -> memref<10240x128xf32, #tpu.memory_space<hbm>>
        tpu.wait_indirect_dma semaphore(%arg25 : memref<!tpu.dma_semaphore, #tpu.memory_space<semaphore_mem>>) src(%dma_wait3A_272 : memref<10240x128xf32, #tpu.memory_space<hbm>>) dst(%arg15 : memref<128x128xf32, #tpu.memory_space<vmem>>)
        %dma_start3A_273 = arith.constant 1 : i32
        %dma_start3A_274 = arith.constant 0 : i32
        %dma_start3A_275 = tpu.memref_slice %arg11[%dma_start3A_273, %dma_start3A_274] : memref<2x128xi32, #tpu.memory_space<vmem>> -> memref<1x128xi32, #tpu.memory_space<vmem>>
        %dma_start3A_276 = tpu.memref_squeeze %dma_start3A_275 : memref<1x128xi32, #tpu.memory_space<vmem>> -> memref<128xi32, #tpu.memory_space<vmem>>
        %dma_start3A_277 = arith.constant 0 : i32
        %dma_start3A_278 = arith.constant 0 : i32
        %dma_start3A_279 = tpu.memref_slice %arg5[%dma_start3A_277, %dma_start3A_278] : memref<10240x128xf32, #tpu.memory_space<vmem_shared>> -> memref<10240x128xf32, #tpu.memory_space<vmem_shared>>
        tpu.enqueue_indirect_dma source(%arg15 : memref<128x128xf32, #tpu.memory_space<vmem>>) target(%dma_start3A_279 : memref<10240x128xf32, #tpu.memory_space<vmem_shared>>) offsets(%dma_start3A_276 : memref<128xi32, #tpu.memory_space<vmem>>) semaphore(%arg27 : memref<!tpu.dma_semaphore, #tpu.memory_space<semaphore_mem>>) {add = true}
        %add3A_280 = arith.constant 6 : i32
        %add3A_281 = arith.addi %add3A_258, %add3A_280 : i32
        %lt3A_282 = arith.constant 160 : i32
        %lt3A_283 = arith.cmpi slt, %add3A_281, %lt3A_282 : i32
        %convert_element_type3A_284 = arith.extui %lt3A_283 : i1 to i32
        %cond3A_285 = arith.constant 0 : i32
        %cond3A_286 = arith.cmpi ne, %convert_element_type3A_284, %cond3A_285 : i32
        scf.if %cond3A_286 {
          %add3A_351 = arith.addi %mul3A_2, %add3A_258 : i32
          %add3A_352 = arith.constant 6 : i32
          %add3A_353 = arith.addi %add3A_351, %add3A_352 : i32
          %dma_start3A_354 = arith.constant 0 : i32
          %dma_start3A_355 = arith.constant 0 : i32
          %dma_start3A_356 = tpu.memref_slice %arg3[%add3A_353, %dma_start3A_354, %dma_start3A_355] : memref<2560x2x128xi32, #tpu.memory_space<hbm>> -> memref<1x2x128xi32, #tpu.memory_space<hbm>>
          %dma_start3A_357 = tpu.memref_squeeze %dma_start3A_356 : memref<1x2x128xi32, #tpu.memory_space<hbm>> -> memref<2x128xi32, #tpu.memory_space<hbm>>
          %dma_start3A_358 = arith.constant 0 : i32
          %dma_start3A_359 = arith.constant 0 : i32
          %dma_start3A_360 = tpu.memref_slice %arg3[%add3A_353, %dma_start3A_358, %dma_start3A_359] : memref<2560x2x128xi32, #tpu.memory_space<hbm>> -> memref<1x2x128xi32, #tpu.memory_space<hbm>>
          %dma_start3A_361 = tpu.memref_squeeze %dma_start3A_360 : memref<1x2x128xi32, #tpu.memory_space<hbm>> -> memref<2x128xi32, #tpu.memory_space<hbm>>
          tpu.enqueue_dma source(%dma_start3A_361 : memref<2x128xi32, #tpu.memory_space<hbm>>) target(%arg9 : memref<2x128xi32, #tpu.memory_space<vmem>>) target_semaphore(%arg19 : memref<!tpu.dma_semaphore, #tpu.memory_space<semaphore_mem>>)
        } else {
        }
        %mul3A_287 = arith.constant 8 : i32
        %mul3A_288 = arith.muli %scan3A_95, %mul3A_287 : i32
        %add3A_289 = arith.constant 6 : i32
        %add3A_290 = arith.addi %mul3A_288, %add3A_289 : i32
        %add3A_291 = arith.constant 1 : i32
        %add3A_292 = arith.addi %add3A_290, %add3A_291 : i32
        %lt3A_293 = arith.constant 160 : i32
        %lt3A_294 = arith.cmpi slt, %add3A_292, %lt3A_293 : i32
        %convert_element_type3A_295 = arith.extui %lt3A_294 : i1 to i32
        %cond3A_296 = arith.constant 0 : i32
        %cond3A_297 = arith.cmpi ne, %convert_element_type3A_295, %cond3A_296 : i32
        scf.if %cond3A_297 {
          %add3A_351 = arith.addi %mul3A_2, %add3A_290 : i32
          %add3A_352 = arith.constant 1 : i32
          %add3A_353 = arith.addi %add3A_351, %add3A_352 : i32
          %dma_wait3A_354 = arith.constant 0 : i32
          %dma_wait3A_355 = arith.constant 0 : i32
          %dma_wait3A_356 = tpu.memref_slice %arg3[%add3A_353, %dma_wait3A_354, %dma_wait3A_355] : memref<2560x2x128xi32, #tpu.memory_space<hbm>> -> memref<1x2x128xi32, #tpu.memory_space<hbm>>
          %dma_wait3A_357 = tpu.memref_squeeze %dma_wait3A_356 : memref<1x2x128xi32, #tpu.memory_space<hbm>> -> memref<2x128xi32, #tpu.memory_space<hbm>>
          %dma_wait3A_358 = arith.constant 0 : i32
          %dma_wait3A_359 = arith.constant 0 : i32
          %dma_wait3A_360 = tpu.memref_slice %arg3[%add3A_353, %dma_wait3A_358, %dma_wait3A_359] : memref<2560x2x128xi32, #tpu.memory_space<hbm>> -> memref<1x2x128xi32, #tpu.memory_space<hbm>>
          %dma_wait3A_361 = tpu.memref_squeeze %dma_wait3A_360 : memref<1x2x128xi32, #tpu.memory_space<hbm>> -> memref<2x128xi32, #tpu.memory_space<hbm>>
          tpu.wait_dma2 semaphore(%arg23 : memref<!tpu.dma_semaphore, #tpu.memory_space<semaphore_mem>>) src(%dma_wait3A_361 : memref<2x128xi32, #tpu.memory_space<hbm>>) dst(%arg13 : memref<2x128xi32, #tpu.memory_space<vmem>>)
          %ge3A = arith.constant 1 : i32
          %ge3A_362 = arith.cmpi sge, %add3A_290, %ge3A : i32
          %convert_element_type3A_363 = arith.extui %ge3A_362 : i1 to i32
          %cond3A_364 = arith.constant 0 : i32
          %cond3A_365 = arith.cmpi ne, %convert_element_type3A_363, %cond3A_364 : i32
          scf.if %cond3A_365 {
            %dma_wait3A_373 = arith.constant 1 : i32
            %dma_wait3A_374 = arith.constant 0 : i32
            %dma_wait3A_375 = tpu.memref_slice %arg13[%dma_wait3A_373, %dma_wait3A_374] : memref<2x128xi32, #tpu.memory_space<vmem>> -> memref<1x128xi32, #tpu.memory_space<vmem>>
            %dma_wait3A_376 = tpu.memref_squeeze %dma_wait3A_375 : memref<1x128xi32, #tpu.memory_space<vmem>> -> memref<128xi32, #tpu.memory_space<vmem>>
            %dma_wait3A_377 = arith.constant 0 : i32
            %dma_wait3A_378 = arith.constant 0 : i32
            %dma_wait3A_379 = tpu.memref_slice %arg5[%dma_wait3A_377, %dma_wait3A_378] : memref<10240x128xf32, #tpu.memory_space<vmem_shared>> -> memref<10240x128xf32, #tpu.memory_space<vmem_shared>>
            tpu.wait_indirect_dma semaphore(%arg27 : memref<!tpu.dma_semaphore, #tpu.memory_space<semaphore_mem>>) src(%arg15 : memref<128x128xf32, #tpu.memory_space<vmem>>) dst(%dma_wait3A_379 : memref<10240x128xf32, #tpu.memory_space<vmem_shared>>)
          } else {
          }
          %dma_start3A_366 = arith.constant 0 : i32
          %dma_start3A_367 = arith.constant 0 : i32
          %dma_start3A_368 = tpu.memref_slice %arg13[%dma_start3A_366, %dma_start3A_367] : memref<2x128xi32, #tpu.memory_space<vmem>> -> memref<1x128xi32, #tpu.memory_space<vmem>>
          %dma_start3A_369 = tpu.memref_squeeze %dma_start3A_368 : memref<1x128xi32, #tpu.memory_space<vmem>> -> memref<128xi32, #tpu.memory_space<vmem>>
          %dma_start3A_370 = arith.constant 0 : i32
          %dma_start3A_371 = arith.constant 0 : i32
          %dma_start3A_372 = tpu.memref_slice %arg2[%dma_start3A_370, %dma_start3A_371] : memref<10240x128xf32, #tpu.memory_space<hbm>> -> memref<10240x128xf32, #tpu.memory_space<hbm>>
          tpu.enqueue_indirect_dma source(%dma_start3A_372 : memref<10240x128xf32, #tpu.memory_space<hbm>>) target(%arg15 : memref<128x128xf32, #tpu.memory_space<vmem>>) offsets(%dma_start3A_369 : memref<128xi32, #tpu.memory_space<vmem>>) semaphore(%arg25 : memref<!tpu.dma_semaphore, #tpu.memory_space<semaphore_mem>>)
        } else {
        }
        %dma_wait3A_298 = arith.constant 0 : i32
        %dma_wait3A_299 = arith.constant 0 : i32
        %dma_wait3A_300 = tpu.memref_slice %arg12[%dma_wait3A_298, %dma_wait3A_299] : memref<2x128xi32, #tpu.memory_space<vmem>> -> memref<1x128xi32, #tpu.memory_space<vmem>>
        %dma_wait3A_301 = tpu.memref_squeeze %dma_wait3A_300 : memref<1x128xi32, #tpu.memory_space<vmem>> -> memref<128xi32, #tpu.memory_space<vmem>>
        %dma_wait3A_302 = arith.constant 0 : i32
        %dma_wait3A_303 = arith.constant 0 : i32
        %dma_wait3A_304 = tpu.memref_slice %arg2[%dma_wait3A_302, %dma_wait3A_303] : memref<10240x128xf32, #tpu.memory_space<hbm>> -> memref<10240x128xf32, #tpu.memory_space<hbm>>
        tpu.wait_indirect_dma semaphore(%arg24 : memref<!tpu.dma_semaphore, #tpu.memory_space<semaphore_mem>>) src(%dma_wait3A_304 : memref<10240x128xf32, #tpu.memory_space<hbm>>) dst(%arg14 : memref<128x128xf32, #tpu.memory_space<vmem>>)
        %dma_start3A_305 = arith.constant 1 : i32
        %dma_start3A_306 = arith.constant 0 : i32
        %dma_start3A_307 = tpu.memref_slice %arg12[%dma_start3A_305, %dma_start3A_306] : memref<2x128xi32, #tpu.memory_space<vmem>> -> memref<1x128xi32, #tpu.memory_space<vmem>>
        %dma_start3A_308 = tpu.memref_squeeze %dma_start3A_307 : memref<1x128xi32, #tpu.memory_space<vmem>> -> memref<128xi32, #tpu.memory_space<vmem>>
        %dma_start3A_309 = arith.constant 0 : i32
        %dma_start3A_310 = arith.constant 0 : i32
        %dma_start3A_311 = tpu.memref_slice %arg5[%dma_start3A_309, %dma_start3A_310] : memref<10240x128xf32, #tpu.memory_space<vmem_shared>> -> memref<10240x128xf32, #tpu.memory_space<vmem_shared>>
        tpu.enqueue_indirect_dma source(%arg14 : memref<128x128xf32, #tpu.memory_space<vmem>>) target(%dma_start3A_311 : memref<10240x128xf32, #tpu.memory_space<vmem_shared>>) offsets(%dma_start3A_308 : memref<128xi32, #tpu.memory_space<vmem>>) semaphore(%arg26 : memref<!tpu.dma_semaphore, #tpu.memory_space<semaphore_mem>>) {add = true}
        %add3A_312 = arith.constant 6 : i32
        %add3A_313 = arith.addi %add3A_290, %add3A_312 : i32
        %lt3A_314 = arith.constant 160 : i32
        %lt3A_315 = arith.cmpi slt, %add3A_313, %lt3A_314 : i32
        %convert_element_type3A_316 = arith.extui %lt3A_315 : i1 to i32
        %cond3A_317 = arith.constant 0 : i32
        %cond3A_318 = arith.cmpi ne, %convert_element_type3A_316, %cond3A_317 : i32
        scf.if %cond3A_318 {
          %add3A_351 = arith.addi %mul3A_2, %add3A_290 : i32
          %add3A_352 = arith.constant 6 : i32
          %add3A_353 = arith.addi %add3A_351, %add3A_352 : i32
          %dma_start3A_354 = arith.constant 0 : i32
          %dma_start3A_355 = arith.constant 0 : i32
          %dma_start3A_356 = tpu.memref_slice %arg3[%add3A_353, %dma_start3A_354, %dma_start3A_355] : memref<2560x2x128xi32, #tpu.memory_space<hbm>> -> memref<1x2x128xi32, #tpu.memory_space<hbm>>
          %dma_start3A_357 = tpu.memref_squeeze %dma_start3A_356 : memref<1x2x128xi32, #tpu.memory_space<hbm>> -> memref<2x128xi32, #tpu.memory_space<hbm>>
          %dma_start3A_358 = arith.constant 0 : i32
          %dma_start3A_359 = arith.constant 0 : i32
          %dma_start3A_360 = tpu.memref_slice %arg3[%add3A_353, %dma_start3A_358, %dma_start3A_359] : memref<2560x2x128xi32, #tpu.memory_space<hbm>> -> memref<1x2x128xi32, #tpu.memory_space<hbm>>
          %dma_start3A_361 = tpu.memref_squeeze %dma_start3A_360 : memref<1x2x128xi32, #tpu.memory_space<hbm>> -> memref<2x128xi32, #tpu.memory_space<hbm>>
          tpu.enqueue_dma source(%dma_start3A_361 : memref<2x128xi32, #tpu.memory_space<hbm>>) target(%arg10 : memref<2x128xi32, #tpu.memory_space<vmem>>) target_semaphore(%arg20 : memref<!tpu.dma_semaphore, #tpu.memory_space<semaphore_mem>>)
        } else {
        }
        %mul3A_319 = arith.constant 8 : i32
        %mul3A_320 = arith.muli %scan3A_95, %mul3A_319 : i32
        %add3A_321 = arith.constant 7 : i32
        %add3A_322 = arith.addi %mul3A_320, %add3A_321 : i32
        %add3A_323 = arith.constant 1 : i32
        %add3A_324 = arith.addi %add3A_322, %add3A_323 : i32
        %lt3A_325 = arith.constant 160 : i32
        %lt3A_326 = arith.cmpi slt, %add3A_324, %lt3A_325 : i32
        %convert_element_type3A_327 = arith.extui %lt3A_326 : i1 to i32
        %cond3A_328 = arith.constant 0 : i32
        %cond3A_329 = arith.cmpi ne, %convert_element_type3A_327, %cond3A_328 : i32
        scf.if %cond3A_329 {
          %add3A_351 = arith.addi %mul3A_2, %add3A_322 : i32
          %add3A_352 = arith.constant 1 : i32
          %add3A_353 = arith.addi %add3A_351, %add3A_352 : i32
          %dma_wait3A_354 = arith.constant 0 : i32
          %dma_wait3A_355 = arith.constant 0 : i32
          %dma_wait3A_356 = tpu.memref_slice %arg3[%add3A_353, %dma_wait3A_354, %dma_wait3A_355] : memref<2560x2x128xi32, #tpu.memory_space<hbm>> -> memref<1x2x128xi32, #tpu.memory_space<hbm>>
          %dma_wait3A_357 = tpu.memref_squeeze %dma_wait3A_356 : memref<1x2x128xi32, #tpu.memory_space<hbm>> -> memref<2x128xi32, #tpu.memory_space<hbm>>
          %dma_wait3A_358 = arith.constant 0 : i32
          %dma_wait3A_359 = arith.constant 0 : i32
          %dma_wait3A_360 = tpu.memref_slice %arg3[%add3A_353, %dma_wait3A_358, %dma_wait3A_359] : memref<2560x2x128xi32, #tpu.memory_space<hbm>> -> memref<1x2x128xi32, #tpu.memory_space<hbm>>
          %dma_wait3A_361 = tpu.memref_squeeze %dma_wait3A_360 : memref<1x2x128xi32, #tpu.memory_space<hbm>> -> memref<2x128xi32, #tpu.memory_space<hbm>>
          tpu.wait_dma2 semaphore(%arg16 : memref<!tpu.dma_semaphore, #tpu.memory_space<semaphore_mem>>) src(%dma_wait3A_361 : memref<2x128xi32, #tpu.memory_space<hbm>>) dst(%arg6 : memref<2x128xi32, #tpu.memory_space<vmem>>)
          %ge3A = arith.constant 1 : i32
          %ge3A_362 = arith.cmpi sge, %add3A_322, %ge3A : i32
          %convert_element_type3A_363 = arith.extui %ge3A_362 : i1 to i32
          %cond3A_364 = arith.constant 0 : i32
          %cond3A_365 = arith.cmpi ne, %convert_element_type3A_363, %cond3A_364 : i32
          scf.if %cond3A_365 {
            %dma_wait3A_373 = arith.constant 1 : i32
            %dma_wait3A_374 = arith.constant 0 : i32
            %dma_wait3A_375 = tpu.memref_slice %arg6[%dma_wait3A_373, %dma_wait3A_374] : memref<2x128xi32, #tpu.memory_space<vmem>> -> memref<1x128xi32, #tpu.memory_space<vmem>>
            %dma_wait3A_376 = tpu.memref_squeeze %dma_wait3A_375 : memref<1x128xi32, #tpu.memory_space<vmem>> -> memref<128xi32, #tpu.memory_space<vmem>>
            %dma_wait3A_377 = arith.constant 0 : i32
            %dma_wait3A_378 = arith.constant 0 : i32
            %dma_wait3A_379 = tpu.memref_slice %arg5[%dma_wait3A_377, %dma_wait3A_378] : memref<10240x128xf32, #tpu.memory_space<vmem_shared>> -> memref<10240x128xf32, #tpu.memory_space<vmem_shared>>
            tpu.wait_indirect_dma semaphore(%arg26 : memref<!tpu.dma_semaphore, #tpu.memory_space<semaphore_mem>>) src(%arg14 : memref<128x128xf32, #tpu.memory_space<vmem>>) dst(%dma_wait3A_379 : memref<10240x128xf32, #tpu.memory_space<vmem_shared>>)
          } else {
          }
          %dma_start3A_366 = arith.constant 0 : i32
          %dma_start3A_367 = arith.constant 0 : i32
          %dma_start3A_368 = tpu.memref_slice %arg6[%dma_start3A_366, %dma_start3A_367] : memref<2x128xi32, #tpu.memory_space<vmem>> -> memref<1x128xi32, #tpu.memory_space<vmem>>
          %dma_start3A_369 = tpu.memref_squeeze %dma_start3A_368 : memref<1x128xi32, #tpu.memory_space<vmem>> -> memref<128xi32, #tpu.memory_space<vmem>>
          %dma_start3A_370 = arith.constant 0 : i32
          %dma_start3A_371 = arith.constant 0 : i32
          %dma_start3A_372 = tpu.memref_slice %arg2[%dma_start3A_370, %dma_start3A_371] : memref<10240x128xf32, #tpu.memory_space<hbm>> -> memref<10240x128xf32, #tpu.memory_space<hbm>>
          tpu.enqueue_indirect_dma source(%dma_start3A_372 : memref<10240x128xf32, #tpu.memory_space<hbm>>) target(%arg14 : memref<128x128xf32, #tpu.memory_space<vmem>>) offsets(%dma_start3A_369 : memref<128xi32, #tpu.memory_space<vmem>>) semaphore(%arg24 : memref<!tpu.dma_semaphore, #tpu.memory_space<semaphore_mem>>)
        } else {
        }
        %dma_wait3A_330 = arith.constant 0 : i32
        %dma_wait3A_331 = arith.constant 0 : i32
        %dma_wait3A_332 = tpu.memref_slice %arg13[%dma_wait3A_330, %dma_wait3A_331] : memref<2x128xi32, #tpu.memory_space<vmem>> -> memref<1x128xi32, #tpu.memory_space<vmem>>
        %dma_wait3A_333 = tpu.memref_squeeze %dma_wait3A_332 : memref<1x128xi32, #tpu.memory_space<vmem>> -> memref<128xi32, #tpu.memory_space<vmem>>
        %dma_wait3A_334 = arith.constant 0 : i32
        %dma_wait3A_335 = arith.constant 0 : i32
        %dma_wait3A_336 = tpu.memref_slice %arg2[%dma_wait3A_334, %dma_wait3A_335] : memref<10240x128xf32, #tpu.memory_space<hbm>> -> memref<10240x128xf32, #tpu.memory_space<hbm>>
        tpu.wait_indirect_dma semaphore(%arg25 : memref<!tpu.dma_semaphore, #tpu.memory_space<semaphore_mem>>) src(%dma_wait3A_336 : memref<10240x128xf32, #tpu.memory_space<hbm>>) dst(%arg15 : memref<128x128xf32, #tpu.memory_space<vmem>>)
        %dma_start3A_337 = arith.constant 1 : i32
        %dma_start3A_338 = arith.constant 0 : i32
        %dma_start3A_339 = tpu.memref_slice %arg13[%dma_start3A_337, %dma_start3A_338] : memref<2x128xi32, #tpu.memory_space<vmem>> -> memref<1x128xi32, #tpu.memory_space<vmem>>
        %dma_start3A_340 = tpu.memref_squeeze %dma_start3A_339 : memref<1x128xi32, #tpu.memory_space<vmem>> -> memref<128xi32, #tpu.memory_space<vmem>>
        %dma_start3A_341 = arith.constant 0 : i32
        %dma_start3A_342 = arith.constant 0 : i32
        %dma_start3A_343 = tpu.memref_slice %arg5[%dma_start3A_341, %dma_start3A_342] : memref<10240x128xf32, #tpu.memory_space<vmem_shared>> -> memref<10240x128xf32, #tpu.memory_space<vmem_shared>>
        tpu.enqueue_indirect_dma source(%arg15 : memref<128x128xf32, #tpu.memory_space<vmem>>) target(%dma_start3A_343 : memref<10240x128xf32, #tpu.memory_space<vmem_shared>>) offsets(%dma_start3A_340 : memref<128xi32, #tpu.memory_space<vmem>>) semaphore(%arg27 : memref<!tpu.dma_semaphore, #tpu.memory_space<semaphore_mem>>) {add = true}
        %add3A_344 = arith.constant 6 : i32
        %add3A_345 = arith.addi %add3A_322, %add3A_344 : i32
        %lt3A_346 = arith.constant 160 : i32
        %lt3A_347 = arith.cmpi slt, %add3A_345, %lt3A_346 : i32
        %convert_element_type3A_348 = arith.extui %lt3A_347 : i1 to i32
        %cond3A_349 = arith.constant 0 : i32
        %cond3A_350 = arith.cmpi ne, %convert_element_type3A_348, %cond3A_349 : i32
        scf.if %cond3A_350 {
          %add3A_351 = arith.addi %mul3A_2, %add3A_322 : i32
          %add3A_352 = arith.constant 6 : i32
          %add3A_353 = arith.addi %add3A_351, %add3A_352 : i32
          %dma_start3A_354 = arith.constant 0 : i32
          %dma_start3A_355 = arith.constant 0 : i32
          %dma_start3A_356 = tpu.memref_slice %arg3[%add3A_353, %dma_start3A_354, %dma_start3A_355] : memref<2560x2x128xi32, #tpu.memory_space<hbm>> -> memref<1x2x128xi32, #tpu.memory_space<hbm>>
          %dma_start3A_357 = tpu.memref_squeeze %dma_start3A_356 : memref<1x2x128xi32, #tpu.memory_space<hbm>> -> memref<2x128xi32, #tpu.memory_space<hbm>>
          %dma_start3A_358 = arith.constant 0 : i32
          %dma_start3A_359 = arith.constant 0 : i32
          %dma_start3A_360 = tpu.memref_slice %arg3[%add3A_353, %dma_start3A_358, %dma_start3A_359] : memref<2560x2x128xi32, #tpu.memory_space<hbm>> -> memref<1x2x128xi32, #tpu.memory_space<hbm>>
          %dma_start3A_361 = tpu.memref_squeeze %dma_start3A_360 : memref<1x2x128xi32, #tpu.memory_space<hbm>> -> memref<2x128xi32, #tpu.memory_space<hbm>>
          tpu.enqueue_dma source(%dma_start3A_361 : memref<2x128xi32, #tpu.memory_space<hbm>>) target(%arg11 : memref<2x128xi32, #tpu.memory_space<vmem>>) target_semaphore(%arg21 : memref<!tpu.dma_semaphore, #tpu.memory_space<semaphore_mem>>)
        } else {
        }
      }
      %scan3A_80 = arith.constant 20 : i32
      %dma_wait3A = arith.constant 1 : i32
      %dma_wait3A_81 = arith.constant 0 : i32
      %dma_wait3A_82 = tpu.memref_slice %arg6[%dma_wait3A, %dma_wait3A_81] : memref<2x128xi32, #tpu.memory_space<vmem>> -> memref<1x128xi32, #tpu.memory_space<vmem>>
      %dma_wait3A_83 = tpu.memref_squeeze %dma_wait3A_82 : memref<1x128xi32, #tpu.memory_space<vmem>> -> memref<128xi32, #tpu.memory_space<vmem>>
      %dma_wait3A_84 = arith.constant 0 : i32
      %dma_wait3A_85 = arith.constant 0 : i32
      %dma_wait3A_86 = tpu.memref_slice %arg5[%dma_wait3A_84, %dma_wait3A_85] : memref<10240x128xf32, #tpu.memory_space<vmem_shared>> -> memref<10240x128xf32, #tpu.memory_space<vmem_shared>>
      tpu.wait_indirect_dma semaphore(%arg26 : memref<!tpu.dma_semaphore, #tpu.memory_space<semaphore_mem>>) src(%arg14 : memref<128x128xf32, #tpu.memory_space<vmem>>) dst(%dma_wait3A_86 : memref<10240x128xf32, #tpu.memory_space<vmem_shared>>)
      %dma_wait3A_87 = arith.constant 1 : i32
      %dma_wait3A_88 = arith.constant 0 : i32
      %dma_wait3A_89 = tpu.memref_slice %arg7[%dma_wait3A_87, %dma_wait3A_88] : memref<2x128xi32, #tpu.memory_space<vmem>> -> memref<1x128xi32, #tpu.memory_space<vmem>>
      %dma_wait3A_90 = tpu.memref_squeeze %dma_wait3A_89 : memref<1x128xi32, #tpu.memory_space<vmem>> -> memref<128xi32, #tpu.memory_space<vmem>>
      %dma_wait3A_91 = arith.constant 0 : i32
      %dma_wait3A_92 = arith.constant 0 : i32
      %dma_wait3A_93 = tpu.memref_slice %arg5[%dma_wait3A_91, %dma_wait3A_92] : memref<10240x128xf32, #tpu.memory_space<vmem_shared>> -> memref<10240x128xf32, #tpu.memory_space<vmem_shared>>
      tpu.wait_indirect_dma semaphore(%arg27 : memref<!tpu.dma_semaphore, #tpu.memory_space<semaphore_mem>>) src(%arg15 : memref<128x128xf32, #tpu.memory_space<vmem>>) dst(%dma_wait3A_93 : memref<10240x128xf32, #tpu.memory_space<vmem_shared>>)
      %barrier3A_94 = arith.constant 0 : index
      tpu.barrier barrier_id(%barrier3A_94)
      "tpu.region"() ({
        %run_scoped3A = tpu.sem_alloc : memref<!tpu.dma_semaphore, #tpu.memory_space<semaphore_mem>>
        %dma_start3A_95 = arith.constant 0 : i32
        %dma_start3A_96 = tpu.memref_slice %arg4[%mul3A_9, %dma_start3A_95] : memref<10240x128xf32, #tpu.memory_space<hbm>> -> memref<640x128xf32, #tpu.memory_space<hbm>>
        %dma_start3A_97 = arith.constant 0 : i32
        %dma_start3A_98 = tpu.memref_slice %arg5[%mul3A_9, %dma_start3A_97] : memref<10240x128xf32, #tpu.memory_space<vmem_shared>> -> memref<640x128xf32, #tpu.memory_space<vmem_shared>>
        tpu.enqueue_dma source(%dma_start3A_98 : memref<640x128xf32, #tpu.memory_space<vmem_shared>>) target(%dma_start3A_96 : memref<640x128xf32, #tpu.memory_space<hbm>>) target_semaphore(%run_scoped3A : memref<!tpu.dma_semaphore, #tpu.memory_space<semaphore_mem>>)
        %dma_wait3A_99 = arith.constant 0 : i32
        %dma_wait3A_100 = tpu.memref_slice %arg4[%mul3A_9, %dma_wait3A_99] : memref<10240x128xf32, #tpu.memory_space<hbm>> -> memref<640x128xf32, #tpu.memory_space<hbm>>
        %dma_wait3A_101 = arith.constant 0 : i32
        %dma_wait3A_102 = tpu.memref_slice %arg5[%mul3A_9, %dma_wait3A_101] : memref<10240x128xf32, #tpu.memory_space<vmem_shared>> -> memref<640x128xf32, #tpu.memory_space<vmem_shared>>
        tpu.wait_dma2 semaphore(%run_scoped3A : memref<!tpu.dma_semaphore, #tpu.memory_space<semaphore_mem>>) src(%dma_wait3A_102 : memref<640x128xf32, #tpu.memory_space<vmem_shared>>) dst(%dma_wait3A_100 : memref<640x128xf32, #tpu.memory_space<hbm>>)
        tpu.yield
      }) : () -> ()
    } else {
    }
    return
  }
}

#map = affine_map<(d0, d1) -> (0, 0)>
#map1 = affine_map<(d0, d1) -> (0, 0, 0)>
module attributes {stable_mosaic.version = 14 : i64} {
  func.func @_agg_kernel(%arg0: i32, %arg1: i32, %arg2: memref<10240x128xf32, #tpu.memory_space<hbm>>, %arg3: memref<2560x2x128xi32, #tpu.memory_space<hbm>>, %arg4: memref<10240x128xf32, #tpu.memory_space<hbm>>, %arg5: memref<10240x128xf32, #tpu.memory_space<vmem_shared>>, %arg6: memref<2x128xi32, #tpu.memory_space<vmem>>, %arg7: memref<2x128xi32, #tpu.memory_space<vmem>>, %arg8: memref<2x128xi32, #tpu.memory_space<vmem>>, %arg9: memref<2x128xi32, #tpu.memory_space<vmem>>, %arg10: memref<2x128xi32, #tpu.memory_space<vmem>>, %arg11: memref<2x128xi32, #tpu.memory_space<vmem>>, %arg12: memref<2x128xi32, #tpu.memory_space<vmem>>, %arg13: memref<2x128xi32, #tpu.memory_space<vmem>>, %arg14: memref<128x128xf32, #tpu.memory_space<vmem>>, %arg15: memref<128x128xf32, #tpu.memory_space<vmem>>, %arg16: memref<!tpu.dma_semaphore, #tpu.memory_space<semaphore_mem>>, %arg17: memref<!tpu.dma_semaphore, #tpu.memory_space<semaphore_mem>>, %arg18: memref<!tpu.dma_semaphore, #tpu.memory_space<semaphore_mem>>, %arg19: memref<!tpu.dma_semaphore, #tpu.memory_space<semaphore_mem>>, %arg20: memref<!tpu.dma_semaphore, #tpu.memory_space<semaphore_mem>>, %arg21: memref<!tpu.dma_semaphore, #tpu.memory_space<semaphore_mem>>, %arg22: memref<!tpu.dma_semaphore, #tpu.memory_space<semaphore_mem>>, %arg23: memref<!tpu.dma_semaphore, #tpu.memory_space<semaphore_mem>>, %arg24: memref<!tpu.dma_semaphore, #tpu.memory_space<semaphore_mem>>, %arg25: memref<!tpu.dma_semaphore, #tpu.memory_space<semaphore_mem>>, %arg26: memref<!tpu.dma_semaphore, #tpu.memory_space<semaphore_mem>>, %arg27: memref<!tpu.dma_semaphore, #tpu.memory_space<semaphore_mem>>) attributes {dimension_semantics = [#tpu.dimension_semantics<core_parallel>, #tpu.dimension_semantics<subcore_parallel>], iteration_bounds = array<i64: 2, 16>, scalar_prefetch = 0 : i64, scratch_operands = 23 : i64, tpu.core_type = #tpu.core_type<sc_vector_subcore>, window_params = [{transform_indices = #map}, {transform_indices = #map1}, {transform_indices = #map}]} {
    %eq3A = arith.constant 0 : i32
    %eq3A_0 = arith.cmpi eq, %arg0, %eq3A : i32
    %convert_element_type3A = arith.extui %eq3A_0 : i1 to i32
    %cond3A = arith.constant 0 : i32
    %cond3A_1 = arith.cmpi ne, %convert_element_type3A, %cond3A : i32
    scf.if %cond3A_1 {
      %mul3A = arith.constant 160 : i32
      %mul3A_2 = arith.muli %arg1, %mul3A : i32
      %scan3A = arith.constant 0 : i32
      %scan3A_3 = arith.constant 0 : i32
      %scan3A_4 = arith.constant 1024 : i32
      %scan3A_5 = arith.addi %scan3A_3, %scan3A_4 : i32
      %scan3A_6 = arith.constant 1 : i32
      scf.for %scan3A_95 = %scan3A_3 to %scan3A_5 step %scan3A_6  : i32 {
        %broadcast_in_dim3A = arith.constant 0.000000e+00 : f32
        %broadcast_in_dim3A_96 = vector.broadcast %broadcast_in_dim3A : f32 to vector<16xf32>
        %jit3A = arith.constant 8 : i32
        %div3A = arith.divsi %scan3A_95, %jit3A : i32
        %sign3A = arith.constant 0 : i32
        %sign3A_97 = arith.cmpi sgt, %scan3A_95, %sign3A : i32
        %sign3A_98 = arith.extui %sign3A_97 : i1 to i32
        %sign3A_99 = arith.constant 0 : i32
        %sign3A_100 = arith.cmpi slt, %scan3A_95, %sign3A_99 : i32
        %sign3A_101 = arith.extui %sign3A_100 : i1 to i32
        %sign3A_102 = arith.subi %sign3A_98, %sign3A_101 : i32
        %sign3A_103 = arith.constant 0 : i32
        %sign3A_104 = arith.cmpi sgt, %jit3A, %sign3A_103 : i32
        %sign3A_105 = arith.extui %sign3A_104 : i1 to i32
        %sign3A_106 = arith.constant 0 : i32
        %sign3A_107 = arith.cmpi slt, %jit3A, %sign3A_106 : i32
        %sign3A_108 = arith.extui %sign3A_107 : i1 to i32
        %sign3A_109 = arith.subi %sign3A_105, %sign3A_108 : i32
        %ne3A = arith.cmpi ne, %sign3A_102, %sign3A_109 : i32
        %rem3A = arith.remsi %scan3A_95, %jit3A : i32
        %ne3A_110 = arith.constant 0 : i32
        %ne3A_111 = arith.cmpi ne, %rem3A, %ne3A_110 : i32
        %and3A = arith.andi %ne3A, %ne3A_111 : i1
        %sub3A = arith.constant 1 : i32
        %sub3A_112 = arith.subi %div3A, %sub3A : i32
        %select_n3A = arith.select %and3A, %sub3A_112, %div3A : i32
        %jit3A_113 = arith.constant 8 : i32
        %eq3A_114 = arith.constant 0 : i32
        %eq3A_115 = arith.cmpi eq, %jit3A_113, %eq3A_114 : i32
        %jit3A_116 = arith.constant 1 : i32
        %select_n3A_117 = arith.select %eq3A_115, %jit3A_116, %jit3A_113 : i32
        %rem3A_118 = arith.remsi %scan3A_95, %select_n3A_117 : i32
        %ne3A_119 = arith.constant 0 : i32
        %ne3A_120 = arith.cmpi ne, %rem3A_118, %ne3A_119 : i32
        %lt3A = arith.constant 0 : i32
        %lt3A_121 = arith.cmpi slt, %rem3A_118, %lt3A : i32
        %lt3A_122 = arith.constant 0 : i32
        %lt3A_123 = arith.cmpi slt, %select_n3A_117, %lt3A_122 : i32
        %ne3A_124 = arith.xori %lt3A_121, %lt3A_123 : i1
        %and3A_125 = arith.andi %ne3A_124, %ne3A_120 : i1
        %add3A_126 = arith.addi %rem3A_118, %select_n3A_117 : i32
        %select_n3A_127 = arith.select %and3A_125, %add3A_126, %rem3A_118 : i32
        %mul3A_128 = arith.constant 16 : i32
        %mul3A_129 = arith.muli %select_n3A_127, %mul3A_128 : i32
        %swap3A = arith.index_cast %select_n3A : i32 to index
        %swap3A_130 = arith.index_cast %mul3A_129 : i32 to index
        %swap3A_131 = tpu.vector_load %arg14[%swap3A, %swap3A_130] {strides = array<i32>} : memref<128x128xf32, #tpu.memory_space<vmem>>, vector<1x16xf32>,
        %swap3A_132 = vector.shape_cast %swap3A_131 : vector<1x16xf32> to vector<16xf32>
        %swap3A_133 = vector.shape_cast %broadcast_in_dim3A_96 : vector<16xf32> to vector<1x16xf32>
        tpu.vector_store %arg14[%swap3A, %swap3A_130], %swap3A_133 {strides = array<i32>} : memref<128x128xf32, #tpu.memory_space<vmem>>, vector<1x16xf32>,
      }
      %scan3A_7 = arith.constant 1024 : i32
      %mul3A_8 = arith.constant 640 : i32
      %mul3A_9 = arith.muli %arg1, %mul3A_8 : i32
      %add3A = arith.constant 0 : i32
      %add3A_10 = arith.addi %mul3A_9, %add3A : i32
      "tpu.region"() ({
        %run_scoped3A = tpu.sem_alloc : memref<!tpu.dma_semaphore, #tpu.memory_space<semaphore_mem>>
        %dma_start3A_95 = arith.constant 0 : i32
        %dma_start3A_96 = tpu.memref_slice %arg5[%add3A_10, %dma_start3A_95] : memref<10240x128xf32, #tpu.memory_space<vmem_shared>> -> memref<128x128xf32, #tpu.memory_space<vmem_shared>>
        %dma_start3A_97 = arith.constant 0 : i32
        %dma_start3A_98 = tpu.memref_slice %arg5[%add3A_10, %dma_start3A_97] : memref<10240x128xf32, #tpu.memory_space<vmem_shared>> -> memref<128x128xf32, #tpu.memory_space<vmem_shared>>
        tpu.enqueue_dma source(%arg14 : memref<128x128xf32, #tpu.memory_space<vmem>>) target(%dma_start3A_98 : memref<128x128xf32, #tpu.memory_space<vmem_shared>>) target_semaphore(%run_scoped3A : memref<!tpu.dma_semaphore, #tpu.memory_space<semaphore_mem>>)
        %dma_wait3A_99 = arith.constant 0 : i32
        %dma_wait3A_100 = tpu.memref_slice %arg5[%add3A_10, %dma_wait3A_99] : memref<10240x128xf32, #tpu.memory_space<vmem_shared>> -> memref<128x128xf32, #tpu.memory_space<vmem_shared>>
        %dma_wait3A_101 = arith.constant 0 : i32
        %dma_wait3A_102 = tpu.memref_slice %arg5[%add3A_10, %dma_wait3A_101] : memref<10240x128xf32, #tpu.memory_space<vmem_shared>> -> memref<128x128xf32, #tpu.memory_space<vmem_shared>>
        tpu.wait_dma2 semaphore(%run_scoped3A : memref<!tpu.dma_semaphore, #tpu.memory_space<semaphore_mem>>) src(%arg14 : memref<128x128xf32, #tpu.memory_space<vmem>>) dst(%dma_wait3A_102 : memref<128x128xf32, #tpu.memory_space<vmem_shared>>)
        tpu.yield
      }) : () -> ()
      %add3A_11 = arith.constant 128 : i32
      %add3A_12 = arith.addi %mul3A_9, %add3A_11 : i32
      "tpu.region"() ({
        %run_scoped3A = tpu.sem_alloc : memref<!tpu.dma_semaphore, #tpu.memory_space<semaphore_mem>>
        %dma_start3A_95 = arith.constant 0 : i32
        %dma_start3A_96 = tpu.memref_slice %arg5[%add3A_12, %dma_start3A_95] : memref<10240x128xf32, #tpu.memory_space<vmem_shared>> -> memref<128x128xf32, #tpu.memory_space<vmem_shared>>
        %dma_start3A_97 = arith.constant 0 : i32
        %dma_start3A_98 = tpu.memref_slice %arg5[%add3A_12, %dma_start3A_97] : memref<10240x128xf32, #tpu.memory_space<vmem_shared>> -> memref<128x128xf32, #tpu.memory_space<vmem_shared>>
        tpu.enqueue_dma source(%arg14 : memref<128x128xf32, #tpu.memory_space<vmem>>) target(%dma_start3A_98 : memref<128x128xf32, #tpu.memory_space<vmem_shared>>) target_semaphore(%run_scoped3A : memref<!tpu.dma_semaphore, #tpu.memory_space<semaphore_mem>>)
        %dma_wait3A_99 = arith.constant 0 : i32
        %dma_wait3A_100 = tpu.memref_slice %arg5[%add3A_12, %dma_wait3A_99] : memref<10240x128xf32, #tpu.memory_space<vmem_shared>> -> memref<128x128xf32, #tpu.memory_space<vmem_shared>>
        %dma_wait3A_101 = arith.constant 0 : i32
        %dma_wait3A_102 = tpu.memref_slice %arg5[%add3A_12, %dma_wait3A_101] : memref<10240x128xf32, #tpu.memory_space<vmem_shared>> -> memref<128x128xf32, #tpu.memory_space<vmem_shared>>
        tpu.wait_dma2 semaphore(%run_scoped3A : memref<!tpu.dma_semaphore, #tpu.memory_space<semaphore_mem>>) src(%arg14 : memref<128x128xf32, #tpu.memory_space<vmem>>) dst(%dma_wait3A_102 : memref<128x128xf32, #tpu.memory_space<vmem_shared>>)
        tpu.yield
      }) : () -> ()
      %add3A_13 = arith.constant 256 : i32
      %add3A_14 = arith.addi %mul3A_9, %add3A_13 : i32
      "tpu.region"() ({
        %run_scoped3A = tpu.sem_alloc : memref<!tpu.dma_semaphore, #tpu.memory_space<semaphore_mem>>
        %dma_start3A_95 = arith.constant 0 : i32
        %dma_start3A_96 = tpu.memref_slice %arg5[%add3A_14, %dma_start3A_95] : memref<10240x128xf32, #tpu.memory_space<vmem_shared>> -> memref<128x128xf32, #tpu.memory_space<vmem_shared>>
        %dma_start3A_97 = arith.constant 0 : i32
        %dma_start3A_98 = tpu.memref_slice %arg5[%add3A_14, %dma_start3A_97] : memref<10240x128xf32, #tpu.memory_space<vmem_shared>> -> memref<128x128xf32, #tpu.memory_space<vmem_shared>>
        tpu.enqueue_dma source(%arg14 : memref<128x128xf32, #tpu.memory_space<vmem>>) target(%dma_start3A_98 : memref<128x128xf32, #tpu.memory_space<vmem_shared>>) target_semaphore(%run_scoped3A : memref<!tpu.dma_semaphore, #tpu.memory_space<semaphore_mem>>)
        %dma_wait3A_99 = arith.constant 0 : i32
        %dma_wait3A_100 = tpu.memref_slice %arg5[%add3A_14, %dma_wait3A_99] : memref<10240x128xf32, #tpu.memory_space<vmem_shared>> -> memref<128x128xf32, #tpu.memory_space<vmem_shared>>
        %dma_wait3A_101 = arith.constant 0 : i32
        %dma_wait3A_102 = tpu.memref_slice %arg5[%add3A_14, %dma_wait3A_101] : memref<10240x128xf32, #tpu.memory_space<vmem_shared>> -> memref<128x128xf32, #tpu.memory_space<vmem_shared>>
        tpu.wait_dma2 semaphore(%run_scoped3A : memref<!tpu.dma_semaphore, #tpu.memory_space<semaphore_mem>>) src(%arg14 : memref<128x128xf32, #tpu.memory_space<vmem>>) dst(%dma_wait3A_102 : memref<128x128xf32, #tpu.memory_space<vmem_shared>>)
        tpu.yield
      }) : () -> ()
      %add3A_15 = arith.constant 384 : i32
      %add3A_16 = arith.addi %mul3A_9, %add3A_15 : i32
      "tpu.region"() ({
        %run_scoped3A = tpu.sem_alloc : memref<!tpu.dma_semaphore, #tpu.memory_space<semaphore_mem>>
        %dma_start3A_95 = arith.constant 0 : i32
        %dma_start3A_96 = tpu.memref_slice %arg5[%add3A_16, %dma_start3A_95] : memref<10240x128xf32, #tpu.memory_space<vmem_shared>> -> memref<128x128xf32, #tpu.memory_space<vmem_shared>>
        %dma_start3A_97 = arith.constant 0 : i32
        %dma_start3A_98 = tpu.memref_slice %arg5[%add3A_16, %dma_start3A_97] : memref<10240x128xf32, #tpu.memory_space<vmem_shared>> -> memref<128x128xf32, #tpu.memory_space<vmem_shared>>
        tpu.enqueue_dma source(%arg14 : memref<128x128xf32, #tpu.memory_space<vmem>>) target(%dma_start3A_98 : memref<128x128xf32, #tpu.memory_space<vmem_shared>>) target_semaphore(%run_scoped3A : memref<!tpu.dma_semaphore, #tpu.memory_space<semaphore_mem>>)
        %dma_wait3A_99 = arith.constant 0 : i32
        %dma_wait3A_100 = tpu.memref_slice %arg5[%add3A_16, %dma_wait3A_99] : memref<10240x128xf32, #tpu.memory_space<vmem_shared>> -> memref<128x128xf32, #tpu.memory_space<vmem_shared>>
        %dma_wait3A_101 = arith.constant 0 : i32
        %dma_wait3A_102 = tpu.memref_slice %arg5[%add3A_16, %dma_wait3A_101] : memref<10240x128xf32, #tpu.memory_space<vmem_shared>> -> memref<128x128xf32, #tpu.memory_space<vmem_shared>>
        tpu.wait_dma2 semaphore(%run_scoped3A : memref<!tpu.dma_semaphore, #tpu.memory_space<semaphore_mem>>) src(%arg14 : memref<128x128xf32, #tpu.memory_space<vmem>>) dst(%dma_wait3A_102 : memref<128x128xf32, #tpu.memory_space<vmem_shared>>)
        tpu.yield
      }) : () -> ()
      %add3A_17 = arith.constant 512 : i32
      %add3A_18 = arith.addi %mul3A_9, %add3A_17 : i32
      "tpu.region"() ({
        %run_scoped3A = tpu.sem_alloc : memref<!tpu.dma_semaphore, #tpu.memory_space<semaphore_mem>>
        %dma_start3A_95 = arith.constant 0 : i32
        %dma_start3A_96 = tpu.memref_slice %arg5[%add3A_18, %dma_start3A_95] : memref<10240x128xf32, #tpu.memory_space<vmem_shared>> -> memref<128x128xf32, #tpu.memory_space<vmem_shared>>
        %dma_start3A_97 = arith.constant 0 : i32
        %dma_start3A_98 = tpu.memref_slice %arg5[%add3A_18, %dma_start3A_97] : memref<10240x128xf32, #tpu.memory_space<vmem_shared>> -> memref<128x128xf32, #tpu.memory_space<vmem_shared>>
        tpu.enqueue_dma source(%arg14 : memref<128x128xf32, #tpu.memory_space<vmem>>) target(%dma_start3A_98 : memref<128x128xf32, #tpu.memory_space<vmem_shared>>) target_semaphore(%run_scoped3A : memref<!tpu.dma_semaphore, #tpu.memory_space<semaphore_mem>>)
        %dma_wait3A_99 = arith.constant 0 : i32
        %dma_wait3A_100 = tpu.memref_slice %arg5[%add3A_18, %dma_wait3A_99] : memref<10240x128xf32, #tpu.memory_space<vmem_shared>> -> memref<128x128xf32, #tpu.memory_space<vmem_shared>>
        %dma_wait3A_101 = arith.constant 0 : i32
        %dma_wait3A_102 = tpu.memref_slice %arg5[%add3A_18, %dma_wait3A_101] : memref<10240x128xf32, #tpu.memory_space<vmem_shared>> -> memref<128x128xf32, #tpu.memory_space<vmem_shared>>
        tpu.wait_dma2 semaphore(%run_scoped3A : memref<!tpu.dma_semaphore, #tpu.memory_space<semaphore_mem>>) src(%arg14 : memref<128x128xf32, #tpu.memory_space<vmem>>) dst(%dma_wait3A_102 : memref<128x128xf32, #tpu.memory_space<vmem_shared>>)
        tpu.yield
      }) : () -> ()
      %barrier3A = arith.constant 0 : index
      tpu.barrier barrier_id(%barrier3A)
      "tpu.region"() ({
        %run_scoped3A = tpu.sem_alloc : memref<!tpu.dma_semaphore, #tpu.memory_space<semaphore_mem>>
        %dma_start3A_95 = arith.constant 0 : i32
        %dma_start3A_96 = arith.constant 0 : i32
        %dma_start3A_97 = tpu.memref_slice %arg3[%mul3A_2, %dma_start3A_95, %dma_start3A_96] : memref<2560x2x128xi32, #tpu.memory_space<hbm>> -> memref<1x2x128xi32, #tpu.memory_space<hbm>>
        %dma_start3A_98 = tpu.memref_squeeze %dma_start3A_97 : memref<1x2x128xi32, #tpu.memory_space<hbm>> -> memref<2x128xi32, #tpu.memory_space<hbm>>
        %dma_start3A_99 = arith.constant 0 : i32
        %dma_start3A_100 = arith.constant 0 : i32
        %dma_start3A_101 = tpu.memref_slice %arg3[%mul3A_2, %dma_start3A_99, %dma_start3A_100] : memref<2560x2x128xi32, #tpu.memory_space<hbm>> -> memref<1x2x128xi32, #tpu.memory_space<hbm>>
        %dma_start3A_102 = tpu.memref_squeeze %dma_start3A_101 : memref<1x2x128xi32, #tpu.memory_space<hbm>> -> memref<2x128xi32, #tpu.memory_space<hbm>>
        tpu.enqueue_dma source(%dma_start3A_102 : memref<2x128xi32, #tpu.memory_space<hbm>>) target(%arg6 : memref<2x128xi32, #tpu.memory_space<vmem>>) target_semaphore(%run_scoped3A : memref<!tpu.dma_semaphore, #tpu.memory_space<semaphore_mem>>)
        %dma_wait3A_103 = arith.constant 0 : i32
        %dma_wait3A_104 = arith.constant 0 : i32
        %dma_wait3A_105 = tpu.memref_slice %arg3[%mul3A_2, %dma_wait3A_103, %dma_wait3A_104] : memref<2560x2x128xi32, #tpu.memory_space<hbm>> -> memref<1x2x128xi32, #tpu.memory_space<hbm>>
        %dma_wait3A_106 = tpu.memref_squeeze %dma_wait3A_105 : memref<1x2x128xi32, #tpu.memory_space<hbm>> -> memref<2x128xi32, #tpu.memory_space<hbm>>
        %dma_wait3A_107 = arith.constant 0 : i32
        %dma_wait3A_108 = arith.constant 0 : i32
        %dma_wait3A_109 = tpu.memref_slice %arg3[%mul3A_2, %dma_wait3A_107, %dma_wait3A_108] : memref<2560x2x128xi32, #tpu.memory_space<hbm>> -> memref<1x2x128xi32, #tpu.memory_space<hbm>>
        %dma_wait3A_110 = tpu.memref_squeeze %dma_wait3A_109 : memref<1x2x128xi32, #tpu.memory_space<hbm>> -> memref<2x128xi32, #tpu.memory_space<hbm>>
        tpu.wait_dma2 semaphore(%run_scoped3A : memref<!tpu.dma_semaphore, #tpu.memory_space<semaphore_mem>>) src(%dma_wait3A_110 : memref<2x128xi32, #tpu.memory_space<hbm>>) dst(%arg6 : memref<2x128xi32, #tpu.memory_space<vmem>>)
        tpu.yield
      }) : () -> ()
      %add3A_19 = arith.constant 1 : i32
      %add3A_20 = arith.addi %mul3A_2, %add3A_19 : i32
      %dma_start3A = arith.constant 0 : i32
      %dma_start3A_21 = arith.constant 0 : i32
      %dma_start3A_22 = tpu.memref_slice %arg3[%add3A_20, %dma_start3A, %dma_start3A_21] : memref<2560x2x128xi32, #tpu.memory_space<hbm>> -> memref<1x2x128xi32, #tpu.memory_space<hbm>>
      %dma_start3A_23 = tpu.memref_squeeze %dma_start3A_22 : memref<1x2x128xi32, #tpu.memory_space<hbm>> -> memref<2x128xi32, #tpu.memory_space<hbm>>
      %dma_start3A_24 = arith.constant 0 : i32
      %dma_start3A_25 = arith.constant 0 : i32
      %dma_start3A_26 = tpu.memref_slice %arg3[%add3A_20, %dma_start3A_24, %dma_start3A_25] : memref<2560x2x128xi32, #tpu.memory_space<hbm>> -> memref<1x2x128xi32, #tpu.memory_space<hbm>>
      %dma_start3A_27 = tpu.memref_squeeze %dma_start3A_26 : memref<1x2x128xi32, #tpu.memory_space<hbm>> -> memref<2x128xi32, #tpu.memory_space<hbm>>
      tpu.enqueue_dma source(%dma_start3A_27 : memref<2x128xi32, #tpu.memory_space<hbm>>) target(%arg7 : memref<2x128xi32, #tpu.memory_space<vmem>>) target_semaphore(%arg17 : memref<!tpu.dma_semaphore, #tpu.memory_space<semaphore_mem>>)
      %add3A_28 = arith.constant 2 : i32
      %add3A_29 = arith.addi %mul3A_2, %add3A_28 : i32
      %dma_start3A_30 = arith.constant 0 : i32
      %dma_start3A_31 = arith.constant 0 : i32
      %dma_start3A_32 = tpu.memref_slice %arg3[%add3A_29, %dma_start3A_30, %dma_start3A_31] : memref<2560x2x128xi32, #tpu.memory_space<hbm>> -> memref<1x2x128xi32, #tpu.memory_space<hbm>>
      %dma_start3A_33 = tpu.memref_squeeze %dma_start3A_32 : memref<1x2x128xi32, #tpu.memory_space<hbm>> -> memref<2x128xi32, #tpu.memory_space<hbm>>
      %dma_start3A_34 = arith.constant 0 : i32
      %dma_start3A_35 = arith.constant 0 : i32
      %dma_start3A_36 = tpu.memref_slice %arg3[%add3A_29, %dma_start3A_34, %dma_start3A_35] : memref<2560x2x128xi32, #tpu.memory_space<hbm>> -> memref<1x2x128xi32, #tpu.memory_space<hbm>>
      %dma_start3A_37 = tpu.memref_squeeze %dma_start3A_36 : memref<1x2x128xi32, #tpu.memory_space<hbm>> -> memref<2x128xi32, #tpu.memory_space<hbm>>
      tpu.enqueue_dma source(%dma_start3A_37 : memref<2x128xi32, #tpu.memory_space<hbm>>) target(%arg8 : memref<2x128xi32, #tpu.memory_space<vmem>>) target_semaphore(%arg18 : memref<!tpu.dma_semaphore, #tpu.memory_space<semaphore_mem>>)
      %add3A_38 = arith.constant 3 : i32
      %add3A_39 = arith.addi %mul3A_2, %add3A_38 : i32
      %dma_start3A_40 = arith.constant 0 : i32
      %dma_start3A_41 = arith.constant 0 : i32
      %dma_start3A_42 = tpu.memref_slice %arg3[%add3A_39, %dma_start3A_40, %dma_start3A_41] : memref<2560x2x128xi32, #tpu.memory_space<hbm>> -> memref<1x2x128xi32, #tpu.memory_space<hbm>>
      %dma_start3A_43 = tpu.memref_squeeze %dma_start3A_42 : memref<1x2x128xi32, #tpu.memory_space<hbm>> -> memref<2x128xi32, #tpu.memory_space<hbm>>
      %dma_start3A_44 = arith.constant 0 : i32
      %dma_start3A_45 = arith.constant 0 : i32
      %dma_start3A_46 = tpu.memref_slice %arg3[%add3A_39, %dma_start3A_44, %dma_start3A_45] : memref<2560x2x128xi32, #tpu.memory_space<hbm>> -> memref<1x2x128xi32, #tpu.memory_space<hbm>>
      %dma_start3A_47 = tpu.memref_squeeze %dma_start3A_46 : memref<1x2x128xi32, #tpu.memory_space<hbm>> -> memref<2x128xi32, #tpu.memory_space<hbm>>
      tpu.enqueue_dma source(%dma_start3A_47 : memref<2x128xi32, #tpu.memory_space<hbm>>) target(%arg9 : memref<2x128xi32, #tpu.memory_space<vmem>>) target_semaphore(%arg19 : memref<!tpu.dma_semaphore, #tpu.memory_space<semaphore_mem>>)
      %add3A_48 = arith.constant 4 : i32
      %add3A_49 = arith.addi %mul3A_2, %add3A_48 : i32
      %dma_start3A_50 = arith.constant 0 : i32
      %dma_start3A_51 = arith.constant 0 : i32
      %dma_start3A_52 = tpu.memref_slice %arg3[%add3A_49, %dma_start3A_50, %dma_start3A_51] : memref<2560x2x128xi32, #tpu.memory_space<hbm>> -> memref<1x2x128xi32, #tpu.memory_space<hbm>>
      %dma_start3A_53 = tpu.memref_squeeze %dma_start3A_52 : memref<1x2x128xi32, #tpu.memory_space<hbm>> -> memref<2x128xi32, #tpu.memory_space<hbm>>
      %dma_start3A_54 = arith.constant 0 : i32
      %dma_start3A_55 = arith.constant 0 : i32
      %dma_start3A_56 = tpu.memref_slice %arg3[%add3A_49, %dma_start3A_54, %dma_start3A_55] : memref<2560x2x128xi32, #tpu.memory_space<hbm>> -> memref<1x2x128xi32, #tpu.memory_space<hbm>>
      %dma_start3A_57 = tpu.memref_squeeze %dma_start3A_56 : memref<1x2x128xi32, #tpu.memory_space<hbm>> -> memref<2x128xi32, #tpu.memory_space<hbm>>
      tpu.enqueue_dma source(%dma_start3A_57 : memref<2x128xi32, #tpu.memory_space<hbm>>) target(%arg10 : memref<2x128xi32, #tpu.memory_space<vmem>>) target_semaphore(%arg20 : memref<!tpu.dma_semaphore, #tpu.memory_space<semaphore_mem>>)
      %add3A_58 = arith.constant 5 : i32
      %add3A_59 = arith.addi %mul3A_2, %add3A_58 : i32
      %dma_start3A_60 = arith.constant 0 : i32
      %dma_start3A_61 = arith.constant 0 : i32
      %dma_start3A_62 = tpu.memref_slice %arg3[%add3A_59, %dma_start3A_60, %dma_start3A_61] : memref<2560x2x128xi32, #tpu.memory_space<hbm>> -> memref<1x2x128xi32, #tpu.memory_space<hbm>>
      %dma_start3A_63 = tpu.memref_squeeze %dma_start3A_62 : memref<1x2x128xi32, #tpu.memory_space<hbm>> -> memref<2x128xi32, #tpu.memory_space<hbm>>
      %dma_start3A_64 = arith.constant 0 : i32
      %dma_start3A_65 = arith.constant 0 : i32
      %dma_start3A_66 = tpu.memref_slice %arg3[%add3A_59, %dma_start3A_64, %dma_start3A_65] : memref<2560x2x128xi32, #tpu.memory_space<hbm>> -> memref<1x2x128xi32, #tpu.memory_space<hbm>>
      %dma_start3A_67 = tpu.memref_squeeze %dma_start3A_66 : memref<1x2x128xi32, #tpu.memory_space<hbm>> -> memref<2x128xi32, #tpu.memory_space<hbm>>
      tpu.enqueue_dma source(%dma_start3A_67 : memref<2x128xi32, #tpu.memory_space<hbm>>) target(%arg11 : memref<2x128xi32, #tpu.memory_space<vmem>>) target_semaphore(%arg21 : memref<!tpu.dma_semaphore, #tpu.memory_space<semaphore_mem>>)
      %dma_start3A_68 = arith.constant 0 : i32
      %dma_start3A_69 = arith.constant 0 : i32
      %dma_start3A_70 = tpu.memref_slice %arg6[%dma_start3A_68, %dma_start3A_69] : memref<2x128xi32, #tpu.memory_space<vmem>> -> memref<1x128xi32, #tpu.memory_space<vmem>>
      %dma_start3A_71 = tpu.memref_squeeze %dma_start3A_70 : memref<1x128xi32, #tpu.memory_space<vmem>> -> memref<128xi32, #tpu.memory_space<vmem>>
      %dma_start3A_72 = arith.constant 0 : i32
      %dma_start3A_73 = arith.constant 0 : i32
      %dma_start3A_74 = tpu.memref_slice %arg2[%dma_start3A_72, %dma_start3A_73] : memref<10240x128xf32, #tpu.memory_space<hbm>> -> memref<10240x128xf32, #tpu.memory_space<hbm>>
      tpu.enqueue_indirect_dma source(%dma_start3A_74 : memref<10240x128xf32, #tpu.memory_space<hbm>>) target(%arg14 : memref<128x128xf32, #tpu.memory_space<vmem>>) offsets(%dma_start3A_71 : memref<128xi32, #tpu.memory_space<vmem>>) semaphore(%arg24 : memref<!tpu.dma_semaphore, #tpu.memory_space<semaphore_mem>>)
      %scan3A_75 = arith.constant 0 : i32
      %scan3A_76 = arith.constant 0 : i32
      %scan3A_77 = arith.constant 20 : i32
      %scan3A_78 = arith.addi %scan3A_76, %scan3A_77 : i32
      %scan3A_79 = arith.constant 1 : i32
      scf.for %scan3A_95 = %scan3A_76 to %scan3A_78 step %scan3A_79  : i32 {
        %mul3A_96 = arith.constant 8 : i32
        %mul3A_97 = arith.muli %scan3A_95, %mul3A_96 : i32
        %add3A_98 = arith.constant 0 : i32
        %add3A_99 = arith.addi %mul3A_97, %add3A_98 : i32
        %add3A_100 = arith.constant 1 : i32
        %add3A_101 = arith.addi %add3A_99, %add3A_100 : i32
        %lt3A = arith.constant 160 : i32
        %lt3A_102 = arith.cmpi slt, %add3A_101, %lt3A : i32
        %convert_element_type3A_103 = arith.extui %lt3A_102 : i1 to i32
        %cond3A_104 = arith.constant 0 : i32
        %cond3A_105 = arith.cmpi ne, %convert_element_type3A_103, %cond3A_104 : i32
        scf.if %cond3A_105 {
          %add3A_351 = arith.addi %mul3A_2, %add3A_99 : i32
          %add3A_352 = arith.constant 1 : i32
          %add3A_353 = arith.addi %add3A_351, %add3A_352 : i32
          %dma_wait3A_354 = arith.constant 0 : i32
          %dma_wait3A_355 = arith.constant 0 : i32
          %dma_wait3A_356 = tpu.memref_slice %arg3[%add3A_353, %dma_wait3A_354, %dma_wait3A_355] : memref<2560x2x128xi32, #tpu.memory_space<hbm>> -> memref<1x2x128xi32, #tpu.memory_space<hbm>>
          %dma_wait3A_357 = tpu.memref_squeeze %dma_wait3A_356 : memref<1x2x128xi32, #tpu.memory_space<hbm>> -> memref<2x128xi32, #tpu.memory_space<hbm>>
          %dma_wait3A_358 = arith.constant 0 : i32
          %dma_wait3A_359 = arith.constant 0 : i32
          %dma_wait3A_360 = tpu.memref_slice %arg3[%add3A_353, %dma_wait3A_358, %dma_wait3A_359] : memref<2560x2x128xi32, #tpu.memory_space<hbm>> -> memref<1x2x128xi32, #tpu.memory_space<hbm>>
          %dma_wait3A_361 = tpu.memref_squeeze %dma_wait3A_360 : memref<1x2x128xi32, #tpu.memory_space<hbm>> -> memref<2x128xi32, #tpu.memory_space<hbm>>
          tpu.wait_dma2 semaphore(%arg17 : memref<!tpu.dma_semaphore, #tpu.memory_space<semaphore_mem>>) src(%dma_wait3A_361 : memref<2x128xi32, #tpu.memory_space<hbm>>) dst(%arg7 : memref<2x128xi32, #tpu.memory_space<vmem>>)
          %ge3A = arith.constant 1 : i32
          %ge3A_362 = arith.cmpi sge, %add3A_99, %ge3A : i32
          %convert_element_type3A_363 = arith.extui %ge3A_362 : i1 to i32
          %cond3A_364 = arith.constant 0 : i32
          %cond3A_365 = arith.cmpi ne, %convert_element_type3A_363, %cond3A_364 : i32
          scf.if %cond3A_365 {
            %dma_wait3A_373 = arith.constant 1 : i32
            %dma_wait3A_374 = arith.constant 0 : i32
            %dma_wait3A_375 = tpu.memref_slice %arg7[%dma_wait3A_373, %dma_wait3A_374] : memref<2x128xi32, #tpu.memory_space<vmem>> -> memref<1x128xi32, #tpu.memory_space<vmem>>
            %dma_wait3A_376 = tpu.memref_squeeze %dma_wait3A_375 : memref<1x128xi32, #tpu.memory_space<vmem>> -> memref<128xi32, #tpu.memory_space<vmem>>
            %dma_wait3A_377 = arith.constant 0 : i32
            %dma_wait3A_378 = arith.constant 0 : i32
            %dma_wait3A_379 = tpu.memref_slice %arg5[%dma_wait3A_377, %dma_wait3A_378] : memref<10240x128xf32, #tpu.memory_space<vmem_shared>> -> memref<10240x128xf32, #tpu.memory_space<vmem_shared>>
            tpu.wait_indirect_dma semaphore(%arg27 : memref<!tpu.dma_semaphore, #tpu.memory_space<semaphore_mem>>) src(%arg15 : memref<128x128xf32, #tpu.memory_space<vmem>>) dst(%dma_wait3A_379 : memref<10240x128xf32, #tpu.memory_space<vmem_shared>>)
          } else {
          }
          %dma_start3A_366 = arith.constant 0 : i32
          %dma_start3A_367 = arith.constant 0 : i32
          %dma_start3A_368 = tpu.memref_slice %arg7[%dma_start3A_366, %dma_start3A_367] : memref<2x128xi32, #tpu.memory_space<vmem>> -> memref<1x128xi32, #tpu.memory_space<vmem>>
          %dma_start3A_369 = tpu.memref_squeeze %dma_start3A_368 : memref<1x128xi32, #tpu.memory_space<vmem>> -> memref<128xi32, #tpu.memory_space<vmem>>
          %dma_start3A_370 = arith.constant 0 : i32
          %dma_start3A_371 = arith.constant 0 : i32
          %dma_start3A_372 = tpu.memref_slice %arg2[%dma_start3A_370, %dma_start3A_371] : memref<10240x128xf32, #tpu.memory_space<hbm>> -> memref<10240x128xf32, #tpu.memory_space<hbm>>
          tpu.enqueue_indirect_dma source(%dma_start3A_372 : memref<10240x128xf32, #tpu.memory_space<hbm>>) target(%arg15 : memref<128x128xf32, #tpu.memory_space<vmem>>) offsets(%dma_start3A_369 : memref<128xi32, #tpu.memory_space<vmem>>) semaphore(%arg25 : memref<!tpu.dma_semaphore, #tpu.memory_space<semaphore_mem>>)
        } else {
        }
        %dma_wait3A_106 = arith.constant 0 : i32
        %dma_wait3A_107 = arith.constant 0 : i32
        %dma_wait3A_108 = tpu.memref_slice %arg6[%dma_wait3A_106, %dma_wait3A_107] : memref<2x128xi32, #tpu.memory_space<vmem>> -> memref<1x128xi32, #tpu.memory_space<vmem>>
        %dma_wait3A_109 = tpu.memref_squeeze %dma_wait3A_108 : memref<1x128xi32, #tpu.memory_space<vmem>> -> memref<128xi32, #tpu.memory_space<vmem>>
        %dma_wait3A_110 = arith.constant 0 : i32
        %dma_wait3A_111 = arith.constant 0 : i32
        %dma_wait3A_112 = tpu.memref_slice %arg2[%dma_wait3A_110, %dma_wait3A_111] : memref<10240x128xf32, #tpu.memory_space<hbm>> -> memref<10240x128xf32, #tpu.memory_space<hbm>>
        tpu.wait_indirect_dma semaphore(%arg24 : memref<!tpu.dma_semaphore, #tpu.memory_space<semaphore_mem>>) src(%dma_wait3A_112 : memref<10240x128xf32, #tpu.memory_space<hbm>>) dst(%arg14 : memref<128x128xf32, #tpu.memory_space<vmem>>)
        %dma_start3A_113 = arith.constant 1 : i32
        %dma_start3A_114 = arith.constant 0 : i32
        %dma_start3A_115 = tpu.memref_slice %arg6[%dma_start3A_113, %dma_start3A_114] : memref<2x128xi32, #tpu.memory_space<vmem>> -> memref<1x128xi32, #tpu.memory_space<vmem>>
        %dma_start3A_116 = tpu.memref_squeeze %dma_start3A_115 : memref<1x128xi32, #tpu.memory_space<vmem>> -> memref<128xi32, #tpu.memory_space<vmem>>
        %dma_start3A_117 = arith.constant 0 : i32
        %dma_start3A_118 = arith.constant 0 : i32
        %dma_start3A_119 = tpu.memref_slice %arg5[%dma_start3A_117, %dma_start3A_118] : memref<10240x128xf32, #tpu.memory_space<vmem_shared>> -> memref<10240x128xf32, #tpu.memory_space<vmem_shared>>
        tpu.enqueue_indirect_dma source(%arg14 : memref<128x128xf32, #tpu.memory_space<vmem>>) target(%dma_start3A_119 : memref<10240x128xf32, #tpu.memory_space<vmem_shared>>) offsets(%dma_start3A_116 : memref<128xi32, #tpu.memory_space<vmem>>) semaphore(%arg26 : memref<!tpu.dma_semaphore, #tpu.memory_space<semaphore_mem>>) {add = true}
        %add3A_120 = arith.constant 6 : i32
        %add3A_121 = arith.addi %add3A_99, %add3A_120 : i32
        %lt3A_122 = arith.constant 160 : i32
        %lt3A_123 = arith.cmpi slt, %add3A_121, %lt3A_122 : i32
        %convert_element_type3A_124 = arith.extui %lt3A_123 : i1 to i32
        %cond3A_125 = arith.constant 0 : i32
        %cond3A_126 = arith.cmpi ne, %convert_element_type3A_124, %cond3A_125 : i32
        scf.if %cond3A_126 {
          %add3A_351 = arith.addi %mul3A_2, %add3A_99 : i32
          %add3A_352 = arith.constant 6 : i32
          %add3A_353 = arith.addi %add3A_351, %add3A_352 : i32
          %dma_start3A_354 = arith.constant 0 : i32
          %dma_start3A_355 = arith.constant 0 : i32
          %dma_start3A_356 = tpu.memref_slice %arg3[%add3A_353, %dma_start3A_354, %dma_start3A_355] : memref<2560x2x128xi32, #tpu.memory_space<hbm>> -> memref<1x2x128xi32, #tpu.memory_space<hbm>>
          %dma_start3A_357 = tpu.memref_squeeze %dma_start3A_356 : memref<1x2x128xi32, #tpu.memory_space<hbm>> -> memref<2x128xi32, #tpu.memory_space<hbm>>
          %dma_start3A_358 = arith.constant 0 : i32
          %dma_start3A_359 = arith.constant 0 : i32
          %dma_start3A_360 = tpu.memref_slice %arg3[%add3A_353, %dma_start3A_358, %dma_start3A_359] : memref<2560x2x128xi32, #tpu.memory_space<hbm>> -> memref<1x2x128xi32, #tpu.memory_space<hbm>>
          %dma_start3A_361 = tpu.memref_squeeze %dma_start3A_360 : memref<1x2x128xi32, #tpu.memory_space<hbm>> -> memref<2x128xi32, #tpu.memory_space<hbm>>
          tpu.enqueue_dma source(%dma_start3A_361 : memref<2x128xi32, #tpu.memory_space<hbm>>) target(%arg12 : memref<2x128xi32, #tpu.memory_space<vmem>>) target_semaphore(%arg22 : memref<!tpu.dma_semaphore, #tpu.memory_space<semaphore_mem>>)
        } else {
        }
        %mul3A_127 = arith.constant 8 : i32
        %mul3A_128 = arith.muli %scan3A_95, %mul3A_127 : i32
        %add3A_129 = arith.constant 1 : i32
        %add3A_130 = arith.addi %mul3A_128, %add3A_129 : i32
        %add3A_131 = arith.constant 1 : i32
        %add3A_132 = arith.addi %add3A_130, %add3A_131 : i32
        %lt3A_133 = arith.constant 160 : i32
        %lt3A_134 = arith.cmpi slt, %add3A_132, %lt3A_133 : i32
        %convert_element_type3A_135 = arith.extui %lt3A_134 : i1 to i32
        %cond3A_136 = arith.constant 0 : i32
        %cond3A_137 = arith.cmpi ne, %convert_element_type3A_135, %cond3A_136 : i32
        scf.if %cond3A_137 {
          %add3A_351 = arith.addi %mul3A_2, %add3A_130 : i32
          %add3A_352 = arith.constant 1 : i32
          %add3A_353 = arith.addi %add3A_351, %add3A_352 : i32
          %dma_wait3A_354 = arith.constant 0 : i32
          %dma_wait3A_355 = arith.constant 0 : i32
          %dma_wait3A_356 = tpu.memref_slice %arg3[%add3A_353, %dma_wait3A_354, %dma_wait3A_355] : memref<2560x2x128xi32, #tpu.memory_space<hbm>> -> memref<1x2x128xi32, #tpu.memory_space<hbm>>
          %dma_wait3A_357 = tpu.memref_squeeze %dma_wait3A_356 : memref<1x2x128xi32, #tpu.memory_space<hbm>> -> memref<2x128xi32, #tpu.memory_space<hbm>>
          %dma_wait3A_358 = arith.constant 0 : i32
          %dma_wait3A_359 = arith.constant 0 : i32
          %dma_wait3A_360 = tpu.memref_slice %arg3[%add3A_353, %dma_wait3A_358, %dma_wait3A_359] : memref<2560x2x128xi32, #tpu.memory_space<hbm>> -> memref<1x2x128xi32, #tpu.memory_space<hbm>>
          %dma_wait3A_361 = tpu.memref_squeeze %dma_wait3A_360 : memref<1x2x128xi32, #tpu.memory_space<hbm>> -> memref<2x128xi32, #tpu.memory_space<hbm>>
          tpu.wait_dma2 semaphore(%arg18 : memref<!tpu.dma_semaphore, #tpu.memory_space<semaphore_mem>>) src(%dma_wait3A_361 : memref<2x128xi32, #tpu.memory_space<hbm>>) dst(%arg8 : memref<2x128xi32, #tpu.memory_space<vmem>>)
          %ge3A = arith.constant 1 : i32
          %ge3A_362 = arith.cmpi sge, %add3A_130, %ge3A : i32
          %convert_element_type3A_363 = arith.extui %ge3A_362 : i1 to i32
          %cond3A_364 = arith.constant 0 : i32
          %cond3A_365 = arith.cmpi ne, %convert_element_type3A_363, %cond3A_364 : i32
          scf.if %cond3A_365 {
            %dma_wait3A_373 = arith.constant 1 : i32
            %dma_wait3A_374 = arith.constant 0 : i32
            %dma_wait3A_375 = tpu.memref_slice %arg8[%dma_wait3A_373, %dma_wait3A_374] : memref<2x128xi32, #tpu.memory_space<vmem>> -> memref<1x128xi32, #tpu.memory_space<vmem>>
            %dma_wait3A_376 = tpu.memref_squeeze %dma_wait3A_375 : memref<1x128xi32, #tpu.memory_space<vmem>> -> memref<128xi32, #tpu.memory_space<vmem>>
            %dma_wait3A_377 = arith.constant 0 : i32
            %dma_wait3A_378 = arith.constant 0 : i32
            %dma_wait3A_379 = tpu.memref_slice %arg5[%dma_wait3A_377, %dma_wait3A_378] : memref<10240x128xf32, #tpu.memory_space<vmem_shared>> -> memref<10240x128xf32, #tpu.memory_space<vmem_shared>>
            tpu.wait_indirect_dma semaphore(%arg26 : memref<!tpu.dma_semaphore, #tpu.memory_space<semaphore_mem>>) src(%arg14 : memref<128x128xf32, #tpu.memory_space<vmem>>) dst(%dma_wait3A_379 : memref<10240x128xf32, #tpu.memory_space<vmem_shared>>)
          } else {
          }
          %dma_start3A_366 = arith.constant 0 : i32
          %dma_start3A_367 = arith.constant 0 : i32
          %dma_start3A_368 = tpu.memref_slice %arg8[%dma_start3A_366, %dma_start3A_367] : memref<2x128xi32, #tpu.memory_space<vmem>> -> memref<1x128xi32, #tpu.memory_space<vmem>>
          %dma_start3A_369 = tpu.memref_squeeze %dma_start3A_368 : memref<1x128xi32, #tpu.memory_space<vmem>> -> memref<128xi32, #tpu.memory_space<vmem>>
          %dma_start3A_370 = arith.constant 0 : i32
          %dma_start3A_371 = arith.constant 0 : i32
          %dma_start3A_372 = tpu.memref_slice %arg2[%dma_start3A_370, %dma_start3A_371] : memref<10240x128xf32, #tpu.memory_space<hbm>> -> memref<10240x128xf32, #tpu.memory_space<hbm>>
          tpu.enqueue_indirect_dma source(%dma_start3A_372 : memref<10240x128xf32, #tpu.memory_space<hbm>>) target(%arg14 : memref<128x128xf32, #tpu.memory_space<vmem>>) offsets(%dma_start3A_369 : memref<128xi32, #tpu.memory_space<vmem>>) semaphore(%arg24 : memref<!tpu.dma_semaphore, #tpu.memory_space<semaphore_mem>>)
        } else {
        }
        %dma_wait3A_138 = arith.constant 0 : i32
        %dma_wait3A_139 = arith.constant 0 : i32
        %dma_wait3A_140 = tpu.memref_slice %arg7[%dma_wait3A_138, %dma_wait3A_139] : memref<2x128xi32, #tpu.memory_space<vmem>> -> memref<1x128xi32, #tpu.memory_space<vmem>>
        %dma_wait3A_141 = tpu.memref_squeeze %dma_wait3A_140 : memref<1x128xi32, #tpu.memory_space<vmem>> -> memref<128xi32, #tpu.memory_space<vmem>>
        %dma_wait3A_142 = arith.constant 0 : i32
        %dma_wait3A_143 = arith.constant 0 : i32
        %dma_wait3A_144 = tpu.memref_slice %arg2[%dma_wait3A_142, %dma_wait3A_143] : memref<10240x128xf32, #tpu.memory_space<hbm>> -> memref<10240x128xf32, #tpu.memory_space<hbm>>
        tpu.wait_indirect_dma semaphore(%arg25 : memref<!tpu.dma_semaphore, #tpu.memory_space<semaphore_mem>>) src(%dma_wait3A_144 : memref<10240x128xf32, #tpu.memory_space<hbm>>) dst(%arg15 : memref<128x128xf32, #tpu.memory_space<vmem>>)
        %dma_start3A_145 = arith.constant 1 : i32
        %dma_start3A_146 = arith.constant 0 : i32
        %dma_start3A_147 = tpu.memref_slice %arg7[%dma_start3A_145, %dma_start3A_146] : memref<2x128xi32, #tpu.memory_space<vmem>> -> memref<1x128xi32, #tpu.memory_space<vmem>>
        %dma_start3A_148 = tpu.memref_squeeze %dma_start3A_147 : memref<1x128xi32, #tpu.memory_space<vmem>> -> memref<128xi32, #tpu.memory_space<vmem>>
        %dma_start3A_149 = arith.constant 0 : i32
        %dma_start3A_150 = arith.constant 0 : i32
        %dma_start3A_151 = tpu.memref_slice %arg5[%dma_start3A_149, %dma_start3A_150] : memref<10240x128xf32, #tpu.memory_space<vmem_shared>> -> memref<10240x128xf32, #tpu.memory_space<vmem_shared>>
        tpu.enqueue_indirect_dma source(%arg15 : memref<128x128xf32, #tpu.memory_space<vmem>>) target(%dma_start3A_151 : memref<10240x128xf32, #tpu.memory_space<vmem_shared>>) offsets(%dma_start3A_148 : memref<128xi32, #tpu.memory_space<vmem>>) semaphore(%arg27 : memref<!tpu.dma_semaphore, #tpu.memory_space<semaphore_mem>>) {add = true}
        %add3A_152 = arith.constant 6 : i32
        %add3A_153 = arith.addi %add3A_130, %add3A_152 : i32
        %lt3A_154 = arith.constant 160 : i32
        %lt3A_155 = arith.cmpi slt, %add3A_153, %lt3A_154 : i32
        %convert_element_type3A_156 = arith.extui %lt3A_155 : i1 to i32
        %cond3A_157 = arith.constant 0 : i32
        %cond3A_158 = arith.cmpi ne, %convert_element_type3A_156, %cond3A_157 : i32
        scf.if %cond3A_158 {
          %add3A_351 = arith.addi %mul3A_2, %add3A_130 : i32
          %add3A_352 = arith.constant 6 : i32
          %add3A_353 = arith.addi %add3A_351, %add3A_352 : i32
          %dma_start3A_354 = arith.constant 0 : i32
          %dma_start3A_355 = arith.constant 0 : i32
          %dma_start3A_356 = tpu.memref_slice %arg3[%add3A_353, %dma_start3A_354, %dma_start3A_355] : memref<2560x2x128xi32, #tpu.memory_space<hbm>> -> memref<1x2x128xi32, #tpu.memory_space<hbm>>
          %dma_start3A_357 = tpu.memref_squeeze %dma_start3A_356 : memref<1x2x128xi32, #tpu.memory_space<hbm>> -> memref<2x128xi32, #tpu.memory_space<hbm>>
          %dma_start3A_358 = arith.constant 0 : i32
          %dma_start3A_359 = arith.constant 0 : i32
          %dma_start3A_360 = tpu.memref_slice %arg3[%add3A_353, %dma_start3A_358, %dma_start3A_359] : memref<2560x2x128xi32, #tpu.memory_space<hbm>> -> memref<1x2x128xi32, #tpu.memory_space<hbm>>
          %dma_start3A_361 = tpu.memref_squeeze %dma_start3A_360 : memref<1x2x128xi32, #tpu.memory_space<hbm>> -> memref<2x128xi32, #tpu.memory_space<hbm>>
          tpu.enqueue_dma source(%dma_start3A_361 : memref<2x128xi32, #tpu.memory_space<hbm>>) target(%arg13 : memref<2x128xi32, #tpu.memory_space<vmem>>) target_semaphore(%arg23 : memref<!tpu.dma_semaphore, #tpu.memory_space<semaphore_mem>>)
        } else {
        }
        %mul3A_159 = arith.constant 8 : i32
        %mul3A_160 = arith.muli %scan3A_95, %mul3A_159 : i32
        %add3A_161 = arith.constant 2 : i32
        %add3A_162 = arith.addi %mul3A_160, %add3A_161 : i32
        %add3A_163 = arith.constant 1 : i32
        %add3A_164 = arith.addi %add3A_162, %add3A_163 : i32
        %lt3A_165 = arith.constant 160 : i32
        %lt3A_166 = arith.cmpi slt, %add3A_164, %lt3A_165 : i32
        %convert_element_type3A_167 = arith.extui %lt3A_166 : i1 to i32
        %cond3A_168 = arith.constant 0 : i32
        %cond3A_169 = arith.cmpi ne, %convert_element_type3A_167, %cond3A_168 : i32
        scf.if %cond3A_169 {
          %add3A_351 = arith.addi %mul3A_2, %add3A_162 : i32
          %add3A_352 = arith.constant 1 : i32
          %add3A_353 = arith.addi %add3A_351, %add3A_352 : i32
          %dma_wait3A_354 = arith.constant 0 : i32
          %dma_wait3A_355 = arith.constant 0 : i32
          %dma_wait3A_356 = tpu.memref_slice %arg3[%add3A_353, %dma_wait3A_354, %dma_wait3A_355] : memref<2560x2x128xi32, #tpu.memory_space<hbm>> -> memref<1x2x128xi32, #tpu.memory_space<hbm>>
          %dma_wait3A_357 = tpu.memref_squeeze %dma_wait3A_356 : memref<1x2x128xi32, #tpu.memory_space<hbm>> -> memref<2x128xi32, #tpu.memory_space<hbm>>
          %dma_wait3A_358 = arith.constant 0 : i32
          %dma_wait3A_359 = arith.constant 0 : i32
          %dma_wait3A_360 = tpu.memref_slice %arg3[%add3A_353, %dma_wait3A_358, %dma_wait3A_359] : memref<2560x2x128xi32, #tpu.memory_space<hbm>> -> memref<1x2x128xi32, #tpu.memory_space<hbm>>
          %dma_wait3A_361 = tpu.memref_squeeze %dma_wait3A_360 : memref<1x2x128xi32, #tpu.memory_space<hbm>> -> memref<2x128xi32, #tpu.memory_space<hbm>>
          tpu.wait_dma2 semaphore(%arg19 : memref<!tpu.dma_semaphore, #tpu.memory_space<semaphore_mem>>) src(%dma_wait3A_361 : memref<2x128xi32, #tpu.memory_space<hbm>>) dst(%arg9 : memref<2x128xi32, #tpu.memory_space<vmem>>)
          %ge3A = arith.constant 1 : i32
          %ge3A_362 = arith.cmpi sge, %add3A_162, %ge3A : i32
          %convert_element_type3A_363 = arith.extui %ge3A_362 : i1 to i32
          %cond3A_364 = arith.constant 0 : i32
          %cond3A_365 = arith.cmpi ne, %convert_element_type3A_363, %cond3A_364 : i32
          scf.if %cond3A_365 {
            %dma_wait3A_373 = arith.constant 1 : i32
            %dma_wait3A_374 = arith.constant 0 : i32
            %dma_wait3A_375 = tpu.memref_slice %arg9[%dma_wait3A_373, %dma_wait3A_374] : memref<2x128xi32, #tpu.memory_space<vmem>> -> memref<1x128xi32, #tpu.memory_space<vmem>>
            %dma_wait3A_376 = tpu.memref_squeeze %dma_wait3A_375 : memref<1x128xi32, #tpu.memory_space<vmem>> -> memref<128xi32, #tpu.memory_space<vmem>>
            %dma_wait3A_377 = arith.constant 0 : i32
            %dma_wait3A_378 = arith.constant 0 : i32
            %dma_wait3A_379 = tpu.memref_slice %arg5[%dma_wait3A_377, %dma_wait3A_378] : memref<10240x128xf32, #tpu.memory_space<vmem_shared>> -> memref<10240x128xf32, #tpu.memory_space<vmem_shared>>
            tpu.wait_indirect_dma semaphore(%arg27 : memref<!tpu.dma_semaphore, #tpu.memory_space<semaphore_mem>>) src(%arg15 : memref<128x128xf32, #tpu.memory_space<vmem>>) dst(%dma_wait3A_379 : memref<10240x128xf32, #tpu.memory_space<vmem_shared>>)
          } else {
          }
          %dma_start3A_366 = arith.constant 0 : i32
          %dma_start3A_367 = arith.constant 0 : i32
          %dma_start3A_368 = tpu.memref_slice %arg9[%dma_start3A_366, %dma_start3A_367] : memref<2x128xi32, #tpu.memory_space<vmem>> -> memref<1x128xi32, #tpu.memory_space<vmem>>
          %dma_start3A_369 = tpu.memref_squeeze %dma_start3A_368 : memref<1x128xi32, #tpu.memory_space<vmem>> -> memref<128xi32, #tpu.memory_space<vmem>>
          %dma_start3A_370 = arith.constant 0 : i32
          %dma_start3A_371 = arith.constant 0 : i32
          %dma_start3A_372 = tpu.memref_slice %arg2[%dma_start3A_370, %dma_start3A_371] : memref<10240x128xf32, #tpu.memory_space<hbm>> -> memref<10240x128xf32, #tpu.memory_space<hbm>>
          tpu.enqueue_indirect_dma source(%dma_start3A_372 : memref<10240x128xf32, #tpu.memory_space<hbm>>) target(%arg15 : memref<128x128xf32, #tpu.memory_space<vmem>>) offsets(%dma_start3A_369 : memref<128xi32, #tpu.memory_space<vmem>>) semaphore(%arg25 : memref<!tpu.dma_semaphore, #tpu.memory_space<semaphore_mem>>)
        } else {
        }
        %dma_wait3A_170 = arith.constant 0 : i32
        %dma_wait3A_171 = arith.constant 0 : i32
        %dma_wait3A_172 = tpu.memref_slice %arg8[%dma_wait3A_170, %dma_wait3A_171] : memref<2x128xi32, #tpu.memory_space<vmem>> -> memref<1x128xi32, #tpu.memory_space<vmem>>
        %dma_wait3A_173 = tpu.memref_squeeze %dma_wait3A_172 : memref<1x128xi32, #tpu.memory_space<vmem>> -> memref<128xi32, #tpu.memory_space<vmem>>
        %dma_wait3A_174 = arith.constant 0 : i32
        %dma_wait3A_175 = arith.constant 0 : i32
        %dma_wait3A_176 = tpu.memref_slice %arg2[%dma_wait3A_174, %dma_wait3A_175] : memref<10240x128xf32, #tpu.memory_space<hbm>> -> memref<10240x128xf32, #tpu.memory_space<hbm>>
        tpu.wait_indirect_dma semaphore(%arg24 : memref<!tpu.dma_semaphore, #tpu.memory_space<semaphore_mem>>) src(%dma_wait3A_176 : memref<10240x128xf32, #tpu.memory_space<hbm>>) dst(%arg14 : memref<128x128xf32, #tpu.memory_space<vmem>>)
        %dma_start3A_177 = arith.constant 1 : i32
        %dma_start3A_178 = arith.constant 0 : i32
        %dma_start3A_179 = tpu.memref_slice %arg8[%dma_start3A_177, %dma_start3A_178] : memref<2x128xi32, #tpu.memory_space<vmem>> -> memref<1x128xi32, #tpu.memory_space<vmem>>
        %dma_start3A_180 = tpu.memref_squeeze %dma_start3A_179 : memref<1x128xi32, #tpu.memory_space<vmem>> -> memref<128xi32, #tpu.memory_space<vmem>>
        %dma_start3A_181 = arith.constant 0 : i32
        %dma_start3A_182 = arith.constant 0 : i32
        %dma_start3A_183 = tpu.memref_slice %arg5[%dma_start3A_181, %dma_start3A_182] : memref<10240x128xf32, #tpu.memory_space<vmem_shared>> -> memref<10240x128xf32, #tpu.memory_space<vmem_shared>>
        tpu.enqueue_indirect_dma source(%arg14 : memref<128x128xf32, #tpu.memory_space<vmem>>) target(%dma_start3A_183 : memref<10240x128xf32, #tpu.memory_space<vmem_shared>>) offsets(%dma_start3A_180 : memref<128xi32, #tpu.memory_space<vmem>>) semaphore(%arg26 : memref<!tpu.dma_semaphore, #tpu.memory_space<semaphore_mem>>) {add = true}
        %add3A_184 = arith.constant 6 : i32
        %add3A_185 = arith.addi %add3A_162, %add3A_184 : i32
        %lt3A_186 = arith.constant 160 : i32
        %lt3A_187 = arith.cmpi slt, %add3A_185, %lt3A_186 : i32
        %convert_element_type3A_188 = arith.extui %lt3A_187 : i1 to i32
        %cond3A_189 = arith.constant 0 : i32
        %cond3A_190 = arith.cmpi ne, %convert_element_type3A_188, %cond3A_189 : i32
        scf.if %cond3A_190 {
          %add3A_351 = arith.addi %mul3A_2, %add3A_162 : i32
          %add3A_352 = arith.constant 6 : i32
          %add3A_353 = arith.addi %add3A_351, %add3A_352 : i32
          %dma_start3A_354 = arith.constant 0 : i32
          %dma_start3A_355 = arith.constant 0 : i32
          %dma_start3A_356 = tpu.memref_slice %arg3[%add3A_353, %dma_start3A_354, %dma_start3A_355] : memref<2560x2x128xi32, #tpu.memory_space<hbm>> -> memref<1x2x128xi32, #tpu.memory_space<hbm>>
          %dma_start3A_357 = tpu.memref_squeeze %dma_start3A_356 : memref<1x2x128xi32, #tpu.memory_space<hbm>> -> memref<2x128xi32, #tpu.memory_space<hbm>>
          %dma_start3A_358 = arith.constant 0 : i32
          %dma_start3A_359 = arith.constant 0 : i32
          %dma_start3A_360 = tpu.memref_slice %arg3[%add3A_353, %dma_start3A_358, %dma_start3A_359] : memref<2560x2x128xi32, #tpu.memory_space<hbm>> -> memref<1x2x128xi32, #tpu.memory_space<hbm>>
          %dma_start3A_361 = tpu.memref_squeeze %dma_start3A_360 : memref<1x2x128xi32, #tpu.memory_space<hbm>> -> memref<2x128xi32, #tpu.memory_space<hbm>>
          tpu.enqueue_dma source(%dma_start3A_361 : memref<2x128xi32, #tpu.memory_space<hbm>>) target(%arg6 : memref<2x128xi32, #tpu.memory_space<vmem>>) target_semaphore(%arg16 : memref<!tpu.dma_semaphore, #tpu.memory_space<semaphore_mem>>)
        } else {
        }
        %mul3A_191 = arith.constant 8 : i32
        %mul3A_192 = arith.muli %scan3A_95, %mul3A_191 : i32
        %add3A_193 = arith.constant 3 : i32
        %add3A_194 = arith.addi %mul3A_192, %add3A_193 : i32
        %add3A_195 = arith.constant 1 : i32
        %add3A_196 = arith.addi %add3A_194, %add3A_195 : i32
        %lt3A_197 = arith.constant 160 : i32
        %lt3A_198 = arith.cmpi slt, %add3A_196, %lt3A_197 : i32
        %convert_element_type3A_199 = arith.extui %lt3A_198 : i1 to i32
        %cond3A_200 = arith.constant 0 : i32
        %cond3A_201 = arith.cmpi ne, %convert_element_type3A_199, %cond3A_200 : i32
        scf.if %cond3A_201 {
          %add3A_351 = arith.addi %mul3A_2, %add3A_194 : i32
          %add3A_352 = arith.constant 1 : i32
          %add3A_353 = arith.addi %add3A_351, %add3A_352 : i32
          %dma_wait3A_354 = arith.constant 0 : i32
          %dma_wait3A_355 = arith.constant 0 : i32
          %dma_wait3A_356 = tpu.memref_slice %arg3[%add3A_353, %dma_wait3A_354, %dma_wait3A_355] : memref<2560x2x128xi32, #tpu.memory_space<hbm>> -> memref<1x2x128xi32, #tpu.memory_space<hbm>>
          %dma_wait3A_357 = tpu.memref_squeeze %dma_wait3A_356 : memref<1x2x128xi32, #tpu.memory_space<hbm>> -> memref<2x128xi32, #tpu.memory_space<hbm>>
          %dma_wait3A_358 = arith.constant 0 : i32
          %dma_wait3A_359 = arith.constant 0 : i32
          %dma_wait3A_360 = tpu.memref_slice %arg3[%add3A_353, %dma_wait3A_358, %dma_wait3A_359] : memref<2560x2x128xi32, #tpu.memory_space<hbm>> -> memref<1x2x128xi32, #tpu.memory_space<hbm>>
          %dma_wait3A_361 = tpu.memref_squeeze %dma_wait3A_360 : memref<1x2x128xi32, #tpu.memory_space<hbm>> -> memref<2x128xi32, #tpu.memory_space<hbm>>
          tpu.wait_dma2 semaphore(%arg20 : memref<!tpu.dma_semaphore, #tpu.memory_space<semaphore_mem>>) src(%dma_wait3A_361 : memref<2x128xi32, #tpu.memory_space<hbm>>) dst(%arg10 : memref<2x128xi32, #tpu.memory_space<vmem>>)
          %ge3A = arith.constant 1 : i32
          %ge3A_362 = arith.cmpi sge, %add3A_194, %ge3A : i32
          %convert_element_type3A_363 = arith.extui %ge3A_362 : i1 to i32
          %cond3A_364 = arith.constant 0 : i32
          %cond3A_365 = arith.cmpi ne, %convert_element_type3A_363, %cond3A_364 : i32
          scf.if %cond3A_365 {
            %dma_wait3A_373 = arith.constant 1 : i32
            %dma_wait3A_374 = arith.constant 0 : i32
            %dma_wait3A_375 = tpu.memref_slice %arg10[%dma_wait3A_373, %dma_wait3A_374] : memref<2x128xi32, #tpu.memory_space<vmem>> -> memref<1x128xi32, #tpu.memory_space<vmem>>
            %dma_wait3A_376 = tpu.memref_squeeze %dma_wait3A_375 : memref<1x128xi32, #tpu.memory_space<vmem>> -> memref<128xi32, #tpu.memory_space<vmem>>
            %dma_wait3A_377 = arith.constant 0 : i32
            %dma_wait3A_378 = arith.constant 0 : i32
            %dma_wait3A_379 = tpu.memref_slice %arg5[%dma_wait3A_377, %dma_wait3A_378] : memref<10240x128xf32, #tpu.memory_space<vmem_shared>> -> memref<10240x128xf32, #tpu.memory_space<vmem_shared>>
            tpu.wait_indirect_dma semaphore(%arg26 : memref<!tpu.dma_semaphore, #tpu.memory_space<semaphore_mem>>) src(%arg14 : memref<128x128xf32, #tpu.memory_space<vmem>>) dst(%dma_wait3A_379 : memref<10240x128xf32, #tpu.memory_space<vmem_shared>>)
          } else {
          }
          %dma_start3A_366 = arith.constant 0 : i32
          %dma_start3A_367 = arith.constant 0 : i32
          %dma_start3A_368 = tpu.memref_slice %arg10[%dma_start3A_366, %dma_start3A_367] : memref<2x128xi32, #tpu.memory_space<vmem>> -> memref<1x128xi32, #tpu.memory_space<vmem>>
          %dma_start3A_369 = tpu.memref_squeeze %dma_start3A_368 : memref<1x128xi32, #tpu.memory_space<vmem>> -> memref<128xi32, #tpu.memory_space<vmem>>
          %dma_start3A_370 = arith.constant 0 : i32
          %dma_start3A_371 = arith.constant 0 : i32
          %dma_start3A_372 = tpu.memref_slice %arg2[%dma_start3A_370, %dma_start3A_371] : memref<10240x128xf32, #tpu.memory_space<hbm>> -> memref<10240x128xf32, #tpu.memory_space<hbm>>
          tpu.enqueue_indirect_dma source(%dma_start3A_372 : memref<10240x128xf32, #tpu.memory_space<hbm>>) target(%arg14 : memref<128x128xf32, #tpu.memory_space<vmem>>) offsets(%dma_start3A_369 : memref<128xi32, #tpu.memory_space<vmem>>) semaphore(%arg24 : memref<!tpu.dma_semaphore, #tpu.memory_space<semaphore_mem>>)
        } else {
        }
        %dma_wait3A_202 = arith.constant 0 : i32
        %dma_wait3A_203 = arith.constant 0 : i32
        %dma_wait3A_204 = tpu.memref_slice %arg9[%dma_wait3A_202, %dma_wait3A_203] : memref<2x128xi32, #tpu.memory_space<vmem>> -> memref<1x128xi32, #tpu.memory_space<vmem>>
        %dma_wait3A_205 = tpu.memref_squeeze %dma_wait3A_204 : memref<1x128xi32, #tpu.memory_space<vmem>> -> memref<128xi32, #tpu.memory_space<vmem>>
        %dma_wait3A_206 = arith.constant 0 : i32
        %dma_wait3A_207 = arith.constant 0 : i32
        %dma_wait3A_208 = tpu.memref_slice %arg2[%dma_wait3A_206, %dma_wait3A_207] : memref<10240x128xf32, #tpu.memory_space<hbm>> -> memref<10240x128xf32, #tpu.memory_space<hbm>>
        tpu.wait_indirect_dma semaphore(%arg25 : memref<!tpu.dma_semaphore, #tpu.memory_space<semaphore_mem>>) src(%dma_wait3A_208 : memref<10240x128xf32, #tpu.memory_space<hbm>>) dst(%arg15 : memref<128x128xf32, #tpu.memory_space<vmem>>)
        %dma_start3A_209 = arith.constant 1 : i32
        %dma_start3A_210 = arith.constant 0 : i32
        %dma_start3A_211 = tpu.memref_slice %arg9[%dma_start3A_209, %dma_start3A_210] : memref<2x128xi32, #tpu.memory_space<vmem>> -> memref<1x128xi32, #tpu.memory_space<vmem>>
        %dma_start3A_212 = tpu.memref_squeeze %dma_start3A_211 : memref<1x128xi32, #tpu.memory_space<vmem>> -> memref<128xi32, #tpu.memory_space<vmem>>
        %dma_start3A_213 = arith.constant 0 : i32
        %dma_start3A_214 = arith.constant 0 : i32
        %dma_start3A_215 = tpu.memref_slice %arg5[%dma_start3A_213, %dma_start3A_214] : memref<10240x128xf32, #tpu.memory_space<vmem_shared>> -> memref<10240x128xf32, #tpu.memory_space<vmem_shared>>
        tpu.enqueue_indirect_dma source(%arg15 : memref<128x128xf32, #tpu.memory_space<vmem>>) target(%dma_start3A_215 : memref<10240x128xf32, #tpu.memory_space<vmem_shared>>) offsets(%dma_start3A_212 : memref<128xi32, #tpu.memory_space<vmem>>) semaphore(%arg27 : memref<!tpu.dma_semaphore, #tpu.memory_space<semaphore_mem>>) {add = true}
        %add3A_216 = arith.constant 6 : i32
        %add3A_217 = arith.addi %add3A_194, %add3A_216 : i32
        %lt3A_218 = arith.constant 160 : i32
        %lt3A_219 = arith.cmpi slt, %add3A_217, %lt3A_218 : i32
        %convert_element_type3A_220 = arith.extui %lt3A_219 : i1 to i32
        %cond3A_221 = arith.constant 0 : i32
        %cond3A_222 = arith.cmpi ne, %convert_element_type3A_220, %cond3A_221 : i32
        scf.if %cond3A_222 {
          %add3A_351 = arith.addi %mul3A_2, %add3A_194 : i32
          %add3A_352 = arith.constant 6 : i32
          %add3A_353 = arith.addi %add3A_351, %add3A_352 : i32
          %dma_start3A_354 = arith.constant 0 : i32
          %dma_start3A_355 = arith.constant 0 : i32
          %dma_start3A_356 = tpu.memref_slice %arg3[%add3A_353, %dma_start3A_354, %dma_start3A_355] : memref<2560x2x128xi32, #tpu.memory_space<hbm>> -> memref<1x2x128xi32, #tpu.memory_space<hbm>>
          %dma_start3A_357 = tpu.memref_squeeze %dma_start3A_356 : memref<1x2x128xi32, #tpu.memory_space<hbm>> -> memref<2x128xi32, #tpu.memory_space<hbm>>
          %dma_start3A_358 = arith.constant 0 : i32
          %dma_start3A_359 = arith.constant 0 : i32
          %dma_start3A_360 = tpu.memref_slice %arg3[%add3A_353, %dma_start3A_358, %dma_start3A_359] : memref<2560x2x128xi32, #tpu.memory_space<hbm>> -> memref<1x2x128xi32, #tpu.memory_space<hbm>>
          %dma_start3A_361 = tpu.memref_squeeze %dma_start3A_360 : memref<1x2x128xi32, #tpu.memory_space<hbm>> -> memref<2x128xi32, #tpu.memory_space<hbm>>
          tpu.enqueue_dma source(%dma_start3A_361 : memref<2x128xi32, #tpu.memory_space<hbm>>) target(%arg7 : memref<2x128xi32, #tpu.memory_space<vmem>>) target_semaphore(%arg17 : memref<!tpu.dma_semaphore, #tpu.memory_space<semaphore_mem>>)
        } else {
        }
        %mul3A_223 = arith.constant 8 : i32
        %mul3A_224 = arith.muli %scan3A_95, %mul3A_223 : i32
        %add3A_225 = arith.constant 4 : i32
        %add3A_226 = arith.addi %mul3A_224, %add3A_225 : i32
        %add3A_227 = arith.constant 1 : i32
        %add3A_228 = arith.addi %add3A_226, %add3A_227 : i32
        %lt3A_229 = arith.constant 160 : i32
        %lt3A_230 = arith.cmpi slt, %add3A_228, %lt3A_229 : i32
        %convert_element_type3A_231 = arith.extui %lt3A_230 : i1 to i32
        %cond3A_232 = arith.constant 0 : i32
        %cond3A_233 = arith.cmpi ne, %convert_element_type3A_231, %cond3A_232 : i32
        scf.if %cond3A_233 {
          %add3A_351 = arith.addi %mul3A_2, %add3A_226 : i32
          %add3A_352 = arith.constant 1 : i32
          %add3A_353 = arith.addi %add3A_351, %add3A_352 : i32
          %dma_wait3A_354 = arith.constant 0 : i32
          %dma_wait3A_355 = arith.constant 0 : i32
          %dma_wait3A_356 = tpu.memref_slice %arg3[%add3A_353, %dma_wait3A_354, %dma_wait3A_355] : memref<2560x2x128xi32, #tpu.memory_space<hbm>> -> memref<1x2x128xi32, #tpu.memory_space<hbm>>
          %dma_wait3A_357 = tpu.memref_squeeze %dma_wait3A_356 : memref<1x2x128xi32, #tpu.memory_space<hbm>> -> memref<2x128xi32, #tpu.memory_space<hbm>>
          %dma_wait3A_358 = arith.constant 0 : i32
          %dma_wait3A_359 = arith.constant 0 : i32
          %dma_wait3A_360 = tpu.memref_slice %arg3[%add3A_353, %dma_wait3A_358, %dma_wait3A_359] : memref<2560x2x128xi32, #tpu.memory_space<hbm>> -> memref<1x2x128xi32, #tpu.memory_space<hbm>>
          %dma_wait3A_361 = tpu.memref_squeeze %dma_wait3A_360 : memref<1x2x128xi32, #tpu.memory_space<hbm>> -> memref<2x128xi32, #tpu.memory_space<hbm>>
          tpu.wait_dma2 semaphore(%arg21 : memref<!tpu.dma_semaphore, #tpu.memory_space<semaphore_mem>>) src(%dma_wait3A_361 : memref<2x128xi32, #tpu.memory_space<hbm>>) dst(%arg11 : memref<2x128xi32, #tpu.memory_space<vmem>>)
          %ge3A = arith.constant 1 : i32
          %ge3A_362 = arith.cmpi sge, %add3A_226, %ge3A : i32
          %convert_element_type3A_363 = arith.extui %ge3A_362 : i1 to i32
          %cond3A_364 = arith.constant 0 : i32
          %cond3A_365 = arith.cmpi ne, %convert_element_type3A_363, %cond3A_364 : i32
          scf.if %cond3A_365 {
            %dma_wait3A_373 = arith.constant 1 : i32
            %dma_wait3A_374 = arith.constant 0 : i32
            %dma_wait3A_375 = tpu.memref_slice %arg11[%dma_wait3A_373, %dma_wait3A_374] : memref<2x128xi32, #tpu.memory_space<vmem>> -> memref<1x128xi32, #tpu.memory_space<vmem>>
            %dma_wait3A_376 = tpu.memref_squeeze %dma_wait3A_375 : memref<1x128xi32, #tpu.memory_space<vmem>> -> memref<128xi32, #tpu.memory_space<vmem>>
            %dma_wait3A_377 = arith.constant 0 : i32
            %dma_wait3A_378 = arith.constant 0 : i32
            %dma_wait3A_379 = tpu.memref_slice %arg5[%dma_wait3A_377, %dma_wait3A_378] : memref<10240x128xf32, #tpu.memory_space<vmem_shared>> -> memref<10240x128xf32, #tpu.memory_space<vmem_shared>>
            tpu.wait_indirect_dma semaphore(%arg27 : memref<!tpu.dma_semaphore, #tpu.memory_space<semaphore_mem>>) src(%arg15 : memref<128x128xf32, #tpu.memory_space<vmem>>) dst(%dma_wait3A_379 : memref<10240x128xf32, #tpu.memory_space<vmem_shared>>)
          } else {
          }
          %dma_start3A_366 = arith.constant 0 : i32
          %dma_start3A_367 = arith.constant 0 : i32
          %dma_start3A_368 = tpu.memref_slice %arg11[%dma_start3A_366, %dma_start3A_367] : memref<2x128xi32, #tpu.memory_space<vmem>> -> memref<1x128xi32, #tpu.memory_space<vmem>>
          %dma_start3A_369 = tpu.memref_squeeze %dma_start3A_368 : memref<1x128xi32, #tpu.memory_space<vmem>> -> memref<128xi32, #tpu.memory_space<vmem>>
          %dma_start3A_370 = arith.constant 0 : i32
          %dma_start3A_371 = arith.constant 0 : i32
          %dma_start3A_372 = tpu.memref_slice %arg2[%dma_start3A_370, %dma_start3A_371] : memref<10240x128xf32, #tpu.memory_space<hbm>> -> memref<10240x128xf32, #tpu.memory_space<hbm>>
          tpu.enqueue_indirect_dma source(%dma_start3A_372 : memref<10240x128xf32, #tpu.memory_space<hbm>>) target(%arg15 : memref<128x128xf32, #tpu.memory_space<vmem>>) offsets(%dma_start3A_369 : memref<128xi32, #tpu.memory_space<vmem>>) semaphore(%arg25 : memref<!tpu.dma_semaphore, #tpu.memory_space<semaphore_mem>>)
        } else {
        }
        %dma_wait3A_234 = arith.constant 0 : i32
        %dma_wait3A_235 = arith.constant 0 : i32
        %dma_wait3A_236 = tpu.memref_slice %arg10[%dma_wait3A_234, %dma_wait3A_235] : memref<2x128xi32, #tpu.memory_space<vmem>> -> memref<1x128xi32, #tpu.memory_space<vmem>>
        %dma_wait3A_237 = tpu.memref_squeeze %dma_wait3A_236 : memref<1x128xi32, #tpu.memory_space<vmem>> -> memref<128xi32, #tpu.memory_space<vmem>>
        %dma_wait3A_238 = arith.constant 0 : i32
        %dma_wait3A_239 = arith.constant 0 : i32
        %dma_wait3A_240 = tpu.memref_slice %arg2[%dma_wait3A_238, %dma_wait3A_239] : memref<10240x128xf32, #tpu.memory_space<hbm>> -> memref<10240x128xf32, #tpu.memory_space<hbm>>
        tpu.wait_indirect_dma semaphore(%arg24 : memref<!tpu.dma_semaphore, #tpu.memory_space<semaphore_mem>>) src(%dma_wait3A_240 : memref<10240x128xf32, #tpu.memory_space<hbm>>) dst(%arg14 : memref<128x128xf32, #tpu.memory_space<vmem>>)
        %dma_start3A_241 = arith.constant 1 : i32
        %dma_start3A_242 = arith.constant 0 : i32
        %dma_start3A_243 = tpu.memref_slice %arg10[%dma_start3A_241, %dma_start3A_242] : memref<2x128xi32, #tpu.memory_space<vmem>> -> memref<1x128xi32, #tpu.memory_space<vmem>>
        %dma_start3A_244 = tpu.memref_squeeze %dma_start3A_243 : memref<1x128xi32, #tpu.memory_space<vmem>> -> memref<128xi32, #tpu.memory_space<vmem>>
        %dma_start3A_245 = arith.constant 0 : i32
        %dma_start3A_246 = arith.constant 0 : i32
        %dma_start3A_247 = tpu.memref_slice %arg5[%dma_start3A_245, %dma_start3A_246] : memref<10240x128xf32, #tpu.memory_space<vmem_shared>> -> memref<10240x128xf32, #tpu.memory_space<vmem_shared>>
        tpu.enqueue_indirect_dma source(%arg14 : memref<128x128xf32, #tpu.memory_space<vmem>>) target(%dma_start3A_247 : memref<10240x128xf32, #tpu.memory_space<vmem_shared>>) offsets(%dma_start3A_244 : memref<128xi32, #tpu.memory_space<vmem>>) semaphore(%arg26 : memref<!tpu.dma_semaphore, #tpu.memory_space<semaphore_mem>>) {add = true}
        %add3A_248 = arith.constant 6 : i32
        %add3A_249 = arith.addi %add3A_226, %add3A_248 : i32
        %lt3A_250 = arith.constant 160 : i32
        %lt3A_251 = arith.cmpi slt, %add3A_249, %lt3A_250 : i32
        %convert_element_type3A_252 = arith.extui %lt3A_251 : i1 to i32
        %cond3A_253 = arith.constant 0 : i32
        %cond3A_254 = arith.cmpi ne, %convert_element_type3A_252, %cond3A_253 : i32
        scf.if %cond3A_254 {
          %add3A_351 = arith.addi %mul3A_2, %add3A_226 : i32
          %add3A_352 = arith.constant 6 : i32
          %add3A_353 = arith.addi %add3A_351, %add3A_352 : i32
          %dma_start3A_354 = arith.constant 0 : i32
          %dma_start3A_355 = arith.constant 0 : i32
          %dma_start3A_356 = tpu.memref_slice %arg3[%add3A_353, %dma_start3A_354, %dma_start3A_355] : memref<2560x2x128xi32, #tpu.memory_space<hbm>> -> memref<1x2x128xi32, #tpu.memory_space<hbm>>
          %dma_start3A_357 = tpu.memref_squeeze %dma_start3A_356 : memref<1x2x128xi32, #tpu.memory_space<hbm>> -> memref<2x128xi32, #tpu.memory_space<hbm>>
          %dma_start3A_358 = arith.constant 0 : i32
          %dma_start3A_359 = arith.constant 0 : i32
          %dma_start3A_360 = tpu.memref_slice %arg3[%add3A_353, %dma_start3A_358, %dma_start3A_359] : memref<2560x2x128xi32, #tpu.memory_space<hbm>> -> memref<1x2x128xi32, #tpu.memory_space<hbm>>
          %dma_start3A_361 = tpu.memref_squeeze %dma_start3A_360 : memref<1x2x128xi32, #tpu.memory_space<hbm>> -> memref<2x128xi32, #tpu.memory_space<hbm>>
          tpu.enqueue_dma source(%dma_start3A_361 : memref<2x128xi32, #tpu.memory_space<hbm>>) target(%arg8 : memref<2x128xi32, #tpu.memory_space<vmem>>) target_semaphore(%arg18 : memref<!tpu.dma_semaphore, #tpu.memory_space<semaphore_mem>>)
        } else {
        }
        %mul3A_255 = arith.constant 8 : i32
        %mul3A_256 = arith.muli %scan3A_95, %mul3A_255 : i32
        %add3A_257 = arith.constant 5 : i32
        %add3A_258 = arith.addi %mul3A_256, %add3A_257 : i32
        %add3A_259 = arith.constant 1 : i32
        %add3A_260 = arith.addi %add3A_258, %add3A_259 : i32
        %lt3A_261 = arith.constant 160 : i32
        %lt3A_262 = arith.cmpi slt, %add3A_260, %lt3A_261 : i32
        %convert_element_type3A_263 = arith.extui %lt3A_262 : i1 to i32
        %cond3A_264 = arith.constant 0 : i32
        %cond3A_265 = arith.cmpi ne, %convert_element_type3A_263, %cond3A_264 : i32
        scf.if %cond3A_265 {
          %add3A_351 = arith.addi %mul3A_2, %add3A_258 : i32
          %add3A_352 = arith.constant 1 : i32
          %add3A_353 = arith.addi %add3A_351, %add3A_352 : i32
          %dma_wait3A_354 = arith.constant 0 : i32
          %dma_wait3A_355 = arith.constant 0 : i32
          %dma_wait3A_356 = tpu.memref_slice %arg3[%add3A_353, %dma_wait3A_354, %dma_wait3A_355] : memref<2560x2x128xi32, #tpu.memory_space<hbm>> -> memref<1x2x128xi32, #tpu.memory_space<hbm>>
          %dma_wait3A_357 = tpu.memref_squeeze %dma_wait3A_356 : memref<1x2x128xi32, #tpu.memory_space<hbm>> -> memref<2x128xi32, #tpu.memory_space<hbm>>
          %dma_wait3A_358 = arith.constant 0 : i32
          %dma_wait3A_359 = arith.constant 0 : i32
          %dma_wait3A_360 = tpu.memref_slice %arg3[%add3A_353, %dma_wait3A_358, %dma_wait3A_359] : memref<2560x2x128xi32, #tpu.memory_space<hbm>> -> memref<1x2x128xi32, #tpu.memory_space<hbm>>
          %dma_wait3A_361 = tpu.memref_squeeze %dma_wait3A_360 : memref<1x2x128xi32, #tpu.memory_space<hbm>> -> memref<2x128xi32, #tpu.memory_space<hbm>>
          tpu.wait_dma2 semaphore(%arg22 : memref<!tpu.dma_semaphore, #tpu.memory_space<semaphore_mem>>) src(%dma_wait3A_361 : memref<2x128xi32, #tpu.memory_space<hbm>>) dst(%arg12 : memref<2x128xi32, #tpu.memory_space<vmem>>)
          %ge3A = arith.constant 1 : i32
          %ge3A_362 = arith.cmpi sge, %add3A_258, %ge3A : i32
          %convert_element_type3A_363 = arith.extui %ge3A_362 : i1 to i32
          %cond3A_364 = arith.constant 0 : i32
          %cond3A_365 = arith.cmpi ne, %convert_element_type3A_363, %cond3A_364 : i32
          scf.if %cond3A_365 {
            %dma_wait3A_373 = arith.constant 1 : i32
            %dma_wait3A_374 = arith.constant 0 : i32
            %dma_wait3A_375 = tpu.memref_slice %arg12[%dma_wait3A_373, %dma_wait3A_374] : memref<2x128xi32, #tpu.memory_space<vmem>> -> memref<1x128xi32, #tpu.memory_space<vmem>>
            %dma_wait3A_376 = tpu.memref_squeeze %dma_wait3A_375 : memref<1x128xi32, #tpu.memory_space<vmem>> -> memref<128xi32, #tpu.memory_space<vmem>>
            %dma_wait3A_377 = arith.constant 0 : i32
            %dma_wait3A_378 = arith.constant 0 : i32
            %dma_wait3A_379 = tpu.memref_slice %arg5[%dma_wait3A_377, %dma_wait3A_378] : memref<10240x128xf32, #tpu.memory_space<vmem_shared>> -> memref<10240x128xf32, #tpu.memory_space<vmem_shared>>
            tpu.wait_indirect_dma semaphore(%arg26 : memref<!tpu.dma_semaphore, #tpu.memory_space<semaphore_mem>>) src(%arg14 : memref<128x128xf32, #tpu.memory_space<vmem>>) dst(%dma_wait3A_379 : memref<10240x128xf32, #tpu.memory_space<vmem_shared>>)
          } else {
          }
          %dma_start3A_366 = arith.constant 0 : i32
          %dma_start3A_367 = arith.constant 0 : i32
          %dma_start3A_368 = tpu.memref_slice %arg12[%dma_start3A_366, %dma_start3A_367] : memref<2x128xi32, #tpu.memory_space<vmem>> -> memref<1x128xi32, #tpu.memory_space<vmem>>
          %dma_start3A_369 = tpu.memref_squeeze %dma_start3A_368 : memref<1x128xi32, #tpu.memory_space<vmem>> -> memref<128xi32, #tpu.memory_space<vmem>>
          %dma_start3A_370 = arith.constant 0 : i32
          %dma_start3A_371 = arith.constant 0 : i32
          %dma_start3A_372 = tpu.memref_slice %arg2[%dma_start3A_370, %dma_start3A_371] : memref<10240x128xf32, #tpu.memory_space<hbm>> -> memref<10240x128xf32, #tpu.memory_space<hbm>>
          tpu.enqueue_indirect_dma source(%dma_start3A_372 : memref<10240x128xf32, #tpu.memory_space<hbm>>) target(%arg14 : memref<128x128xf32, #tpu.memory_space<vmem>>) offsets(%dma_start3A_369 : memref<128xi32, #tpu.memory_space<vmem>>) semaphore(%arg24 : memref<!tpu.dma_semaphore, #tpu.memory_space<semaphore_mem>>)
        } else {
        }
        %dma_wait3A_266 = arith.constant 0 : i32
        %dma_wait3A_267 = arith.constant 0 : i32
        %dma_wait3A_268 = tpu.memref_slice %arg11[%dma_wait3A_266, %dma_wait3A_267] : memref<2x128xi32, #tpu.memory_space<vmem>> -> memref<1x128xi32, #tpu.memory_space<vmem>>
        %dma_wait3A_269 = tpu.memref_squeeze %dma_wait3A_268 : memref<1x128xi32, #tpu.memory_space<vmem>> -> memref<128xi32, #tpu.memory_space<vmem>>
        %dma_wait3A_270 = arith.constant 0 : i32
        %dma_wait3A_271 = arith.constant 0 : i32
        %dma_wait3A_272 = tpu.memref_slice %arg2[%dma_wait3A_270, %dma_wait3A_271] : memref<10240x128xf32, #tpu.memory_space<hbm>> -> memref<10240x128xf32, #tpu.memory_space<hbm>>
        tpu.wait_indirect_dma semaphore(%arg25 : memref<!tpu.dma_semaphore, #tpu.memory_space<semaphore_mem>>) src(%dma_wait3A_272 : memref<10240x128xf32, #tpu.memory_space<hbm>>) dst(%arg15 : memref<128x128xf32, #tpu.memory_space<vmem>>)
        %dma_start3A_273 = arith.constant 1 : i32
        %dma_start3A_274 = arith.constant 0 : i32
        %dma_start3A_275 = tpu.memref_slice %arg11[%dma_start3A_273, %dma_start3A_274] : memref<2x128xi32, #tpu.memory_space<vmem>> -> memref<1x128xi32, #tpu.memory_space<vmem>>
        %dma_start3A_276 = tpu.memref_squeeze %dma_start3A_275 : memref<1x128xi32, #tpu.memory_space<vmem>> -> memref<128xi32, #tpu.memory_space<vmem>>
        %dma_start3A_277 = arith.constant 0 : i32
        %dma_start3A_278 = arith.constant 0 : i32
        %dma_start3A_279 = tpu.memref_slice %arg5[%dma_start3A_277, %dma_start3A_278] : memref<10240x128xf32, #tpu.memory_space<vmem_shared>> -> memref<10240x128xf32, #tpu.memory_space<vmem_shared>>
        tpu.enqueue_indirect_dma source(%arg15 : memref<128x128xf32, #tpu.memory_space<vmem>>) target(%dma_start3A_279 : memref<10240x128xf32, #tpu.memory_space<vmem_shared>>) offsets(%dma_start3A_276 : memref<128xi32, #tpu.memory_space<vmem>>) semaphore(%arg27 : memref<!tpu.dma_semaphore, #tpu.memory_space<semaphore_mem>>) {add = true}
        %add3A_280 = arith.constant 6 : i32
        %add3A_281 = arith.addi %add3A_258, %add3A_280 : i32
        %lt3A_282 = arith.constant 160 : i32
        %lt3A_283 = arith.cmpi slt, %add3A_281, %lt3A_282 : i32
        %convert_element_type3A_284 = arith.extui %lt3A_283 : i1 to i32
        %cond3A_285 = arith.constant 0 : i32
        %cond3A_286 = arith.cmpi ne, %convert_element_type3A_284, %cond3A_285 : i32
        scf.if %cond3A_286 {
          %add3A_351 = arith.addi %mul3A_2, %add3A_258 : i32
          %add3A_352 = arith.constant 6 : i32
          %add3A_353 = arith.addi %add3A_351, %add3A_352 : i32
          %dma_start3A_354 = arith.constant 0 : i32
          %dma_start3A_355 = arith.constant 0 : i32
          %dma_start3A_356 = tpu.memref_slice %arg3[%add3A_353, %dma_start3A_354, %dma_start3A_355] : memref<2560x2x128xi32, #tpu.memory_space<hbm>> -> memref<1x2x128xi32, #tpu.memory_space<hbm>>
          %dma_start3A_357 = tpu.memref_squeeze %dma_start3A_356 : memref<1x2x128xi32, #tpu.memory_space<hbm>> -> memref<2x128xi32, #tpu.memory_space<hbm>>
          %dma_start3A_358 = arith.constant 0 : i32
          %dma_start3A_359 = arith.constant 0 : i32
          %dma_start3A_360 = tpu.memref_slice %arg3[%add3A_353, %dma_start3A_358, %dma_start3A_359] : memref<2560x2x128xi32, #tpu.memory_space<hbm>> -> memref<1x2x128xi32, #tpu.memory_space<hbm>>
          %dma_start3A_361 = tpu.memref_squeeze %dma_start3A_360 : memref<1x2x128xi32, #tpu.memory_space<hbm>> -> memref<2x128xi32, #tpu.memory_space<hbm>>
          tpu.enqueue_dma source(%dma_start3A_361 : memref<2x128xi32, #tpu.memory_space<hbm>>) target(%arg9 : memref<2x128xi32, #tpu.memory_space<vmem>>) target_semaphore(%arg19 : memref<!tpu.dma_semaphore, #tpu.memory_space<semaphore_mem>>)
        } else {
        }
        %mul3A_287 = arith.constant 8 : i32
        %mul3A_288 = arith.muli %scan3A_95, %mul3A_287 : i32
        %add3A_289 = arith.constant 6 : i32
        %add3A_290 = arith.addi %mul3A_288, %add3A_289 : i32
        %add3A_291 = arith.constant 1 : i32
        %add3A_292 = arith.addi %add3A_290, %add3A_291 : i32
        %lt3A_293 = arith.constant 160 : i32
        %lt3A_294 = arith.cmpi slt, %add3A_292, %lt3A_293 : i32
        %convert_element_type3A_295 = arith.extui %lt3A_294 : i1 to i32
        %cond3A_296 = arith.constant 0 : i32
        %cond3A_297 = arith.cmpi ne, %convert_element_type3A_295, %cond3A_296 : i32
        scf.if %cond3A_297 {
          %add3A_351 = arith.addi %mul3A_2, %add3A_290 : i32
          %add3A_352 = arith.constant 1 : i32
          %add3A_353 = arith.addi %add3A_351, %add3A_352 : i32
          %dma_wait3A_354 = arith.constant 0 : i32
          %dma_wait3A_355 = arith.constant 0 : i32
          %dma_wait3A_356 = tpu.memref_slice %arg3[%add3A_353, %dma_wait3A_354, %dma_wait3A_355] : memref<2560x2x128xi32, #tpu.memory_space<hbm>> -> memref<1x2x128xi32, #tpu.memory_space<hbm>>
          %dma_wait3A_357 = tpu.memref_squeeze %dma_wait3A_356 : memref<1x2x128xi32, #tpu.memory_space<hbm>> -> memref<2x128xi32, #tpu.memory_space<hbm>>
          %dma_wait3A_358 = arith.constant 0 : i32
          %dma_wait3A_359 = arith.constant 0 : i32
          %dma_wait3A_360 = tpu.memref_slice %arg3[%add3A_353, %dma_wait3A_358, %dma_wait3A_359] : memref<2560x2x128xi32, #tpu.memory_space<hbm>> -> memref<1x2x128xi32, #tpu.memory_space<hbm>>
          %dma_wait3A_361 = tpu.memref_squeeze %dma_wait3A_360 : memref<1x2x128xi32, #tpu.memory_space<hbm>> -> memref<2x128xi32, #tpu.memory_space<hbm>>
          tpu.wait_dma2 semaphore(%arg23 : memref<!tpu.dma_semaphore, #tpu.memory_space<semaphore_mem>>) src(%dma_wait3A_361 : memref<2x128xi32, #tpu.memory_space<hbm>>) dst(%arg13 : memref<2x128xi32, #tpu.memory_space<vmem>>)
          %ge3A = arith.constant 1 : i32
          %ge3A_362 = arith.cmpi sge, %add3A_290, %ge3A : i32
          %convert_element_type3A_363 = arith.extui %ge3A_362 : i1 to i32
          %cond3A_364 = arith.constant 0 : i32
          %cond3A_365 = arith.cmpi ne, %convert_element_type3A_363, %cond3A_364 : i32
          scf.if %cond3A_365 {
            %dma_wait3A_373 = arith.constant 1 : i32
            %dma_wait3A_374 = arith.constant 0 : i32
            %dma_wait3A_375 = tpu.memref_slice %arg13[%dma_wait3A_373, %dma_wait3A_374] : memref<2x128xi32, #tpu.memory_space<vmem>> -> memref<1x128xi32, #tpu.memory_space<vmem>>
            %dma_wait3A_376 = tpu.memref_squeeze %dma_wait3A_375 : memref<1x128xi32, #tpu.memory_space<vmem>> -> memref<128xi32, #tpu.memory_space<vmem>>
            %dma_wait3A_377 = arith.constant 0 : i32
            %dma_wait3A_378 = arith.constant 0 : i32
            %dma_wait3A_379 = tpu.memref_slice %arg5[%dma_wait3A_377, %dma_wait3A_378] : memref<10240x128xf32, #tpu.memory_space<vmem_shared>> -> memref<10240x128xf32, #tpu.memory_space<vmem_shared>>
            tpu.wait_indirect_dma semaphore(%arg27 : memref<!tpu.dma_semaphore, #tpu.memory_space<semaphore_mem>>) src(%arg15 : memref<128x128xf32, #tpu.memory_space<vmem>>) dst(%dma_wait3A_379 : memref<10240x128xf32, #tpu.memory_space<vmem_shared>>)
          } else {
          }
          %dma_start3A_366 = arith.constant 0 : i32
          %dma_start3A_367 = arith.constant 0 : i32
          %dma_start3A_368 = tpu.memref_slice %arg13[%dma_start3A_366, %dma_start3A_367] : memref<2x128xi32, #tpu.memory_space<vmem>> -> memref<1x128xi32, #tpu.memory_space<vmem>>
          %dma_start3A_369 = tpu.memref_squeeze %dma_start3A_368 : memref<1x128xi32, #tpu.memory_space<vmem>> -> memref<128xi32, #tpu.memory_space<vmem>>
          %dma_start3A_370 = arith.constant 0 : i32
          %dma_start3A_371 = arith.constant 0 : i32
          %dma_start3A_372 = tpu.memref_slice %arg2[%dma_start3A_370, %dma_start3A_371] : memref<10240x128xf32, #tpu.memory_space<hbm>> -> memref<10240x128xf32, #tpu.memory_space<hbm>>
          tpu.enqueue_indirect_dma source(%dma_start3A_372 : memref<10240x128xf32, #tpu.memory_space<hbm>>) target(%arg15 : memref<128x128xf32, #tpu.memory_space<vmem>>) offsets(%dma_start3A_369 : memref<128xi32, #tpu.memory_space<vmem>>) semaphore(%arg25 : memref<!tpu.dma_semaphore, #tpu.memory_space<semaphore_mem>>)
        } else {
        }
        %dma_wait3A_298 = arith.constant 0 : i32
        %dma_wait3A_299 = arith.constant 0 : i32
        %dma_wait3A_300 = tpu.memref_slice %arg12[%dma_wait3A_298, %dma_wait3A_299] : memref<2x128xi32, #tpu.memory_space<vmem>> -> memref<1x128xi32, #tpu.memory_space<vmem>>
        %dma_wait3A_301 = tpu.memref_squeeze %dma_wait3A_300 : memref<1x128xi32, #tpu.memory_space<vmem>> -> memref<128xi32, #tpu.memory_space<vmem>>
        %dma_wait3A_302 = arith.constant 0 : i32
        %dma_wait3A_303 = arith.constant 0 : i32
        %dma_wait3A_304 = tpu.memref_slice %arg2[%dma_wait3A_302, %dma_wait3A_303] : memref<10240x128xf32, #tpu.memory_space<hbm>> -> memref<10240x128xf32, #tpu.memory_space<hbm>>
        tpu.wait_indirect_dma semaphore(%arg24 : memref<!tpu.dma_semaphore, #tpu.memory_space<semaphore_mem>>) src(%dma_wait3A_304 : memref<10240x128xf32, #tpu.memory_space<hbm>>) dst(%arg14 : memref<128x128xf32, #tpu.memory_space<vmem>>)
        %dma_start3A_305 = arith.constant 1 : i32
        %dma_start3A_306 = arith.constant 0 : i32
        %dma_start3A_307 = tpu.memref_slice %arg12[%dma_start3A_305, %dma_start3A_306] : memref<2x128xi32, #tpu.memory_space<vmem>> -> memref<1x128xi32, #tpu.memory_space<vmem>>
        %dma_start3A_308 = tpu.memref_squeeze %dma_start3A_307 : memref<1x128xi32, #tpu.memory_space<vmem>> -> memref<128xi32, #tpu.memory_space<vmem>>
        %dma_start3A_309 = arith.constant 0 : i32
        %dma_start3A_310 = arith.constant 0 : i32
        %dma_start3A_311 = tpu.memref_slice %arg5[%dma_start3A_309, %dma_start3A_310] : memref<10240x128xf32, #tpu.memory_space<vmem_shared>> -> memref<10240x128xf32, #tpu.memory_space<vmem_shared>>
        tpu.enqueue_indirect_dma source(%arg14 : memref<128x128xf32, #tpu.memory_space<vmem>>) target(%dma_start3A_311 : memref<10240x128xf32, #tpu.memory_space<vmem_shared>>) offsets(%dma_start3A_308 : memref<128xi32, #tpu.memory_space<vmem>>) semaphore(%arg26 : memref<!tpu.dma_semaphore, #tpu.memory_space<semaphore_mem>>) {add = true}
        %add3A_312 = arith.constant 6 : i32
        %add3A_313 = arith.addi %add3A_290, %add3A_312 : i32
        %lt3A_314 = arith.constant 160 : i32
        %lt3A_315 = arith.cmpi slt, %add3A_313, %lt3A_314 : i32
        %convert_element_type3A_316 = arith.extui %lt3A_315 : i1 to i32
        %cond3A_317 = arith.constant 0 : i32
        %cond3A_318 = arith.cmpi ne, %convert_element_type3A_316, %cond3A_317 : i32
        scf.if %cond3A_318 {
          %add3A_351 = arith.addi %mul3A_2, %add3A_290 : i32
          %add3A_352 = arith.constant 6 : i32
          %add3A_353 = arith.addi %add3A_351, %add3A_352 : i32
          %dma_start3A_354 = arith.constant 0 : i32
          %dma_start3A_355 = arith.constant 0 : i32
          %dma_start3A_356 = tpu.memref_slice %arg3[%add3A_353, %dma_start3A_354, %dma_start3A_355] : memref<2560x2x128xi32, #tpu.memory_space<hbm>> -> memref<1x2x128xi32, #tpu.memory_space<hbm>>
          %dma_start3A_357 = tpu.memref_squeeze %dma_start3A_356 : memref<1x2x128xi32, #tpu.memory_space<hbm>> -> memref<2x128xi32, #tpu.memory_space<hbm>>
          %dma_start3A_358 = arith.constant 0 : i32
          %dma_start3A_359 = arith.constant 0 : i32
          %dma_start3A_360 = tpu.memref_slice %arg3[%add3A_353, %dma_start3A_358, %dma_start3A_359] : memref<2560x2x128xi32, #tpu.memory_space<hbm>> -> memref<1x2x128xi32, #tpu.memory_space<hbm>>
          %dma_start3A_361 = tpu.memref_squeeze %dma_start3A_360 : memref<1x2x128xi32, #tpu.memory_space<hbm>> -> memref<2x128xi32, #tpu.memory_space<hbm>>
          tpu.enqueue_dma source(%dma_start3A_361 : memref<2x128xi32, #tpu.memory_space<hbm>>) target(%arg10 : memref<2x128xi32, #tpu.memory_space<vmem>>) target_semaphore(%arg20 : memref<!tpu.dma_semaphore, #tpu.memory_space<semaphore_mem>>)
        } else {
        }
        %mul3A_319 = arith.constant 8 : i32
        %mul3A_320 = arith.muli %scan3A_95, %mul3A_319 : i32
        %add3A_321 = arith.constant 7 : i32
        %add3A_322 = arith.addi %mul3A_320, %add3A_321 : i32
        %add3A_323 = arith.constant 1 : i32
        %add3A_324 = arith.addi %add3A_322, %add3A_323 : i32
        %lt3A_325 = arith.constant 160 : i32
        %lt3A_326 = arith.cmpi slt, %add3A_324, %lt3A_325 : i32
        %convert_element_type3A_327 = arith.extui %lt3A_326 : i1 to i32
        %cond3A_328 = arith.constant 0 : i32
        %cond3A_329 = arith.cmpi ne, %convert_element_type3A_327, %cond3A_328 : i32
        scf.if %cond3A_329 {
          %add3A_351 = arith.addi %mul3A_2, %add3A_322 : i32
          %add3A_352 = arith.constant 1 : i32
          %add3A_353 = arith.addi %add3A_351, %add3A_352 : i32
          %dma_wait3A_354 = arith.constant 0 : i32
          %dma_wait3A_355 = arith.constant 0 : i32
          %dma_wait3A_356 = tpu.memref_slice %arg3[%add3A_353, %dma_wait3A_354, %dma_wait3A_355] : memref<2560x2x128xi32, #tpu.memory_space<hbm>> -> memref<1x2x128xi32, #tpu.memory_space<hbm>>
          %dma_wait3A_357 = tpu.memref_squeeze %dma_wait3A_356 : memref<1x2x128xi32, #tpu.memory_space<hbm>> -> memref<2x128xi32, #tpu.memory_space<hbm>>
          %dma_wait3A_358 = arith.constant 0 : i32
          %dma_wait3A_359 = arith.constant 0 : i32
          %dma_wait3A_360 = tpu.memref_slice %arg3[%add3A_353, %dma_wait3A_358, %dma_wait3A_359] : memref<2560x2x128xi32, #tpu.memory_space<hbm>> -> memref<1x2x128xi32, #tpu.memory_space<hbm>>
          %dma_wait3A_361 = tpu.memref_squeeze %dma_wait3A_360 : memref<1x2x128xi32, #tpu.memory_space<hbm>> -> memref<2x128xi32, #tpu.memory_space<hbm>>
          tpu.wait_dma2 semaphore(%arg16 : memref<!tpu.dma_semaphore, #tpu.memory_space<semaphore_mem>>) src(%dma_wait3A_361 : memref<2x128xi32, #tpu.memory_space<hbm>>) dst(%arg6 : memref<2x128xi32, #tpu.memory_space<vmem>>)
          %ge3A = arith.constant 1 : i32
          %ge3A_362 = arith.cmpi sge, %add3A_322, %ge3A : i32
          %convert_element_type3A_363 = arith.extui %ge3A_362 : i1 to i32
          %cond3A_364 = arith.constant 0 : i32
          %cond3A_365 = arith.cmpi ne, %convert_element_type3A_363, %cond3A_364 : i32
          scf.if %cond3A_365 {
            %dma_wait3A_373 = arith.constant 1 : i32
            %dma_wait3A_374 = arith.constant 0 : i32
            %dma_wait3A_375 = tpu.memref_slice %arg6[%dma_wait3A_373, %dma_wait3A_374] : memref<2x128xi32, #tpu.memory_space<vmem>> -> memref<1x128xi32, #tpu.memory_space<vmem>>
            %dma_wait3A_376 = tpu.memref_squeeze %dma_wait3A_375 : memref<1x128xi32, #tpu.memory_space<vmem>> -> memref<128xi32, #tpu.memory_space<vmem>>
            %dma_wait3A_377 = arith.constant 0 : i32
            %dma_wait3A_378 = arith.constant 0 : i32
            %dma_wait3A_379 = tpu.memref_slice %arg5[%dma_wait3A_377, %dma_wait3A_378] : memref<10240x128xf32, #tpu.memory_space<vmem_shared>> -> memref<10240x128xf32, #tpu.memory_space<vmem_shared>>
            tpu.wait_indirect_dma semaphore(%arg26 : memref<!tpu.dma_semaphore, #tpu.memory_space<semaphore_mem>>) src(%arg14 : memref<128x128xf32, #tpu.memory_space<vmem>>) dst(%dma_wait3A_379 : memref<10240x128xf32, #tpu.memory_space<vmem_shared>>)
          } else {
          }
          %dma_start3A_366 = arith.constant 0 : i32
          %dma_start3A_367 = arith.constant 0 : i32
          %dma_start3A_368 = tpu.memref_slice %arg6[%dma_start3A_366, %dma_start3A_367] : memref<2x128xi32, #tpu.memory_space<vmem>> -> memref<1x128xi32, #tpu.memory_space<vmem>>
          %dma_start3A_369 = tpu.memref_squeeze %dma_start3A_368 : memref<1x128xi32, #tpu.memory_space<vmem>> -> memref<128xi32, #tpu.memory_space<vmem>>
          %dma_start3A_370 = arith.constant 0 : i32
          %dma_start3A_371 = arith.constant 0 : i32
          %dma_start3A_372 = tpu.memref_slice %arg2[%dma_start3A_370, %dma_start3A_371] : memref<10240x128xf32, #tpu.memory_space<hbm>> -> memref<10240x128xf32, #tpu.memory_space<hbm>>
          tpu.enqueue_indirect_dma source(%dma_start3A_372 : memref<10240x128xf32, #tpu.memory_space<hbm>>) target(%arg14 : memref<128x128xf32, #tpu.memory_space<vmem>>) offsets(%dma_start3A_369 : memref<128xi32, #tpu.memory_space<vmem>>) semaphore(%arg24 : memref<!tpu.dma_semaphore, #tpu.memory_space<semaphore_mem>>)
        } else {
        }
        %dma_wait3A_330 = arith.constant 0 : i32
        %dma_wait3A_331 = arith.constant 0 : i32
        %dma_wait3A_332 = tpu.memref_slice %arg13[%dma_wait3A_330, %dma_wait3A_331] : memref<2x128xi32, #tpu.memory_space<vmem>> -> memref<1x128xi32, #tpu.memory_space<vmem>>
        %dma_wait3A_333 = tpu.memref_squeeze %dma_wait3A_332 : memref<1x128xi32, #tpu.memory_space<vmem>> -> memref<128xi32, #tpu.memory_space<vmem>>
        %dma_wait3A_334 = arith.constant 0 : i32
        %dma_wait3A_335 = arith.constant 0 : i32
        %dma_wait3A_336 = tpu.memref_slice %arg2[%dma_wait3A_334, %dma_wait3A_335] : memref<10240x128xf32, #tpu.memory_space<hbm>> -> memref<10240x128xf32, #tpu.memory_space<hbm>>
        tpu.wait_indirect_dma semaphore(%arg25 : memref<!tpu.dma_semaphore, #tpu.memory_space<semaphore_mem>>) src(%dma_wait3A_336 : memref<10240x128xf32, #tpu.memory_space<hbm>>) dst(%arg15 : memref<128x128xf32, #tpu.memory_space<vmem>>)
        %dma_start3A_337 = arith.constant 1 : i32
        %dma_start3A_338 = arith.constant 0 : i32
        %dma_start3A_339 = tpu.memref_slice %arg13[%dma_start3A_337, %dma_start3A_338] : memref<2x128xi32, #tpu.memory_space<vmem>> -> memref<1x128xi32, #tpu.memory_space<vmem>>
        %dma_start3A_340 = tpu.memref_squeeze %dma_start3A_339 : memref<1x128xi32, #tpu.memory_space<vmem>> -> memref<128xi32, #tpu.memory_space<vmem>>
        %dma_start3A_341 = arith.constant 0 : i32
        %dma_start3A_342 = arith.constant 0 : i32
        %dma_start3A_343 = tpu.memref_slice %arg5[%dma_start3A_341, %dma_start3A_342] : memref<10240x128xf32, #tpu.memory_space<vmem_shared>> -> memref<10240x128xf32, #tpu.memory_space<vmem_shared>>
        tpu.enqueue_indirect_dma source(%arg15 : memref<128x128xf32, #tpu.memory_space<vmem>>) target(%dma_start3A_343 : memref<10240x128xf32, #tpu.memory_space<vmem_shared>>) offsets(%dma_start3A_340 : memref<128xi32, #tpu.memory_space<vmem>>) semaphore(%arg27 : memref<!tpu.dma_semaphore, #tpu.memory_space<semaphore_mem>>) {add = true}
        %add3A_344 = arith.constant 6 : i32
        %add3A_345 = arith.addi %add3A_322, %add3A_344 : i32
        %lt3A_346 = arith.constant 160 : i32
        %lt3A_347 = arith.cmpi slt, %add3A_345, %lt3A_346 : i32
        %convert_element_type3A_348 = arith.extui %lt3A_347 : i1 to i32
        %cond3A_349 = arith.constant 0 : i32
        %cond3A_350 = arith.cmpi ne, %convert_element_type3A_348, %cond3A_349 : i32
        scf.if %cond3A_350 {
          %add3A_351 = arith.addi %mul3A_2, %add3A_322 : i32
          %add3A_352 = arith.constant 6 : i32
          %add3A_353 = arith.addi %add3A_351, %add3A_352 : i32
          %dma_start3A_354 = arith.constant 0 : i32
          %dma_start3A_355 = arith.constant 0 : i32
          %dma_start3A_356 = tpu.memref_slice %arg3[%add3A_353, %dma_start3A_354, %dma_start3A_355] : memref<2560x2x128xi32, #tpu.memory_space<hbm>> -> memref<1x2x128xi32, #tpu.memory_space<hbm>>
          %dma_start3A_357 = tpu.memref_squeeze %dma_start3A_356 : memref<1x2x128xi32, #tpu.memory_space<hbm>> -> memref<2x128xi32, #tpu.memory_space<hbm>>
          %dma_start3A_358 = arith.constant 0 : i32
          %dma_start3A_359 = arith.constant 0 : i32
          %dma_start3A_360 = tpu.memref_slice %arg3[%add3A_353, %dma_start3A_358, %dma_start3A_359] : memref<2560x2x128xi32, #tpu.memory_space<hbm>> -> memref<1x2x128xi32, #tpu.memory_space<hbm>>
          %dma_start3A_361 = tpu.memref_squeeze %dma_start3A_360 : memref<1x2x128xi32, #tpu.memory_space<hbm>> -> memref<2x128xi32, #tpu.memory_space<hbm>>
          tpu.enqueue_dma source(%dma_start3A_361 : memref<2x128xi32, #tpu.memory_space<hbm>>) target(%arg11 : memref<2x128xi32, #tpu.memory_space<vmem>>) target_semaphore(%arg21 : memref<!tpu.dma_semaphore, #tpu.memory_space<semaphore_mem>>)
        } else {
        }
      }
      %scan3A_80 = arith.constant 20 : i32
      %dma_wait3A = arith.constant 1 : i32
      %dma_wait3A_81 = arith.constant 0 : i32
      %dma_wait3A_82 = tpu.memref_slice %arg6[%dma_wait3A, %dma_wait3A_81] : memref<2x128xi32, #tpu.memory_space<vmem>> -> memref<1x128xi32, #tpu.memory_space<vmem>>
      %dma_wait3A_83 = tpu.memref_squeeze %dma_wait3A_82 : memref<1x128xi32, #tpu.memory_space<vmem>> -> memref<128xi32, #tpu.memory_space<vmem>>
      %dma_wait3A_84 = arith.constant 0 : i32
      %dma_wait3A_85 = arith.constant 0 : i32
      %dma_wait3A_86 = tpu.memref_slice %arg5[%dma_wait3A_84, %dma_wait3A_85] : memref<10240x128xf32, #tpu.memory_space<vmem_shared>> -> memref<10240x128xf32, #tpu.memory_space<vmem_shared>>
      tpu.wait_indirect_dma semaphore(%arg26 : memref<!tpu.dma_semaphore, #tpu.memory_space<semaphore_mem>>) src(%arg14 : memref<128x128xf32, #tpu.memory_space<vmem>>) dst(%dma_wait3A_86 : memref<10240x128xf32, #tpu.memory_space<vmem_shared>>)
      %dma_wait3A_87 = arith.constant 1 : i32
      %dma_wait3A_88 = arith.constant 0 : i32
      %dma_wait3A_89 = tpu.memref_slice %arg7[%dma_wait3A_87, %dma_wait3A_88] : memref<2x128xi32, #tpu.memory_space<vmem>> -> memref<1x128xi32, #tpu.memory_space<vmem>>
      %dma_wait3A_90 = tpu.memref_squeeze %dma_wait3A_89 : memref<1x128xi32, #tpu.memory_space<vmem>> -> memref<128xi32, #tpu.memory_space<vmem>>
      %dma_wait3A_91 = arith.constant 0 : i32
      %dma_wait3A_92 = arith.constant 0 : i32
      %dma_wait3A_93 = tpu.memref_slice %arg5[%dma_wait3A_91, %dma_wait3A_92] : memref<10240x128xf32, #tpu.memory_space<vmem_shared>> -> memref<10240x128xf32, #tpu.memory_space<vmem_shared>>
      tpu.wait_indirect_dma semaphore(%arg27 : memref<!tpu.dma_semaphore, #tpu.memory_space<semaphore_mem>>) src(%arg15 : memref<128x128xf32, #tpu.memory_space<vmem>>) dst(%dma_wait3A_93 : memref<10240x128xf32, #tpu.memory_space<vmem_shared>>)
      %barrier3A_94 = arith.constant 0 : index
      tpu.barrier barrier_id(%barrier3A_94)
      "tpu.region"() ({
        %run_scoped3A = tpu.sem_alloc : memref<!tpu.dma_semaphore, #tpu.memory_space<semaphore_mem>>
        %dma_start3A_95 = arith.constant 0 : i32
        %dma_start3A_96 = tpu.memref_slice %arg4[%mul3A_9, %dma_start3A_95] : memref<10240x128xf32, #tpu.memory_space<hbm>> -> memref<640x128xf32, #tpu.memory_space<hbm>>
        %dma_start3A_97 = arith.constant 0 : i32
        %dma_start3A_98 = tpu.memref_slice %arg5[%mul3A_9, %dma_start3A_97] : memref<10240x128xf32, #tpu.memory_space<vmem_shared>> -> memref<640x128xf32, #tpu.memory_space<vmem_shared>>
        tpu.enqueue_dma source(%dma_start3A_98 : memref<640x128xf32, #tpu.memory_space<vmem_shared>>) target(%dma_start3A_96 : memref<640x128xf32, #tpu.memory_space<hbm>>) target_semaphore(%run_scoped3A : memref<!tpu.dma_semaphore, #tpu.memory_space<semaphore_mem>>)
        %dma_wait3A_99 = arith.constant 0 : i32
        %dma_wait3A_100 = tpu.memref_slice %arg4[%mul3A_9, %dma_wait3A_99] : memref<10240x128xf32, #tpu.memory_space<hbm>> -> memref<640x128xf32, #tpu.memory_space<hbm>>
        %dma_wait3A_101 = arith.constant 0 : i32
        %dma_wait3A_102 = tpu.memref_slice %arg5[%mul3A_9, %dma_wait3A_101] : memref<10240x128xf32, #tpu.memory_space<vmem_shared>> -> memref<640x128xf32, #tpu.memory_space<vmem_shared>>
        tpu.wait_dma2 semaphore(%run_scoped3A : memref<!tpu.dma_semaphore, #tpu.memory_space<semaphore_mem>>) src(%dma_wait3A_102 : memref<640x128xf32, #tpu.memory_space<vmem_shared>>) dst(%dma_wait3A_100 : memref<640x128xf32, #tpu.memory_space<hbm>>)
        tpu.yield
      }) : () -> ()
    } else {
    }
    return
  }
}

module attributes {stable_mosaic.version = 14 : i64} {
  func.func @_prescale_body(%arg0: i32, %arg1: memref<2048x128xf32, #tpu.memory_space<vmem>>, %arg2: memref<2x2048x1xf32, #tpu.memory_space<vmem>>, %arg3: memref<2048x128xf32, #tpu.memory_space<vmem>>) attributes {dimension_semantics = [#tpu.dimension_semantics<arbitrary>], iteration_bounds = array<i64: 5>, scalar_prefetch = 0 : i64, scratch_operands = 0 : i64, tpu.core_type = #tpu.core_type<tc>, window_params = [{transform_indices = @transform_0, window_bounds = array<i64: 2048, 128>}, {transform_indices = @transform_1, window_bounds = array<i64: 2, 2048, 1>}, {transform_indices = @transform_2, window_bounds = array<i64: 2048, 128>}]} {
    %get3A = arith.constant 0 : index
    %get3A_0 = arith.constant 0 : index
    %get3A_1 = arith.constant 0 : index
    %get3A_2 = vector.load %arg2[%get3A, %get3A_0, %get3A_1] : memref<2x2048x1xf32, #tpu.memory_space<vmem>>, vector<1x2048x1xf32>
    %get3A_3 = vector.shape_cast %get3A_2 : vector<1x2048x1xf32> to vector<2048x1xf32>
    %get3A_4 = arith.constant 0 : index
    %get3A_5 = arith.constant 0 : index
    %get3A_6 = vector.load %arg1[%get3A_4, %get3A_5] : memref<2048x128xf32, #tpu.memory_space<vmem>>, vector<2048x128xf32>
    %max3A = arith.constant 1.000000e+00 : f32
    %max3A_7 = vector.broadcast %max3A : f32 to vector<2048x1xf32>
    %max3A_8 = arith.maximumf %get3A_3, %max3A_7 : vector<2048x1xf32>
    %rsqrt3A = math.rsqrt %max3A_8 : vector<2048x1xf32>
    %mul3A = vector.broadcast %rsqrt3A : vector<2048x1xf32> to vector<2048x128xf32>
    %mul3A_9 = arith.mulf %get3A_6, %mul3A : vector<2048x128xf32>
    %swap3A = arith.constant 0 : index
    %swap3A_10 = arith.constant 0 : index
    %swap3A_11 = vector.load %arg3[%swap3A, %swap3A_10] : memref<2048x128xf32, #tpu.memory_space<vmem>>, vector<2048x128xf32>
    tpu.vector_store %arg3[%swap3A, %swap3A_10], %mul3A_9 {strides = array<i32>} : memref<2048x128xf32, #tpu.memory_space<vmem>>, vector<2048x128xf32>,
    return
  }
  func.func @transform_0(%arg0: i32) -> (i32, i32) {
    %c0_i32 = arith.constant 0 : i32
    %c0_i32_0 = arith.constant 0 : i32
    return %arg0, %c0_i32 : i32, i32
  }
  func.func @transform_1(%arg0: i32) -> (i32, i32, i32) {
    %c0_i32 = arith.constant 0 : i32
    %c0_i32_0 = arith.constant 0 : i32
    %c0_i32_1 = arith.constant 0 : i32
    return %c0_i32, %arg0, %c0_i32_0 : i32, i32, i32
  }
  func.func @transform_2(%arg0: i32) -> (i32, i32) {
    %c0_i32 = arith.constant 0 : i32
    %c0_i32_0 = arith.constant 0 : i32
    return %arg0, %c0_i32 : i32, i32
  }
}

module attributes {stable_mosaic.version = 14 : i64} {
  func.func @_layer_body(%arg0: i32, %arg1: memref<2048x128xf32, #tpu.memory_space<vmem>>, %arg2: memref<2x2048x1xf32, #tpu.memory_space<vmem>>, %arg3: memref<128x128xf32, #tpu.memory_space<vmem>>, %arg4: memref<1x128xf32, #tpu.memory_space<vmem>>, %arg5: memref<2048x128xf32, #tpu.memory_space<vmem>>) attributes {dimension_semantics = [#tpu.dimension_semantics<arbitrary>], iteration_bounds = array<i64: 5>, scalar_prefetch = 0 : i64, scratch_operands = 0 : i64, tpu.core_type = #tpu.core_type<tc>, window_params = [{transform_indices = @transform_0, window_bounds = array<i64: 2048, 128>}, {transform_indices = @transform_1, window_bounds = array<i64: 2, 2048, 1>}, {pipeline_mode = #tpu.pipeline_mode<synchronous>, transform_indices = @transform_2, window_bounds = array<i64: 128, 128>}, {pipeline_mode = #tpu.pipeline_mode<synchronous>, transform_indices = @transform_3, window_bounds = array<i64: 1, 128>}, {transform_indices = @transform_4, window_bounds = array<i64: 2048, 128>}]} {
    %get3A = arith.constant 1 : index
    %get3A_0 = arith.constant 0 : index
    %get3A_1 = arith.constant 0 : index
    %get3A_2 = vector.load %arg2[%get3A, %get3A_0, %get3A_1] : memref<2x2048x1xf32, #tpu.memory_space<vmem>>, vector<1x2048x1xf32>
    %get3A_3 = vector.shape_cast %get3A_2 : vector<1x2048x1xf32> to vector<2048x1xf32>
    %get3A_4 = arith.constant 0 : index
    %get3A_5 = arith.constant 0 : index
    %get3A_6 = vector.load %arg1[%get3A_4, %get3A_5] : memref<2048x128xf32, #tpu.memory_space<vmem>>, vector<2048x128xf32>
    %max3A = arith.constant 1.000000e+00 : f32
    %max3A_7 = vector.broadcast %max3A : f32 to vector<2048x1xf32>
    %max3A_8 = arith.maximumf %get3A_3, %max3A_7 : vector<2048x1xf32>
    %rsqrt3A = math.rsqrt %max3A_8 : vector<2048x1xf32>
    %mul3A = vector.broadcast %rsqrt3A : vector<2048x1xf32> to vector<2048x128xf32>
    %mul3A_9 = arith.mulf %get3A_6, %mul3A : vector<2048x128xf32>
    %get3A_10 = arith.constant 0 : index
    %get3A_11 = arith.constant 0 : index
    %get3A_12 = vector.load %arg3[%get3A_10, %get3A_11] : memref<128x128xf32, #tpu.memory_space<vmem>>, vector<128x128xf32>
    %dot_general3A = arith.constant dense<0.000000e+00> : vector<2048x128xf32>
    %dot_general3A_13 = tpu.matmul %mul3A_9, %get3A_12, %dot_general3A {dimension_numbers = #tpu.dot_dimension_numbers<[1], [0], [0], [1], [0, 0, 1, 1], [], []>, transpose_lhs_hint = false} : vector<2048x128xf32>, vector<128x128xf32>, vector<2048x128xf32> -> vector<2048x128xf32>
    %get3A_14 = arith.constant 0 : index
    %get3A_15 = arith.constant 0 : index
    %get3A_16 = vector.load %arg4[%get3A_14, %get3A_15] : memref<1x128xf32, #tpu.memory_space<vmem>>, vector<1x128xf32>
    %add3A = vector.broadcast %get3A_16 : vector<1x128xf32> to vector<2048x128xf32>
    %add3A_17 = arith.addf %dot_general3A_13, %add3A : vector<2048x128xf32>
    %max3A_18 = arith.constant 0.000000e+00 : f32
    %max3A_19 = vector.broadcast %max3A_18 : f32 to vector<2048x128xf32>
    %max3A_20 = arith.maximumf %add3A_17, %max3A_19 : vector<2048x128xf32>
    %get3A_21 = arith.constant 0 : index
    %get3A_22 = arith.constant 0 : index
    %get3A_23 = arith.constant 0 : index
    %get3A_24 = vector.load %arg2[%get3A_21, %get3A_22, %get3A_23] : memref<2x2048x1xf32, #tpu.memory_space<vmem>>, vector<1x2048x1xf32>
    %get3A_25 = vector.shape_cast %get3A_24 : vector<1x2048x1xf32> to vector<2048x1xf32>
    %max3A_26 = arith.constant 1.000000e+00 : f32
    %max3A_27 = vector.broadcast %max3A_26 : f32 to vector<2048x1xf32>
    %max3A_28 = arith.maximumf %get3A_25, %max3A_27 : vector<2048x1xf32>
    %rsqrt3A_29 = math.rsqrt %max3A_28 : vector<2048x1xf32>
    %mul3A_30 = vector.broadcast %rsqrt3A_29 : vector<2048x1xf32> to vector<2048x128xf32>
    %mul3A_31 = arith.mulf %max3A_20, %mul3A_30 : vector<2048x128xf32>
    %swap3A = arith.constant 0 : index
    %swap3A_32 = arith.constant 0 : index
    %swap3A_33 = vector.load %arg5[%swap3A, %swap3A_32] : memref<2048x128xf32, #tpu.memory_space<vmem>>, vector<2048x128xf32>
    tpu.vector_store %arg5[%swap3A, %swap3A_32], %mul3A_31 {strides = array<i32>} : memref<2048x128xf32, #tpu.memory_space<vmem>>, vector<2048x128xf32>,
    return
  }
  func.func @transform_0(%arg0: i32) -> (i32, i32) {
    %c0_i32 = arith.constant 0 : i32
    %c0_i32_0 = arith.constant 0 : i32
    return %arg0, %c0_i32 : i32, i32
  }
  func.func @transform_1(%arg0: i32) -> (i32, i32, i32) {
    %c0_i32 = arith.constant 0 : i32
    %c0_i32_0 = arith.constant 0 : i32
    %c0_i32_1 = arith.constant 0 : i32
    return %c0_i32, %arg0, %c0_i32_0 : i32, i32, i32
  }
  func.func @transform_2(%arg0: i32) -> (i32, i32) {
    %c0_i32 = arith.constant 0 : i32
    %c0_i32_0 = arith.constant 0 : i32
    %c0_i32_1 = arith.constant 0 : i32
    return %c0_i32, %c0_i32_0 : i32, i32
  }
  func.func @transform_3(%arg0: i32) -> (i32, i32) {
    %c0_i32 = arith.constant 0 : i32
    %c0_i32_0 = arith.constant 0 : i32
    %c0_i32_1 = arith.constant 0 : i32
    return %c0_i32, %c0_i32_0 : i32, i32
  }
  func.func @transform_4(%arg0: i32) -> (i32, i32) {
    %c0_i32 = arith.constant 0 : i32
    %c0_i32_0 = arith.constant 0 : i32
    return %arg0, %c0_i32 : i32, i32
  }
}

module attributes {stable_mosaic.version = 14 : i64} {
  func.func @_layer_body(%arg0: i32, %arg1: memref<2048x128xf32, #tpu.memory_space<vmem>>, %arg2: memref<2x2048x1xf32, #tpu.memory_space<vmem>>, %arg3: memref<128x128xf32, #tpu.memory_space<vmem>>, %arg4: memref<1x128xf32, #tpu.memory_space<vmem>>, %arg5: memref<2048x128xf32, #tpu.memory_space<vmem>>) attributes {dimension_semantics = [#tpu.dimension_semantics<arbitrary>], iteration_bounds = array<i64: 5>, scalar_prefetch = 0 : i64, scratch_operands = 0 : i64, tpu.core_type = #tpu.core_type<tc>, window_params = [{transform_indices = @transform_0, window_bounds = array<i64: 2048, 128>}, {transform_indices = @transform_1, window_bounds = array<i64: 2, 2048, 1>}, {pipeline_mode = #tpu.pipeline_mode<synchronous>, transform_indices = @transform_2, window_bounds = array<i64: 128, 128>}, {pipeline_mode = #tpu.pipeline_mode<synchronous>, transform_indices = @transform_3, window_bounds = array<i64: 1, 128>}, {transform_indices = @transform_4, window_bounds = array<i64: 2048, 128>}]} {
    %get3A = arith.constant 1 : index
    %get3A_0 = arith.constant 0 : index
    %get3A_1 = arith.constant 0 : index
    %get3A_2 = vector.load %arg2[%get3A, %get3A_0, %get3A_1] : memref<2x2048x1xf32, #tpu.memory_space<vmem>>, vector<1x2048x1xf32>
    %get3A_3 = vector.shape_cast %get3A_2 : vector<1x2048x1xf32> to vector<2048x1xf32>
    %get3A_4 = arith.constant 0 : index
    %get3A_5 = arith.constant 0 : index
    %get3A_6 = vector.load %arg1[%get3A_4, %get3A_5] : memref<2048x128xf32, #tpu.memory_space<vmem>>, vector<2048x128xf32>
    %max3A = arith.constant 1.000000e+00 : f32
    %max3A_7 = vector.broadcast %max3A : f32 to vector<2048x1xf32>
    %max3A_8 = arith.maximumf %get3A_3, %max3A_7 : vector<2048x1xf32>
    %rsqrt3A = math.rsqrt %max3A_8 : vector<2048x1xf32>
    %mul3A = vector.broadcast %rsqrt3A : vector<2048x1xf32> to vector<2048x128xf32>
    %mul3A_9 = arith.mulf %get3A_6, %mul3A : vector<2048x128xf32>
    %get3A_10 = arith.constant 0 : index
    %get3A_11 = arith.constant 0 : index
    %get3A_12 = vector.load %arg3[%get3A_10, %get3A_11] : memref<128x128xf32, #tpu.memory_space<vmem>>, vector<128x128xf32>
    %dot_general3A = arith.constant dense<0.000000e+00> : vector<2048x128xf32>
    %dot_general3A_13 = tpu.matmul %mul3A_9, %get3A_12, %dot_general3A {dimension_numbers = #tpu.dot_dimension_numbers<[1], [0], [0], [1], [0, 0, 1, 1], [], []>, transpose_lhs_hint = false} : vector<2048x128xf32>, vector<128x128xf32>, vector<2048x128xf32> -> vector<2048x128xf32>
    %get3A_14 = arith.constant 0 : index
    %get3A_15 = arith.constant 0 : index
    %get3A_16 = vector.load %arg4[%get3A_14, %get3A_15] : memref<1x128xf32, #tpu.memory_space<vmem>>, vector<1x128xf32>
    %add3A = vector.broadcast %get3A_16 : vector<1x128xf32> to vector<2048x128xf32>
    %add3A_17 = arith.addf %dot_general3A_13, %add3A : vector<2048x128xf32>
    %swap3A = arith.constant 0 : index
    %swap3A_18 = arith.constant 0 : index
    %swap3A_19 = vector.load %arg5[%swap3A, %swap3A_18] : memref<2048x128xf32, #tpu.memory_space<vmem>>, vector<2048x128xf32>
    tpu.vector_store %arg5[%swap3A, %swap3A_18], %add3A_17 {strides = array<i32>} : memref<2048x128xf32, #tpu.memory_space<vmem>>, vector<2048x128xf32>,
    return
  }
  func.func @transform_0(%arg0: i32) -> (i32, i32) {
    %c0_i32 = arith.constant 0 : i32
    %c0_i32_0 = arith.constant 0 : i32
    return %arg0, %c0_i32 : i32, i32
  }
  func.func @transform_1(%arg0: i32) -> (i32, i32, i32) {
    %c0_i32 = arith.constant 0 : i32
    %c0_i32_0 = arith.constant 0 : i32
    %c0_i32_1 = arith.constant 0 : i32
    return %c0_i32, %arg0, %c0_i32_0 : i32, i32, i32
  }
  func.func @transform_2(%arg0: i32) -> (i32, i32) {
    %c0_i32 = arith.constant 0 : i32
    %c0_i32_0 = arith.constant 0 : i32
    %c0_i32_1 = arith.constant 0 : i32
    return %c0_i32, %c0_i32_0 : i32, i32
  }
  func.func @transform_3(%arg0: i32) -> (i32, i32) {
    %c0_i32 = arith.constant 0 : i32
    %c0_i32_0 = arith.constant 0 : i32
    %c0_i32_1 = arith.constant 0 : i32
    return %c0_i32, %c0_i32_0 : i32, i32
  }
  func.func @transform_4(%arg0: i32) -> (i32, i32) {
    %c0_i32 = arith.constant 0 : i32
    %c0_i32_0 = arith.constant 0 : i32
    return %arg0, %c0_i32 : i32, i32
  }
}

</mosaic_0001>

<sc_bundles>
// kernel: kernel.10.cloned.1.call-start
scs
__scs_entry_jumppad:
0x0: {  	(pc) =	sbr.rel $0x88, $3  }
0x1: {  	(tag) =	ssettag $0x0;
	lr =	simm.s32 $0x1  }
0x2: {  	[smem:$0x3F99] =	sst lr;
	_ =	strace $0xD0000000  }
0x3: {  	_ = 	snop  }
0x4: {  	_ = 	snop  }
0x5: {  	_ = 	snop  }
0x6: {  	_ = 	snop  }
0x7: {  	_ = 	snop  }
__scs_overlays_trampoline_lowered:
0x8: {  	[smem:$0x3FA8] =	sst s0  }
0x9: {  	[smem:$0x3FA9] =	sst s1  }
0xa: {  	[smem:$0x3FAA] =	sst s2  }
0xb: {  	[smem:$0x3FAB] =	sst s3  }
0xc: {  	[smem:$0x3FAC] =	sst s4  }
0xd: {  	[smem:$0x3FAD] =	sst s5  }
0xe: {  	[smem:$0x3FAE] =	sst s6  }
0xf: {  	[smem:$0x3FAF] =	sst s7  }
0x10: {  	[smem:$0x3FB0] =	sst s8  }
0x11: {  	[smem:$0x3FB1] =	sst s9;
	s0 =	simm.s32 @!p0 $0x0  }
0x12: {  	s1 =	sld [smem:$0x3F97];
	s0 =	simm.s32 @p0 $0x1  }
0x13: {  	[smem:$0x3FB2] =	sst s0;
	s0 =	simm.s32 @!p1 $0x0  }
0x14: {  	s2 =	sld [smem:$0x3F96];
	s0 =	simm.s32 @p1 $0x1  }
0x15: {  	[smem:$0x3FB3] =	sst s0;
	s0 =	simm.s32 @!p2 $0x0  }
0x16: {  	s3 =	sld [smem:$0x3FDB];
	s0 =	simm.s32 @p2 $0x1  }
0x17: {  	s4 =	simm.s32 $0x1BF5;
	[smem:$0x3FB5] =	sst s0  }
0x18: {  	s0 =	sld [smem:$0x3F98];
	_ =	swait.ge [sflag:s4], $0x0  }
0x19: {  	s7 =	sld [smem:$0x3F99]  }
0x1a: {  	s8 =	sadd.s32 $0xFFFFE003, lr  }
0x1b: {  	s9 =	sadd.s32 $0xFFFFFEF7, lr;
	s5 =	simm.s32 $0xFFFFFFFF;
	p2 =	slt.u32 s8, $0xFFFFF086  }
0x1c: {  	p1 =	slt.u32 s9, $0xF7A;
	s5 =	simm.s32 @!p2 $0x0  }
0x1d: {  	s5 =	simm.s32 @p1 $0x1;
	p0 =	seq.s32 s7, s2  }
0x1e: {  	s7 =	smul.u32 @!p0 $0xF7A, s2;
	p2 =	seq.s32 @!p0 s5, $0x0  }
0x1f: {  	s9 =	smul.u32 $0xF7A, s1;
	s8 =	simm.s32 @!p0 $0x1BF5;
	p2 =	por !p2, p0  }
0x20: {  	[sflag:s8] =	ssyncset.s32 @!p0 $0xFFFFF086;
	s6 =	sadd.s32 @!p0 s3, s7;
	s7 =	simm.s32 @!p0 $0x108  }
0x21: {  	s3 =	sadd.s32 s3, s9;
	s6 =	sadd.s32 @!p0 $0x88, s6;
	s7 =	simm.s32 @p2 $0x1082  }
0x22: {  	[simem:s7], [sflag:s8] =	dma.local @!p0 [hbm:s6], $0xF7A  }
0x23: {  	s9 =	sor.u32 $0xD0000000, s2;
	s6 =	simm.s32 $0x108;
	_ =	swait.ge @!p0 [sflag:s8], $0x0  }
0x24: {  	s3 =	sadd.s32 $0x88, s3;
	s6 =	simm.s32 @!p1 $0x1082;
	[sflag:s4] =	ssyncset.s32 $0xFFFFF086  }
0x25: {  	[simem:s6], [sflag:s4] =	dma.local [hbm:s3], $0xF7A  }
0x26: {  	[smem:$0x3F99] =	sst s1;
	(tag) =	ssettag s2;
	_ =	strace s9  }
0x27: {  	s1 =	sld [smem:$0x3FA9]  }
0x28: {  	s2 =	sld [smem:$0x3FAA]  }
0x29: {  	s4 =	sld [smem:$0x3FAC]  }
0x2a: {  	p0 =	seq.s32 s5, $0x0;
	s5 =	sld [smem:$0x3FAD]  }
0x2b: {  	s6 =	sld [smem:$0x3FAE]  }
0x2c: {  	s7 =	sld [smem:$0x3FAF]  }
0x2d: {  	s3 =	simm.s32 $0x108;
	s8 =	sld [smem:$0x3FB0]  }
0x2e: {  	s3 =	simm.s32 @!p0 $0x1082;
	s9 =	sld [smem:$0x3FB1]  }
0x2f: {  	lr =	sadd.s32 s0, s3;
	s0 =	sld [smem:$0x3FA8]  }
0x30: {  	s3 =	sld [smem:$0x3FAB]  }
0x31: {  	[smem:$0x3FB4] =	sst s10  }
0x32: {  	s10 =	sld [smem:$0x3FB2];
	_ =	sdelay $0x3  }
0x33: {  	p0 =	seq.s32 s10, $0x1;
	s10 =	sld [smem:$0x3FB4];
	_ =	sdelay $0x3  }
0x34: {  	[smem:$0x3FB4] =	sst s10  }
0x35: {  	s10 =	sld [smem:$0x3FB3];
	_ =	sdelay $0x3  }
0x36: {  	p1 =	seq.s32 s10, $0x1;
	s10 =	sld [smem:$0x3FB4];
	_ =	sdelay $0x3  }
0x37: {  	[smem:$0x3FB4] =	sst s10  }
0x38: {  	s10 =	sld [smem:$0x3FB5]  }
0x39: {  	_ = 	snop;
	(pc) =	sbr.ind lr, $3  }
0x3a: {  	_ = 	snop  }
0x3b: {  	_ = 	snop  }
0x3c: {  	p2 =	seq.s32 s10, $0x1;
	s10 =	sld [smem:$0x3FB4]  }
0x3d: {  	_ =	shalt  }
0x3e: {  	_ =	shalt  }
0x3f: {  	_ =	shalt  }
0x40: {  	_ =	shalt  }
0x41: {  	_ =	shalt  }
0x42: {  	_ =	shalt  }
0x43: {  	_ =	shalt  }
0x44: {  	_ =	shalt  }
0x45: {  	_ =	shalt  }
0x46: {  	_ =	shalt  }
0x47: {  	_ =	shalt  }
0x48: {  	_ =	shalt  }
0x49: {  	_ =	shalt  }
0x4a: {  	_ =	shalt  }
0x4b: {  	_ =	shalt  }
0x4c: {  	_ =	shalt  }
0x4d: {  	_ =	shalt  }
0x4e: {  	_ =	shalt  }
0x4f: {  	_ =	shalt  }
0x50: {  	_ =	shalt  }
0x51: {  	_ =	shalt  }
0x52: {  	_ =	shalt  }
0x53: {  	_ =	shalt  }
0x54: {  	_ =	shalt  }
0x55: {  	_ =	shalt  }
0x56: {  	_ =	shalt  }
0x57: {  	_ =	shalt  }
0x58: {  	_ =	shalt  }
0x59: {  	_ =	shalt  }
0x5a: {  	_ =	shalt  }
0x5b: {  	_ =	shalt  }
0x5c: {  	_ =	shalt  }
0x5d: {  	_ =	shalt  }
0x5e: {  	_ =	shalt  }
0x5f: {  	_ =	shalt  }
0x60: {  	_ =	shalt  }
0x61: {  	_ =	shalt  }
0x62: {  	_ =	shalt  }
0x63: {  	_ =	shalt  }
0x64: {  	_ =	shalt  }
0x65: {  	_ =	shalt  }
0x66: {  	_ =	shalt  }
0x67: {  	_ =	shalt  }
0x68: {  	_ =	shalt  }
0x69: {  	_ =	shalt  }
0x6a: {  	_ =	shalt  }
0x6b: {  	_ =	shalt  }
0x6c: {  	_ =	shalt  }
0x6d: {  	_ =	shalt  }
0x6e: {  	_ =	shalt  }
0x6f: {  	_ =	shalt  }
0x70: {  	_ =	shalt  }
0x71: {  	_ =	shalt  }
0x72: {  	_ =	shalt  }
0x73: {  	_ =	shalt  }
0x74: {  	_ =	shalt  }
0x75: {  	_ =	shalt  }
0x76: {  	_ =	shalt  }
0x77: {  	_ =	shalt  }
0x78: {  	_ =	shalt  }
0x79: {  	_ =	shalt  }
0x7a: {  	_ =	shalt  }
0x7b: {  	_ =	shalt  }
0x7c: {  	_ =	shalt  }
0x7d: {  	_ =	shalt  }
0x7e: {  	_ =	shalt  }
0x7f: {  	_ =	shalt  }
0x80: {  	_ =	shalt  }
0x81: {  	_ =	shalt  }
0x82: {  	_ =	shalt  }
0x83: {  	_ =	shalt  }
0x84: {  	_ =	shalt  }
0x85: {  	_ =	shalt  }
0x86: {  	_ =	shalt  }
0x87: {  	_ =	shalt  }
.Lfunc_end0:
.L_simem_size_0:
called_computation_lowered:
.L_overlay_start_0:
0x88: {  	s2 =	sld [smem:$0x3FD9]  }
0x89: {  	s3 =	sld [smem:$0x3FFE];
	_ =	sdelay $0x1  }
0x8a: {  	s1 =	srdreg.scid  }
0x8b: {  	s0 =	sand.u32 $0x1, s1  }
0x8c: {  	s17 =	sshll.u32 s0, $0xA;
	s2 =	sadd.s32 s3, s2  }
0x8d: {  	s2 =	sadd.s32 s2, s17  }
0x8e: {  	[smem:$0x3FC0] =	sst s2  }
0x8f: {  	_ = 	snop  }
0x90: {  	s2 =	sld [smem:$0x3FD0];
	(tm) =	ssettm $0x1  }
0x91: {  	s18 =	sld [smem:$0x3FFB];
	_ =	sdelay $0x3  }
0x92: {  	_ =	strace s18  }
0x93: {  	s3 =	sld [smem:$0x3FFC];
	_ =	sdelay $0x3  }
0x94: {  	_ =	strace s3  }
0x95: {  	s3 =	sld [smem:$0x3FFD];
	_ =	sdelay $0x3  }
0x96: {  	_ =	strace s3  }
0x97: {  	_ =	strace $0x8FFFFFFF  }
0x98: {  	s19 =	sld [smem:$0x3FDB];
	_ =	sdelay $0x1  }
0x99: {  	s4 =	simm.s32 $_scs_section_size  }
0x9a: {  	s5 =	simm.s32 $_size__tile_overlayer_lowered;
	s6 =	simm.s32 $_tile_overlayer_lowered  }
0x9b: {  	s22 =	simm.s32 $0x1BFF;
	s21 =	sshll.u32 s6, $0x1;
	s3 =	sadd.s32 s4, s19  }
0x9c: {  	s7 =	simm.s32 $0x0;
	s20 =	sshll.u32 s5, $0x1;
	s5 =	sadd.s32 s21, s3  }
0x9d: {  	[timem:s7], [sflag:s22] =	dma.local [hbm:s5], s20  }
0x9e: {  	_ =	swait.ge [sflag:s22], s20  }
0x9f: {  	s4 =	ssub.s32 $0x0, s20;
	[sflag:s22] =	ssyncset.done $0x0  }
0xa0: {  	[sflag:s22] =	ssyncadd.s32 s4;
	_ =	sdelay $0x1  }
0xa1: {  	s23 =	simm.s32 $0x1B8B  }
0xa2: {  	_ =	swait.ge [sflag:s23], $0x1  }
0xa3: {  	[sflag:s23] =	ssyncset.done $0x0  }
0xa4: {  	s25 =	simm.s32 $0x1B8E;
	s24 =	sld [smem:$0x3FFE];
	[sflag:s23] =	ssyncadd.s32 $0xFFFFFFFF  }
0xa5: {  	s26 =	simm.s32 $execute0_lowered;
	[smem:$0x3FD2] =	sst s25  }
0xa6: {  	s5 =	sshll.u32 s26, $0x1;
	_ =	strace $0x80000046;
	[dreg:$0x1] =	wrdreg $0xFFFFFFFF  }
0xa7: {  	s28 =	simm.s32 $_size_execute0_lowered;
	s3 =	sadd.s32 s3, s5;
	[dreg:$0x0] =	wrdreg $0x0  }
0xa8: {  	s5 =	sshll.u32 s28, $0x1;
	[dreg:$0x2] =	wrdreg s3  }
0xa9: {  	[dreg:$0x3] =	wrdreg s5  }
0xaa: {  	[dreg:$0x4] =	wrdreg $0xC0  }
0xab: {  	_ =	task [dreg:s7], $0x5FFFF  }
0xac: {  	[dreg:$0x1] =	wrdreg $0xFFFFFFFF  }
0xad: {  	[dreg:$0x0] =	wrdreg $0x60  }
0xae: {  	[dreg:$0x2] =	wrdreg s2  }
0xaf: {  	[dreg:$0x3] =	wrdreg s24  }
0xb0: {  	[dreg:$0x4] =	wrdreg $0x0  }
0xb1: {  	[dreg:$0x5] =	wrdreg $0x2800  }
0xb2: {  	[dreg:$0x6] =	wrdreg $0x9  }
0xb3: {  	_ =	task.clear_ibuf [dreg:s7], $0x7FFFF;
	_ =	strace $0x90000046  }
0xb4: {  	s29 =	simm.s32 $0x9;
	_ =	strace $0x80000048  }
0xb5: {  	_ =	swait.ge [sflag:s29], $0x1  }
0xb6: {  	[sflag:s29] =	ssyncadd.s32 $0xFFFFFFFF  }
0xb7: {  	_ =	strace $0x90000048  }
0xb8: {  	_ =	sfence  }
0xb9: {  	s30 =	sld [smem:$0x0];
	_ =	sdelay $0x2  }
0xba: {  	s31 =	sshll.u32 s1, $0xD;
	s1 =	sshrl.u32 s1, $0x2  }
0xbb: {  	s3 =	sand.u32 $0x4000, s31;
	s1 =	sadd.s32 s1, s30  }
0xbc: {  	s0 =	sor.u32 s3, s0;
	s1 =	sshll.u32 s1, $0x11  }
0xbd: {  	s0 =	sor.u32 s1, s0  }
0xbe: {  	s0 =	sadd.s32 $0x8F2B, s0  }
0xbf: {  	[sflag:s0] =	ssyncadd.remote.s32 $0x1  }
0xc0: {  	_ =	sfence.sel $0xFFFF  }
0xc1: {  	[dreg:$0x0] =	wrdreg $0xFFFFFFFF;
	(pc) =	sbr.abs _section_cstart, $3  }
0xc2: {  	[dreg:$0x1] =	wrdreg $0xFFFFFFFF  }
0xc3: {  	_ =	task.clear_ibuf [dreg:s7], $0x2FFFF;
	_ =	strace $0x9FFFFFFF  }
0xc4: {  	(tm) =	ssettm $0x7FFFFFFF  }
0xc5: {  	_ =	shalt  }
tec
execute0_lowered:
.L_overlay_start_1:
0x0: {  	(tag) =	ssettag $0x1  }
0x1: {  	s1 =	srdreg.scid  }
0x2: {  	s1 =	sand.u32 $0x1, s1  }
0x3: {  	s5 =	rddreg [dreg:$0x0];
	p0 =	seq.s32 s1, $0x1  }
.Ltmp0:
0x4: {  	s4 =	rddreg [dreg:$0x1];
	(pc) =	sbr.rel @p0 .LBB2_6-.Ltmp0, $4  }
0x5: {  	s3 =	rddreg [dreg:$0x2]  }
0x6: {  	s2 =	rddreg [dreg:$0x3];
	s6 =	simm.s32 $0x0  }
0x7: {  	[smem:$0x7FF] =	sst s6  }
0x8: {  	s0 =	rddreg [dreg:$0x4];
	_ =	strace $0x80000047;
	s1 =	stileid.u32  }
0x9: {  	s7 =	smul.u32 $0x1400, s1;
	_ =	sdelay $0x1  }
0xa: {  	s26 =	simm.s32 $0x500;
	s28 =	simm.s32 $0x2;
	s5 =	sadd.s32 s5, s7  }
0xb: {  	[tilespmem:s26], [sflag:$0x2] =	stream.linear.gather [hbm4b:s5+s6], $0xA000, $0x38;
	[tilespmem:$0xA800] =	vst v63  }
0xc: {  	_ =	swait.ge [sflag:s28], $0xA000  }
0xd: {  	[sflag:s28] =	ssyncset.done $0x0  }
0xe: {  	v0 =	vimm.f32 $0.0e+00;
	[sflag:s28] =	ssyncadd.s32 $0xFFFF6000  }
0xf: {  	[tilespmem:$0xA500] =	vst v0  }
0x10: {  	[tilespmem:$0xA510] =	vst v0  }
0x11: {  	[tilespmem:$0xA520] =	vst v0  }
0x12: {  	[tilespmem:$0xA530] =	vst v0  }
0x13: {  	[tilespmem:$0xA540] =	vst v0  }
0x14: {  	[tilespmem:$0xA550] =	vst v0  }
0x15: {  	[tilespmem:$0xA560] =	vst v0  }
0x16: {  	[tilespmem:$0xA570] =	vst v0  }
0x17: {  	[tilespmem:$0xA580] =	vst v0  }
0x18: {  	[tilespmem:$0xA590] =	vst v0  }
0x19: {  	[tilespmem:$0xA5A0] =	vst v0  }
0x1a: {  	[tilespmem:$0xA5B0] =	vst v0  }
0x1b: {  	[tilespmem:$0xA5C0] =	vst v0  }
0x1c: {  	[tilespmem:$0xA5D0] =	vst v0  }
0x1d: {  	[tilespmem:$0xA5E0] =	vst v0  }
0x1e: {  	[tilespmem:$0xA5F0] =	vst v0  }
0x1f: {  	[tilespmem:$0xA600] =	vst v0  }
0x20: {  	[tilespmem:$0xA610] =	vst v0  }
0x21: {  	[tilespmem:$0xA620] =	vst v0  }
0x22: {  	[tilespmem:$0xA630] =	vst v0  }
0x23: {  	[tilespmem:$0xA640] =	vst v0  }
0x24: {  	[tilespmem:$0xA650] =	vst v0  }
0x25: {  	[tilespmem:$0xA660] =	vst v0  }
0x26: {  	[tilespmem:$0xA670] =	vst v0  }
0x27: {  	[tilespmem:$0xA680] =	vst v0  }
0x28: {  	[tilespmem:$0xA690] =	vst v0  }
0x29: {  	[tilespmem:$0xA6A0] =	vst v0  }
0x2a: {  	[tilespmem:$0xA6B0] =	vst v0  }
0x2b: {  	[tilespmem:$0xA6C0] =	vst v0  }
0x2c: {  	[tilespmem:$0xA6D0] =	vst v0  }
0x2d: {  	[tilespmem:$0xA6E0] =	vst v0  }
0x2e: {  	[tilespmem:$0xA6F0] =	vst v0  }
0x2f: {  	[tilespmem:$0xA700] =	vst v0  }
0x30: {  	[tilespmem:$0xA710] =	vst v0  }
0x31: {  	[tilespmem:$0xA720] =	vst v0  }
0x32: {  	[tilespmem:$0xA730] =	vst v0  }
0x33: {  	[tilespmem:$0xA740] =	vst v0  }
0x34: {  	[tilespmem:$0xA750] =	vst v0  }
0x35: {  	[tilespmem:$0xA760] =	vst v0  }
0x36: {  	v63 =	vimm.f32 $1.000000000e+00;
	[tilespmem:$0xA770] =	vst v0  }
0x37: {  	[tilespmem:$0xA780] =	vst v63  }
0x38: {  	[tilespmem:$0xA790] =	vst v63  }
0x39: {  	[tilespmem:$0xA7A0] =	vst v63  }
0x3a: {  	[tilespmem:$0xA7B0] =	vst v63  }
0x3b: {  	[tilespmem:$0xA7C0] =	vst v63  }
0x3c: {  	s29 =	smul.u32 $0x280, s1;
	[tilespmem:$0xA7D0] =	vst v63  }
0x3d: {  	[tilespmem:$0xA7E0] =	vst v63  }
0x3e: {  	s8 =	simm.s32 $0xA500;
	s6 =	sadd.s32 s29, s3;
	[tilespmem:$0xA7F0] =	vst v63  }
0x3f: {  	[spmem:s6] =	stream.linear.scatter [tilespmem:s8], [sflag:$0x2], $0x280, $0x38;
	[tilespmem:$0xA800] =	vst v63  }
0x40: {  	_ =	swait.ge [sflag:s28], $0x280  }
0x41: {  	[sflag:s28] =	ssyncset.done $0x0  }
0x42: {  	s30 =	smul.u32 $0xA0, s1;
	s5 =	sadd.s32 s29, s2;
	[sflag:s28] =	ssyncadd.s32 $0xFFFFFD80  }
0x43: {  	[spmem:s5] =	stream.linear.scatter [tilespmem:s8], [sflag:$0x2], $0x280, $0x38;
	[tilespmem:$0xA800] =	vst v63  }
0x44: {  	s9 =	simm.s32 $0xA780;
	s31 =	simm.s32 $0x500;
	_ =	swait.ge [sflag:s28], $0x280  }
0x45: {  	s10 =	simm.s32 $0x400;
	s4 =	sadd.s32 s30, s4;
	[sflag:s28] =	ssyncset.done $0x0  }
0x46: {  	s11 =	simm.s32 $0x580;
	s7 =	sadd.s32 $0x2A00, s4;
	[sflag:s28] =	ssyncadd.s32 $0xFFFFFD80  }
0x47: {  	s4 =	sadd.s32 $0x2A10, s4;
	s8 =	simm.s32 $0x80;
	[bflag:$0x0] =	sbarrier.arrive $0xFFFF  }
0x48: {  	[spmem:s3] =	stream.indirect.scatter.add.f32 [tilespmem:s9], [sflag:$0x1], $0x1, s31, s8, $0xb8;
	[tilespmem:$0xA800] =	vst v63  }
.LBB2_2:
0x49: {  	[spmem:s2] =	stream.indirect.scatter.add.f32 [tilespmem:s9], [sflag:$0x1], $0x1, s11, s8, $0xb8;
	[tilespmem:$0xA800] =	vst v63  }
0x4a: {  	s11 =	smov.u32 s10;
	p0 =	sne.s32 s10, $0x27C00  }
.Ltmp1:
0x4b: {  	s10 =	sadd.s32 $0x400, s10;
	(pc) =	sbr.rel @p0 .LBB2_2-.Ltmp1, $4  }
0x4c: {  	s11 =	sshra.s32 s11, $0x2  }
0x4d: {  	s12 =	sadd.s32 $0x500, s11  }
0x4e: {  	[spmem:s3] =	stream.indirect.scatter.add.f32 [tilespmem:s9], [sflag:$0x1], $0x1, s12, s8, $0xb8;
	[tilespmem:$0xA800] =	vst v63  }
0x4f: {  	s11 =	sadd.s32 $0x580, s11  }
0x50: {  	[spmem:s2] =	stream.indirect.scatter.add.f32 [tilespmem:s9], [sflag:$0x1], $0x1, s11, s8, $0xb8;
	[tilespmem:$0xA800] =	vst v63  }
0x51: {  	s2 =	simm.s32 $0x1  }
0x52: {  	_ =	swait.ge [sflag:s2], $0x80  }
0x53: {  	[sflag:s2] =	ssyncset.done $0x0  }
0x54: {  	[sflag:s2] =	ssyncadd.s32 $0xFFFFFF80  }
0x55: {  	_ =	swait.ge [sflag:s2], $0x80  }
0x56: {  	s3 =	simm.s32 $0x9F;
	[sflag:s2] =	ssyncset.done $0x0  }
.LBB2_4:
0x57: {  	p0 =	sne.s32 s3, $0x1;
	s3 =	sadd.s32 $0xFFFFFFFF, s3;
	[sflag:s2] =	ssyncadd.s32 $0xFFFFFF80  }
.Ltmp2:
0x58: {  	_ =	swait.ge [sflag:s2], $0x80;
	(pc) =	sbr.rel @p0 .LBB2_4-.Ltmp2, $4  }
0x59: {  	[sflag:s2] =	ssyncset.done $0x0  }
0x5a: {  	[sflag:s2] =	ssyncadd.s32 $0xFFFFFF80  }
0x5b: {  	_ =	swait.ge [sflag:s2], $0x80  }
0x5c: {  	[sflag:s2] =	ssyncset.done $0x0  }
0x5d: {  	[sflag:s2] =	ssyncadd.s32 $0xFFFFFF80;
	s29 =	sshll.u32 s1, $0x6;
	s3 =	sshrl.u32 s6, $0x3  }
0x5e: {  	s30 =	simm.s32 $0x1;
	s8 =	simm.s32 $0x20;
	s9 =	simm.s32 $0x10  }
0x5f: {  	s31 =	simm.s32 $0x2;
	[bflag:$0x0] =	sbarrier.arrive $0xFFFF;
	s2 =	sor.u32 $0x1C02, s29  }
0x60: {  	[hbm:s7@s8], [sflag:s2] =	dma.strided [spmem:s3@s9], $0x50, s30, $0x10   }
0x61: {  	_ =	swait.ge [sflag:s31], $0x50  }
0x62: {  	[sflag:s31] =	ssyncset.done $0x0  }
0x63: {  	s5 =	sshrl.u32 s5, $0x3;
	[sflag:s31] =	ssyncadd.s32 $0xFFFFFFB0  }
0x64: {  	[hbm:s4@s8], [sflag:s2] =	dma.strided [spmem:s5@s9], $0x50, s30, $0x10   }
0x65: {  	_ =	swait.ge [sflag:s31], $0x50  }
0x66: {  	[sflag:s31] =	ssyncset.done $0x0  }
0x67: {  	[sflag:s31] =	ssyncadd.s32 $0xFFFFFFB0  }
.LBB2_6:
0x68: {  	_ =	sfence.sel $0x180000  }
0x69: {  	[bflag:$0x0] =	sbarrier.arrive $0xFFFF  }
0x6a: {  	p0 =	sne.s32 s1, $0x0;
	_ =	strace $0x90000047  }
0x6b: {  	s0 =	sadd.s32 @!p0 $0x100000, s0;
	[bflag:$0x2] =	sbarrier.arrive $0xFFFF  }
0x6c: {  	[sflag:s0] =	ssyncadd.tile.s32 @!p0 $0x1;
	_ =	shalt  }
.Lfunc_end2:
_tile_overlayer_lowered:
.L_overlay_start_2:
0x6d: {  	(tag) =	ssettag $0x2  }
0x6e: {  	s0 =	rddreg [dreg:$0x0];
	s2 =	stileid.u32  }
0x6f: {  	s1 =	rddreg [dreg:$0x1];
	p0 =	sne.s32 s2, $0x0  }
0x70: {  	s3 =	rddreg [dreg:$0x2];
	[bflag:$0x3] =	sbarrier.arrive $0xFFFF;
	s2 =	simm.s32 @!p0 $0x1C02  }
0x71: {  	[timem:s3], [sflag:s2] =	dma.local @!p0 [hbm:s0], s1  }
0x72: {  	s0 =	simm.s32 @!p0 $0x2  }
0x73: {  	_ =	swait.ge @!p0 [sflag:s0], s1  }
0x74: {  	s1 =	ssub.s32 @!p0 $0x0, s1;
	[sflag:s0] =	ssyncset.done @!p0 $0x0  }
0x75: {  	[sflag:s0] =	ssyncadd.s32 @!p0 s1  }
0x76: {  	[bflag:$0x3] =	sbarrier.arrive $0xFFFF  }
0x77: {  	_ =	shalt  }

// kernel: kernel.13.cloned.1.call-start
scs
__scs_entry_jumppad:
0x0: {  	(pc) =	sbr.rel $0x88, $3  }
0x1: {  	(tag) =	ssettag $0x0;
	lr =	simm.s32 $0x1  }
0x2: {  	[smem:$0x3F99] =	sst lr;
	_ =	strace $0xD0000000  }
0x3: {  	_ = 	snop  }
0x4: {  	_ = 	snop  }
0x5: {  	_ = 	snop  }
0x6: {  	_ = 	snop  }
0x7: {  	_ = 	snop  }
__scs_overlays_trampoline_lowered:
0x8: {  	[smem:$0x3FA8] =	sst s0  }
0x9: {  	[smem:$0x3FA9] =	sst s1  }
0xa: {  	[smem:$0x3FAA] =	sst s2  }
0xb: {  	[smem:$0x3FAB] =	sst s3  }
0xc: {  	[smem:$0x3FAC] =	sst s4  }
0xd: {  	[smem:$0x3FAD] =	sst s5  }
0xe: {  	[smem:$0x3FAE] =	sst s6  }
0xf: {  	[smem:$0x3FAF] =	sst s7  }
0x10: {  	[smem:$0x3FB0] =	sst s8  }
0x11: {  	[smem:$0x3FB1] =	sst s9;
	s0 =	simm.s32 @!p0 $0x0  }
0x12: {  	s1 =	sld [smem:$0x3F97];
	s0 =	simm.s32 @p0 $0x1  }
0x13: {  	[smem:$0x3FB2] =	sst s0;
	s0 =	simm.s32 @!p1 $0x0  }
0x14: {  	s2 =	sld [smem:$0x3F96];
	s0 =	simm.s32 @p1 $0x1  }
0x15: {  	[smem:$0x3FB3] =	sst s0;
	s0 =	simm.s32 @!p2 $0x0  }
0x16: {  	s3 =	sld [smem:$0x3FDB];
	s0 =	simm.s32 @p2 $0x1  }
0x17: {  	s4 =	simm.s32 $0x1BF5;
	[smem:$0x3FB5] =	sst s0  }
0x18: {  	s0 =	sld [smem:$0x3F98];
	_ =	swait.ge [sflag:s4], $0x0  }
0x19: {  	s7 =	sld [smem:$0x3F99]  }
0x1a: {  	s8 =	sadd.s32 $0xFFFFE003, lr  }
0x1b: {  	s9 =	sadd.s32 $0xFFFFFEF7, lr;
	s5 =	simm.s32 $0xFFFFFFFF;
	p2 =	slt.u32 s8, $0xFFFFF086  }
0x1c: {  	p1 =	slt.u32 s9, $0xF7A;
	s5 =	simm.s32 @!p2 $0x0  }
0x1d: {  	s5 =	simm.s32 @p1 $0x1;
	p0 =	seq.s32 s7, s2  }
0x1e: {  	s7 =	smul.u32 @!p0 $0xF7A, s2;
	p2 =	seq.s32 @!p0 s5, $0x0  }
0x1f: {  	s9 =	smul.u32 $0xF7A, s1;
	s8 =	simm.s32 @!p0 $0x1BF5;
	p2 =	por !p2, p0  }
0x20: {  	[sflag:s8] =	ssyncset.s32 @!p0 $0xFFFFF086;
	s6 =	sadd.s32 @!p0 s3, s7;
	s7 =	simm.s32 @!p0 $0x108  }
0x21: {  	s3 =	sadd.s32 s3, s9;
	s6 =	sadd.s32 @!p0 $0x88, s6;
	s7 =	simm.s32 @p2 $0x1082  }
0x22: {  	[simem:s7], [sflag:s8] =	dma.local @!p0 [hbm:s6], $0xF7A  }
0x23: {  	s9 =	sor.u32 $0xD0000000, s2;
	s6 =	simm.s32 $0x108;
	_ =	swait.ge @!p0 [sflag:s8], $0x0  }
0x24: {  	s3 =	sadd.s32 $0x88, s3;
	s6 =	simm.s32 @!p1 $0x1082;
	[sflag:s4] =	ssyncset.s32 $0xFFFFF086  }
0x25: {  	[simem:s6], [sflag:s4] =	dma.local [hbm:s3], $0xF7A  }
0x26: {  	[smem:$0x3F99] =	sst s1;
	(tag) =	ssettag s2;
	_ =	strace s9  }
0x27: {  	s1 =	sld [smem:$0x3FA9]  }
0x28: {  	s2 =	sld [smem:$0x3FAA]  }
0x29: {  	s4 =	sld [smem:$0x3FAC]  }
0x2a: {  	p0 =	seq.s32 s5, $0x0;
	s5 =	sld [smem:$0x3FAD]  }
0x2b: {  	s6 =	sld [smem:$0x3FAE]  }
0x2c: {  	s7 =	sld [smem:$0x3FAF]  }
0x2d: {  	s3 =	simm.s32 $0x108;
	s8 =	sld [smem:$0x3FB0]  }
0x2e: {  	s3 =	simm.s32 @!p0 $0x1082;
	s9 =	sld [smem:$0x3FB1]  }
0x2f: {  	lr =	sadd.s32 s0, s3;
	s0 =	sld [smem:$0x3FA8]  }
0x30: {  	s3 =	sld [smem:$0x3FAB]  }
0x31: {  	[smem:$0x3FB4] =	sst s10  }
0x32: {  	s10 =	sld [smem:$0x3FB2];
	_ =	sdelay $0x3  }
0x33: {  	p0 =	seq.s32 s10, $0x1;
	s10 =	sld [smem:$0x3FB4];
	_ =	sdelay $0x3  }
0x34: {  	[smem:$0x3FB4] =	sst s10  }
0x35: {  	s10 =	sld [smem:$0x3FB3];
	_ =	sdelay $0x3  }
0x36: {  	p1 =	seq.s32 s10, $0x1;
	s10 =	sld [smem:$0x3FB4];
	_ =	sdelay $0x3  }
0x37: {  	[smem:$0x3FB4] =	sst s10  }
0x38: {  	s10 =	sld [smem:$0x3FB5]  }
0x39: {  	_ = 	snop;
	(pc) =	sbr.ind lr, $3  }
0x3a: {  	_ = 	snop  }
0x3b: {  	_ = 	snop  }
0x3c: {  	p2 =	seq.s32 s10, $0x1;
	s10 =	sld [smem:$0x3FB4]  }
0x3d: {  	_ =	shalt  }
0x3e: {  	_ =	shalt  }
0x3f: {  	_ =	shalt  }
0x40: {  	_ =	shalt  }
0x41: {  	_ =	shalt  }
0x42: {  	_ =	shalt  }
0x43: {  	_ =	shalt  }
0x44: {  	_ =	shalt  }
0x45: {  	_ =	shalt  }
0x46: {  	_ =	shalt  }
0x47: {  	_ =	shalt  }
0x48: {  	_ =	shalt  }
0x49: {  	_ =	shalt  }
0x4a: {  	_ =	shalt  }
0x4b: {  	_ =	shalt  }
0x4c: {  	_ =	shalt  }
0x4d: {  	_ =	shalt  }
0x4e: {  	_ =	shalt  }
0x4f: {  	_ =	shalt  }
0x50: {  	_ =	shalt  }
0x51: {  	_ =	shalt  }
0x52: {  	_ =	shalt  }
0x53: {  	_ =	shalt  }
0x54: {  	_ =	shalt  }
0x55: {  	_ =	shalt  }
0x56: {  	_ =	shalt  }
0x57: {  	_ =	shalt  }
0x58: {  	_ =	shalt  }
0x59: {  	_ =	shalt  }
0x5a: {  	_ =	shalt  }
0x5b: {  	_ =	shalt  }
0x5c: {  	_ =	shalt  }
0x5d: {  	_ =	shalt  }
0x5e: {  	_ =	shalt  }
0x5f: {  	_ =	shalt  }
0x60: {  	_ =	shalt  }
0x61: {  	_ =	shalt  }
0x62: {  	_ =	shalt  }
0x63: {  	_ =	shalt  }
0x64: {  	_ =	shalt  }
0x65: {  	_ =	shalt  }
0x66: {  	_ =	shalt  }
0x67: {  	_ =	shalt  }
0x68: {  	_ =	shalt  }
0x69: {  	_ =	shalt  }
0x6a: {  	_ =	shalt  }
0x6b: {  	_ =	shalt  }
0x6c: {  	_ =	shalt  }
0x6d: {  	_ =	shalt  }
0x6e: {  	_ =	shalt  }
0x6f: {  	_ =	shalt  }
0x70: {  	_ =	shalt  }
0x71: {  	_ =	shalt  }
0x72: {  	_ =	shalt  }
0x73: {  	_ =	shalt  }
0x74: {  	_ =	shalt  }
0x75: {  	_ =	shalt  }
0x76: {  	_ =	shalt  }
0x77: {  	_ =	shalt  }
0x78: {  	_ =	shalt  }
0x79: {  	_ =	shalt  }
0x7a: {  	_ =	shalt  }
0x7b: {  	_ =	shalt  }
0x7c: {  	_ =	shalt  }
0x7d: {  	_ =	shalt  }
0x7e: {  	_ =	shalt  }
0x7f: {  	_ =	shalt  }
0x80: {  	_ =	shalt  }
0x81: {  	_ =	shalt  }
0x82: {  	_ =	shalt  }
0x83: {  	_ =	shalt  }
0x84: {  	_ =	shalt  }
0x85: {  	_ =	shalt  }
0x86: {  	_ =	shalt  }
0x87: {  	_ =	shalt  }
.Lfunc_end0:
.L_simem_size_0:
called_computation.1_lowered:
.L_overlay_start_0:
0x88: {  	s2 =	sld [smem:$0x3FD9]  }
0x89: {  	s3 =	sld [smem:$0x3FFE];
	_ =	sdelay $0x1  }
0x8a: {  	s1 =	srdreg.scid  }
0x8b: {  	s0 =	sand.u32 $0x1, s1  }
0x8c: {  	s16 =	sshll.u32 s0, $0xA;
	s2 =	sadd.s32 s3, s2  }
0x8d: {  	s2 =	sadd.s32 s2, s16  }
0x8e: {  	[smem:$0x3FC0] =	sst s2  }
0x8f: {  	_ = 	snop  }
0x90: {  	(tm) =	ssettm $0x1  }
0x91: {  	s17 =	sld [smem:$0x3FFB];
	_ =	sdelay $0x3  }
0x92: {  	_ =	strace s17  }
0x93: {  	s2 =	sld [smem:$0x3FFC];
	_ =	sdelay $0x3  }
0x94: {  	_ =	strace s2  }
0x95: {  	s2 =	sld [smem:$0x3FFD];
	_ =	sdelay $0x3  }
0x96: {  	_ =	strace s2  }
0x97: {  	_ =	strace $0x8FFFFFFF  }
0x98: {  	s18 =	sld [smem:$0x3FDB];
	_ =	sdelay $0x1  }
0x99: {  	s19 =	simm.s32 $_scs_section_size  }
0x9a: {  	s4 =	simm.s32 $_size__tile_overlayer_lowered;
	s5 =	simm.s32 $_tile_overlayer_lowered  }
0x9b: {  	s22 =	simm.s32 $0x1BFF;
	s21 =	sshll.u32 s5, $0x1;
	s2 =	sadd.s32 s19, s18  }
0x9c: {  	s6 =	simm.s32 $0x0;
	s20 =	sshll.u32 s4, $0x1;
	s4 =	sadd.s32 s21, s2  }
0x9d: {  	[timem:s6], [sflag:s22] =	dma.local [hbm:s4], s20  }
0x9e: {  	_ =	swait.ge [sflag:s22], s20  }
0x9f: {  	s3 =	ssub.s32 $0x0, s20;
	[sflag:s22] =	ssyncset.done $0x0  }
0xa0: {  	[sflag:s22] =	ssyncadd.s32 s3;
	_ =	sdelay $0x1  }
0xa1: {  	s23 =	simm.s32 $0x1B8B  }
0xa2: {  	_ =	swait.ge [sflag:s23], $0x1  }
0xa3: {  	[sflag:s23] =	ssyncset.done $0x0  }
0xa4: {  	s25 =	simm.s32 $0x1B8E;
	s24 =	sld [smem:$0x3FFE];
	[sflag:s23] =	ssyncadd.s32 $0xFFFFFFFF  }
0xa5: {  	s26 =	simm.s32 $execute0_lowered;
	[smem:$0x3FD2] =	sst s25  }
0xa6: {  	s4 =	sshll.u32 s26, $0x1;
	_ =	strace $0x80000049;
	[dreg:$0x1] =	wrdreg $0xFFFFFFFF  }
0xa7: {  	s28 =	simm.s32 $_size_execute0_lowered;
	s2 =	sadd.s32 s2, s4;
	[dreg:$0x0] =	wrdreg $0x0  }
0xa8: {  	s4 =	sshll.u32 s28, $0x1;
	[dreg:$0x2] =	wrdreg s2  }
0xa9: {  	[dreg:$0x3] =	wrdreg s4  }
0xaa: {  	[dreg:$0x4] =	wrdreg $0xC0  }
0xab: {  	_ =	task [dreg:s6], $0x5FFFF  }
0xac: {  	[dreg:$0x1] =	wrdreg $0xFFFFFFFF  }
0xad: {  	[dreg:$0x0] =	wrdreg $0x60  }
0xae: {  	[dreg:$0x2] =	wrdreg s24  }
0xaf: {  	[dreg:$0x3] =	wrdreg $0x0  }
0xb0: {  	[dreg:$0x4] =	wrdreg $0x9  }
0xb1: {  	_ =	task.clear_ibuf [dreg:s6], $0x5FFFF;
	_ =	strace $0x90000049  }
0xb2: {  	s29 =	simm.s32 $0x9;
	_ =	strace $0x8000004B  }
0xb3: {  	_ =	swait.ge [sflag:s29], $0x1  }
0xb4: {  	[sflag:s29] =	ssyncadd.s32 $0xFFFFFFFF  }
0xb5: {  	_ =	strace $0x9000004B  }
0xb6: {  	_ =	sfence  }
0xb7: {  	s30 =	sld [smem:$0x0];
	_ =	sdelay $0x2  }
0xb8: {  	s31 =	sshll.u32 s1, $0xD;
	s1 =	sshrl.u32 s1, $0x2  }
0xb9: {  	s3 =	sand.u32 $0x4000, s31;
	s1 =	sadd.s32 s1, s30  }
0xba: {  	s0 =	sor.u32 s3, s0;
	s1 =	sshll.u32 s1, $0x11  }
0xbb: {  	s0 =	sor.u32 s1, s0  }
0xbc: {  	s0 =	sadd.s32 $0x8F2B, s0  }
0xbd: {  	[sflag:s0] =	ssyncadd.remote.s32 $0x1  }
0xbe: {  	_ =	sfence.sel $0xFFFF  }
0xbf: {  	[dreg:$0x0] =	wrdreg $0xFFFFFFFF;
	(pc) =	sbr.abs _section_cstart, $3  }
0xc0: {  	[dreg:$0x1] =	wrdreg $0xFFFFFFFF  }
0xc1: {  	_ =	task.clear_ibuf [dreg:s6], $0x2FFFF;
	_ =	strace $0x9FFFFFFF  }
0xc2: {  	(tm) =	ssettm $0x7FFFFFFF  }
0xc3: {  	_ =	shalt  }
tec
execute0_lowered:
.L_overlay_start_1:
0x0: {  	(tag) =	ssettag $0x1  }
0x1: {  	s0 =	srdreg.scid  }
0x2: {  	s0 =	sand.u32 $0x1, s0  }
0x3: {  	p0 =	seq.s32 s0, $0x1  }
.Ltmp0:
0x4: {  	_ = 	snop;
	(pc) =	sbr.rel @p0 .LBB2_7-.Ltmp0, $4  }
0x5: {  	s3 =	rddreg [dreg:$0x0]  }
0x6: {  	s2 =	rddreg [dreg:$0x1];
	s6 =	simm.s32 $0x0  }
0x7: {  	[smem:$0x7FF] =	sst s6  }
0x8: {  	s1 =	rddreg [dreg:$0x2];
	s7 =	stileid.u32;
	_ =	strace $0x8000004A  }
0x9: {  	s0 =	smul.u32 $0x50000, s7  }
0xa: {  	s4 =	smul.u32 $0x2800, s7;
	s5 =	sadd.s32 $0x17400, s3;
	s16 =	sand.u32 $0xFE00, s6  }
0xb: {  	s1 =	sadd.s32 $0x3400, s3;
	s17 =	sand.u32 $0x70, s6;
	s16 =	sshrl.u32 s16, $0x2  }
0xc: {  	s0 =	sshrl.u32 s0, $0x2;
	s15 =	sadd.s32 s4, s3;
	s16 =	sor.u32 s17, s16  }
0xd: {  	s18 =	sadd.s32 s0, s2;
	s0 =	smul.u32 $0x1400, s7;
	s15 =	sadd.s32 $0x3F400, s15  }
0xe: {  	s14 =	sadd.s32 $0x4000, s18;
	s13 =	sadd.s32 $0x8000, s18;
	s12 =	sadd.s32 $0xC000, s18  }
0xf: {  	s7 =	sadd.s32 $0x10000, s18;
	[dreg:$0x4] =	wrdreg s15;
	s11 =	sadd.s32 s1, s0  }
0x10: {  	s15 =	simm.s32 $0x40;
	s10 =	sadd.s32 $0x20, s11;
	s9 =	sadd.s32 $0x40, s11  }
0x11: {  	v0 =	vimm.f32 $0.0e+00;
	s8 =	sadd.s32 $0x60, s11;
	s3 =	sadd.s32 $0x80, s11;
	s4 =	sadd.s32 $0xA0, s11  }
.LBB2_2:
0x12: {  	p0 =	sne.s32 s15, $0xFFC0  }
0x13: {  	[tilespmem:s16+$0x14800] =	vst v0;
	s6 =	sadd.s32 $0x10, s6;
	s16 =	smov.u32 s15;
	s15 =	sadd.s32 $0x40, s15  }
.Ltmp1:
0x14: {  	(pc) =	sbr.rel @p0 .LBB2_2-.Ltmp1, $4  }
0x15: {  	_ = 	snop  }
0x16: {  	s16 =	sand.u32 $0xFE00, s16  }
0x17: {  	s17 =	sand.u32 $0x70, s6;
	s16 =	sshrl.u32 s16, $0x2  }
0x18: {  	s16 =	sor.u32 s17, s16  }
0x19: {  	[tilespmem:s16+$0x14800] =	vst v0;
	s6 =	simm.s32 $0x14800;
	[dreg:$0x3] =	wrdreg s18;
	s15 =	simm.s32 $0xD  }
0x1a: {  	[spmem:s18] =	stream.linear.scatter [tilespmem:s6], [sflag:$0xD], $0x4000, $0x38;
	[tilespmem:$0x1C800] =	vst v63  }
0x1b: {  	_ =	swait.ge [sflag:s15], $0x4000  }
0x1c: {  	[sflag:s15] =	ssyncset.done $0x0  }
0x1d: {  	[sflag:s15] =	ssyncadd.s32 $0xFFFFC000  }
0x1e: {  	[spmem:s14] =	stream.linear.scatter [tilespmem:s6], [sflag:$0xD], $0x4000, $0x38;
	[tilespmem:$0x1C800] =	vst v63  }
0x1f: {  	_ =	swait.ge [sflag:s15], $0x4000  }
0x20: {  	[sflag:s15] =	ssyncset.done $0x0  }
0x21: {  	[sflag:s15] =	ssyncadd.s32 $0xFFFFC000  }
0x22: {  	[spmem:s13] =	stream.linear.scatter [tilespmem:s6], [sflag:$0xD], $0x4000, $0x38;
	[tilespmem:$0x1C800] =	vst v63  }
0x23: {  	_ =	swait.ge [sflag:s15], $0x4000  }
0x24: {  	[sflag:s15] =	ssyncset.done $0x0  }
0x25: {  	[sflag:s15] =	ssyncadd.s32 $0xFFFFC000  }
0x26: {  	[spmem:s12] =	stream.linear.scatter [tilespmem:s6], [sflag:$0xD], $0x4000, $0x38;
	[tilespmem:$0x1C800] =	vst v63  }
0x27: {  	_ =	swait.ge [sflag:s15], $0x4000  }
0x28: {  	[sflag:s15] =	ssyncset.done $0x0  }
0x29: {  	[sflag:s15] =	ssyncadd.s32 $0xFFFFC000  }
0x2a: {  	[spmem:s7] =	stream.linear.scatter [tilespmem:s6], [sflag:$0xD], $0x4000, $0x38;
	[tilespmem:$0x1C800] =	vst v63  }
0x2b: {  	_ =	swait.ge [sflag:s15], $0x4000  }
0x2c: {  	[sflag:s15] =	ssyncset.done $0x0  }
0x2d: {  	s25 =	simm.s32 $0x14000;
	[sflag:s15] =	ssyncadd.s32 $0xFFFFC000  }
0x2e: {  	s26 =	simm.s32 $0x14100;
	s7 =	simm.s32 $0x0;
	[bflag:$0x0] =	sbarrier.arrive $0xFFFF  }
0x2f: {  	[tilespmem:s25], [sflag:$0xD] =	stream.linear.gather [hbm4b:s11+s7], $0x100, $0x38;
	[tilespmem:$0x1C800] =	vst v63  }
0x30: {  	s29 =	simm.s32 $0x14200;
	s31 =	simm.s32 $0x14300;
	_ =	swait.ge [sflag:s15], $0x100  }
0x31: {  	s16 =	simm.s32 $0x2;
	s17 =	simm.s32 $0x18800;
	[sflag:s15] =	ssyncset.done $0x0  }
0x32: {  	s20 =	simm.s32 $0x14600;
	s21 =	simm.s32 $0x3;
	[sflag:s15] =	ssyncadd.s32 $0xFFFFFF00  }
0x33: {  	[tilespmem:s26], [sflag:$0x2] =	stream.linear.gather [hbm4b:s10+s7], $0x100, $0x38;
	[tilespmem:$0x1C800] =	vst v63  }
0x34: {  	s22 =	simm.s32 $0xB;
	s23 =	simm.s32 $0xA;
	s28 =	simm.s32 $0xC  }
0x35: {  	[tilespmem:s29], [sflag:$0x3] =	stream.linear.gather [hbm4b:s9+s7], $0x100, $0x38;
	[tilespmem:$0x1C800] =	vst v63  }
0x36: {  	s30 =	simm.s32 $0x5;
	s19 =	simm.s32 $0x0;
	s18 =	simm.s32 $0x9  }
0x37: {  	[tilespmem:s31], [sflag:$0x4] =	stream.linear.gather [hbm4b:s8+s7], $0x100, $0x38;
	[tilespmem:$0x1C800] =	vst v63  }
0x38: {  	s14 =	simm.s32 $0x80;
	s13 =	simm.s32 $0x14500;
	s12 =	simm.s32 $0x14400  }
0x39: {  	[tilespmem:s12], [sflag:$0x5] =	stream.linear.gather [hbm4b:s3+s7], $0x100, $0x38;
	[tilespmem:$0x1C800] =	vst v63  }
0x3a: {  	s15 =	sadd.s32 s0, s1;
	s0 =	simm.s32 $0x6;
	s1 =	simm.s32 $0x7  }
0x3b: {  	[tilespmem:s13], [sflag:$0x6] =	stream.linear.gather [hbm4b:s4+s7], $0x100, $0x38;
	[tilespmem:$0x1C800] =	vst v63  }
0x3c: {  	s26 =	simm.s32 $0x4;
	s10 =	simm.s32 $0x1;
	s9 =	simm.s32 $0x14680  }
0x3d: {  	[tilespmem:s6], [sflag:$0x9] =	stream.indirect.gather [hbm4b:s5+s14], $0x80, s25, s14, $0xb8;
	[tilespmem:$0x1C800] =	vst v63  }
0x3e: {  	s8 =	simm.s32 $0x8;
	s3 =	simm.s32 $0x14580;
	s25 =	simm.s32 $0x14700  }
.LBB2_4:
0x3f: {  	_ =	swait.ge [sflag:s16], $0x100  }
0x40: {  	p0 =	seq.s32 s19, $0x0;
	[sflag:s16] =	ssyncset.done $0x0  }
0x41: {  	s24 =	simm.s32 @!p0 $0xC;
	[sflag:s16] =	ssyncadd.s32 $0xFFFFFF00  }
0x42: {  	_ =	swait.ge @!p0 [sflag:s24], $0x4000  }
0x43: {  	[sflag:s24] =	ssyncset.done @!p0 $0x0  }
0x44: {  	s4 =	simm.s32 $0x14100;
	[sflag:s24] =	ssyncadd.s32 @!p0 $0xFFFFC000  }
0x45: {  	[tilespmem:s17], [sflag:$0xA] =	stream.indirect.gather [hbm4b:s5+s14], $0x80, s4, s14, $0xb8;
	[tilespmem:$0x1C800] =	vst v63  }
0x46: {  	_ =	swait.ge [sflag:s18], $0x4000  }
0x47: {  	[sflag:s18] =	ssyncset.done $0x0  }
0x48: {  	s24 =	simm.s32 $0x14080;
	[sflag:s18] =	ssyncadd.s32 $0xFFFFC000  }
0x49: {  	[spmem:s2] =	stream.indirect.scatter.add.f32 [tilespmem:s6], [sflag:$0xB], $0x80, s24, s14, $0xb8;
	[tilespmem:$0x1C800] =	vst v63  }
0x4a: {  	s24 =	sadd.s32 s19, s15  }
0x4b: {  	s29 =	sadd.s32 $0xC0, s24  }
0x4c: {  	[tilespmem:s20], [sflag:$0x7] =	stream.linear.gather [hbm4b:s29+s7], $0x100, $0x38;
	[tilespmem:$0x1C800] =	vst v63  }
0x4d: {  	_ =	swait.ge [sflag:s21], $0x100  }
0x4e: {  	[sflag:s21] =	ssyncset.done $0x0  }
0x4f: {  	[sflag:s21] =	ssyncadd.s32 $0xFFFFFF00  }
0x50: {  	_ =	swait.ge [sflag:s22], $0x4000  }
0x51: {  	[sflag:s22] =	ssyncset.done $0x0  }
0x52: {  	s29 =	simm.s32 $0x14200;
	[sflag:s22] =	ssyncadd.s32 $0xFFFFC000  }
0x53: {  	[tilespmem:s6], [sflag:$0x9] =	stream.indirect.gather [hbm4b:s5+s14], $0x80, s29, s14, $0xb8;
	[tilespmem:$0x1C800] =	vst v63  }
0x54: {  	_ =	swait.ge [sflag:s23], $0x4000  }
0x55: {  	[sflag:s23] =	ssyncset.done $0x0  }
0x56: {  	s31 =	simm.s32 $0x14180;
	[sflag:s23] =	ssyncadd.s32 $0xFFFFC000  }
0x57: {  	[spmem:s2] =	stream.indirect.scatter.add.f32 [tilespmem:s17], [sflag:$0xC], $0x80, s31, s14, $0xb8;
	[tilespmem:$0x1C800] =	vst v63  }
0x58: {  	s4 =	sadd.s32 $0xE0, s24  }
0x59: {  	[tilespmem:s25], [sflag:$0x8] =	stream.linear.gather [hbm4b:s4+s7], $0x100, $0x38;
	[tilespmem:$0x1C800] =	vst v63  }
0x5a: {  	_ =	swait.ge [sflag:s26], $0x100  }
0x5b: {  	[sflag:s26] =	ssyncset.done $0x0  }
0x5c: {  	[sflag:s26] =	ssyncadd.s32 $0xFFFFFF00  }
0x5d: {  	_ =	swait.ge [sflag:s28], $0x4000  }
0x5e: {  	[sflag:s28] =	ssyncset.done $0x0  }
0x5f: {  	s11 =	simm.s32 $0x14300;
	[sflag:s28] =	ssyncadd.s32 $0xFFFFC000  }
0x60: {  	[tilespmem:s17], [sflag:$0xA] =	stream.indirect.gather [hbm4b:s5+s14], $0x80, s11, s14, $0xb8;
	[tilespmem:$0x1C800] =	vst v63  }
0x61: {  	_ =	swait.ge [sflag:s18], $0x4000  }
0x62: {  	[sflag:s18] =	ssyncset.done $0x0  }
0x63: {  	p0 =	seq.s32 s19, $0x1300;
	s29 =	simm.s32 $0x14280;
	[sflag:s18] =	ssyncadd.s32 $0xFFFFC000  }
0x64: {  	[spmem:s2] =	stream.indirect.scatter.add.f32 [tilespmem:s6], [sflag:$0xB], $0x80, s29, s14, $0xb8;
	[tilespmem:$0x1C800] =	vst v63  }
0x65: {  	s29 =	sadd.s32 @!p0 s19, s15  }
0x66: {  	s4 =	simm.s32 @!p0 $0x0;
	s11 =	simm.s32 @!p0 $0x14000;
	s31 =	sadd.s32 @!p0 $0x100, s29  }
0x67: {  	[tilespmem:s11], [sflag:$0x1] =	stream.linear.gather @!p0 [hbm4b:s31+s4], $0x100, $0x38;
	[tilespmem:$0x1C800] =	vst v63  }
0x68: {  	_ =	swait.ge [sflag:s30], $0x100  }
0x69: {  	[sflag:s30] =	ssyncset.done $0x0  }
0x6a: {  	[sflag:s30] =	ssyncadd.s32 $0xFFFFFF00  }
0x6b: {  	_ =	swait.ge [sflag:s22], $0x4000  }
0x6c: {  	[sflag:s22] =	ssyncset.done $0x0  }
0x6d: {  	[sflag:s22] =	ssyncadd.s32 $0xFFFFC000  }
0x6e: {  	[tilespmem:s6], [sflag:$0x9] =	stream.indirect.gather [hbm4b:s5+s14], $0x80, s12, s14, $0xb8;
	[tilespmem:$0x1C800] =	vst v63  }
0x6f: {  	_ =	swait.ge [sflag:s23], $0x4000  }
0x70: {  	[sflag:s23] =	ssyncset.done $0x0  }
0x71: {  	s31 =	simm.s32 $0x14380;
	[sflag:s23] =	ssyncadd.s32 $0xFFFFC000  }
0x72: {  	[spmem:s2] =	stream.indirect.scatter.add.f32 [tilespmem:s17], [sflag:$0xC], $0x80, s31, s14, $0xb8;
	[tilespmem:$0x1C800] =	vst v63  }
0x73: {  	s11 =	sadd.s32 @!p0 $0x120, s29;
	s31 =	simm.s32 @!p0 $0x14100  }
0x74: {  	[tilespmem:s31], [sflag:$0x2] =	stream.linear.gather @!p0 [hbm4b:s11+s4], $0x100, $0x38;
	[tilespmem:$0x1C800] =	vst v63  }
0x75: {  	_ =	swait.ge [sflag:s0], $0x100  }
0x76: {  	[sflag:s0] =	ssyncset.done $0x0  }
0x77: {  	[sflag:s0] =	ssyncadd.s32 $0xFFFFFF00  }
0x78: {  	_ =	swait.ge [sflag:s28], $0x4000  }
0x79: {  	[sflag:s28] =	ssyncset.done $0x0  }
0x7a: {  	[sflag:s28] =	ssyncadd.s32 $0xFFFFC000  }
0x7b: {  	[tilespmem:s17], [sflag:$0xA] =	stream.indirect.gather [hbm4b:s5+s14], $0x80, s13, s14, $0xb8;
	[tilespmem:$0x1C800] =	vst v63  }
0x7c: {  	_ =	swait.ge [sflag:s18], $0x4000  }
0x7d: {  	[sflag:s18] =	ssyncset.done $0x0  }
0x7e: {  	s31 =	simm.s32 $0x14480;
	[sflag:s18] =	ssyncadd.s32 $0xFFFFC000  }
0x7f: {  	[spmem:s2] =	stream.indirect.scatter.add.f32 [tilespmem:s6], [sflag:$0xB], $0x80, s31, s14, $0xb8;
	[tilespmem:$0x1C800] =	vst v63  }
0x80: {  	s11 =	sadd.s32 @!p0 $0x140, s29;
	s31 =	simm.s32 @!p0 $0x14200  }
0x81: {  	[tilespmem:s31], [sflag:$0x3] =	stream.linear.gather @!p0 [hbm4b:s11+s4], $0x100, $0x38;
	[tilespmem:$0x1C800] =	vst v63  }
0x82: {  	_ =	swait.ge [sflag:s1], $0x100  }
0x83: {  	[sflag:s1] =	ssyncset.done $0x0  }
0x84: {  	[sflag:s1] =	ssyncadd.s32 $0xFFFFFF00  }
0x85: {  	_ =	swait.ge [sflag:s22], $0x4000  }
0x86: {  	[sflag:s22] =	ssyncset.done $0x0  }
0x87: {  	[sflag:s22] =	ssyncadd.s32 $0xFFFFC000  }
0x88: {  	[tilespmem:s6], [sflag:$0x9] =	stream.indirect.gather [hbm4b:s5+s14], $0x80, s20, s14, $0xb8;
	[tilespmem:$0x1C800] =	vst v63  }
0x89: {  	_ =	swait.ge [sflag:s23], $0x4000  }
0x8a: {  	[sflag:s23] =	ssyncset.done $0x0  }
0x8b: {  	[sflag:s23] =	ssyncadd.s32 $0xFFFFC000  }
0x8c: {  	[spmem:s2] =	stream.indirect.scatter.add.f32 [tilespmem:s17], [sflag:$0xC], $0x80, s3, s14, $0xb8;
	[tilespmem:$0x1C800] =	vst v63  }
0x8d: {  	s11 =	sadd.s32 @!p0 $0x160, s29;
	s29 =	simm.s32 @!p0 $0x14300  }
0x8e: {  	[tilespmem:s29], [sflag:$0x4] =	stream.linear.gather @!p0 [hbm4b:s11+s4], $0x100, $0x38;
	[tilespmem:$0x1C800] =	vst v63  }
0x8f: {  	_ =	swait.ge [sflag:s8], $0x100  }
0x90: {  	[sflag:s8] =	ssyncset.done $0x0  }
0x91: {  	[sflag:s8] =	ssyncadd.s32 $0xFFFFFF00  }
0x92: {  	_ =	swait.ge [sflag:s28], $0x4000  }
0x93: {  	[sflag:s28] =	ssyncset.done $0x0  }
0x94: {  	[sflag:s28] =	ssyncadd.s32 $0xFFFFC000  }
0x95: {  	[tilespmem:s17], [sflag:$0xA] =	stream.indirect.gather [hbm4b:s5+s14], $0x80, s25, s14, $0xb8;
	[tilespmem:$0x1C800] =	vst v63  }
.Ltmp2:
0x96: {  	_ = 	snop;
	(pc) =	sbr.rel @p0 .LBB2_6-.Ltmp2, $4  }
0x97: {  	_ =	swait.ge [sflag:s18], $0x4000  }
0x98: {  	[sflag:s18] =	ssyncset.done $0x0  }
0x99: {  	[sflag:s18] =	ssyncadd.s32 $0xFFFFC000  }
0x9a: {  	[spmem:s2] =	stream.indirect.scatter.add.f32 [tilespmem:s6], [sflag:$0xB], $0x80, s9, s14, $0xb8;
	[tilespmem:$0x1C800] =	vst v63  }
0x9b: {  	s4 =	sadd.s32 $0x180, s24  }
0x9c: {  	[tilespmem:s12], [sflag:$0x5] =	stream.linear.gather [hbm4b:s4+s7], $0x100, $0x38;
	[tilespmem:$0x1C800] =	vst v63  }
0x9d: {  	_ =	swait.ge [sflag:s10], $0x100  }
0x9e: {  	[sflag:s10] =	ssyncset.done $0x0  }
0x9f: {  	[sflag:s10] =	ssyncadd.s32 $0xFFFFFF00  }
0xa0: {  	_ =	swait.ge [sflag:s22], $0x4000  }
0xa1: {  	[sflag:s22] =	ssyncset.done $0x0  }
0xa2: {  	s11 =	simm.s32 $0x14000;
	[sflag:s22] =	ssyncadd.s32 $0xFFFFC000  }
0xa3: {  	[tilespmem:s6], [sflag:$0x9] =	stream.indirect.gather [hbm4b:s5+s14], $0x80, s11, s14, $0xb8;
	[tilespmem:$0x1C800] =	vst v63  }
0xa4: {  	_ =	swait.ge [sflag:s23], $0x4000  }
.Ltmp3:
0xa5: {  	[sflag:s23] =	ssyncset.done $0x0;
	(pc) =	sbr.rel .LBB2_4-.Ltmp3, $4  }
0xa6: {  	s29 =	simm.s32 $0x14780;
	[sflag:s23] =	ssyncadd.s32 $0xFFFFC000  }
0xa7: {  	[spmem:s2] =	stream.indirect.scatter.add.f32 [tilespmem:s17], [sflag:$0xC], $0x80, s29, s14, $0xb8;
	[tilespmem:$0x1C800] =	vst v63  }
0xa8: {  	s31 =	sadd.s32 $0x1A0, s24;
	s19 =	sadd.s32 $0x100, s19  }
0xa9: {  	[tilespmem:s13], [sflag:$0x6] =	stream.linear.gather [hbm4b:s31+s7], $0x100, $0x38;
	[tilespmem:$0x1C800] =	vst v63  }
.LBB2_6:
0xaa: {  	s0 =	simm.s32 $0xA  }
0xab: {  	_ =	swait.ge [sflag:s0], $0x4000  }
0xac: {  	s24 =	simm.s32 $0x80;
	s1 =	simm.s32 $0x14780;
	[sflag:s0] =	ssyncset.done $0x0  }
0xad: {  	s3 =	simm.s32 $0x18800;
	s25 =	simm.s32 $0xB;
	[sflag:s0] =	ssyncadd.s32 $0xFFFFC000  }
0xae: {  	[spmem:s2] =	stream.indirect.scatter.add.f32 [tilespmem:s3], [sflag:$0xC], $0x80, s1, s24, $0xb8;
	[tilespmem:$0x1C800] =	vst v63  }
0xaf: {  	_ =	swait.ge [sflag:s25], $0x4000  }
0xb0: {  	[sflag:s25] =	ssyncset.done $0x0  }
0xb1: {  	s26 =	simm.s32 $0xC;
	[sflag:s25] =	ssyncadd.s32 $0xFFFFC000  }
0xb2: {  	_ =	swait.ge [sflag:s26], $0x4000  }
0xb3: {  	[sflag:s26] =	ssyncset.done $0x0  }
0xb4: {  	[sflag:s26] =	ssyncadd.s32 $0xFFFFC000  }
0xb5: {  	s7 =	stileid.u32;
	[bflag:$0x0] =	sbarrier.arrive $0xFFFF  }
0xb6: {  	s31 =	simm.s32 $0xD;
	s28 =	sshll.u32 s7, $0x6;
	s29 =	rddreg [dreg:$0x3]  }
0xb7: {  	s0 =	sor.u32 $0x1C0D, s28;
	s30 =	rddreg [dreg:$0x4];
	s1 =	sshrl.u32 s29, $0x3  }
0xb8: {  	[hbm:s30], [sflag:s0] =	dma.local [spmem:s1], $0x2800  }
0xb9: {  	_ =	swait.ge [sflag:s31], $0x2800  }
0xba: {  	[sflag:s31] =	ssyncset.done $0x0  }
0xbb: {  	[sflag:s31] =	ssyncadd.s32 $0xFFFFD800  }
0xbc: {  	s1 =	rddreg [dreg:$0x2]  }
.LBB2_7:
0xbd: {  	_ =	sfence.sel $0x180000  }
0xbe: {  	[bflag:$0x0] =	sbarrier.arrive $0xFFFF  }
0xbf: {  	p0 =	sne.s32 s7, $0x0;
	_ =	strace $0x9000004A  }
0xc0: {  	s0 =	sadd.s32 @!p0 $0x100000, s1;
	[bflag:$0x2] =	sbarrier.arrive $0xFFFF  }
0xc1: {  	[sflag:s0] =	ssyncadd.tile.s32 @!p0 $0x1;
	_ =	shalt  }
.Lfunc_end2:
_tile_overlayer_lowered:
.L_overlay_start_2:
0xc2: {  	(tag) =	ssettag $0x2  }
0xc3: {  	s0 =	rddreg [dreg:$0x0];
	s2 =	stileid.u32  }
0xc4: {  	s1 =	rddreg [dreg:$0x1];
	p0 =	sne.s32 s2, $0x0  }
0xc5: {  	s3 =	rddreg [dreg:$0x2];
	[bflag:$0x3] =	sbarrier.arrive $0xFFFF;
	s2 =	simm.s32 @!p0 $0x1C0D  }
0xc6: {  	[timem:s3], [sflag:s2] =	dma.local @!p0 [hbm:s0], s1  }
0xc7: {  	s0 =	simm.s32 @!p0 $0xD  }
0xc8: {  	_ =	swait.ge @!p0 [sflag:s0], s1  }
0xc9: {  	s1 =	ssub.s32 @!p0 $0x0, s1;
	[sflag:s0] =	ssyncset.done @!p0 $0x0  }
0xca: {  	[sflag:s0] =	ssyncadd.s32 @!p0 s1  }
0xcb: {  	[bflag:$0x3] =	sbarrier.arrive $0xFFFF  }
0xcc: {  	_ =	shalt  }

// kernel: kernel.16.cloned.1.call-start
scs
__scs_entry_jumppad:
0x0: {  	(pc) =	sbr.rel $0x88, $3  }
0x1: {  	(tag) =	ssettag $0x0;
	lr =	simm.s32 $0x1  }
0x2: {  	[smem:$0x3F99] =	sst lr;
	_ =	strace $0xD0000000  }
0x3: {  	_ = 	snop  }
0x4: {  	_ = 	snop  }
0x5: {  	_ = 	snop  }
0x6: {  	_ = 	snop  }
0x7: {  	_ = 	snop  }
__scs_overlays_trampoline_lowered:
0x8: {  	[smem:$0x3FA8] =	sst s0  }
0x9: {  	[smem:$0x3FA9] =	sst s1  }
0xa: {  	[smem:$0x3FAA] =	sst s2  }
0xb: {  	[smem:$0x3FAB] =	sst s3  }
0xc: {  	[smem:$0x3FAC] =	sst s4  }
0xd: {  	[smem:$0x3FAD] =	sst s5  }
0xe: {  	[smem:$0x3FAE] =	sst s6  }
0xf: {  	[smem:$0x3FAF] =	sst s7  }
0x10: {  	[smem:$0x3FB0] =	sst s8  }
0x11: {  	[smem:$0x3FB1] =	sst s9;
	s0 =	simm.s32 @!p0 $0x0  }
0x12: {  	s1 =	sld [smem:$0x3F97];
	s0 =	simm.s32 @p0 $0x1  }
0x13: {  	[smem:$0x3FB2] =	sst s0;
	s0 =	simm.s32 @!p1 $0x0  }
0x14: {  	s2 =	sld [smem:$0x3F96];
	s0 =	simm.s32 @p1 $0x1  }
0x15: {  	[smem:$0x3FB3] =	sst s0;
	s0 =	simm.s32 @!p2 $0x0  }
0x16: {  	s3 =	sld [smem:$0x3FDB];
	s0 =	simm.s32 @p2 $0x1  }
0x17: {  	s4 =	simm.s32 $0x1BF5;
	[smem:$0x3FB5] =	sst s0  }
0x18: {  	s0 =	sld [smem:$0x3F98];
	_ =	swait.ge [sflag:s4], $0x0  }
0x19: {  	s7 =	sld [smem:$0x3F99]  }
0x1a: {  	s8 =	sadd.s32 $0xFFFFE003, lr  }
0x1b: {  	s9 =	sadd.s32 $0xFFFFFEF7, lr;
	s5 =	simm.s32 $0xFFFFFFFF;
	p2 =	slt.u32 s8, $0xFFFFF086  }
0x1c: {  	p1 =	slt.u32 s9, $0xF7A;
	s5 =	simm.s32 @!p2 $0x0  }
0x1d: {  	s5 =	simm.s32 @p1 $0x1;
	p0 =	seq.s32 s7, s2  }
0x1e: {  	s7 =	smul.u32 @!p0 $0xF7A, s2;
	p2 =	seq.s32 @!p0 s5, $0x0  }
0x1f: {  	s9 =	smul.u32 $0xF7A, s1;
	s8 =	simm.s32 @!p0 $0x1BF5;
	p2 =	por !p2, p0  }
0x20: {  	[sflag:s8] =	ssyncset.s32 @!p0 $0xFFFFF086;
	s6 =	sadd.s32 @!p0 s3, s7;
	s7 =	simm.s32 @!p0 $0x108  }
0x21: {  	s3 =	sadd.s32 s3, s9;
	s6 =	sadd.s32 @!p0 $0x88, s6;
	s7 =	simm.s32 @p2 $0x1082  }
0x22: {  	[simem:s7], [sflag:s8] =	dma.local @!p0 [hbm:s6], $0xF7A  }
0x23: {  	s9 =	sor.u32 $0xD0000000, s2;
	s6 =	simm.s32 $0x108;
	_ =	swait.ge @!p0 [sflag:s8], $0x0  }
0x24: {  	s3 =	sadd.s32 $0x88, s3;
	s6 =	simm.s32 @!p1 $0x1082;
	[sflag:s4] =	ssyncset.s32 $0xFFFFF086  }
0x25: {  	[simem:s6], [sflag:s4] =	dma.local [hbm:s3], $0xF7A  }
0x26: {  	[smem:$0x3F99] =	sst s1;
	(tag) =	ssettag s2;
	_ =	strace s9  }
0x27: {  	s1 =	sld [smem:$0x3FA9]  }
0x28: {  	s2 =	sld [smem:$0x3FAA]  }
0x29: {  	s4 =	sld [smem:$0x3FAC]  }
0x2a: {  	p0 =	seq.s32 s5, $0x0;
	s5 =	sld [smem:$0x3FAD]  }
0x2b: {  	s6 =	sld [smem:$0x3FAE]  }
0x2c: {  	s7 =	sld [smem:$0x3FAF]  }
0x2d: {  	s3 =	simm.s32 $0x108;
	s8 =	sld [smem:$0x3FB0]  }
0x2e: {  	s3 =	simm.s32 @!p0 $0x1082;
	s9 =	sld [smem:$0x3FB1]  }
0x2f: {  	lr =	sadd.s32 s0, s3;
	s0 =	sld [smem:$0x3FA8]  }
0x30: {  	s3 =	sld [smem:$0x3FAB]  }
0x31: {  	[smem:$0x3FB4] =	sst s10  }
0x32: {  	s10 =	sld [smem:$0x3FB2];
	_ =	sdelay $0x3  }
0x33: {  	p0 =	seq.s32 s10, $0x1;
	s10 =	sld [smem:$0x3FB4];
	_ =	sdelay $0x3  }
0x34: {  	[smem:$0x3FB4] =	sst s10  }
0x35: {  	s10 =	sld [smem:$0x3FB3];
	_ =	sdelay $0x3  }
0x36: {  	p1 =	seq.s32 s10, $0x1;
	s10 =	sld [smem:$0x3FB4];
	_ =	sdelay $0x3  }
0x37: {  	[smem:$0x3FB4] =	sst s10  }
0x38: {  	s10 =	sld [smem:$0x3FB5]  }
0x39: {  	_ = 	snop;
	(pc) =	sbr.ind lr, $3  }
0x3a: {  	_ = 	snop  }
0x3b: {  	_ = 	snop  }
0x3c: {  	p2 =	seq.s32 s10, $0x1;
	s10 =	sld [smem:$0x3FB4]  }
0x3d: {  	_ =	shalt  }
0x3e: {  	_ =	shalt  }
0x3f: {  	_ =	shalt  }
0x40: {  	_ =	shalt  }
0x41: {  	_ =	shalt  }
0x42: {  	_ =	shalt  }
0x43: {  	_ =	shalt  }
0x44: {  	_ =	shalt  }
0x45: {  	_ =	shalt  }
0x46: {  	_ =	shalt  }
0x47: {  	_ =	shalt  }
0x48: {  	_ =	shalt  }
0x49: {  	_ =	shalt  }
0x4a: {  	_ =	shalt  }
0x4b: {  	_ =	shalt  }
0x4c: {  	_ =	shalt  }
0x4d: {  	_ =	shalt  }
0x4e: {  	_ =	shalt  }
0x4f: {  	_ =	shalt  }
0x50: {  	_ =	shalt  }
0x51: {  	_ =	shalt  }
0x52: {  	_ =	shalt  }
0x53: {  	_ =	shalt  }
0x54: {  	_ =	shalt  }
0x55: {  	_ =	shalt  }
0x56: {  	_ =	shalt  }
0x57: {  	_ =	shalt  }
0x58: {  	_ =	shalt  }
0x59: {  	_ =	shalt  }
0x5a: {  	_ =	shalt  }
0x5b: {  	_ =	shalt  }
0x5c: {  	_ =	shalt  }
0x5d: {  	_ =	shalt  }
0x5e: {  	_ =	shalt  }
0x5f: {  	_ =	shalt  }
0x60: {  	_ =	shalt  }
0x61: {  	_ =	shalt  }
0x62: {  	_ =	shalt  }
0x63: {  	_ =	shalt  }
0x64: {  	_ =	shalt  }
0x65: {  	_ =	shalt  }
0x66: {  	_ =	shalt  }
0x67: {  	_ =	shalt  }
0x68: {  	_ =	shalt  }
0x69: {  	_ =	shalt  }
0x6a: {  	_ =	shalt  }
0x6b: {  	_ =	shalt  }
0x6c: {  	_ =	shalt  }
0x6d: {  	_ =	shalt  }
0x6e: {  	_ =	shalt  }
0x6f: {  	_ =	shalt  }
0x70: {  	_ =	shalt  }
0x71: {  	_ =	shalt  }
0x72: {  	_ =	shalt  }
0x73: {  	_ =	shalt  }
0x74: {  	_ =	shalt  }
0x75: {  	_ =	shalt  }
0x76: {  	_ =	shalt  }
0x77: {  	_ =	shalt  }
0x78: {  	_ =	shalt  }
0x79: {  	_ =	shalt  }
0x7a: {  	_ =	shalt  }
0x7b: {  	_ =	shalt  }
0x7c: {  	_ =	shalt  }
0x7d: {  	_ =	shalt  }
0x7e: {  	_ =	shalt  }
0x7f: {  	_ =	shalt  }
0x80: {  	_ =	shalt  }
0x81: {  	_ =	shalt  }
0x82: {  	_ =	shalt  }
0x83: {  	_ =	shalt  }
0x84: {  	_ =	shalt  }
0x85: {  	_ =	shalt  }
0x86: {  	_ =	shalt  }
0x87: {  	_ =	shalt  }
.Lfunc_end0:
.L_simem_size_0:
called_computation.2_lowered:
.L_overlay_start_0:
0x88: {  	s2 =	sld [smem:$0x3FD9]  }
0x89: {  	s3 =	sld [smem:$0x3FFE];
	_ =	sdelay $0x1  }
0x8a: {  	s1 =	srdreg.scid  }
0x8b: {  	s0 =	sand.u32 $0x1, s1  }
0x8c: {  	s16 =	sshll.u32 s0, $0xA;
	s2 =	sadd.s32 s3, s2  }
0x8d: {  	s2 =	sadd.s32 s2, s16  }
0x8e: {  	[smem:$0x3FC0] =	sst s2  }
0x8f: {  	_ = 	snop  }
0x90: {  	(tm) =	ssettm $0x1  }
0x91: {  	s17 =	sld [smem:$0x3FFB];
	_ =	sdelay $0x3  }
0x92: {  	_ =	strace s17  }
0x93: {  	s2 =	sld [smem:$0x3FFC];
	_ =	sdelay $0x3  }
0x94: {  	_ =	strace s2  }
0x95: {  	s2 =	sld [smem:$0x3FFD];
	_ =	sdelay $0x3  }
0x96: {  	_ =	strace s2  }
0x97: {  	_ =	strace $0x8FFFFFFF  }
0x98: {  	s18 =	sld [smem:$0x3FDB];
	_ =	sdelay $0x1  }
0x99: {  	s19 =	simm.s32 $_scs_section_size  }
0x9a: {  	s4 =	simm.s32 $_size__tile_overlayer_lowered;
	s5 =	simm.s32 $_tile_overlayer_lowered  }
0x9b: {  	s22 =	simm.s32 $0x1BFF;
	s21 =	sshll.u32 s5, $0x1;
	s2 =	sadd.s32 s19, s18  }
0x9c: {  	s6 =	simm.s32 $0x0;
	s20 =	sshll.u32 s4, $0x1;
	s4 =	sadd.s32 s21, s2  }
0x9d: {  	[timem:s6], [sflag:s22] =	dma.local [hbm:s4], s20  }
0x9e: {  	_ =	swait.ge [sflag:s22], s20  }
0x9f: {  	s3 =	ssub.s32 $0x0, s20;
	[sflag:s22] =	ssyncset.done $0x0  }
0xa0: {  	[sflag:s22] =	ssyncadd.s32 s3;
	_ =	sdelay $0x1  }
0xa1: {  	s23 =	simm.s32 $0x1B8B  }
0xa2: {  	_ =	swait.ge [sflag:s23], $0x1  }
0xa3: {  	[sflag:s23] =	ssyncset.done $0x0  }
0xa4: {  	s25 =	simm.s32 $0x1B8E;
	s24 =	sld [smem:$0x3FFE];
	[sflag:s23] =	ssyncadd.s32 $0xFFFFFFFF  }
0xa5: {  	s26 =	simm.s32 $execute0_lowered;
	[smem:$0x3FD2] =	sst s25  }
0xa6: {  	s4 =	sshll.u32 s26, $0x1;
	_ =	strace $0x8000004C;
	[dreg:$0x1] =	wrdreg $0xFFFFFFFF  }
0xa7: {  	s28 =	simm.s32 $_size_execute0_lowered;
	s2 =	sadd.s32 s2, s4;
	[dreg:$0x0] =	wrdreg $0x0  }
0xa8: {  	s4 =	sshll.u32 s28, $0x1;
	[dreg:$0x2] =	wrdreg s2  }
0xa9: {  	[dreg:$0x3] =	wrdreg s4  }
0xaa: {  	[dreg:$0x4] =	wrdreg $0xC0  }
0xab: {  	_ =	task [dreg:s6], $0x5FFFF  }
0xac: {  	[dreg:$0x1] =	wrdreg $0xFFFFFFFF  }
0xad: {  	[dreg:$0x0] =	wrdreg $0x60  }
0xae: {  	[dreg:$0x2] =	wrdreg s24  }
0xaf: {  	[dreg:$0x3] =	wrdreg $0x0  }
0xb0: {  	[dreg:$0x4] =	wrdreg $0x9  }
0xb1: {  	_ =	task.clear_ibuf [dreg:s6], $0x5FFFF;
	_ =	strace $0x9000004C  }
0xb2: {  	s29 =	simm.s32 $0x9;
	_ =	strace $0x8000004E  }
0xb3: {  	_ =	swait.ge [sflag:s29], $0x1  }
0xb4: {  	[sflag:s29] =	ssyncadd.s32 $0xFFFFFFFF  }
0xb5: {  	_ =	strace $0x9000004E  }
0xb6: {  	_ =	sfence  }
0xb7: {  	s30 =	sld [smem:$0x0];
	_ =	sdelay $0x2  }
0xb8: {  	s31 =	sshll.u32 s1, $0xD;
	s1 =	sshrl.u32 s1, $0x2  }
0xb9: {  	s3 =	sand.u32 $0x4000, s31;
	s1 =	sadd.s32 s1, s30  }
0xba: {  	s0 =	sor.u32 s3, s0;
	s1 =	sshll.u32 s1, $0x11  }
0xbb: {  	s0 =	sor.u32 s1, s0  }
0xbc: {  	s0 =	sadd.s32 $0x8F2B, s0  }
0xbd: {  	[sflag:s0] =	ssyncadd.remote.s32 $0x1  }
0xbe: {  	_ =	sfence.sel $0xFFFF  }
0xbf: {  	[dreg:$0x0] =	wrdreg $0xFFFFFFFF;
	(pc) =	sbr.abs _section_cstart, $3  }
0xc0: {  	[dreg:$0x1] =	wrdreg $0xFFFFFFFF  }
0xc1: {  	_ =	task.clear_ibuf [dreg:s6], $0x2FFFF;
	_ =	strace $0x9FFFFFFF  }
0xc2: {  	(tm) =	ssettm $0x7FFFFFFF  }
0xc3: {  	_ =	shalt  }
tec
execute0_lowered:
.L_overlay_start_1:
0x0: {  	(tag) =	ssettag $0x1  }
0x1: {  	s0 =	srdreg.scid  }
0x2: {  	s0 =	sand.u32 $0x1, s0  }
0x3: {  	p0 =	seq.s32 s0, $0x1  }
.Ltmp0:
0x4: {  	_ = 	snop;
	(pc) =	sbr.rel @p0 .LBB2_7-.Ltmp0, $4  }
0x5: {  	s3 =	rddreg [dreg:$0x0]  }
0x6: {  	s2 =	rddreg [dreg:$0x1];
	s6 =	simm.s32 $0x0  }
0x7: {  	[smem:$0x7FF] =	sst s6  }
0x8: {  	s1 =	rddreg [dreg:$0x2];
	s7 =	stileid.u32;
	_ =	strace $0x8000004D  }
0x9: {  	s0 =	smul.u32 $0x50000, s7  }
0xa: {  	s4 =	smul.u32 $0x2800, s7;
	s5 =	sadd.s32 $0x17400, s3;
	s16 =	sand.u32 $0xFE00, s6  }
0xb: {  	s1 =	sadd.s32 $0x3400, s3;
	s17 =	sand.u32 $0x70, s6;
	s16 =	sshrl.u32 s16, $0x2  }
0xc: {  	s0 =	sshrl.u32 s0, $0x2;
	s15 =	sadd.s32 s4, s3;
	s16 =	sor.u32 s17, s16  }
0xd: {  	s18 =	sadd.s32 s0, s2;
	s0 =	smul.u32 $0x1400, s7;
	s15 =	sadd.s32 $0x3F400, s15  }
0xe: {  	s14 =	sadd.s32 $0x4000, s18;
	s13 =	sadd.s32 $0x8000, s18;
	s12 =	sadd.s32 $0xC000, s18  }
0xf: {  	s7 =	sadd.s32 $0x10000, s18;
	[dreg:$0x4] =	wrdreg s15;
	s11 =	sadd.s32 s1, s0  }
0x10: {  	s15 =	simm.s32 $0x40;
	s10 =	sadd.s32 $0x20, s11;
	s9 =	sadd.s32 $0x40, s11  }
0x11: {  	v0 =	vimm.f32 $0.0e+00;
	s8 =	sadd.s32 $0x60, s11;
	s3 =	sadd.s32 $0x80, s11;
	s4 =	sadd.s32 $0xA0, s11  }
.LBB2_2:
0x12: {  	p0 =	sne.s32 s15, $0xFFC0  }
0x13: {  	[tilespmem:s16+$0x14800] =	vst v0;
	s6 =	sadd.s32 $0x10, s6;
	s16 =	smov.u32 s15;
	s15 =	sadd.s32 $0x40, s15  }
.Ltmp1:
0x14: {  	(pc) =	sbr.rel @p0 .LBB2_2-.Ltmp1, $4  }
0x15: {  	_ = 	snop  }
0x16: {  	s16 =	sand.u32 $0xFE00, s16  }
0x17: {  	s17 =	sand.u32 $0x70, s6;
	s16 =	sshrl.u32 s16, $0x2  }
0x18: {  	s16 =	sor.u32 s17, s16  }
0x19: {  	[tilespmem:s16+$0x14800] =	vst v0;
	s6 =	simm.s32 $0x14800;
	[dreg:$0x3] =	wrdreg s18;
	s15 =	simm.s32 $0xD  }
0x1a: {  	[spmem:s18] =	stream.linear.scatter [tilespmem:s6], [sflag:$0xD], $0x4000, $0x38;
	[tilespmem:$0x1C800] =	vst v63  }
0x1b: {  	_ =	swait.ge [sflag:s15], $0x4000  }
0x1c: {  	[sflag:s15] =	ssyncset.done $0x0  }
0x1d: {  	[sflag:s15] =	ssyncadd.s32 $0xFFFFC000  }
0x1e: {  	[spmem:s14] =	stream.linear.scatter [tilespmem:s6], [sflag:$0xD], $0x4000, $0x38;
	[tilespmem:$0x1C800] =	vst v63  }
0x1f: {  	_ =	swait.ge [sflag:s15], $0x4000  }
0x20: {  	[sflag:s15] =	ssyncset.done $0x0  }
0x21: {  	[sflag:s15] =	ssyncadd.s32 $0xFFFFC000  }
0x22: {  	[spmem:s13] =	stream.linear.scatter [tilespmem:s6], [sflag:$0xD], $0x4000, $0x38;
	[tilespmem:$0x1C800] =	vst v63  }
0x23: {  	_ =	swait.ge [sflag:s15], $0x4000  }
0x24: {  	[sflag:s15] =	ssyncset.done $0x0  }
0x25: {  	[sflag:s15] =	ssyncadd.s32 $0xFFFFC000  }
0x26: {  	[spmem:s12] =	stream.linear.scatter [tilespmem:s6], [sflag:$0xD], $0x4000, $0x38;
	[tilespmem:$0x1C800] =	vst v63  }
0x27: {  	_ =	swait.ge [sflag:s15], $0x4000  }
0x28: {  	[sflag:s15] =	ssyncset.done $0x0  }
0x29: {  	[sflag:s15] =	ssyncadd.s32 $0xFFFFC000  }
0x2a: {  	[spmem:s7] =	stream.linear.scatter [tilespmem:s6], [sflag:$0xD], $0x4000, $0x38;
	[tilespmem:$0x1C800] =	vst v63  }
0x2b: {  	_ =	swait.ge [sflag:s15], $0x4000  }
0x2c: {  	[sflag:s15] =	ssyncset.done $0x0  }
0x2d: {  	s25 =	simm.s32 $0x14000;
	[sflag:s15] =	ssyncadd.s32 $0xFFFFC000  }
0x2e: {  	s26 =	simm.s32 $0x14100;
	s7 =	simm.s32 $0x0;
	[bflag:$0x0] =	sbarrier.arrive $0xFFFF  }
0x2f: {  	[tilespmem:s25], [sflag:$0xD] =	stream.linear.gather [hbm4b:s11+s7], $0x100, $0x38;
	[tilespmem:$0x1C800] =	vst v63  }
0x30: {  	s29 =	simm.s32 $0x14200;
	s31 =	simm.s32 $0x14300;
	_ =	swait.ge [sflag:s15], $0x100  }
0x31: {  	s16 =	simm.s32 $0x2;
	s17 =	simm.s32 $0x18800;
	[sflag:s15] =	ssyncset.done $0x0  }
0x32: {  	s20 =	simm.s32 $0x14600;
	s21 =	simm.s32 $0x3;
	[sflag:s15] =	ssyncadd.s32 $0xFFFFFF00  }
0x33: {  	[tilespmem:s26], [sflag:$0x2] =	stream.linear.gather [hbm4b:s10+s7], $0x100, $0x38;
	[tilespmem:$0x1C800] =	vst v63  }
0x34: {  	s22 =	simm.s32 $0xB;
	s23 =	simm.s32 $0xA;
	s28 =	simm.s32 $0xC  }
0x35: {  	[tilespmem:s29], [sflag:$0x3] =	stream.linear.gather [hbm4b:s9+s7], $0x100, $0x38;
	[tilespmem:$0x1C800] =	vst v63  }
0x36: {  	s30 =	simm.s32 $0x5;
	s19 =	simm.s32 $0x0;
	s18 =	simm.s32 $0x9  }
0x37: {  	[tilespmem:s31], [sflag:$0x4] =	stream.linear.gather [hbm4b:s8+s7], $0x100, $0x38;
	[tilespmem:$0x1C800] =	vst v63  }
0x38: {  	s14 =	simm.s32 $0x80;
	s13 =	simm.s32 $0x14500;
	s12 =	simm.s32 $0x14400  }
0x39: {  	[tilespmem:s12], [sflag:$0x5] =	stream.linear.gather [hbm4b:s3+s7], $0x100, $0x38;
	[tilespmem:$0x1C800] =	vst v63  }
0x3a: {  	s15 =	sadd.s32 s0, s1;
	s0 =	simm.s32 $0x6;
	s1 =	simm.s32 $0x7  }
0x3b: {  	[tilespmem:s13], [sflag:$0x6] =	stream.linear.gather [hbm4b:s4+s7], $0x100, $0x38;
	[tilespmem:$0x1C800] =	vst v63  }
0x3c: {  	s26 =	simm.s32 $0x4;
	s10 =	simm.s32 $0x1;
	s9 =	simm.s32 $0x14680  }
0x3d: {  	[tilespmem:s6], [sflag:$0x9] =	stream.indirect.gather [hbm4b:s5+s14], $0x80, s25, s14, $0xb8;
	[tilespmem:$0x1C800] =	vst v63  }
0x3e: {  	s8 =	simm.s32 $0x8;
	s3 =	simm.s32 $0x14580;
	s25 =	simm.s32 $0x14700  }
.LBB2_4:
0x3f: {  	_ =	swait.ge [sflag:s16], $0x100  }
0x40: {  	p0 =	seq.s32 s19, $0x0;
	[sflag:s16] =	ssyncset.done $0x0  }
0x41: {  	s24 =	simm.s32 @!p0 $0xC;
	[sflag:s16] =	ssyncadd.s32 $0xFFFFFF00  }
0x42: {  	_ =	swait.ge @!p0 [sflag:s24], $0x4000  }
0x43: {  	[sflag:s24] =	ssyncset.done @!p0 $0x0  }
0x44: {  	s4 =	simm.s32 $0x14100;
	[sflag:s24] =	ssyncadd.s32 @!p0 $0xFFFFC000  }
0x45: {  	[tilespmem:s17], [sflag:$0xA] =	stream.indirect.gather [hbm4b:s5+s14], $0x80, s4, s14, $0xb8;
	[tilespmem:$0x1C800] =	vst v63  }
0x46: {  	_ =	swait.ge [sflag:s18], $0x4000  }
0x47: {  	[sflag:s18] =	ssyncset.done $0x0  }
0x48: {  	s24 =	simm.s32 $0x14080;
	[sflag:s18] =	ssyncadd.s32 $0xFFFFC000  }
0x49: {  	[spmem:s2] =	stream.indirect.scatter.add.f32 [tilespmem:s6], [sflag:$0xB], $0x80, s24, s14, $0xb8;
	[tilespmem:$0x1C800] =	vst v63  }
0x4a: {  	s24 =	sadd.s32 s19, s15  }
0x4b: {  	s29 =	sadd.s32 $0xC0, s24  }
0x4c: {  	[tilespmem:s20], [sflag:$0x7] =	stream.linear.gather [hbm4b:s29+s7], $0x100, $0x38;
	[tilespmem:$0x1C800] =	vst v63  }
0x4d: {  	_ =	swait.ge [sflag:s21], $0x100  }
0x4e: {  	[sflag:s21] =	ssyncset.done $0x0  }
0x4f: {  	[sflag:s21] =	ssyncadd.s32 $0xFFFFFF00  }
0x50: {  	_ =	swait.ge [sflag:s22], $0x4000  }
0x51: {  	[sflag:s22] =	ssyncset.done $0x0  }
0x52: {  	s29 =	simm.s32 $0x14200;
	[sflag:s22] =	ssyncadd.s32 $0xFFFFC000  }
0x53: {  	[tilespmem:s6], [sflag:$0x9] =	stream.indirect.gather [hbm4b:s5+s14], $0x80, s29, s14, $0xb8;
	[tilespmem:$0x1C800] =	vst v63  }
0x54: {  	_ =	swait.ge [sflag:s23], $0x4000  }
0x55: {  	[sflag:s23] =	ssyncset.done $0x0  }
0x56: {  	s31 =	simm.s32 $0x14180;
	[sflag:s23] =	ssyncadd.s32 $0xFFFFC000  }
0x57: {  	[spmem:s2] =	stream.indirect.scatter.add.f32 [tilespmem:s17], [sflag:$0xC], $0x80, s31, s14, $0xb8;
	[tilespmem:$0x1C800] =	vst v63  }
0x58: {  	s4 =	sadd.s32 $0xE0, s24  }
0x59: {  	[tilespmem:s25], [sflag:$0x8] =	stream.linear.gather [hbm4b:s4+s7], $0x100, $0x38;
	[tilespmem:$0x1C800] =	vst v63  }
0x5a: {  	_ =	swait.ge [sflag:s26], $0x100  }
0x5b: {  	[sflag:s26] =	ssyncset.done $0x0  }
0x5c: {  	[sflag:s26] =	ssyncadd.s32 $0xFFFFFF00  }
0x5d: {  	_ =	swait.ge [sflag:s28], $0x4000  }
0x5e: {  	[sflag:s28] =	ssyncset.done $0x0  }
0x5f: {  	s11 =	simm.s32 $0x14300;
	[sflag:s28] =	ssyncadd.s32 $0xFFFFC000  }
0x60: {  	[tilespmem:s17], [sflag:$0xA] =	stream.indirect.gather [hbm4b:s5+s14], $0x80, s11, s14, $0xb8;
	[tilespmem:$0x1C800] =	vst v63  }
0x61: {  	_ =	swait.ge [sflag:s18], $0x4000  }
0x62: {  	[sflag:s18] =	ssyncset.done $0x0  }
0x63: {  	p0 =	seq.s32 s19, $0x1300;
	s29 =	simm.s32 $0x14280;
	[sflag:s18] =	ssyncadd.s32 $0xFFFFC000  }
0x64: {  	[spmem:s2] =	stream.indirect.scatter.add.f32 [tilespmem:s6], [sflag:$0xB], $0x80, s29, s14, $0xb8;
	[tilespmem:$0x1C800] =	vst v63  }
0x65: {  	s29 =	sadd.s32 @!p0 s19, s15  }
0x66: {  	s4 =	simm.s32 @!p0 $0x0;
	s11 =	simm.s32 @!p0 $0x14000;
	s31 =	sadd.s32 @!p0 $0x100, s29  }
0x67: {  	[tilespmem:s11], [sflag:$0x1] =	stream.linear.gather @!p0 [hbm4b:s31+s4], $0x100, $0x38;
	[tilespmem:$0x1C800] =	vst v63  }
0x68: {  	_ =	swait.ge [sflag:s30], $0x100  }
0x69: {  	[sflag:s30] =	ssyncset.done $0x0  }
0x6a: {  	[sflag:s30] =	ssyncadd.s32 $0xFFFFFF00  }
0x6b: {  	_ =	swait.ge [sflag:s22], $0x4000  }
0x6c: {  	[sflag:s22] =	ssyncset.done $0x0  }
0x6d: {  	[sflag:s22] =	ssyncadd.s32 $0xFFFFC000  }
0x6e: {  	[tilespmem:s6], [sflag:$0x9] =	stream.indirect.gather [hbm4b:s5+s14], $0x80, s12, s14, $0xb8;
	[tilespmem:$0x1C800] =	vst v63  }
0x6f: {  	_ =	swait.ge [sflag:s23], $0x4000  }
0x70: {  	[sflag:s23] =	ssyncset.done $0x0  }
0x71: {  	s31 =	simm.s32 $0x14380;
	[sflag:s23] =	ssyncadd.s32 $0xFFFFC000  }
0x72: {  	[spmem:s2] =	stream.indirect.scatter.add.f32 [tilespmem:s17], [sflag:$0xC], $0x80, s31, s14, $0xb8;
	[tilespmem:$0x1C800] =	vst v63  }
0x73: {  	s11 =	sadd.s32 @!p0 $0x120, s29;
	s31 =	simm.s32 @!p0 $0x14100  }
0x74: {  	[tilespmem:s31], [sflag:$0x2] =	stream.linear.gather @!p0 [hbm4b:s11+s4], $0x100, $0x38;
	[tilespmem:$0x1C800] =	vst v63  }
0x75: {  	_ =	swait.ge [sflag:s0], $0x100  }
0x76: {  	[sflag:s0] =	ssyncset.done $0x0  }
0x77: {  	[sflag:s0] =	ssyncadd.s32 $0xFFFFFF00  }
0x78: {  	_ =	swait.ge [sflag:s28], $0x4000  }
0x79: {  	[sflag:s28] =	ssyncset.done $0x0  }
0x7a: {  	[sflag:s28] =	ssyncadd.s32 $0xFFFFC000  }
0x7b: {  	[tilespmem:s17], [sflag:$0xA] =	stream.indirect.gather [hbm4b:s5+s14], $0x80, s13, s14, $0xb8;
	[tilespmem:$0x1C800] =	vst v63  }
0x7c: {  	_ =	swait.ge [sflag:s18], $0x4000  }
0x7d: {  	[sflag:s18] =	ssyncset.done $0x0  }
0x7e: {  	s31 =	simm.s32 $0x14480;
	[sflag:s18] =	ssyncadd.s32 $0xFFFFC000  }
0x7f: {  	[spmem:s2] =	stream.indirect.scatter.add.f32 [tilespmem:s6], [sflag:$0xB], $0x80, s31, s14, $0xb8;
	[tilespmem:$0x1C800] =	vst v63  }
0x80: {  	s11 =	sadd.s32 @!p0 $0x140, s29;
	s31 =	simm.s32 @!p0 $0x14200  }
0x81: {  	[tilespmem:s31], [sflag:$0x3] =	stream.linear.gather @!p0 [hbm4b:s11+s4], $0x100, $0x38;
	[tilespmem:$0x1C800] =	vst v63  }
0x82: {  	_ =	swait.ge [sflag:s1], $0x100  }
0x83: {  	[sflag:s1] =	ssyncset.done $0x0  }
0x84: {  	[sflag:s1] =	ssyncadd.s32 $0xFFFFFF00  }
0x85: {  	_ =	swait.ge [sflag:s22], $0x4000  }
0x86: {  	[sflag:s22] =	ssyncset.done $0x0  }
0x87: {  	[sflag:s22] =	ssyncadd.s32 $0xFFFFC000  }
0x88: {  	[tilespmem:s6], [sflag:$0x9] =	stream.indirect.gather [hbm4b:s5+s14], $0x80, s20, s14, $0xb8;
	[tilespmem:$0x1C800] =	vst v63  }
0x89: {  	_ =	swait.ge [sflag:s23], $0x4000  }
0x8a: {  	[sflag:s23] =	ssyncset.done $0x0  }
0x8b: {  	[sflag:s23] =	ssyncadd.s32 $0xFFFFC000  }
0x8c: {  	[spmem:s2] =	stream.indirect.scatter.add.f32 [tilespmem:s17], [sflag:$0xC], $0x80, s3, s14, $0xb8;
	[tilespmem:$0x1C800] =	vst v63  }
0x8d: {  	s11 =	sadd.s32 @!p0 $0x160, s29;
	s29 =	simm.s32 @!p0 $0x14300  }
0x8e: {  	[tilespmem:s29], [sflag:$0x4] =	stream.linear.gather @!p0 [hbm4b:s11+s4], $0x100, $0x38;
	[tilespmem:$0x1C800] =	vst v63  }
0x8f: {  	_ =	swait.ge [sflag:s8], $0x100  }
0x90: {  	[sflag:s8] =	ssyncset.done $0x0  }
0x91: {  	[sflag:s8] =	ssyncadd.s32 $0xFFFFFF00  }
0x92: {  	_ =	swait.ge [sflag:s28], $0x4000  }
0x93: {  	[sflag:s28] =	ssyncset.done $0x0  }
0x94: {  	[sflag:s28] =	ssyncadd.s32 $0xFFFFC000  }
0x95: {  	[tilespmem:s17], [sflag:$0xA] =	stream.indirect.gather [hbm4b:s5+s14], $0x80, s25, s14, $0xb8;
	[tilespmem:$0x1C800] =	vst v63  }
.Ltmp2:
0x96: {  	_ = 	snop;
	(pc) =	sbr.rel @p0 .LBB2_6-.Ltmp2, $4  }
0x97: {  	_ =	swait.ge [sflag:s18], $0x4000  }
0x98: {  	[sflag:s18] =	ssyncset.done $0x0  }
0x99: {  	[sflag:s18] =	ssyncadd.s32 $0xFFFFC000  }
0x9a: {  	[spmem:s2] =	stream.indirect.scatter.add.f32 [tilespmem:s6], [sflag:$0xB], $0x80, s9, s14, $0xb8;
	[tilespmem:$0x1C800] =	vst v63  }
0x9b: {  	s4 =	sadd.s32 $0x180, s24  }
0x9c: {  	[tilespmem:s12], [sflag:$0x5] =	stream.linear.gather [hbm4b:s4+s7], $0x100, $0x38;
	[tilespmem:$0x1C800] =	vst v63  }
0x9d: {  	_ =	swait.ge [sflag:s10], $0x100  }
0x9e: {  	[sflag:s10] =	ssyncset.done $0x0  }
0x9f: {  	[sflag:s10] =	ssyncadd.s32 $0xFFFFFF00  }
0xa0: {  	_ =	swait.ge [sflag:s22], $0x4000  }
0xa1: {  	[sflag:s22] =	ssyncset.done $0x0  }
0xa2: {  	s11 =	simm.s32 $0x14000;
	[sflag:s22] =	ssyncadd.s32 $0xFFFFC000  }
0xa3: {  	[tilespmem:s6], [sflag:$0x9] =	stream.indirect.gather [hbm4b:s5+s14], $0x80, s11, s14, $0xb8;
	[tilespmem:$0x1C800] =	vst v63  }
0xa4: {  	_ =	swait.ge [sflag:s23], $0x4000  }
.Ltmp3:
0xa5: {  	[sflag:s23] =	ssyncset.done $0x0;
	(pc) =	sbr.rel .LBB2_4-.Ltmp3, $4  }
0xa6: {  	s29 =	simm.s32 $0x14780;
	[sflag:s23] =	ssyncadd.s32 $0xFFFFC000  }
0xa7: {  	[spmem:s2] =	stream.indirect.scatter.add.f32 [tilespmem:s17], [sflag:$0xC], $0x80, s29, s14, $0xb8;
	[tilespmem:$0x1C800] =	vst v63  }
0xa8: {  	s31 =	sadd.s32 $0x1A0, s24;
	s19 =	sadd.s32 $0x100, s19  }
0xa9: {  	[tilespmem:s13], [sflag:$0x6] =	stream.linear.gather [hbm4b:s31+s7], $0x100, $0x38;
	[tilespmem:$0x1C800] =	vst v63  }
.LBB2_6:
0xaa: {  	s0 =	simm.s32 $0xA  }
0xab: {  	_ =	swait.ge [sflag:s0], $0x4000  }
0xac: {  	s24 =	simm.s32 $0x80;
	s1 =	simm.s32 $0x14780;
	[sflag:s0] =	ssyncset.done $0x0  }
0xad: {  	s3 =	simm.s32 $0x18800;
	s25 =	simm.s32 $0xB;
	[sflag:s0] =	ssyncadd.s32 $0xFFFFC000  }
0xae: {  	[spmem:s2] =	stream.indirect.scatter.add.f32 [tilespmem:s3], [sflag:$0xC], $0x80, s1, s24, $0xb8;
	[tilespmem:$0x1C800] =	vst v63  }
0xaf: {  	_ =	swait.ge [sflag:s25], $0x4000  }
0xb0: {  	[sflag:s25] =	ssyncset.done $0x0  }
0xb1: {  	s26 =	simm.s32 $0xC;
	[sflag:s25] =	ssyncadd.s32 $0xFFFFC000  }
0xb2: {  	_ =	swait.ge [sflag:s26], $0x4000  }
0xb3: {  	[sflag:s26] =	ssyncset.done $0x0  }
0xb4: {  	[sflag:s26] =	ssyncadd.s32 $0xFFFFC000  }
0xb5: {  	s7 =	stileid.u32;
	[bflag:$0x0] =	sbarrier.arrive $0xFFFF  }
0xb6: {  	s31 =	simm.s32 $0xD;
	s28 =	sshll.u32 s7, $0x6;
	s29 =	rddreg [dreg:$0x3]  }
0xb7: {  	s0 =	sor.u32 $0x1C0D, s28;
	s30 =	rddreg [dreg:$0x4];
	s1 =	sshrl.u32 s29, $0x3  }
0xb8: {  	[hbm:s30], [sflag:s0] =	dma.local [spmem:s1], $0x2800  }
0xb9: {  	_ =	swait.ge [sflag:s31], $0x2800  }
0xba: {  	[sflag:s31] =	ssyncset.done $0x0  }
0xbb: {  	[sflag:s31] =	ssyncadd.s32 $0xFFFFD800  }
0xbc: {  	s1 =	rddreg [dreg:$0x2]  }
.LBB2_7:
0xbd: {  	_ =	sfence.sel $0x180000  }
0xbe: {  	[bflag:$0x0] =	sbarrier.arrive $0xFFFF  }
0xbf: {  	p0 =	sne.s32 s7, $0x0;
	_ =	strace $0x9000004D  }
0xc0: {  	s0 =	sadd.s32 @!p0 $0x100000, s1;
	[bflag:$0x2] =	sbarrier.arrive $0xFFFF  }
0xc1: {  	[sflag:s0] =	ssyncadd.tile.s32 @!p0 $0x1;
	_ =	shalt  }
.Lfunc_end2:
_tile_overlayer_lowered:
.L_overlay_start_2:
0xc2: {  	(tag) =	ssettag $0x2  }
0xc3: {  	s0 =	rddreg [dreg:$0x0];
	s2 =	stileid.u32  }
0xc4: {  	s1 =	rddreg [dreg:$0x1];
	p0 =	sne.s32 s2, $0x0  }
0xc5: {  	s3 =	rddreg [dreg:$0x2];
	[bflag:$0x3] =	sbarrier.arrive $0xFFFF;
	s2 =	simm.s32 @!p0 $0x1C0D  }
0xc6: {  	[timem:s3], [sflag:s2] =	dma.local @!p0 [hbm:s0], s1  }
0xc7: {  	s0 =	simm.s32 @!p0 $0xD  }
0xc8: {  	_ =	swait.ge @!p0 [sflag:s0], s1  }
0xc9: {  	s1 =	ssub.s32 @!p0 $0x0, s1;
	[sflag:s0] =	ssyncset.done @!p0 $0x0  }
0xca: {  	[sflag:s0] =	ssyncadd.s32 @!p0 s1  }
0xcb: {  	[bflag:$0x3] =	sbarrier.arrive $0xFFFF  }
0xcc: {  	_ =	shalt  }

// kernel: kernel.19.cloned.1.call-start
scs
__scs_entry_jumppad:
0x0: {  	(pc) =	sbr.rel $0x88, $3  }
0x1: {  	(tag) =	ssettag $0x0;
	lr =	simm.s32 $0x1  }
0x2: {  	[smem:$0x3F99] =	sst lr;
	_ =	strace $0xD0000000  }
0x3: {  	_ = 	snop  }
0x4: {  	_ = 	snop  }
0x5: {  	_ = 	snop  }
0x6: {  	_ = 	snop  }
0x7: {  	_ = 	snop  }
__scs_overlays_trampoline_lowered:
0x8: {  	[smem:$0x3FA8] =	sst s0  }
0x9: {  	[smem:$0x3FA9] =	sst s1  }
0xa: {  	[smem:$0x3FAA] =	sst s2  }
0xb: {  	[smem:$0x3FAB] =	sst s3  }
0xc: {  	[smem:$0x3FAC] =	sst s4  }
0xd: {  	[smem:$0x3FAD] =	sst s5  }
0xe: {  	[smem:$0x3FAE] =	sst s6  }
0xf: {  	[smem:$0x3FAF] =	sst s7  }
0x10: {  	[smem:$0x3FB0] =	sst s8  }
0x11: {  	[smem:$0x3FB1] =	sst s9;
	s0 =	simm.s32 @!p0 $0x0  }
0x12: {  	s1 =	sld [smem:$0x3F97];
	s0 =	simm.s32 @p0 $0x1  }
0x13: {  	[smem:$0x3FB2] =	sst s0;
	s0 =	simm.s32 @!p1 $0x0  }
0x14: {  	s2 =	sld [smem:$0x3F96];
	s0 =	simm.s32 @p1 $0x1  }
0x15: {  	[smem:$0x3FB3] =	sst s0;
	s0 =	simm.s32 @!p2 $0x0  }
0x16: {  	s3 =	sld [smem:$0x3FDB];
	s0 =	simm.s32 @p2 $0x1  }
0x17: {  	s4 =	simm.s32 $0x1BF5;
	[smem:$0x3FB5] =	sst s0  }
0x18: {  	s0 =	sld [smem:$0x3F98];
	_ =	swait.ge [sflag:s4], $0x0  }
0x19: {  	s7 =	sld [smem:$0x3F99]  }
0x1a: {  	s8 =	sadd.s32 $0xFFFFE003, lr  }
0x1b: {  	s9 =	sadd.s32 $0xFFFFFEF7, lr;
	s5 =	simm.s32 $0xFFFFFFFF;
	p2 =	slt.u32 s8, $0xFFFFF086  }
0x1c: {  	p1 =	slt.u32 s9, $0xF7A;
	s5 =	simm.s32 @!p2 $0x0  }
0x1d: {  	s5 =	simm.s32 @p1 $0x1;
	p0 =	seq.s32 s7, s2  }
0x1e: {  	s7 =	smul.u32 @!p0 $0xF7A, s2;
	p2 =	seq.s32 @!p0 s5, $0x0  }
0x1f: {  	s9 =	smul.u32 $0xF7A, s1;
	s8 =	simm.s32 @!p0 $0x1BF5;
	p2 =	por !p2, p0  }
0x20: {  	[sflag:s8] =	ssyncset.s32 @!p0 $0xFFFFF086;
	s6 =	sadd.s32 @!p0 s3, s7;
	s7 =	simm.s32 @!p0 $0x108  }
0x21: {  	s3 =	sadd.s32 s3, s9;
	s6 =	sadd.s32 @!p0 $0x88, s6;
	s7 =	simm.s32 @p2 $0x1082  }
0x22: {  	[simem:s7], [sflag:s8] =	dma.local @!p0 [hbm:s6], $0xF7A  }
0x23: {  	s9 =	sor.u32 $0xD0000000, s2;
	s6 =	simm.s32 $0x108;
	_ =	swait.ge @!p0 [sflag:s8], $0x0  }
0x24: {  	s3 =	sadd.s32 $0x88, s3;
	s6 =	simm.s32 @!p1 $0x1082;
	[sflag:s4] =	ssyncset.s32 $0xFFFFF086  }
0x25: {  	[simem:s6], [sflag:s4] =	dma.local [hbm:s3], $0xF7A  }
0x26: {  	[smem:$0x3F99] =	sst s1;
	(tag) =	ssettag s2;
	_ =	strace s9  }
0x27: {  	s1 =	sld [smem:$0x3FA9]  }
0x28: {  	s2 =	sld [smem:$0x3FAA]  }
0x29: {  	s4 =	sld [smem:$0x3FAC]  }
0x2a: {  	p0 =	seq.s32 s5, $0x0;
	s5 =	sld [smem:$0x3FAD]  }
0x2b: {  	s6 =	sld [smem:$0x3FAE]  }
0x2c: {  	s7 =	sld [smem:$0x3FAF]  }
0x2d: {  	s3 =	simm.s32 $0x108;
	s8 =	sld [smem:$0x3FB0]  }
0x2e: {  	s3 =	simm.s32 @!p0 $0x1082;
	s9 =	sld [smem:$0x3FB1]  }
0x2f: {  	lr =	sadd.s32 s0, s3;
	s0 =	sld [smem:$0x3FA8]  }
0x30: {  	s3 =	sld [smem:$0x3FAB]  }
0x31: {  	[smem:$0x3FB4] =	sst s10  }
0x32: {  	s10 =	sld [smem:$0x3FB2];
	_ =	sdelay $0x3  }
0x33: {  	p0 =	seq.s32 s10, $0x1;
	s10 =	sld [smem:$0x3FB4];
	_ =	sdelay $0x3  }
0x34: {  	[smem:$0x3FB4] =	sst s10  }
0x35: {  	s10 =	sld [smem:$0x3FB3];
	_ =	sdelay $0x3  }
0x36: {  	p1 =	seq.s32 s10, $0x1;
	s10 =	sld [smem:$0x3FB4];
	_ =	sdelay $0x3  }
0x37: {  	[smem:$0x3FB4] =	sst s10  }
0x38: {  	s10 =	sld [smem:$0x3FB5]  }
0x39: {  	_ = 	snop;
	(pc) =	sbr.ind lr, $3  }
0x3a: {  	_ = 	snop  }
0x3b: {  	_ = 	snop  }
0x3c: {  	p2 =	seq.s32 s10, $0x1;
	s10 =	sld [smem:$0x3FB4]  }
0x3d: {  	_ =	shalt  }
0x3e: {  	_ =	shalt  }
0x3f: {  	_ =	shalt  }
0x40: {  	_ =	shalt  }
0x41: {  	_ =	shalt  }
0x42: {  	_ =	shalt  }
0x43: {  	_ =	shalt  }
0x44: {  	_ =	shalt  }
0x45: {  	_ =	shalt  }
0x46: {  	_ =	shalt  }
0x47: {  	_ =	shalt  }
0x48: {  	_ =	shalt  }
0x49: {  	_ =	shalt  }
0x4a: {  	_ =	shalt  }
0x4b: {  	_ =	shalt  }
0x4c: {  	_ =	shalt  }
0x4d: {  	_ =	shalt  }
0x4e: {  	_ =	shalt  }
0x4f: {  	_ =	shalt  }
0x50: {  	_ =	shalt  }
0x51: {  	_ =	shalt  }
0x52: {  	_ =	shalt  }
0x53: {  	_ =	shalt  }
0x54: {  	_ =	shalt  }
0x55: {  	_ =	shalt  }
0x56: {  	_ =	shalt  }
0x57: {  	_ =	shalt  }
0x58: {  	_ =	shalt  }
0x59: {  	_ =	shalt  }
0x5a: {  	_ =	shalt  }
0x5b: {  	_ =	shalt  }
0x5c: {  	_ =	shalt  }
0x5d: {  	_ =	shalt  }
0x5e: {  	_ =	shalt  }
0x5f: {  	_ =	shalt  }
0x60: {  	_ =	shalt  }
0x61: {  	_ =	shalt  }
0x62: {  	_ =	shalt  }
0x63: {  	_ =	shalt  }
0x64: {  	_ =	shalt  }
0x65: {  	_ =	shalt  }
0x66: {  	_ =	shalt  }
0x67: {  	_ =	shalt  }
0x68: {  	_ =	shalt  }
0x69: {  	_ =	shalt  }
0x6a: {  	_ =	shalt  }
0x6b: {  	_ =	shalt  }
0x6c: {  	_ =	shalt  }
0x6d: {  	_ =	shalt  }
0x6e: {  	_ =	shalt  }
0x6f: {  	_ =	shalt  }
0x70: {  	_ =	shalt  }
0x71: {  	_ =	shalt  }
0x72: {  	_ =	shalt  }
0x73: {  	_ =	shalt  }
0x74: {  	_ =	shalt  }
0x75: {  	_ =	shalt  }
0x76: {  	_ =	shalt  }
0x77: {  	_ =	shalt  }
0x78: {  	_ =	shalt  }
0x79: {  	_ =	shalt  }
0x7a: {  	_ =	shalt  }
0x7b: {  	_ =	shalt  }
0x7c: {  	_ =	shalt  }
0x7d: {  	_ =	shalt  }
0x7e: {  	_ =	shalt  }
0x7f: {  	_ =	shalt  }
0x80: {  	_ =	shalt  }
0x81: {  	_ =	shalt  }
0x82: {  	_ =	shalt  }
0x83: {  	_ =	shalt  }
0x84: {  	_ =	shalt  }
0x85: {  	_ =	shalt  }
0x86: {  	_ =	shalt  }
0x87: {  	_ =	shalt  }
.Lfunc_end0:
.L_simem_size_0:
called_computation.3_lowered:
.L_overlay_start_0:
0x88: {  	s2 =	sld [smem:$0x3FD9]  }
0x89: {  	s3 =	sld [smem:$0x3FFE];
	_ =	sdelay $0x1  }
0x8a: {  	s1 =	srdreg.scid  }
0x8b: {  	s0 =	sand.u32 $0x1, s1  }
0x8c: {  	s16 =	sshll.u32 s0, $0xA;
	s2 =	sadd.s32 s3, s2  }
0x8d: {  	s2 =	sadd.s32 s2, s16  }
0x8e: {  	[smem:$0x3FC0] =	sst s2  }
0x8f: {  	_ = 	snop  }
0x90: {  	(tm) =	ssettm $0x1  }
0x91: {  	s17 =	sld [smem:$0x3FFB];
	_ =	sdelay $0x3  }
0x92: {  	_ =	strace s17  }
0x93: {  	s2 =	sld [smem:$0x3FFC];
	_ =	sdelay $0x3  }
0x94: {  	_ =	strace s2  }
0x95: {  	s2 =	sld [smem:$0x3FFD];
	_ =	sdelay $0x3  }
0x96: {  	_ =	strace s2  }
0x97: {  	_ =	strace $0x8FFFFFFF  }
0x98: {  	s18 =	sld [smem:$0x3FDB];
	_ =	sdelay $0x1  }
0x99: {  	s19 =	simm.s32 $_scs_section_size  }
0x9a: {  	s4 =	simm.s32 $_size__tile_overlayer_lowered;
	s5 =	simm.s32 $_tile_overlayer_lowered  }
0x9b: {  	s22 =	simm.s32 $0x1BFF;
	s21 =	sshll.u32 s5, $0x1;
	s2 =	sadd.s32 s19, s18  }
0x9c: {  	s6 =	simm.s32 $0x0;
	s20 =	sshll.u32 s4, $0x1;
	s4 =	sadd.s32 s21, s2  }
0x9d: {  	[timem:s6], [sflag:s22] =	dma.local [hbm:s4], s20  }
0x9e: {  	_ =	swait.ge [sflag:s22], s20  }
0x9f: {  	s3 =	ssub.s32 $0x0, s20;
	[sflag:s22] =	ssyncset.done $0x0  }
0xa0: {  	[sflag:s22] =	ssyncadd.s32 s3;
	_ =	sdelay $0x1  }
0xa1: {  	s23 =	simm.s32 $0x1B8B  }
0xa2: {  	_ =	swait.ge [sflag:s23], $0x1  }
0xa3: {  	[sflag:s23] =	ssyncset.done $0x0  }
0xa4: {  	s25 =	simm.s32 $0x1B8E;
	s24 =	sld [smem:$0x3FFE];
	[sflag:s23] =	ssyncadd.s32 $0xFFFFFFFF  }
0xa5: {  	s26 =	simm.s32 $execute0_lowered;
	[smem:$0x3FD2] =	sst s25  }
0xa6: {  	s4 =	sshll.u32 s26, $0x1;
	_ =	strace $0x8000004F;
	[dreg:$0x1] =	wrdreg $0xFFFFFFFF  }
0xa7: {  	s28 =	simm.s32 $_size_execute0_lowered;
	s2 =	sadd.s32 s2, s4;
	[dreg:$0x0] =	wrdreg $0x0  }
0xa8: {  	s4 =	sshll.u32 s28, $0x1;
	[dreg:$0x2] =	wrdreg s2  }
0xa9: {  	[dreg:$0x3] =	wrdreg s4  }
0xaa: {  	[dreg:$0x4] =	wrdreg $0xC0  }
0xab: {  	_ =	task [dreg:s6], $0x5FFFF  }
0xac: {  	[dreg:$0x1] =	wrdreg $0xFFFFFFFF  }
0xad: {  	[dreg:$0x0] =	wrdreg $0x60  }
0xae: {  	[dreg:$0x2] =	wrdreg s24  }
0xaf: {  	[dreg:$0x3] =	wrdreg $0x0  }
0xb0: {  	[dreg:$0x4] =	wrdreg $0x9  }
0xb1: {  	_ =	task.clear_ibuf [dreg:s6], $0x5FFFF;
	_ =	strace $0x9000004F  }
0xb2: {  	s29 =	simm.s32 $0x9;
	_ =	strace $0x80000051  }
0xb3: {  	_ =	swait.ge [sflag:s29], $0x1  }
0xb4: {  	[sflag:s29] =	ssyncadd.s32 $0xFFFFFFFF  }
0xb5: {  	_ =	strace $0x90000051  }
0xb6: {  	_ =	sfence  }
0xb7: {  	s30 =	sld [smem:$0x0];
	_ =	sdelay $0x2  }
0xb8: {  	s31 =	sshll.u32 s1, $0xD;
	s1 =	sshrl.u32 s1, $0x2  }
0xb9: {  	s3 =	sand.u32 $0x4000, s31;
	s1 =	sadd.s32 s1, s30  }
0xba: {  	s0 =	sor.u32 s3, s0;
	s1 =	sshll.u32 s1, $0x11  }
0xbb: {  	s0 =	sor.u32 s1, s0  }
0xbc: {  	s0 =	sadd.s32 $0x8F2B, s0  }
0xbd: {  	[sflag:s0] =	ssyncadd.remote.s32 $0x1  }
0xbe: {  	_ =	sfence.sel $0xFFFF  }
0xbf: {  	[dreg:$0x0] =	wrdreg $0xFFFFFFFF;
	(pc) =	sbr.abs _section_cstart, $3  }
0xc0: {  	[dreg:$0x1] =	wrdreg $0xFFFFFFFF  }
0xc1: {  	_ =	task.clear_ibuf [dreg:s6], $0x2FFFF;
	_ =	strace $0x9FFFFFFF  }
0xc2: {  	(tm) =	ssettm $0x7FFFFFFF  }
0xc3: {  	_ =	shalt  }
tec
execute0_lowered:
.L_overlay_start_1:
0x0: {  	(tag) =	ssettag $0x1  }
0x1: {  	s0 =	srdreg.scid  }
0x2: {  	s0 =	sand.u32 $0x1, s0  }
0x3: {  	p0 =	seq.s32 s0, $0x1  }
.Ltmp0:
0x4: {  	_ = 	snop;
	(pc) =	sbr.rel @p0 .LBB2_7-.Ltmp0, $4  }
0x5: {  	s3 =	rddreg [dreg:$0x0]  }
0x6: {  	s2 =	rddreg [dreg:$0x1];
	s6 =	simm.s32 $0x0  }
0x7: {  	[smem:$0x7FF] =	sst s6  }
0x8: {  	s1 =	rddreg [dreg:$0x2];
	s7 =	stileid.u32;
	_ =	strace $0x80000050  }
0x9: {  	s0 =	smul.u32 $0x50000, s7  }
0xa: {  	s4 =	smul.u32 $0x2800, s7;
	s5 =	sadd.s32 $0x17400, s3;
	s16 =	sand.u32 $0xFE00, s6  }
0xb: {  	s1 =	sadd.s32 $0x3400, s3;
	s17 =	sand.u32 $0x70, s6;
	s16 =	sshrl.u32 s16, $0x2  }
0xc: {  	s0 =	sshrl.u32 s0, $0x2;
	s15 =	sadd.s32 s4, s3;
	s16 =	sor.u32 s17, s16  }
0xd: {  	s18 =	sadd.s32 s0, s2;
	s0 =	smul.u32 $0x1400, s7;
	s15 =	sadd.s32 $0x3F400, s15  }
0xe: {  	s14 =	sadd.s32 $0x4000, s18;
	s13 =	sadd.s32 $0x8000, s18;
	s12 =	sadd.s32 $0xC000, s18  }
0xf: {  	s7 =	sadd.s32 $0x10000, s18;
	[dreg:$0x4] =	wrdreg s15;
	s11 =	sadd.s32 s1, s0  }
0x10: {  	s15 =	simm.s32 $0x40;
	s10 =	sadd.s32 $0x20, s11;
	s9 =	sadd.s32 $0x40, s11  }
0x11: {  	v0 =	vimm.f32 $0.0e+00;
	s8 =	sadd.s32 $0x60, s11;
	s3 =	sadd.s32 $0x80, s11;
	s4 =	sadd.s32 $0xA0, s11  }
.LBB2_2:
0x12: {  	p0 =	sne.s32 s15, $0xFFC0  }
0x13: {  	[tilespmem:s16+$0x14800] =	vst v0;
	s6 =	sadd.s32 $0x10, s6;
	s16 =	smov.u32 s15;
	s15 =	sadd.s32 $0x40, s15  }
.Ltmp1:
0x14: {  	(pc) =	sbr.rel @p0 .LBB2_2-.Ltmp1, $4  }
0x15: {  	_ = 	snop  }
0x16: {  	s16 =	sand.u32 $0xFE00, s16  }
0x17: {  	s17 =	sand.u32 $0x70, s6;
	s16 =	sshrl.u32 s16, $0x2  }
0x18: {  	s16 =	sor.u32 s17, s16  }
0x19: {  	[tilespmem:s16+$0x14800] =	vst v0;
	s6 =	simm.s32 $0x14800;
	[dreg:$0x3] =	wrdreg s18;
	s15 =	simm.s32 $0xD  }
0x1a: {  	[spmem:s18] =	stream.linear.scatter [tilespmem:s6], [sflag:$0xD], $0x4000, $0x38;
	[tilespmem:$0x1C800] =	vst v63  }
0x1b: {  	_ =	swait.ge [sflag:s15], $0x4000  }
0x1c: {  	[sflag:s15] =	ssyncset.done $0x0  }
0x1d: {  	[sflag:s15] =	ssyncadd.s32 $0xFFFFC000  }
0x1e: {  	[spmem:s14] =	stream.linear.scatter [tilespmem:s6], [sflag:$0xD], $0x4000, $0x38;
	[tilespmem:$0x1C800] =	vst v63  }
0x1f: {  	_ =	swait.ge [sflag:s15], $0x4000  }
0x20: {  	[sflag:s15] =	ssyncset.done $0x0  }
0x21: {  	[sflag:s15] =	ssyncadd.s32 $0xFFFFC000  }
0x22: {  	[spmem:s13] =	stream.linear.scatter [tilespmem:s6], [sflag:$0xD], $0x4000, $0x38;
	[tilespmem:$0x1C800] =	vst v63  }
0x23: {  	_ =	swait.ge [sflag:s15], $0x4000  }
0x24: {  	[sflag:s15] =	ssyncset.done $0x0  }
0x25: {  	[sflag:s15] =	ssyncadd.s32 $0xFFFFC000  }
0x26: {  	[spmem:s12] =	stream.linear.scatter [tilespmem:s6], [sflag:$0xD], $0x4000, $0x38;
	[tilespmem:$0x1C800] =	vst v63  }
0x27: {  	_ =	swait.ge [sflag:s15], $0x4000  }
0x28: {  	[sflag:s15] =	ssyncset.done $0x0  }
0x29: {  	[sflag:s15] =	ssyncadd.s32 $0xFFFFC000  }
0x2a: {  	[spmem:s7] =	stream.linear.scatter [tilespmem:s6], [sflag:$0xD], $0x4000, $0x38;
	[tilespmem:$0x1C800] =	vst v63  }
0x2b: {  	_ =	swait.ge [sflag:s15], $0x4000  }
0x2c: {  	[sflag:s15] =	ssyncset.done $0x0  }
0x2d: {  	s25 =	simm.s32 $0x14000;
	[sflag:s15] =	ssyncadd.s32 $0xFFFFC000  }
0x2e: {  	s26 =	simm.s32 $0x14100;
	s7 =	simm.s32 $0x0;
	[bflag:$0x0] =	sbarrier.arrive $0xFFFF  }
0x2f: {  	[tilespmem:s25], [sflag:$0xD] =	stream.linear.gather [hbm4b:s11+s7], $0x100, $0x38;
	[tilespmem:$0x1C800] =	vst v63  }
0x30: {  	s29 =	simm.s32 $0x14200;
	s31 =	simm.s32 $0x14300;
	_ =	swait.ge [sflag:s15], $0x100  }
0x31: {  	s16 =	simm.s32 $0x2;
	s17 =	simm.s32 $0x18800;
	[sflag:s15] =	ssyncset.done $0x0  }
0x32: {  	s20 =	simm.s32 $0x14600;
	s21 =	simm.s32 $0x3;
	[sflag:s15] =	ssyncadd.s32 $0xFFFFFF00  }
0x33: {  	[tilespmem:s26], [sflag:$0x2] =	stream.linear.gather [hbm4b:s10+s7], $0x100, $0x38;
	[tilespmem:$0x1C800] =	vst v63  }
0x34: {  	s22 =	simm.s32 $0xB;
	s23 =	simm.s32 $0xA;
	s28 =	simm.s32 $0xC  }
0x35: {  	[tilespmem:s29], [sflag:$0x3] =	stream.linear.gather [hbm4b:s9+s7], $0x100, $0x38;
	[tilespmem:$0x1C800] =	vst v63  }
0x36: {  	s30 =	simm.s32 $0x5;
	s19 =	simm.s32 $0x0;
	s18 =	simm.s32 $0x9  }
0x37: {  	[tilespmem:s31], [sflag:$0x4] =	stream.linear.gather [hbm4b:s8+s7], $0x100, $0x38;
	[tilespmem:$0x1C800] =	vst v63  }
0x38: {  	s14 =	simm.s32 $0x80;
	s13 =	simm.s32 $0x14500;
	s12 =	simm.s32 $0x14400  }
0x39: {  	[tilespmem:s12], [sflag:$0x5] =	stream.linear.gather [hbm4b:s3+s7], $0x100, $0x38;
	[tilespmem:$0x1C800] =	vst v63  }
0x3a: {  	s15 =	sadd.s32 s0, s1;
	s0 =	simm.s32 $0x6;
	s1 =	simm.s32 $0x7  }
0x3b: {  	[tilespmem:s13], [sflag:$0x6] =	stream.linear.gather [hbm4b:s4+s7], $0x100, $0x38;
	[tilespmem:$0x1C800] =	vst v63  }
0x3c: {  	s26 =	simm.s32 $0x4;
	s10 =	simm.s32 $0x1;
	s9 =	simm.s32 $0x14680  }
0x3d: {  	[tilespmem:s6], [sflag:$0x9] =	stream.indirect.gather [hbm4b:s5+s14], $0x80, s25, s14, $0xb8;
	[tilespmem:$0x1C800] =	vst v63  }
0x3e: {  	s8 =	simm.s32 $0x8;
	s3 =	simm.s32 $0x14580;
	s25 =	simm.s32 $0x14700  }
.LBB2_4:
0x3f: {  	_ =	swait.ge [sflag:s16], $0x100  }
0x40: {  	p0 =	seq.s32 s19, $0x0;
	[sflag:s16] =	ssyncset.done $0x0  }
0x41: {  	s24 =	simm.s32 @!p0 $0xC;
	[sflag:s16] =	ssyncadd.s32 $0xFFFFFF00  }
0x42: {  	_ =	swait.ge @!p0 [sflag:s24], $0x4000  }
0x43: {  	[sflag:s24] =	ssyncset.done @!p0 $0x0  }
0x44: {  	s4 =	simm.s32 $0x14100;
	[sflag:s24] =	ssyncadd.s32 @!p0 $0xFFFFC000  }
0x45: {  	[tilespmem:s17], [sflag:$0xA] =	stream.indirect.gather [hbm4b:s5+s14], $0x80, s4, s14, $0xb8;
	[tilespmem:$0x1C800] =	vst v63  }
0x46: {  	_ =	swait.ge [sflag:s18], $0x4000  }
0x47: {  	[sflag:s18] =	ssyncset.done $0x0  }
0x48: {  	s24 =	simm.s32 $0x14080;
	[sflag:s18] =	ssyncadd.s32 $0xFFFFC000  }
0x49: {  	[spmem:s2] =	stream.indirect.scatter.add.f32 [tilespmem:s6], [sflag:$0xB], $0x80, s24, s14, $0xb8;
	[tilespmem:$0x1C800] =	vst v63  }
0x4a: {  	s24 =	sadd.s32 s19, s15  }
0x4b: {  	s29 =	sadd.s32 $0xC0, s24  }
0x4c: {  	[tilespmem:s20], [sflag:$0x7] =	stream.linear.gather [hbm4b:s29+s7], $0x100, $0x38;
	[tilespmem:$0x1C800] =	vst v63  }
0x4d: {  	_ =	swait.ge [sflag:s21], $0x100  }
0x4e: {  	[sflag:s21] =	ssyncset.done $0x0  }
0x4f: {  	[sflag:s21] =	ssyncadd.s32 $0xFFFFFF00  }
0x50: {  	_ =	swait.ge [sflag:s22], $0x4000  }
0x51: {  	[sflag:s22] =	ssyncset.done $0x0  }
0x52: {  	s29 =	simm.s32 $0x14200;
	[sflag:s22] =	ssyncadd.s32 $0xFFFFC000  }
0x53: {  	[tilespmem:s6], [sflag:$0x9] =	stream.indirect.gather [hbm4b:s5+s14], $0x80, s29, s14, $0xb8;
	[tilespmem:$0x1C800] =	vst v63  }
0x54: {  	_ =	swait.ge [sflag:s23], $0x4000  }
0x55: {  	[sflag:s23] =	ssyncset.done $0x0  }
0x56: {  	s31 =	simm.s32 $0x14180;
	[sflag:s23] =	ssyncadd.s32 $0xFFFFC000  }
0x57: {  	[spmem:s2] =	stream.indirect.scatter.add.f32 [tilespmem:s17], [sflag:$0xC], $0x80, s31, s14, $0xb8;
	[tilespmem:$0x1C800] =	vst v63  }
0x58: {  	s4 =	sadd.s32 $0xE0, s24  }
0x59: {  	[tilespmem:s25], [sflag:$0x8] =	stream.linear.gather [hbm4b:s4+s7], $0x100, $0x38;
	[tilespmem:$0x1C800] =	vst v63  }
0x5a: {  	_ =	swait.ge [sflag:s26], $0x100  }
0x5b: {  	[sflag:s26] =	ssyncset.done $0x0  }
0x5c: {  	[sflag:s26] =	ssyncadd.s32 $0xFFFFFF00  }
0x5d: {  	_ =	swait.ge [sflag:s28], $0x4000  }
0x5e: {  	[sflag:s28] =	ssyncset.done $0x0  }
0x5f: {  	s11 =	simm.s32 $0x14300;
	[sflag:s28] =	ssyncadd.s32 $0xFFFFC000  }
0x60: {  	[tilespmem:s17], [sflag:$0xA] =	stream.indirect.gather [hbm4b:s5+s14], $0x80, s11, s14, $0xb8;
	[tilespmem:$0x1C800] =	vst v63  }
0x61: {  	_ =	swait.ge [sflag:s18], $0x4000  }
0x62: {  	[sflag:s18] =	ssyncset.done $0x0  }
0x63: {  	p0 =	seq.s32 s19, $0x1300;
	s29 =	simm.s32 $0x14280;
	[sflag:s18] =	ssyncadd.s32 $0xFFFFC000  }
0x64: {  	[spmem:s2] =	stream.indirect.scatter.add.f32 [tilespmem:s6], [sflag:$0xB], $0x80, s29, s14, $0xb8;
	[tilespmem:$0x1C800] =	vst v63  }
0x65: {  	s29 =	sadd.s32 @!p0 s19, s15  }
0x66: {  	s4 =	simm.s32 @!p0 $0x0;
	s11 =	simm.s32 @!p0 $0x14000;
	s31 =	sadd.s32 @!p0 $0x100, s29  }
0x67: {  	[tilespmem:s11], [sflag:$0x1] =	stream.linear.gather @!p0 [hbm4b:s31+s4], $0x100, $0x38;
	[tilespmem:$0x1C800] =	vst v63  }
0x68: {  	_ =	swait.ge [sflag:s30], $0x100  }
0x69: {  	[sflag:s30] =	ssyncset.done $0x0  }
0x6a: {  	[sflag:s30] =	ssyncadd.s32 $0xFFFFFF00  }
0x6b: {  	_ =	swait.ge [sflag:s22], $0x4000  }
0x6c: {  	[sflag:s22] =	ssyncset.done $0x0  }
0x6d: {  	[sflag:s22] =	ssyncadd.s32 $0xFFFFC000  }
0x6e: {  	[tilespmem:s6], [sflag:$0x9] =	stream.indirect.gather [hbm4b:s5+s14], $0x80, s12, s14, $0xb8;
	[tilespmem:$0x1C800] =	vst v63  }
0x6f: {  	_ =	swait.ge [sflag:s23], $0x4000  }
0x70: {  	[sflag:s23] =	ssyncset.done $0x0  }
0x71: {  	s31 =	simm.s32 $0x14380;
	[sflag:s23] =	ssyncadd.s32 $0xFFFFC000  }
0x72: {  	[spmem:s2] =	stream.indirect.scatter.add.f32 [tilespmem:s17], [sflag:$0xC], $0x80, s31, s14, $0xb8;
	[tilespmem:$0x1C800] =	vst v63  }
0x73: {  	s11 =	sadd.s32 @!p0 $0x120, s29;
	s31 =	simm.s32 @!p0 $0x14100  }
0x74: {  	[tilespmem:s31], [sflag:$0x2] =	stream.linear.gather @!p0 [hbm4b:s11+s4], $0x100, $0x38;
	[tilespmem:$0x1C800] =	vst v63  }
0x75: {  	_ =	swait.ge [sflag:s0], $0x100  }
0x76: {  	[sflag:s0] =	ssyncset.done $0x0  }
0x77: {  	[sflag:s0] =	ssyncadd.s32 $0xFFFFFF00  }
0x78: {  	_ =	swait.ge [sflag:s28], $0x4000  }
0x79: {  	[sflag:s28] =	ssyncset.done $0x0  }
0x7a: {  	[sflag:s28] =	ssyncadd.s32 $0xFFFFC000  }
0x7b: {  	[tilespmem:s17], [sflag:$0xA] =	stream.indirect.gather [hbm4b:s5+s14], $0x80, s13, s14, $0xb8;
	[tilespmem:$0x1C800] =	vst v63  }
0x7c: {  	_ =	swait.ge [sflag:s18], $0x4000  }
0x7d: {  	[sflag:s18] =	ssyncset.done $0x0  }
0x7e: {  	s31 =	simm.s32 $0x14480;
	[sflag:s18] =	ssyncadd.s32 $0xFFFFC000  }
0x7f: {  	[spmem:s2] =	stream.indirect.scatter.add.f32 [tilespmem:s6], [sflag:$0xB], $0x80, s31, s14, $0xb8;
	[tilespmem:$0x1C800] =	vst v63  }
0x80: {  	s11 =	sadd.s32 @!p0 $0x140, s29;
	s31 =	simm.s32 @!p0 $0x14200  }
0x81: {  	[tilespmem:s31], [sflag:$0x3] =	stream.linear.gather @!p0 [hbm4b:s11+s4], $0x100, $0x38;
	[tilespmem:$0x1C800] =	vst v63  }
0x82: {  	_ =	swait.ge [sflag:s1], $0x100  }
0x83: {  	[sflag:s1] =	ssyncset.done $0x0  }
0x84: {  	[sflag:s1] =	ssyncadd.s32 $0xFFFFFF00  }
0x85: {  	_ =	swait.ge [sflag:s22], $0x4000  }
0x86: {  	[sflag:s22] =	ssyncset.done $0x0  }
0x87: {  	[sflag:s22] =	ssyncadd.s32 $0xFFFFC000  }
0x88: {  	[tilespmem:s6], [sflag:$0x9] =	stream.indirect.gather [hbm4b:s5+s14], $0x80, s20, s14, $0xb8;
	[tilespmem:$0x1C800] =	vst v63  }
0x89: {  	_ =	swait.ge [sflag:s23], $0x4000  }
0x8a: {  	[sflag:s23] =	ssyncset.done $0x0  }
0x8b: {  	[sflag:s23] =	ssyncadd.s32 $0xFFFFC000  }
0x8c: {  	[spmem:s2] =	stream.indirect.scatter.add.f32 [tilespmem:s17], [sflag:$0xC], $0x80, s3, s14, $0xb8;
	[tilespmem:$0x1C800] =	vst v63  }
0x8d: {  	s11 =	sadd.s32 @!p0 $0x160, s29;
	s29 =	simm.s32 @!p0 $0x14300  }
0x8e: {  	[tilespmem:s29], [sflag:$0x4] =	stream.linear.gather @!p0 [hbm4b:s11+s4], $0x100, $0x38;
	[tilespmem:$0x1C800] =	vst v63  }
0x8f: {  	_ =	swait.ge [sflag:s8], $0x100  }
0x90: {  	[sflag:s8] =	ssyncset.done $0x0  }
0x91: {  	[sflag:s8] =	ssyncadd.s32 $0xFFFFFF00  }
0x92: {  	_ =	swait.ge [sflag:s28], $0x4000  }
0x93: {  	[sflag:s28] =	ssyncset.done $0x0  }
0x94: {  	[sflag:s28] =	ssyncadd.s32 $0xFFFFC000  }
0x95: {  	[tilespmem:s17], [sflag:$0xA] =	stream.indirect.gather [hbm4b:s5+s14], $0x80, s25, s14, $0xb8;
	[tilespmem:$0x1C800] =	vst v63  }
.Ltmp2:
0x96: {  	_ = 	snop;
	(pc) =	sbr.rel @p0 .LBB2_6-.Ltmp2, $4  }
0x97: {  	_ =	swait.ge [sflag:s18], $0x4000  }
0x98: {  	[sflag:s18] =	ssyncset.done $0x0  }
0x99: {  	[sflag:s18] =	ssyncadd.s32 $0xFFFFC000  }
0x9a: {  	[spmem:s2] =	stream.indirect.scatter.add.f32 [tilespmem:s6], [sflag:$0xB], $0x80, s9, s14, $0xb8;
	[tilespmem:$0x1C800] =	vst v63  }
0x9b: {  	s4 =	sadd.s32 $0x180, s24  }
0x9c: {  	[tilespmem:s12], [sflag:$0x5] =	stream.linear.gather [hbm4b:s4+s7], $0x100, $0x38;
	[tilespmem:$0x1C800] =	vst v63  }
0x9d: {  	_ =	swait.ge [sflag:s10], $0x100  }
0x9e: {  	[sflag:s10] =	ssyncset.done $0x0  }
0x9f: {  	[sflag:s10] =	ssyncadd.s32 $0xFFFFFF00  }
0xa0: {  	_ =	swait.ge [sflag:s22], $0x4000  }
0xa1: {  	[sflag:s22] =	ssyncset.done $0x0  }
0xa2: {  	s11 =	simm.s32 $0x14000;
	[sflag:s22] =	ssyncadd.s32 $0xFFFFC000  }
0xa3: {  	[tilespmem:s6], [sflag:$0x9] =	stream.indirect.gather [hbm4b:s5+s14], $0x80, s11, s14, $0xb8;
	[tilespmem:$0x1C800] =	vst v63  }
0xa4: {  	_ =	swait.ge [sflag:s23], $0x4000  }
.Ltmp3:
0xa5: {  	[sflag:s23] =	ssyncset.done $0x0;
	(pc) =	sbr.rel .LBB2_4-.Ltmp3, $4  }
0xa6: {  	s29 =	simm.s32 $0x14780;
	[sflag:s23] =	ssyncadd.s32 $0xFFFFC000  }
0xa7: {  	[spmem:s2] =	stream.indirect.scatter.add.f32 [tilespmem:s17], [sflag:$0xC], $0x80, s29, s14, $0xb8;
	[tilespmem:$0x1C800] =	vst v63  }
0xa8: {  	s31 =	sadd.s32 $0x1A0, s24;
	s19 =	sadd.s32 $0x100, s19  }
0xa9: {  	[tilespmem:s13], [sflag:$0x6] =	stream.linear.gather [hbm4b:s31+s7], $0x100, $0x38;
	[tilespmem:$0x1C800] =	vst v63  }
.LBB2_6:
0xaa: {  	s0 =	simm.s32 $0xA  }
0xab: {  	_ =	swait.ge [sflag:s0], $0x4000  }
0xac: {  	s24 =	simm.s32 $0x80;
	s1 =	simm.s32 $0x14780;
	[sflag:s0] =	ssyncset.done $0x0  }
0xad: {  	s3 =	simm.s32 $0x18800;
	s25 =	simm.s32 $0xB;
	[sflag:s0] =	ssyncadd.s32 $0xFFFFC000  }
0xae: {  	[spmem:s2] =	stream.indirect.scatter.add.f32 [tilespmem:s3], [sflag:$0xC], $0x80, s1, s24, $0xb8;
	[tilespmem:$0x1C800] =	vst v63  }
0xaf: {  	_ =	swait.ge [sflag:s25], $0x4000  }
0xb0: {  	[sflag:s25] =	ssyncset.done $0x0  }
0xb1: {  	s26 =	simm.s32 $0xC;
	[sflag:s25] =	ssyncadd.s32 $0xFFFFC000  }
0xb2: {  	_ =	swait.ge [sflag:s26], $0x4000  }
0xb3: {  	[sflag:s26] =	ssyncset.done $0x0  }
0xb4: {  	[sflag:s26] =	ssyncadd.s32 $0xFFFFC000  }
0xb5: {  	s7 =	stileid.u32;
	[bflag:$0x0] =	sbarrier.arrive $0xFFFF  }
0xb6: {  	s31 =	simm.s32 $0xD;
	s28 =	sshll.u32 s7, $0x6;
	s29 =	rddreg [dreg:$0x3]  }
0xb7: {  	s0 =	sor.u32 $0x1C0D, s28;
	s30 =	rddreg [dreg:$0x4];
	s1 =	sshrl.u32 s29, $0x3  }
0xb8: {  	[hbm:s30], [sflag:s0] =	dma.local [spmem:s1], $0x2800  }
0xb9: {  	_ =	swait.ge [sflag:s31], $0x2800  }
0xba: {  	[sflag:s31] =	ssyncset.done $0x0  }
0xbb: {  	[sflag:s31] =	ssyncadd.s32 $0xFFFFD800  }
0xbc: {  	s1 =	rddreg [dreg:$0x2]  }
.LBB2_7:
0xbd: {  	_ =	sfence.sel $0x180000  }
0xbe: {  	[bflag:$0x0] =	sbarrier.arrive $0xFFFF  }
0xbf: {  	p0 =	sne.s32 s7, $0x0;
	_ =	strace $0x90000050  }
0xc0: {  	s0 =	sadd.s32 @!p0 $0x100000, s1;
	[bflag:$0x2] =	sbarrier.arrive $0xFFFF  }
0xc1: {  	[sflag:s0] =	ssyncadd.tile.s32 @!p0 $0x1;
	_ =	shalt  }
.Lfunc_end2:
_tile_overlayer_lowered:
.L_overlay_start_2:
0xc2: {  	(tag) =	ssettag $0x2  }
0xc3: {  	s0 =	rddreg [dreg:$0x0];
	s2 =	stileid.u32  }
0xc4: {  	s1 =	rddreg [dreg:$0x1];
	p0 =	sne.s32 s2, $0x0  }
0xc5: {  	s3 =	rddreg [dreg:$0x2];
	[bflag:$0x3] =	sbarrier.arrive $0xFFFF;
	s2 =	simm.s32 @!p0 $0x1C0D  }
0xc6: {  	[timem:s3], [sflag:s2] =	dma.local @!p0 [hbm:s0], s1  }
0xc7: {  	s0 =	simm.s32 @!p0 $0xD  }
0xc8: {  	_ =	swait.ge @!p0 [sflag:s0], s1  }
0xc9: {  	s1 =	ssub.s32 @!p0 $0x0, s1;
	[sflag:s0] =	ssyncset.done @!p0 $0x0  }
0xca: {  	[sflag:s0] =	ssyncadd.s32 @!p0 s1  }
0xcb: {  	[bflag:$0x3] =	sbarrier.arrive $0xFFFF  }
0xcc: {  	_ =	shalt  }

</sc_bundles>
